<compile_context>
chip_gen: v7x
topology: tpu7x:2x2x1
jax: 0.10.2.dev20260603
libtpu: 0.0.44.dev20260713+nightly
codegen_flags: <defaults>
</compile_context>

<pallas_src>
import functools

import jax
import jax.numpy as jnp
from jax import lax
from jax.experimental import pallas as pl
from jax.experimental.pallas import tpu as pltpu
from jax.experimental.pallas import tpu_sc as plsc

N_NODES = 10000
D = 128

NC = 2
NS = 16
NW = NC * NS

CHUNK = 64
NBUF = 4
ROWS_PER_TILE = 640
N_PAD = ROWS_PER_TILE * NS

_MESH = plsc.VectorSubcoreMesh(core_axis_name="c", subcore_axis_name="s",
                               num_cores=NC, num_subcores=NS)


def _zero_fill(buf, nrows, ncols):
    zeros16 = jnp.zeros((16,), jnp.float32)

    def row(i, _):
        for j in range(ncols // 16):
            buf[i, pl.ds(j * 16, 16)] = zeros16
        return 0

    lax.fori_loop(0, nrows, row, 0)


def _copy_zero_to_slice(zbuf, dst, row0, nrows):
    zrows = zbuf.shape[0]
    off = 0
    while off < nrows:
        n = min(zrows, nrows - off)
        pltpu.sync_copy(zbuf.at[pl.ds(0, n)], dst.at[pl.ds(row0 + off, n)])
        off += n


def _sc_degree_body(edge_hbm, out_hbm, dsts_v, hist_v, red_v, stage_sh, sem,
                    *, n_edges, per_tile):
    c = lax.axis_index("c")
    s = lax.axis_index("s")
    wid = c * NS + s

    cp = pltpu.async_copy(edge_hbm.at[pl.ds(n_edges + wid * per_tile,
                                            per_tile)], dsts_v, sem)

    def zrow(i, _):
        hist_v[pl.ds(i * 16, 16)] = jnp.zeros((16,), jnp.float32)
        return 0

    lax.fori_loop(0, N_PAD // 16, zrow, 0)
    cp.wait()

    ones16 = jnp.ones((16,), jnp.float32)

    def body(i, _):
        plsc.addupdate_scatter(hist_v, [dsts_v[pl.ds(i * 16, 16)]], ones16)
        return 0

    lax.fori_loop(0, per_tile // 16, body, 0)

    pltpu.sync_copy(hist_v, stage_sh.at[pl.ds(s * N_PAD, N_PAD)])
    plsc.subcore_barrier()

    row0 = s * ROWS_PER_TILE
    for k in range(NS):
        pltpu.sync_copy(stage_sh.at[pl.ds(k * N_PAD + row0, ROWS_PER_TILE)],
                        red_v.at[pl.ds(k * ROWS_PER_TILE, ROWS_PER_TILE)])

    def red_row(j, _):
        tot = red_v[pl.ds(j * 16, 16)]
        for k in range(1, NS):
            tot = tot + red_v[pl.ds(k * ROWS_PER_TILE + j * 16, 16)]
        hist_v[pl.ds(j * 16, 16)] = tot
        return 0

    lax.fori_loop(0, ROWS_PER_TILE // 16, red_row, 0)
    pltpu.sync_copy(hist_v.at[pl.ds(0, ROWS_PER_TILE)],
                    out_hbm.at[pl.ds(c * N_PAD + row0, ROWS_PER_TILE)])


def _sc_segment_sum_body(g_hbm, edge_hbm, out_hbm,
                         src_v, dst_v, rows_v, srcr_v, dstr_v, rowsr_v,
                         acc_sh, isem, jsem, gsem, ssem,
                         *, n_edges, per_tile, main_chunks, rem):
    c = lax.axis_index("c")
    s = lax.axis_index("s")
    wid = c * NS + s
    n = main_chunks
    sbase = wid * per_tile
    dbase = n_edges + wid * per_tile

    def src_load(i, b):
        pltpu.async_copy(edge_hbm.at[pl.ds(sbase + i * CHUNK, CHUNK)],
                         src_v[b], isem[b])

    def src_wait(b):
        pltpu.make_async_copy(edge_hbm.at[pl.ds(sbase, CHUNK)],
                              src_v[b], isem[b]).wait()

    def dst_load(i, b):
        pltpu.async_copy(edge_hbm.at[pl.ds(dbase + i * CHUNK, CHUNK)],
                         dst_v[b], jsem[b])

    def dst_wait(b):
        pltpu.make_async_copy(edge_hbm.at[pl.ds(dbase, CHUNK)],
                              dst_v[b], jsem[b]).wait()

    def gather(b):
        pltpu.async_copy(g_hbm.at[src_v[b]], rows_v[b], gsem[b])

    def gather_wait(b):
        pltpu.make_async_copy(g_hbm.at[src_v[b]], rows_v[b], gsem[b]).wait()

    def scatter(b):
        pltpu.async_copy(rows_v[b], acc_sh.at[dst_v[b]], ssem[b], add=True)

    def scatter_wait(b):
        pltpu.make_async_copy(rows_v[b], acc_sh.at[dst_v[b]], ssem[b]).wait()

    for b in range(NBUF):
        src_load(b, b)
    for b in range(2):
        dst_load(b, b)

    _zero_fill(rows_v[0], CHUNK, D)
    _zero_fill(rows_v[1], CHUNK, D)
    _copy_zero_to_slice(rows_v[0], acc_sh, s * ROWS_PER_TILE,
                        ROWS_PER_TILE // 2)
    _copy_zero_to_slice(rows_v[1], acc_sh,
                        s * ROWS_PER_TILE + ROWS_PER_TILE // 2,
                        ROWS_PER_TILE // 2)
    plsc.subcore_barrier()

    for b in range(2):
        src_wait(b)
        gather(b)

    def group(j, _):
        for b in range(NBUF):
            k = NBUF * j + b
            b2 = (b + 2) % NBUF

            @pl.when(k + 2 < n)
            def _():
                @pl.when(k >= 2)
                def _():
                    scatter_wait(b2)

                dst_load(k + 2, b2)
                src_wait(b2)
                gather(b2)

            gather_wait(b)
            dst_wait(b)
            scatter(b)

            @pl.when(k + 4 < n)
            def _():
                src_load(k + 4, b)

        return 0

    lax.fori_loop(0, n // NBUF, group, 0)
    for b in range(NBUF):
        scatter_wait(b)

    if rem:
        nmain = n * CHUNK
        pltpu.sync_copy(edge_hbm.at[pl.ds(sbase + nmain, rem)], srcr_v)
        pltpu.sync_copy(edge_hbm.at[pl.ds(dbase + nmain, rem)], dstr_v)
        pltpu.async_copy(g_hbm.at[srcr_v], rowsr_v, gsem[0]).wait()
        pltpu.sync_copy(rowsr_v, acc_sh.at[dstr_v], add=True)

    plsc.subcore_barrier()

    row0 = s * ROWS_PER_TILE
    pltpu.sync_copy(acc_sh.at[pl.ds(row0, ROWS_PER_TILE)],
                    out_hbm.at[c].at[pl.ds(row0, ROWS_PER_TILE)])


def _sc_degree(edge_flat, n_edges, per_tile):
    kfn = functools.partial(
        pl.kernel,
        out_type=jax.ShapeDtypeStruct((NC * N_PAD,), jnp.float32),
        mesh=_MESH,
        compiler_params=pltpu.CompilerParams(needs_layout_passes=False),
        scratch_types=[
            pltpu.VMEM((per_tile,), jnp.int32),
            pltpu.VMEM((N_PAD,), jnp.float32),
            pltpu.VMEM((NS * ROWS_PER_TILE,), jnp.float32),
            pltpu.VMEM_SHARED((NS * N_PAD,), jnp.float32),
            pltpu.SemaphoreType.DMA,
        ],
    )(functools.partial(_sc_degree_body, n_edges=n_edges, per_tile=per_tile))
    return kfn(edge_flat)


def _sc_segment_sum(g, edge_flat, n_edges, per_tile, main_chunks, rem):
    kfn = functools.partial(
        pl.kernel,
        out_type=jax.ShapeDtypeStruct((NC, N_PAD, D), jnp.float32),
        mesh=_MESH,
        scratch_types=[
            [pltpu.VMEM((CHUNK,), jnp.int32)] * NBUF,
            [pltpu.VMEM((CHUNK,), jnp.int32)] * NBUF,
            [pltpu.VMEM((CHUNK, D), jnp.float32)] * NBUF,
            pltpu.VMEM((max(rem, 8),), jnp.int32),
            pltpu.VMEM((max(rem, 8),), jnp.int32),
            pltpu.VMEM((max(rem, 8), D), jnp.float32),
            pltpu.VMEM_SHARED((N_PAD, D), jnp.float32),
            [pltpu.SemaphoreType.DMA] * NBUF,
            [pltpu.SemaphoreType.DMA] * NBUF,
            [pltpu.SemaphoreType.DMA] * NBUF,
            [pltpu.SemaphoreType.DMA] * NBUF,
        ],
    )(functools.partial(_sc_segment_sum_body, n_edges=n_edges,
                        per_tile=per_tile, main_chunks=main_chunks, rem=rem))
    return kfn(g, edge_flat)



_BM = 1000


def _mm_body(x_ref, w_ref, o_ref):
    o_ref[...] = jnp.dot(x_ref[...], w_ref[...],
                         preferred_element_type=jnp.float32)


def _tc_matmul(x, w):
    n = x.shape[0]
    return pl.pallas_call(
        _mm_body,
        grid=(n // _BM,),
        in_specs=[
            pl.BlockSpec((_BM, D), lambda i: (i, 0)),
            pl.BlockSpec((D, D), lambda i: (0, 0)),
        ],
        out_specs=pl.BlockSpec((_BM, D), lambda i: (i, 0)),
        out_shape=jax.ShapeDtypeStruct((n, D), jnp.float32),
    )(x, w)


def _scale_body(h_ref, d0_ref, d1_ref, g_ref):
    dinv = lax.rsqrt(d0_ref[...] + d1_ref[...] + 1.0)
    g_ref[...] = h_ref[...] * dinv


def _tc_scale(h, deg0, deg1):
    n = h.shape[0]
    return pl.pallas_call(
        _scale_body,
        grid=(n // _BM,),
        in_specs=[
            pl.BlockSpec((_BM, D), lambda i: (i, 0)),
            pl.BlockSpec((_BM, 1), lambda i: (i, 0)),
            pl.BlockSpec((_BM, 1), lambda i: (i, 0)),
        ],
        out_specs=pl.BlockSpec((_BM, D), lambda i: (i, 0)),
        out_shape=jax.ShapeDtypeStruct((n, D), jnp.float32),
    )(h, deg0, deg1)


def _mid_body(p_ref, g_ref, d0_ref, d1_ref, b_ref, w_ref, o_ref):
    dinv = lax.rsqrt(d0_ref[...] + d1_ref[...] + 1.0)
    t = (p_ref[0] + p_ref[1] + g_ref[...]) * dinv + b_ref[...]
    t = jnp.maximum(t, 0.0)
    o_ref[...] = jnp.dot(t, w_ref[...],
                         preferred_element_type=jnp.float32) * dinv


def _tc_mid(p, g, deg0, deg1, b, w):
    n = g.shape[0]
    return pl.pallas_call(
        _mid_body,
        grid=(n // _BM,),
        in_specs=[
            pl.BlockSpec((NC, _BM, D), lambda i: (0, i, 0)),
            pl.BlockSpec((_BM, D), lambda i: (i, 0)),
            pl.BlockSpec((_BM, 1), lambda i: (i, 0)),
            pl.BlockSpec((_BM, 1), lambda i: (i, 0)),
            pl.BlockSpec((1, D), lambda i: (0, 0)),
            pl.BlockSpec((D, D), lambda i: (0, 0)),
        ],
        out_specs=pl.BlockSpec((_BM, D), lambda i: (i, 0)),
        out_shape=jax.ShapeDtypeStruct((n, D), jnp.float32),
    )(p, g, deg0, deg1, b, w)


def _final_body(p_ref, g_ref, d0_ref, d1_ref, b_ref, o_ref):
    dinv = lax.rsqrt(d0_ref[...] + d1_ref[...] + 1.0)
    o_ref[...] = (p_ref[0] + p_ref[1] + g_ref[...]) * dinv + b_ref[...]


def _tc_final(p, g, deg0, deg1, b):
    n = g.shape[0]
    return pl.pallas_call(
        _final_body,
        grid=(n // _BM,),
        in_specs=[
            pl.BlockSpec((NC, _BM, D), lambda i: (0, i, 0)),
            pl.BlockSpec((_BM, D), lambda i: (i, 0)),
            pl.BlockSpec((_BM, 1), lambda i: (i, 0)),
            pl.BlockSpec((_BM, 1), lambda i: (i, 0)),
            pl.BlockSpec((1, D), lambda i: (0, 0)),
        ],
        out_specs=pl.BlockSpec((_BM, D), lambda i: (i, 0)),
        out_shape=jax.ShapeDtypeStruct((n, D), jnp.float32),
    )(p, g, deg0, deg1, b)


def kernel(x, edge_index, W1, b1, W2, b2):
    n, d = x.shape
    e = edge_index.shape[1]

    edge_flat = edge_index.astype(jnp.int32).reshape(2 * e)
    assert e % NW == 0
    per_tile = e // NW
    assert per_tile % 16 == 0
    main_chunks = per_tile // CHUNK // NBUF * NBUF
    rem = per_tile - main_chunks * CHUNK

    degw = _sc_degree(edge_flat, e, per_tile)
    deg0 = degw[:n].reshape(n, 1)
    deg1 = degw[N_PAD:N_PAD + n].reshape(n, 1)

    h1 = _tc_matmul(x, W1)
    g1 = _tc_scale(h1, deg0, deg1)

    p1 = _sc_segment_sum(g1, edge_flat, e, per_tile, main_chunks, rem)
    g2 = _tc_mid(p1, g1, deg0, deg1, b1.reshape(1, d), W2)

    p2 = _sc_segment_sum(g2, edge_flat, e, per_tile, main_chunks, rem)
    out = _tc_final(p2, g2, deg0, deg1, b2.reshape(1, d))
    return out

# --- scband reference (transcript-rebuilt; emitter-appended) ---
"""Pipeline reference for scband-gnn-9371618640103 (READ-ONLY COPY).

The authoritative reference and input builder live on the scoring server;
editing this copy changes nothing except your own understanding.
"""

import jax, jax.numpy as jnp
import numpy as np

N_NODES = 10000
N_EDGES = 320000
D_IN = 128
D_HID = 128
D_OUT = 128


def gcn_conv(x, edge_index, W, b):
    # Faithful PyG GCNConv: add self-loops, symmetric normalization, linear, scatter-add, bias
    N = x.shape[0]
    loop = jnp.arange(N, dtype=edge_index.dtype)
    src = jnp.concatenate([edge_index[0], loop])
    dst = jnp.concatenate([edge_index[1], loop])
    deg = jnp.zeros((N,), dtype=x.dtype).at[dst].add(1.0)
    dinv = jnp.where(deg > 0, deg ** -0.5, 0.0)
    norm = dinv[src] * dinv[dst]
    h = x @ W
    msg = jnp.take(h, src, axis=0) * norm[:, None]
    out = jnp.zeros((N, W.shape[1]), dtype=x.dtype).at[dst].add(msg)
    return out + b


def setup_inputs(seed: int = 0) -> dict:
    key = jax.random.key(seed)
    k1, k2, k3, k4, k5, k6 = jax.random.split(key, 6)
    x = jax.random.normal(k1, (N_NODES, D_IN), dtype=jnp.float32)
    edge_index = jax.random.randint(k2, (2, N_EDGES), 0, N_NODES, dtype=jnp.int64)
    s1 = 1.0 / np.sqrt(D_IN)
    s2 = 1.0 / np.sqrt(D_HID)
    W1 = jax.random.uniform(k3, (D_IN, D_HID), dtype=jnp.float32, minval=-s1, maxval=s1)
    b1 = jnp.zeros((D_HID,), dtype=jnp.float32)
    W2 = jax.random.uniform(k4, (D_HID, D_OUT), dtype=jnp.float32, minval=-s2, maxval=s2)
    b2 = jnp.zeros((D_OUT,), dtype=jnp.float32)
    return {"x": x, "edge_index": edge_index, "W1": W1, "b1": b1, "W2": W2, "b2": b2}


def reference(x, edge_index, W1, b1, W2, b2):
    # forward(x, edge_index, edge_attr=None): edge_processor branch skipped
    h = gcn_conv(x, edge_index, W1, b1)
    h = jax.nn.relu(h)
    out = gcn_conv(h, edge_index, W2, b2)
    return out

if __name__ == "__main__":
    import jax
    _d = setup_inputs()
    print(jax.jit(kernel)(*tuple(_d.values())))

</pallas_src>

<mosaic_0001>
#map = affine_map<(d0, d1) -> (0, 0)>
#map1 = affine_map<(d0, d1) -> (0)>
#map2 = affine_map<(d0, d1) -> (0, 0, 0)>
module attributes {stable_mosaic.version = 14 : i64} {
  func.func @_sc_segment_sum_body(%arg0: i32, %arg1: i32, %arg2: memref<10000x128xf32, #tpu.memory_space<hbm>>, %arg3: memref<640000xi32, #tpu.memory_space<hbm>>, %arg4: memref<2x10240x128xf32, #tpu.memory_space<hbm>>, %arg5: memref<64xi32, #tpu.memory_space<vmem>>, %arg6: memref<64xi32, #tpu.memory_space<vmem>>, %arg7: memref<64xi32, #tpu.memory_space<vmem>>, %arg8: memref<64xi32, #tpu.memory_space<vmem>>, %arg9: memref<64xi32, #tpu.memory_space<vmem>>, %arg10: memref<64xi32, #tpu.memory_space<vmem>>, %arg11: memref<64xi32, #tpu.memory_space<vmem>>, %arg12: memref<64xi32, #tpu.memory_space<vmem>>, %arg13: memref<64x128xf32, #tpu.memory_space<vmem>>, %arg14: memref<64x128xf32, #tpu.memory_space<vmem>>, %arg15: memref<64x128xf32, #tpu.memory_space<vmem>>, %arg16: memref<64x128xf32, #tpu.memory_space<vmem>>, %arg17: memref<16xi32, #tpu.memory_space<vmem>>, %arg18: memref<16xi32, #tpu.memory_space<vmem>>, %arg19: memref<16x128xf32, #tpu.memory_space<vmem>>, %arg20: memref<10240x128xf32, #tpu.memory_space<vmem_shared>>, %arg21: memref<!tpu.dma_semaphore, #tpu.memory_space<semaphore_mem>>, %arg22: memref<!tpu.dma_semaphore, #tpu.memory_space<semaphore_mem>>, %arg23: memref<!tpu.dma_semaphore, #tpu.memory_space<semaphore_mem>>, %arg24: memref<!tpu.dma_semaphore, #tpu.memory_space<semaphore_mem>>, %arg25: memref<!tpu.dma_semaphore, #tpu.memory_space<semaphore_mem>>, %arg26: memref<!tpu.dma_semaphore, #tpu.memory_space<semaphore_mem>>, %arg27: memref<!tpu.dma_semaphore, #tpu.memory_space<semaphore_mem>>, %arg28: memref<!tpu.dma_semaphore, #tpu.memory_space<semaphore_mem>>, %arg29: memref<!tpu.dma_semaphore, #tpu.memory_space<semaphore_mem>>, %arg30: memref<!tpu.dma_semaphore, #tpu.memory_space<semaphore_mem>>, %arg31: memref<!tpu.dma_semaphore, #tpu.memory_space<semaphore_mem>>, %arg32: memref<!tpu.dma_semaphore, #tpu.memory_space<semaphore_mem>>, %arg33: memref<!tpu.dma_semaphore, #tpu.memory_space<semaphore_mem>>, %arg34: memref<!tpu.dma_semaphore, #tpu.memory_space<semaphore_mem>>, %arg35: memref<!tpu.dma_semaphore, #tpu.memory_space<semaphore_mem>>, %arg36: memref<!tpu.dma_semaphore, #tpu.memory_space<semaphore_mem>>) attributes {dimension_semantics = [#tpu.dimension_semantics<core_parallel>, #tpu.dimension_semantics<subcore_parallel>], iteration_bounds = array<i64: 2, 16>, scalar_prefetch = 0 : i64, scratch_operands = 32 : i64, tpu.core_type = #tpu.core_type<sc_vector_subcore>, window_params = [{transform_indices = #map}, {transform_indices = #map1}, {transform_indices = #map2}]} {
    %mul3A = arith.constant 16 : i32
    %mul3A_0 = arith.muli %arg0, %mul3A : i32
    %add3A = arith.addi %mul3A_0, %arg1 : i32
    %mul3A_1 = arith.constant 10000 : i32
    %mul3A_2 = arith.muli %add3A, %mul3A_1 : i32
    %mul3A_3 = arith.constant 10000 : i32
    %mul3A_4 = arith.muli %add3A, %mul3A_3 : i32
    %add3A_5 = arith.constant 320000 : i32
    %add3A_6 = arith.addi %add3A_5, %mul3A_4 : i32
    %add3A_7 = arith.constant 0 : i32
    %add3A_8 = arith.addi %mul3A_2, %add3A_7 : i32
    %dma_start3A = tpu.memref_slice %arg3[%add3A_8] : memref<640000xi32, #tpu.memory_space<hbm>> -> memref<64xi32, #tpu.memory_space<hbm>>
    %dma_start3A_9 = tpu.memref_slice %arg3[%add3A_8] : memref<640000xi32, #tpu.memory_space<hbm>> -> memref<64xi32, #tpu.memory_space<hbm>>
    tpu.enqueue_dma source(%dma_start3A_9 : memref<64xi32, #tpu.memory_space<hbm>>) target(%arg5 : memref<64xi32, #tpu.memory_space<vmem>>) target_semaphore(%arg21 : memref<!tpu.dma_semaphore, #tpu.memory_space<semaphore_mem>>)
    %add3A_10 = arith.constant 64 : i32
    %add3A_11 = arith.addi %mul3A_2, %add3A_10 : i32
    %dma_start3A_12 = tpu.memref_slice %arg3[%add3A_11] : memref<640000xi32, #tpu.memory_space<hbm>> -> memref<64xi32, #tpu.memory_space<hbm>>
    %dma_start3A_13 = tpu.memref_slice %arg3[%add3A_11] : memref<640000xi32, #tpu.memory_space<hbm>> -> memref<64xi32, #tpu.memory_space<hbm>>
    tpu.enqueue_dma source(%dma_start3A_13 : memref<64xi32, #tpu.memory_space<hbm>>) target(%arg6 : memref<64xi32, #tpu.memory_space<vmem>>) target_semaphore(%arg22 : memref<!tpu.dma_semaphore, #tpu.memory_space<semaphore_mem>>)
    %add3A_14 = arith.constant 128 : i32
    %add3A_15 = arith.addi %mul3A_2, %add3A_14 : i32
    %dma_start3A_16 = tpu.memref_slice %arg3[%add3A_15] : memref<640000xi32, #tpu.memory_space<hbm>> -> memref<64xi32, #tpu.memory_space<hbm>>
    %dma_start3A_17 = tpu.memref_slice %arg3[%add3A_15] : memref<640000xi32, #tpu.memory_space<hbm>> -> memref<64xi32, #tpu.memory_space<hbm>>
    tpu.enqueue_dma source(%dma_start3A_17 : memref<64xi32, #tpu.memory_space<hbm>>) target(%arg7 : memref<64xi32, #tpu.memory_space<vmem>>) target_semaphore(%arg23 : memref<!tpu.dma_semaphore, #tpu.memory_space<semaphore_mem>>)
    %add3A_18 = arith.constant 192 : i32
    %add3A_19 = arith.addi %mul3A_2, %add3A_18 : i32
    %dma_start3A_20 = tpu.memref_slice %arg3[%add3A_19] : memref<640000xi32, #tpu.memory_space<hbm>> -> memref<64xi32, #tpu.memory_space<hbm>>
    %dma_start3A_21 = tpu.memref_slice %arg3[%add3A_19] : memref<640000xi32, #tpu.memory_space<hbm>> -> memref<64xi32, #tpu.memory_space<hbm>>
    tpu.enqueue_dma source(%dma_start3A_21 : memref<64xi32, #tpu.memory_space<hbm>>) target(%arg8 : memref<64xi32, #tpu.memory_space<vmem>>) target_semaphore(%arg24 : memref<!tpu.dma_semaphore, #tpu.memory_space<semaphore_mem>>)
    %add3A_22 = arith.constant 0 : i32
    %add3A_23 = arith.addi %add3A_6, %add3A_22 : i32
    %dma_start3A_24 = tpu.memref_slice %arg3[%add3A_23] : memref<640000xi32, #tpu.memory_space<hbm>> -> memref<64xi32, #tpu.memory_space<hbm>>
    %dma_start3A_25 = tpu.memref_slice %arg3[%add3A_23] : memref<640000xi32, #tpu.memory_space<hbm>> -> memref<64xi32, #tpu.memory_space<hbm>>
    tpu.enqueue_dma source(%dma_start3A_25 : memref<64xi32, #tpu.memory_space<hbm>>) target(%arg9 : memref<64xi32, #tpu.memory_space<vmem>>) target_semaphore(%arg25 : memref<!tpu.dma_semaphore, #tpu.memory_space<semaphore_mem>>)
    %add3A_26 = arith.constant 64 : i32
    %add3A_27 = arith.addi %add3A_6, %add3A_26 : i32
    %dma_start3A_28 = tpu.memref_slice %arg3[%add3A_27] : memref<640000xi32, #tpu.memory_space<hbm>> -> memref<64xi32, #tpu.memory_space<hbm>>
    %dma_start3A_29 = tpu.memref_slice %arg3[%add3A_27] : memref<640000xi32, #tpu.memory_space<hbm>> -> memref<64xi32, #tpu.memory_space<hbm>>
    tpu.enqueue_dma source(%dma_start3A_29 : memref<64xi32, #tpu.memory_space<hbm>>) target(%arg10 : memref<64xi32, #tpu.memory_space<vmem>>) target_semaphore(%arg26 : memref<!tpu.dma_semaphore, #tpu.memory_space<semaphore_mem>>)
    %broadcast_in_dim3A = arith.constant 0.000000e+00 : f32
    %broadcast_in_dim3A_30 = vector.broadcast %broadcast_in_dim3A : f32 to vector<16xf32>
    %scan3A = arith.constant 0 : i32
    %scan3A_31 = arith.constant 0 : i32
    %scan3A_32 = arith.constant 64 : i32
    %scan3A_33 = arith.addi %scan3A_31, %scan3A_32 : i32
    %scan3A_34 = arith.constant 1 : i32
    %scan3A_35 = scf.for %scan3A_113 = %scan3A_31 to %scan3A_33 step %scan3A_34 iter_args(%scan3A_114 = %scan3A) -> (i32)  : i32 {
      %swap3A = arith.index_cast %scan3A_113 : i32 to index
      %swap3A_115 = arith.constant 0 : index
      %swap3A_116 = tpu.vector_load %arg13[%swap3A, %swap3A_115] {strides = array<i32>} : memref<64x128xf32, #tpu.memory_space<vmem>>, vector<1x16xf32>,
      %swap3A_117 = vector.shape_cast %swap3A_116 : vector<1x16xf32> to vector<16xf32>
      %swap3A_118 = vector.shape_cast %broadcast_in_dim3A_30 : vector<16xf32> to vector<1x16xf32>
      tpu.vector_store %arg13[%swap3A, %swap3A_115], %swap3A_118 {strides = array<i32>} : memref<64x128xf32, #tpu.memory_space<vmem>>, vector<1x16xf32>,
      %swap3A_119 = arith.index_cast %scan3A_113 : i32 to index
      %swap3A_120 = arith.constant 16 : index
      %swap3A_121 = tpu.vector_load %arg13[%swap3A_119, %swap3A_120] {strides = array<i32>} : memref<64x128xf32, #tpu.memory_space<vmem>>, vector<1x16xf32>,
      %swap3A_122 = vector.shape_cast %swap3A_121 : vector<1x16xf32> to vector<16xf32>
      %swap3A_123 = vector.shape_cast %broadcast_in_dim3A_30 : vector<16xf32> to vector<1x16xf32>
      tpu.vector_store %arg13[%swap3A_119, %swap3A_120], %swap3A_123 {strides = array<i32>} : memref<64x128xf32, #tpu.memory_space<vmem>>, vector<1x16xf32>,
      %swap3A_124 = arith.index_cast %scan3A_113 : i32 to index
      %swap3A_125 = arith.constant 32 : index
      %swap3A_126 = tpu.vector_load %arg13[%swap3A_124, %swap3A_125] {strides = array<i32>} : memref<64x128xf32, #tpu.memory_space<vmem>>, vector<1x16xf32>,
      %swap3A_127 = vector.shape_cast %swap3A_126 : vector<1x16xf32> to vector<16xf32>
      %swap3A_128 = vector.shape_cast %broadcast_in_dim3A_30 : vector<16xf32> to vector<1x16xf32>
      tpu.vector_store %arg13[%swap3A_124, %swap3A_125], %swap3A_128 {strides = array<i32>} : memref<64x128xf32, #tpu.memory_space<vmem>>, vector<1x16xf32>,
      %swap3A_129 = arith.index_cast %scan3A_113 : i32 to index
      %swap3A_130 = arith.constant 48 : index
      %swap3A_131 = tpu.vector_load %arg13[%swap3A_129, %swap3A_130] {strides = array<i32>} : memref<64x128xf32, #tpu.memory_space<vmem>>, vector<1x16xf32>,
      %swap3A_132 = vector.shape_cast %swap3A_131 : vector<1x16xf32> to vector<16xf32>
      %swap3A_133 = vector.shape_cast %broadcast_in_dim3A_30 : vector<16xf32> to vector<1x16xf32>
      tpu.vector_store %arg13[%swap3A_129, %swap3A_130], %swap3A_133 {strides = array<i32>} : memref<64x128xf32, #tpu.memory_space<vmem>>, vector<1x16xf32>,
      %swap3A_134 = arith.index_cast %scan3A_113 : i32 to index
      %swap3A_135 = arith.constant 64 : index
      %swap3A_136 = tpu.vector_load %arg13[%swap3A_134, %swap3A_135] {strides = array<i32>} : memref<64x128xf32, #tpu.memory_space<vmem>>, vector<1x16xf32>,
      %swap3A_137 = vector.shape_cast %swap3A_136 : vector<1x16xf32> to vector<16xf32>
      %swap3A_138 = vector.shape_cast %broadcast_in_dim3A_30 : vector<16xf32> to vector<1x16xf32>
      tpu.vector_store %arg13[%swap3A_134, %swap3A_135], %swap3A_138 {strides = array<i32>} : memref<64x128xf32, #tpu.memory_space<vmem>>, vector<1x16xf32>,
      %swap3A_139 = arith.index_cast %scan3A_113 : i32 to index
      %swap3A_140 = arith.constant 80 : index
      %swap3A_141 = tpu.vector_load %arg13[%swap3A_139, %swap3A_140] {strides = array<i32>} : memref<64x128xf32, #tpu.memory_space<vmem>>, vector<1x16xf32>,
      %swap3A_142 = vector.shape_cast %swap3A_141 : vector<1x16xf32> to vector<16xf32>
      %swap3A_143 = vector.shape_cast %broadcast_in_dim3A_30 : vector<16xf32> to vector<1x16xf32>
      tpu.vector_store %arg13[%swap3A_139, %swap3A_140], %swap3A_143 {strides = array<i32>} : memref<64x128xf32, #tpu.memory_space<vmem>>, vector<1x16xf32>,
      %swap3A_144 = arith.index_cast %scan3A_113 : i32 to index
      %swap3A_145 = arith.constant 96 : index
      %swap3A_146 = tpu.vector_load %arg13[%swap3A_144, %swap3A_145] {strides = array<i32>} : memref<64x128xf32, #tpu.memory_space<vmem>>, vector<1x16xf32>,
      %swap3A_147 = vector.shape_cast %swap3A_146 : vector<1x16xf32> to vector<16xf32>
      %swap3A_148 = vector.shape_cast %broadcast_in_dim3A_30 : vector<16xf32> to vector<1x16xf32>
      tpu.vector_store %arg13[%swap3A_144, %swap3A_145], %swap3A_148 {strides = array<i32>} : memref<64x128xf32, #tpu.memory_space<vmem>>, vector<1x16xf32>,
      %swap3A_149 = arith.index_cast %scan3A_113 : i32 to index
      %swap3A_150 = arith.constant 112 : index
      %swap3A_151 = tpu.vector_load %arg13[%swap3A_149, %swap3A_150] {strides = array<i32>} : memref<64x128xf32, #tpu.memory_space<vmem>>, vector<1x16xf32>,
      %swap3A_152 = vector.shape_cast %swap3A_151 : vector<1x16xf32> to vector<16xf32>
      %swap3A_153 = vector.shape_cast %broadcast_in_dim3A_30 : vector<16xf32> to vector<1x16xf32>
      tpu.vector_store %arg13[%swap3A_149, %swap3A_150], %swap3A_153 {strides = array<i32>} : memref<64x128xf32, #tpu.memory_space<vmem>>, vector<1x16xf32>,
      %scan3A_154 = arith.constant 0 : i32
      scf.yield %scan3A_154 : i32
    }
    %scan3A_36 = arith.constant 64 : i32
    %broadcast_in_dim3A_37 = arith.constant 0.000000e+00 : f32
    %broadcast_in_dim3A_38 = vector.broadcast %broadcast_in_dim3A_37 : f32 to vector<16xf32>
    %scan3A_39 = arith.constant 0 : i32
    %scan3A_40 = arith.constant 0 : i32
    %scan3A_41 = arith.constant 64 : i32
    %scan3A_42 = arith.addi %scan3A_40, %scan3A_41 : i32
    %scan3A_43 = arith.constant 1 : i32
    %scan3A_44 = scf.for %scan3A_113 = %scan3A_40 to %scan3A_42 step %scan3A_43 iter_args(%scan3A_114 = %scan3A_39) -> (i32)  : i32 {
      %swap3A = arith.index_cast %scan3A_113 : i32 to index
      %swap3A_115 = arith.constant 0 : index
      %swap3A_116 = tpu.vector_load %arg14[%swap3A, %swap3A_115] {strides = array<i32>} : memref<64x128xf32, #tpu.memory_space<vmem>>, vector<1x16xf32>,
      %swap3A_117 = vector.shape_cast %swap3A_116 : vector<1x16xf32> to vector<16xf32>
      %swap3A_118 = vector.shape_cast %broadcast_in_dim3A_38 : vector<16xf32> to vector<1x16xf32>
      tpu.vector_store %arg14[%swap3A, %swap3A_115], %swap3A_118 {strides = array<i32>} : memref<64x128xf32, #tpu.memory_space<vmem>>, vector<1x16xf32>,
      %swap3A_119 = arith.index_cast %scan3A_113 : i32 to index
      %swap3A_120 = arith.constant 16 : index
      %swap3A_121 = tpu.vector_load %arg14[%swap3A_119, %swap3A_120] {strides = array<i32>} : memref<64x128xf32, #tpu.memory_space<vmem>>, vector<1x16xf32>,
      %swap3A_122 = vector.shape_cast %swap3A_121 : vector<1x16xf32> to vector<16xf32>
      %swap3A_123 = vector.shape_cast %broadcast_in_dim3A_38 : vector<16xf32> to vector<1x16xf32>
      tpu.vector_store %arg14[%swap3A_119, %swap3A_120], %swap3A_123 {strides = array<i32>} : memref<64x128xf32, #tpu.memory_space<vmem>>, vector<1x16xf32>,
      %swap3A_124 = arith.index_cast %scan3A_113 : i32 to index
      %swap3A_125 = arith.constant 32 : index
      %swap3A_126 = tpu.vector_load %arg14[%swap3A_124, %swap3A_125] {strides = array<i32>} : memref<64x128xf32, #tpu.memory_space<vmem>>, vector<1x16xf32>,
      %swap3A_127 = vector.shape_cast %swap3A_126 : vector<1x16xf32> to vector<16xf32>
      %swap3A_128 = vector.shape_cast %broadcast_in_dim3A_38 : vector<16xf32> to vector<1x16xf32>
      tpu.vector_store %arg14[%swap3A_124, %swap3A_125], %swap3A_128 {strides = array<i32>} : memref<64x128xf32, #tpu.memory_space<vmem>>, vector<1x16xf32>,
      %swap3A_129 = arith.index_cast %scan3A_113 : i32 to index
      %swap3A_130 = arith.constant 48 : index
      %swap3A_131 = tpu.vector_load %arg14[%swap3A_129, %swap3A_130] {strides = array<i32>} : memref<64x128xf32, #tpu.memory_space<vmem>>, vector<1x16xf32>,
      %swap3A_132 = vector.shape_cast %swap3A_131 : vector<1x16xf32> to vector<16xf32>
      %swap3A_133 = vector.shape_cast %broadcast_in_dim3A_38 : vector<16xf32> to vector<1x16xf32>
      tpu.vector_store %arg14[%swap3A_129, %swap3A_130], %swap3A_133 {strides = array<i32>} : memref<64x128xf32, #tpu.memory_space<vmem>>, vector<1x16xf32>,
      %swap3A_134 = arith.index_cast %scan3A_113 : i32 to index
      %swap3A_135 = arith.constant 64 : index
      %swap3A_136 = tpu.vector_load %arg14[%swap3A_134, %swap3A_135] {strides = array<i32>} : memref<64x128xf32, #tpu.memory_space<vmem>>, vector<1x16xf32>,
      %swap3A_137 = vector.shape_cast %swap3A_136 : vector<1x16xf32> to vector<16xf32>
      %swap3A_138 = vector.shape_cast %broadcast_in_dim3A_38 : vector<16xf32> to vector<1x16xf32>
      tpu.vector_store %arg14[%swap3A_134, %swap3A_135], %swap3A_138 {strides = array<i32>} : memref<64x128xf32, #tpu.memory_space<vmem>>, vector<1x16xf32>,
      %swap3A_139 = arith.index_cast %scan3A_113 : i32 to index
      %swap3A_140 = arith.constant 80 : index
      %swap3A_141 = tpu.vector_load %arg14[%swap3A_139, %swap3A_140] {strides = array<i32>} : memref<64x128xf32, #tpu.memory_space<vmem>>, vector<1x16xf32>,
      %swap3A_142 = vector.shape_cast %swap3A_141 : vector<1x16xf32> to vector<16xf32>
      %swap3A_143 = vector.shape_cast %broadcast_in_dim3A_38 : vector<16xf32> to vector<1x16xf32>
      tpu.vector_store %arg14[%swap3A_139, %swap3A_140], %swap3A_143 {strides = array<i32>} : memref<64x128xf32, #tpu.memory_space<vmem>>, vector<1x16xf32>,
      %swap3A_144 = arith.index_cast %scan3A_113 : i32 to index
      %swap3A_145 = arith.constant 96 : index
      %swap3A_146 = tpu.vector_load %arg14[%swap3A_144, %swap3A_145] {strides = array<i32>} : memref<64x128xf32, #tpu.memory_space<vmem>>, vector<1x16xf32>,
      %swap3A_147 = vector.shape_cast %swap3A_146 : vector<1x16xf32> to vector<16xf32>
      %swap3A_148 = vector.shape_cast %broadcast_in_dim3A_38 : vector<16xf32> to vector<1x16xf32>
      tpu.vector_store %arg14[%swap3A_144, %swap3A_145], %swap3A_148 {strides = array<i32>} : memref<64x128xf32, #tpu.memory_space<vmem>>, vector<1x16xf32>,
      %swap3A_149 = arith.index_cast %scan3A_113 : i32 to index
      %swap3A_150 = arith.constant 112 : index
      %swap3A_151 = tpu.vector_load %arg14[%swap3A_149, %swap3A_150] {strides = array<i32>} : memref<64x128xf32, #tpu.memory_space<vmem>>, vector<1x16xf32>,
      %swap3A_152 = vector.shape_cast %swap3A_151 : vector<1x16xf32> to vector<16xf32>
      %swap3A_153 = vector.shape_cast %broadcast_in_dim3A_38 : vector<16xf32> to vector<1x16xf32>
      tpu.vector_store %arg14[%swap3A_149, %swap3A_150], %swap3A_153 {strides = array<i32>} : memref<64x128xf32, #tpu.memory_space<vmem>>, vector<1x16xf32>,
      %scan3A_154 = arith.constant 0 : i32
      scf.yield %scan3A_154 : i32
    }
    %scan3A_45 = arith.constant 64 : i32
    %mul3A_46 = arith.constant 640 : i32
    %mul3A_47 = arith.muli %arg1, %mul3A_46 : i32
    %add3A_48 = arith.constant 0 : i32
    %add3A_49 = arith.addi %mul3A_47, %add3A_48 : i32
    "tpu.region"() ({
      %run_scoped3A = tpu.sem_alloc : memref<!tpu.dma_semaphore, #tpu.memory_space<semaphore_mem>>
      %dma_start3A_113 = arith.constant 0 : i32
      %dma_start3A_114 = arith.constant 0 : i32
      %dma_start3A_115 = tpu.memref_slice %arg13[%dma_start3A_113, %dma_start3A_114] : memref<64x128xf32, #tpu.memory_space<vmem>> -> memref<64x128xf32, #tpu.memory_space<vmem>>
      %dma_start3A_116 = arith.constant 0 : i32
      %dma_start3A_117 = tpu.memref_slice %arg20[%add3A_49, %dma_start3A_116] : memref<10240x128xf32, #tpu.memory_space<vmem_shared>> -> memref<64x128xf32, #tpu.memory_space<vmem_shared>>
      %dma_start3A_118 = arith.constant 0 : i32
      %dma_start3A_119 = tpu.memref_slice %arg20[%add3A_49, %dma_start3A_118] : memref<10240x128xf32, #tpu.memory_space<vmem_shared>> -> memref<64x128xf32, #tpu.memory_space<vmem_shared>>
      %dma_start3A_120 = arith.constant 0 : i32
      %dma_start3A_121 = arith.constant 0 : i32
      %dma_start3A_122 = tpu.memref_slice %arg13[%dma_start3A_120, %dma_start3A_121] : memref<64x128xf32, #tpu.memory_space<vmem>> -> memref<64x128xf32, #tpu.memory_space<vmem>>
      tpu.enqueue_dma source(%dma_start3A_122 : memref<64x128xf32, #tpu.memory_space<vmem>>) target(%dma_start3A_119 : memref<64x128xf32, #tpu.memory_space<vmem_shared>>) target_semaphore(%run_scoped3A : memref<!tpu.dma_semaphore, #tpu.memory_space<semaphore_mem>>)
      %dma_wait3A_123 = arith.constant 0 : i32
      %dma_wait3A_124 = arith.constant 0 : i32
      %dma_wait3A_125 = tpu.memref_slice %arg13[%dma_wait3A_123, %dma_wait3A_124] : memref<64x128xf32, #tpu.memory_space<vmem>> -> memref<64x128xf32, #tpu.memory_space<vmem>>
      %dma_wait3A_126 = arith.constant 0 : i32
      %dma_wait3A_127 = tpu.memref_slice %arg20[%add3A_49, %dma_wait3A_126] : memref<10240x128xf32, #tpu.memory_space<vmem_shared>> -> memref<64x128xf32, #tpu.memory_space<vmem_shared>>
      %dma_wait3A_128 = arith.constant 0 : i32
      %dma_wait3A_129 = tpu.memref_slice %arg20[%add3A_49, %dma_wait3A_128] : memref<10240x128xf32, #tpu.memory_space<vmem_shared>> -> memref<64x128xf32, #tpu.memory_space<vmem_shared>>
      %dma_wait3A_130 = arith.constant 0 : i32
      %dma_wait3A_131 = arith.constant 0 : i32
      %dma_wait3A_132 = tpu.memref_slice %arg13[%dma_wait3A_130, %dma_wait3A_131] : memref<64x128xf32, #tpu.memory_space<vmem>> -> memref<64x128xf32, #tpu.memory_space<vmem>>
      tpu.wait_dma2 semaphore(%run_scoped3A : memref<!tpu.dma_semaphore, #tpu.memory_space<semaphore_mem>>) src(%dma_wait3A_132 : memref<64x128xf32, #tpu.memory_space<vmem>>) dst(%dma_wait3A_129 : memref<64x128xf32, #tpu.memory_space<vmem_shared>>)
      tpu.yield
    }) : () -> ()
    %add3A_50 = arith.constant 64 : i32
    %add3A_51 = arith.addi %mul3A_47, %add3A_50 : i32
    "tpu.region"() ({
      %run_scoped3A = tpu.sem_alloc : memref<!tpu.dma_semaphore, #tpu.memory_space<semaphore_mem>>
      %dma_start3A_113 = arith.constant 0 : i32
      %dma_start3A_114 = arith.constant 0 : i32
      %dma_start3A_115 = tpu.memref_slice %arg13[%dma_start3A_113, %dma_start3A_114] : memref<64x128xf32, #tpu.memory_space<vmem>> -> memref<64x128xf32, #tpu.memory_space<vmem>>
      %dma_start3A_116 = arith.constant 0 : i32
      %dma_start3A_117 = tpu.memref_slice %arg20[%add3A_51, %dma_start3A_116] : memref<10240x128xf32, #tpu.memory_space<vmem_shared>> -> memref<64x128xf32, #tpu.memory_space<vmem_shared>>
      %dma_start3A_118 = arith.constant 0 : i32
      %dma_start3A_119 = tpu.memref_slice %arg20[%add3A_51, %dma_start3A_118] : memref<10240x128xf32, #tpu.memory_space<vmem_shared>> -> memref<64x128xf32, #tpu.memory_space<vmem_shared>>
      %dma_start3A_120 = arith.constant 0 : i32
      %dma_start3A_121 = arith.constant 0 : i32
      %dma_start3A_122 = tpu.memref_slice %arg13[%dma_start3A_120, %dma_start3A_121] : memref<64x128xf32, #tpu.memory_space<vmem>> -> memref<64x128xf32, #tpu.memory_space<vmem>>
      tpu.enqueue_dma source(%dma_start3A_122 : memref<64x128xf32, #tpu.memory_space<vmem>>) target(%dma_start3A_119 : memref<64x128xf32, #tpu.memory_space<vmem_shared>>) target_semaphore(%run_scoped3A : memref<!tpu.dma_semaphore, #tpu.memory_space<semaphore_mem>>)
      %dma_wait3A_123 = arith.constant 0 : i32
      %dma_wait3A_124 = arith.constant 0 : i32
      %dma_wait3A_125 = tpu.memref_slice %arg13[%dma_wait3A_123, %dma_wait3A_124] : memref<64x128xf32, #tpu.memory_space<vmem>> -> memref<64x128xf32, #tpu.memory_space<vmem>>
      %dma_wait3A_126 = arith.constant 0 : i32
      %dma_wait3A_127 = tpu.memref_slice %arg20[%add3A_51, %dma_wait3A_126] : memref<10240x128xf32, #tpu.memory_space<vmem_shared>> -> memref<64x128xf32, #tpu.memory_space<vmem_shared>>
      %dma_wait3A_128 = arith.constant 0 : i32
      %dma_wait3A_129 = tpu.memref_slice %arg20[%add3A_51, %dma_wait3A_128] : memref<10240x128xf32, #tpu.memory_space<vmem_shared>> -> memref<64x128xf32, #tpu.memory_space<vmem_shared>>
      %dma_wait3A_130 = arith.constant 0 : i32
      %dma_wait3A_131 = arith.constant 0 : i32
      %dma_wait3A_132 = tpu.memref_slice %arg13[%dma_wait3A_130, %dma_wait3A_131] : memref<64x128xf32, #tpu.memory_space<vmem>> -> memref<64x128xf32, #tpu.memory_space<vmem>>
      tpu.wait_dma2 semaphore(%run_scoped3A : memref<!tpu.dma_semaphore, #tpu.memory_space<semaphore_mem>>) src(%dma_wait3A_132 : memref<64x128xf32, #tpu.memory_space<vmem>>) dst(%dma_wait3A_129 : memref<64x128xf32, #tpu.memory_space<vmem_shared>>)
      tpu.yield
    }) : () -> ()
    %add3A_52 = arith.constant 128 : i32
    %add3A_53 = arith.addi %mul3A_47, %add3A_52 : i32
    "tpu.region"() ({
      %run_scoped3A = tpu.sem_alloc : memref<!tpu.dma_semaphore, #tpu.memory_space<semaphore_mem>>
      %dma_start3A_113 = arith.constant 0 : i32
      %dma_start3A_114 = arith.constant 0 : i32
      %dma_start3A_115 = tpu.memref_slice %arg13[%dma_start3A_113, %dma_start3A_114] : memref<64x128xf32, #tpu.memory_space<vmem>> -> memref<64x128xf32, #tpu.memory_space<vmem>>
      %dma_start3A_116 = arith.constant 0 : i32
      %dma_start3A_117 = tpu.memref_slice %arg20[%add3A_53, %dma_start3A_116] : memref<10240x128xf32, #tpu.memory_space<vmem_shared>> -> memref<64x128xf32, #tpu.memory_space<vmem_shared>>
      %dma_start3A_118 = arith.constant 0 : i32
      %dma_start3A_119 = tpu.memref_slice %arg20[%add3A_53, %dma_start3A_118] : memref<10240x128xf32, #tpu.memory_space<vmem_shared>> -> memref<64x128xf32, #tpu.memory_space<vmem_shared>>
      %dma_start3A_120 = arith.constant 0 : i32
      %dma_start3A_121 = arith.constant 0 : i32
      %dma_start3A_122 = tpu.memref_slice %arg13[%dma_start3A_120, %dma_start3A_121] : memref<64x128xf32, #tpu.memory_space<vmem>> -> memref<64x128xf32, #tpu.memory_space<vmem>>
      tpu.enqueue_dma source(%dma_start3A_122 : memref<64x128xf32, #tpu.memory_space<vmem>>) target(%dma_start3A_119 : memref<64x128xf32, #tpu.memory_space<vmem_shared>>) target_semaphore(%run_scoped3A : memref<!tpu.dma_semaphore, #tpu.memory_space<semaphore_mem>>)
      %dma_wait3A_123 = arith.constant 0 : i32
      %dma_wait3A_124 = arith.constant 0 : i32
      %dma_wait3A_125 = tpu.memref_slice %arg13[%dma_wait3A_123, %dma_wait3A_124] : memref<64x128xf32, #tpu.memory_space<vmem>> -> memref<64x128xf32, #tpu.memory_space<vmem>>
      %dma_wait3A_126 = arith.constant 0 : i32
      %dma_wait3A_127 = tpu.memref_slice %arg20[%add3A_53, %dma_wait3A_126] : memref<10240x128xf32, #tpu.memory_space<vmem_shared>> -> memref<64x128xf32, #tpu.memory_space<vmem_shared>>
      %dma_wait3A_128 = arith.constant 0 : i32
      %dma_wait3A_129 = tpu.memref_slice %arg20[%add3A_53, %dma_wait3A_128] : memref<10240x128xf32, #tpu.memory_space<vmem_shared>> -> memref<64x128xf32, #tpu.memory_space<vmem_shared>>
      %dma_wait3A_130 = arith.constant 0 : i32
      %dma_wait3A_131 = arith.constant 0 : i32
      %dma_wait3A_132 = tpu.memref_slice %arg13[%dma_wait3A_130, %dma_wait3A_131] : memref<64x128xf32, #tpu.memory_space<vmem>> -> memref<64x128xf32, #tpu.memory_space<vmem>>
      tpu.wait_dma2 semaphore(%run_scoped3A : memref<!tpu.dma_semaphore, #tpu.memory_space<semaphore_mem>>) src(%dma_wait3A_132 : memref<64x128xf32, #tpu.memory_space<vmem>>) dst(%dma_wait3A_129 : memref<64x128xf32, #tpu.memory_space<vmem_shared>>)
      tpu.yield
    }) : () -> ()
    %add3A_54 = arith.constant 192 : i32
    %add3A_55 = arith.addi %mul3A_47, %add3A_54 : i32
    "tpu.region"() ({
      %run_scoped3A = tpu.sem_alloc : memref<!tpu.dma_semaphore, #tpu.memory_space<semaphore_mem>>
      %dma_start3A_113 = arith.constant 0 : i32
      %dma_start3A_114 = arith.constant 0 : i32
      %dma_start3A_115 = tpu.memref_slice %arg13[%dma_start3A_113, %dma_start3A_114] : memref<64x128xf32, #tpu.memory_space<vmem>> -> memref<64x128xf32, #tpu.memory_space<vmem>>
      %dma_start3A_116 = arith.constant 0 : i32
      %dma_start3A_117 = tpu.memref_slice %arg20[%add3A_55, %dma_start3A_116] : memref<10240x128xf32, #tpu.memory_space<vmem_shared>> -> memref<64x128xf32, #tpu.memory_space<vmem_shared>>
      %dma_start3A_118 = arith.constant 0 : i32
      %dma_start3A_119 = tpu.memref_slice %arg20[%add3A_55, %dma_start3A_118] : memref<10240x128xf32, #tpu.memory_space<vmem_shared>> -> memref<64x128xf32, #tpu.memory_space<vmem_shared>>
      %dma_start3A_120 = arith.constant 0 : i32
      %dma_start3A_121 = arith.constant 0 : i32
      %dma_start3A_122 = tpu.memref_slice %arg13[%dma_start3A_120, %dma_start3A_121] : memref<64x128xf32, #tpu.memory_space<vmem>> -> memref<64x128xf32, #tpu.memory_space<vmem>>
      tpu.enqueue_dma source(%dma_start3A_122 : memref<64x128xf32, #tpu.memory_space<vmem>>) target(%dma_start3A_119 : memref<64x128xf32, #tpu.memory_space<vmem_shared>>) target_semaphore(%run_scoped3A : memref<!tpu.dma_semaphore, #tpu.memory_space<semaphore_mem>>)
      %dma_wait3A_123 = arith.constant 0 : i32
      %dma_wait3A_124 = arith.constant 0 : i32
      %dma_wait3A_125 = tpu.memref_slice %arg13[%dma_wait3A_123, %dma_wait3A_124] : memref<64x128xf32, #tpu.memory_space<vmem>> -> memref<64x128xf32, #tpu.memory_space<vmem>>
      %dma_wait3A_126 = arith.constant 0 : i32
      %dma_wait3A_127 = tpu.memref_slice %arg20[%add3A_55, %dma_wait3A_126] : memref<10240x128xf32, #tpu.memory_space<vmem_shared>> -> memref<64x128xf32, #tpu.memory_space<vmem_shared>>
      %dma_wait3A_128 = arith.constant 0 : i32
      %dma_wait3A_129 = tpu.memref_slice %arg20[%add3A_55, %dma_wait3A_128] : memref<10240x128xf32, #tpu.memory_space<vmem_shared>> -> memref<64x128xf32, #tpu.memory_space<vmem_shared>>
      %dma_wait3A_130 = arith.constant 0 : i32
      %dma_wait3A_131 = arith.constant 0 : i32
      %dma_wait3A_132 = tpu.memref_slice %arg13[%dma_wait3A_130, %dma_wait3A_131] : memref<64x128xf32, #tpu.memory_space<vmem>> -> memref<64x128xf32, #tpu.memory_space<vmem>>
      tpu.wait_dma2 semaphore(%run_scoped3A : memref<!tpu.dma_semaphore, #tpu.memory_space<semaphore_mem>>) src(%dma_wait3A_132 : memref<64x128xf32, #tpu.memory_space<vmem>>) dst(%dma_wait3A_129 : memref<64x128xf32, #tpu.memory_space<vmem_shared>>)
      tpu.yield
    }) : () -> ()
    %add3A_56 = arith.constant 256 : i32
    %add3A_57 = arith.addi %mul3A_47, %add3A_56 : i32
    "tpu.region"() ({
      %run_scoped3A = tpu.sem_alloc : memref<!tpu.dma_semaphore, #tpu.memory_space<semaphore_mem>>
      %dma_start3A_113 = arith.constant 0 : i32
      %dma_start3A_114 = arith.constant 0 : i32
      %dma_start3A_115 = tpu.memref_slice %arg13[%dma_start3A_113, %dma_start3A_114] : memref<64x128xf32, #tpu.memory_space<vmem>> -> memref<64x128xf32, #tpu.memory_space<vmem>>
      %dma_start3A_116 = arith.constant 0 : i32
      %dma_start3A_117 = tpu.memref_slice %arg20[%add3A_57, %dma_start3A_116] : memref<10240x128xf32, #tpu.memory_space<vmem_shared>> -> memref<64x128xf32, #tpu.memory_space<vmem_shared>>
      %dma_start3A_118 = arith.constant 0 : i32
      %dma_start3A_119 = tpu.memref_slice %arg20[%add3A_57, %dma_start3A_118] : memref<10240x128xf32, #tpu.memory_space<vmem_shared>> -> memref<64x128xf32, #tpu.memory_space<vmem_shared>>
      %dma_start3A_120 = arith.constant 0 : i32
      %dma_start3A_121 = arith.constant 0 : i32
      %dma_start3A_122 = tpu.memref_slice %arg13[%dma_start3A_120, %dma_start3A_121] : memref<64x128xf32, #tpu.memory_space<vmem>> -> memref<64x128xf32, #tpu.memory_space<vmem>>
      tpu.enqueue_dma source(%dma_start3A_122 : memref<64x128xf32, #tpu.memory_space<vmem>>) target(%dma_start3A_119 : memref<64x128xf32, #tpu.memory_space<vmem_shared>>) target_semaphore(%run_scoped3A : memref<!tpu.dma_semaphore, #tpu.memory_space<semaphore_mem>>)
      %dma_wait3A_123 = arith.constant 0 : i32
      %dma_wait3A_124 = arith.constant 0 : i32
      %dma_wait3A_125 = tpu.memref_slice %arg13[%dma_wait3A_123, %dma_wait3A_124] : memref<64x128xf32, #tpu.memory_space<vmem>> -> memref<64x128xf32, #tpu.memory_space<vmem>>
      %dma_wait3A_126 = arith.constant 0 : i32
      %dma_wait3A_127 = tpu.memref_slice %arg20[%add3A_57, %dma_wait3A_126] : memref<10240x128xf32, #tpu.memory_space<vmem_shared>> -> memref<64x128xf32, #tpu.memory_space<vmem_shared>>
      %dma_wait3A_128 = arith.constant 0 : i32
      %dma_wait3A_129 = tpu.memref_slice %arg20[%add3A_57, %dma_wait3A_128] : memref<10240x128xf32, #tpu.memory_space<vmem_shared>> -> memref<64x128xf32, #tpu.memory_space<vmem_shared>>
      %dma_wait3A_130 = arith.constant 0 : i32
      %dma_wait3A_131 = arith.constant 0 : i32
      %dma_wait3A_132 = tpu.memref_slice %arg13[%dma_wait3A_130, %dma_wait3A_131] : memref<64x128xf32, #tpu.memory_space<vmem>> -> memref<64x128xf32, #tpu.memory_space<vmem>>
      tpu.wait_dma2 semaphore(%run_scoped3A : memref<!tpu.dma_semaphore, #tpu.memory_space<semaphore_mem>>) src(%dma_wait3A_132 : memref<64x128xf32, #tpu.memory_space<vmem>>) dst(%dma_wait3A_129 : memref<64x128xf32, #tpu.memory_space<vmem_shared>>)
      tpu.yield
    }) : () -> ()
    %mul3A_58 = arith.constant 640 : i32
    %mul3A_59 = arith.muli %arg1, %mul3A_58 : i32
    %add3A_60 = arith.constant 320 : i32
    %add3A_61 = arith.addi %mul3A_59, %add3A_60 : i32
    %add3A_62 = arith.constant 0 : i32
    %add3A_63 = arith.addi %add3A_61, %add3A_62 : i32
    "tpu.region"() ({
      %run_scoped3A = tpu.sem_alloc : memref<!tpu.dma_semaphore, #tpu.memory_space<semaphore_mem>>
      %dma_start3A_113 = arith.constant 0 : i32
      %dma_start3A_114 = arith.constant 0 : i32
      %dma_start3A_115 = tpu.memref_slice %arg14[%dma_start3A_113, %dma_start3A_114] : memref<64x128xf32, #tpu.memory_space<vmem>> -> memref<64x128xf32, #tpu.memory_space<vmem>>
      %dma_start3A_116 = arith.constant 0 : i32
      %dma_start3A_117 = tpu.memref_slice %arg20[%add3A_63, %dma_start3A_116] : memref<10240x128xf32, #tpu.memory_space<vmem_shared>> -> memref<64x128xf32, #tpu.memory_space<vmem_shared>>
      %dma_start3A_118 = arith.constant 0 : i32
      %dma_start3A_119 = tpu.memref_slice %arg20[%add3A_63, %dma_start3A_118] : memref<10240x128xf32, #tpu.memory_space<vmem_shared>> -> memref<64x128xf32, #tpu.memory_space<vmem_shared>>
      %dma_start3A_120 = arith.constant 0 : i32
      %dma_start3A_121 = arith.constant 0 : i32
      %dma_start3A_122 = tpu.memref_slice %arg14[%dma_start3A_120, %dma_start3A_121] : memref<64x128xf32, #tpu.memory_space<vmem>> -> memref<64x128xf32, #tpu.memory_space<vmem>>
      tpu.enqueue_dma source(%dma_start3A_122 : memref<64x128xf32, #tpu.memory_space<vmem>>) target(%dma_start3A_119 : memref<64x128xf32, #tpu.memory_space<vmem_shared>>) target_semaphore(%run_scoped3A : memref<!tpu.dma_semaphore, #tpu.memory_space<semaphore_mem>>)
      %dma_wait3A_123 = arith.constant 0 : i32
      %dma_wait3A_124 = arith.constant 0 : i32
      %dma_wait3A_125 = tpu.memref_slice %arg14[%dma_wait3A_123, %dma_wait3A_124] : memref<64x128xf32, #tpu.memory_space<vmem>> -> memref<64x128xf32, #tpu.memory_space<vmem>>
      %dma_wait3A_126 = arith.constant 0 : i32
      %dma_wait3A_127 = tpu.memref_slice %arg20[%add3A_63, %dma_wait3A_126] : memref<10240x128xf32, #tpu.memory_space<vmem_shared>> -> memref<64x128xf32, #tpu.memory_space<vmem_shared>>
      %dma_wait3A_128 = arith.constant 0 : i32
      %dma_wait3A_129 = tpu.memref_slice %arg20[%add3A_63, %dma_wait3A_128] : memref<10240x128xf32, #tpu.memory_space<vmem_shared>> -> memref<64x128xf32, #tpu.memory_space<vmem_shared>>
      %dma_wait3A_130 = arith.constant 0 : i32
      %dma_wait3A_131 = arith.constant 0 : i32
      %dma_wait3A_132 = tpu.memref_slice %arg14[%dma_wait3A_130, %dma_wait3A_131] : memref<64x128xf32, #tpu.memory_space<vmem>> -> memref<64x128xf32, #tpu.memory_space<vmem>>
      tpu.wait_dma2 semaphore(%run_scoped3A : memref<!tpu.dma_semaphore, #tpu.memory_space<semaphore_mem>>) src(%dma_wait3A_132 : memref<64x128xf32, #tpu.memory_space<vmem>>) dst(%dma_wait3A_129 : memref<64x128xf32, #tpu.memory_space<vmem_shared>>)
      tpu.yield
    }) : () -> ()
    %add3A_64 = arith.constant 64 : i32
    %add3A_65 = arith.addi %add3A_61, %add3A_64 : i32
    "tpu.region"() ({
      %run_scoped3A = tpu.sem_alloc : memref<!tpu.dma_semaphore, #tpu.memory_space<semaphore_mem>>
      %dma_start3A_113 = arith.constant 0 : i32
      %dma_start3A_114 = arith.constant 0 : i32
      %dma_start3A_115 = tpu.memref_slice %arg14[%dma_start3A_113, %dma_start3A_114] : memref<64x128xf32, #tpu.memory_space<vmem>> -> memref<64x128xf32, #tpu.memory_space<vmem>>
      %dma_start3A_116 = arith.constant 0 : i32
      %dma_start3A_117 = tpu.memref_slice %arg20[%add3A_65, %dma_start3A_116] : memref<10240x128xf32, #tpu.memory_space<vmem_shared>> -> memref<64x128xf32, #tpu.memory_space<vmem_shared>>
      %dma_start3A_118 = arith.constant 0 : i32
      %dma_start3A_119 = tpu.memref_slice %arg20[%add3A_65, %dma_start3A_118] : memref<10240x128xf32, #tpu.memory_space<vmem_shared>> -> memref<64x128xf32, #tpu.memory_space<vmem_shared>>
      %dma_start3A_120 = arith.constant 0 : i32
      %dma_start3A_121 = arith.constant 0 : i32
      %dma_start3A_122 = tpu.memref_slice %arg14[%dma_start3A_120, %dma_start3A_121] : memref<64x128xf32, #tpu.memory_space<vmem>> -> memref<64x128xf32, #tpu.memory_space<vmem>>
      tpu.enqueue_dma source(%dma_start3A_122 : memref<64x128xf32, #tpu.memory_space<vmem>>) target(%dma_start3A_119 : memref<64x128xf32, #tpu.memory_space<vmem_shared>>) target_semaphore(%run_scoped3A : memref<!tpu.dma_semaphore, #tpu.memory_space<semaphore_mem>>)
      %dma_wait3A_123 = arith.constant 0 : i32
      %dma_wait3A_124 = arith.constant 0 : i32
      %dma_wait3A_125 = tpu.memref_slice %arg14[%dma_wait3A_123, %dma_wait3A_124] : memref<64x128xf32, #tpu.memory_space<vmem>> -> memref<64x128xf32, #tpu.memory_space<vmem>>
      %dma_wait3A_126 = arith.constant 0 : i32
      %dma_wait3A_127 = tpu.memref_slice %arg20[%add3A_65, %dma_wait3A_126] : memref<10240x128xf32, #tpu.memory_space<vmem_shared>> -> memref<64x128xf32, #tpu.memory_space<vmem_shared>>
      %dma_wait3A_128 = arith.constant 0 : i32
      %dma_wait3A_129 = tpu.memref_slice %arg20[%add3A_65, %dma_wait3A_128] : memref<10240x128xf32, #tpu.memory_space<vmem_shared>> -> memref<64x128xf32, #tpu.memory_space<vmem_shared>>
      %dma_wait3A_130 = arith.constant 0 : i32
      %dma_wait3A_131 = arith.constant 0 : i32
      %dma_wait3A_132 = tpu.memref_slice %arg14[%dma_wait3A_130, %dma_wait3A_131] : memref<64x128xf32, #tpu.memory_space<vmem>> -> memref<64x128xf32, #tpu.memory_space<vmem>>
      tpu.wait_dma2 semaphore(%run_scoped3A : memref<!tpu.dma_semaphore, #tpu.memory_space<semaphore_mem>>) src(%dma_wait3A_132 : memref<64x128xf32, #tpu.memory_space<vmem>>) dst(%dma_wait3A_129 : memref<64x128xf32, #tpu.memory_space<vmem_shared>>)
      tpu.yield
    }) : () -> ()
    %add3A_66 = arith.constant 128 : i32
    %add3A_67 = arith.addi %add3A_61, %add3A_66 : i32
    "tpu.region"() ({
      %run_scoped3A = tpu.sem_alloc : memref<!tpu.dma_semaphore, #tpu.memory_space<semaphore_mem>>
      %dma_start3A_113 = arith.constant 0 : i32
      %dma_start3A_114 = arith.constant 0 : i32
      %dma_start3A_115 = tpu.memref_slice %arg14[%dma_start3A_113, %dma_start3A_114] : memref<64x128xf32, #tpu.memory_space<vmem>> -> memref<64x128xf32, #tpu.memory_space<vmem>>
      %dma_start3A_116 = arith.constant 0 : i32
      %dma_start3A_117 = tpu.memref_slice %arg20[%add3A_67, %dma_start3A_116] : memref<10240x128xf32, #tpu.memory_space<vmem_shared>> -> memref<64x128xf32, #tpu.memory_space<vmem_shared>>
      %dma_start3A_118 = arith.constant 0 : i32
      %dma_start3A_119 = tpu.memref_slice %arg20[%add3A_67, %dma_start3A_118] : memref<10240x128xf32, #tpu.memory_space<vmem_shared>> -> memref<64x128xf32, #tpu.memory_space<vmem_shared>>
      %dma_start3A_120 = arith.constant 0 : i32
      %dma_start3A_121 = arith.constant 0 : i32
      %dma_start3A_122 = tpu.memref_slice %arg14[%dma_start3A_120, %dma_start3A_121] : memref<64x128xf32, #tpu.memory_space<vmem>> -> memref<64x128xf32, #tpu.memory_space<vmem>>
      tpu.enqueue_dma source(%dma_start3A_122 : memref<64x128xf32, #tpu.memory_space<vmem>>) target(%dma_start3A_119 : memref<64x128xf32, #tpu.memory_space<vmem_shared>>) target_semaphore(%run_scoped3A : memref<!tpu.dma_semaphore, #tpu.memory_space<semaphore_mem>>)
      %dma_wait3A_123 = arith.constant 0 : i32
      %dma_wait3A_124 = arith.constant 0 : i32
      %dma_wait3A_125 = tpu.memref_slice %arg14[%dma_wait3A_123, %dma_wait3A_124] : memref<64x128xf32, #tpu.memory_space<vmem>> -> memref<64x128xf32, #tpu.memory_space<vmem>>
      %dma_wait3A_126 = arith.constant 0 : i32
      %dma_wait3A_127 = tpu.memref_slice %arg20[%add3A_67, %dma_wait3A_126] : memref<10240x128xf32, #tpu.memory_space<vmem_shared>> -> memref<64x128xf32, #tpu.memory_space<vmem_shared>>
      %dma_wait3A_128 = arith.constant 0 : i32
      %dma_wait3A_129 = tpu.memref_slice %arg20[%add3A_67, %dma_wait3A_128] : memref<10240x128xf32, #tpu.memory_space<vmem_shared>> -> memref<64x128xf32, #tpu.memory_space<vmem_shared>>
      %dma_wait3A_130 = arith.constant 0 : i32
      %dma_wait3A_131 = arith.constant 0 : i32
      %dma_wait3A_132 = tpu.memref_slice %arg14[%dma_wait3A_130, %dma_wait3A_131] : memref<64x128xf32, #tpu.memory_space<vmem>> -> memref<64x128xf32, #tpu.memory_space<vmem>>
      tpu.wait_dma2 semaphore(%run_scoped3A : memref<!tpu.dma_semaphore, #tpu.memory_space<semaphore_mem>>) src(%dma_wait3A_132 : memref<64x128xf32, #tpu.memory_space<vmem>>) dst(%dma_wait3A_129 : memref<64x128xf32, #tpu.memory_space<vmem_shared>>)
      tpu.yield
    }) : () -> ()
    %add3A_68 = arith.constant 192 : i32
    %add3A_69 = arith.addi %add3A_61, %add3A_68 : i32
    "tpu.region"() ({
      %run_scoped3A = tpu.sem_alloc : memref<!tpu.dma_semaphore, #tpu.memory_space<semaphore_mem>>
      %dma_start3A_113 = arith.constant 0 : i32
      %dma_start3A_114 = arith.constant 0 : i32
      %dma_start3A_115 = tpu.memref_slice %arg14[%dma_start3A_113, %dma_start3A_114] : memref<64x128xf32, #tpu.memory_space<vmem>> -> memref<64x128xf32, #tpu.memory_space<vmem>>
      %dma_start3A_116 = arith.constant 0 : i32
      %dma_start3A_117 = tpu.memref_slice %arg20[%add3A_69, %dma_start3A_116] : memref<10240x128xf32, #tpu.memory_space<vmem_shared>> -> memref<64x128xf32, #tpu.memory_space<vmem_shared>>
      %dma_start3A_118 = arith.constant 0 : i32
      %dma_start3A_119 = tpu.memref_slice %arg20[%add3A_69, %dma_start3A_118] : memref<10240x128xf32, #tpu.memory_space<vmem_shared>> -> memref<64x128xf32, #tpu.memory_space<vmem_shared>>
      %dma_start3A_120 = arith.constant 0 : i32
      %dma_start3A_121 = arith.constant 0 : i32
      %dma_start3A_122 = tpu.memref_slice %arg14[%dma_start3A_120, %dma_start3A_121] : memref<64x128xf32, #tpu.memory_space<vmem>> -> memref<64x128xf32, #tpu.memory_space<vmem>>
      tpu.enqueue_dma source(%dma_start3A_122 : memref<64x128xf32, #tpu.memory_space<vmem>>) target(%dma_start3A_119 : memref<64x128xf32, #tpu.memory_space<vmem_shared>>) target_semaphore(%run_scoped3A : memref<!tpu.dma_semaphore, #tpu.memory_space<semaphore_mem>>)
      %dma_wait3A_123 = arith.constant 0 : i32
      %dma_wait3A_124 = arith.constant 0 : i32
      %dma_wait3A_125 = tpu.memref_slice %arg14[%dma_wait3A_123, %dma_wait3A_124] : memref<64x128xf32, #tpu.memory_space<vmem>> -> memref<64x128xf32, #tpu.memory_space<vmem>>
      %dma_wait3A_126 = arith.constant 0 : i32
      %dma_wait3A_127 = tpu.memref_slice %arg20[%add3A_69, %dma_wait3A_126] : memref<10240x128xf32, #tpu.memory_space<vmem_shared>> -> memref<64x128xf32, #tpu.memory_space<vmem_shared>>
      %dma_wait3A_128 = arith.constant 0 : i32
      %dma_wait3A_129 = tpu.memref_slice %arg20[%add3A_69, %dma_wait3A_128] : memref<10240x128xf32, #tpu.memory_space<vmem_shared>> -> memref<64x128xf32, #tpu.memory_space<vmem_shared>>
      %dma_wait3A_130 = arith.constant 0 : i32
      %dma_wait3A_131 = arith.constant 0 : i32
      %dma_wait3A_132 = tpu.memref_slice %arg14[%dma_wait3A_130, %dma_wait3A_131] : memref<64x128xf32, #tpu.memory_space<vmem>> -> memref<64x128xf32, #tpu.memory_space<vmem>>
      tpu.wait_dma2 semaphore(%run_scoped3A : memref<!tpu.dma_semaphore, #tpu.memory_space<semaphore_mem>>) src(%dma_wait3A_132 : memref<64x128xf32, #tpu.memory_space<vmem>>) dst(%dma_wait3A_129 : memref<64x128xf32, #tpu.memory_space<vmem_shared>>)
      tpu.yield
    }) : () -> ()
    %add3A_70 = arith.constant 256 : i32
    %add3A_71 = arith.addi %add3A_61, %add3A_70 : i32
    "tpu.region"() ({
      %run_scoped3A = tpu.sem_alloc : memref<!tpu.dma_semaphore, #tpu.memory_space<semaphore_mem>>
      %dma_start3A_113 = arith.constant 0 : i32
      %dma_start3A_114 = arith.constant 0 : i32
      %dma_start3A_115 = tpu.memref_slice %arg14[%dma_start3A_113, %dma_start3A_114] : memref<64x128xf32, #tpu.memory_space<vmem>> -> memref<64x128xf32, #tpu.memory_space<vmem>>
      %dma_start3A_116 = arith.constant 0 : i32
      %dma_start3A_117 = tpu.memref_slice %arg20[%add3A_71, %dma_start3A_116] : memref<10240x128xf32, #tpu.memory_space<vmem_shared>> -> memref<64x128xf32, #tpu.memory_space<vmem_shared>>
      %dma_start3A_118 = arith.constant 0 : i32
      %dma_start3A_119 = tpu.memref_slice %arg20[%add3A_71, %dma_start3A_118] : memref<10240x128xf32, #tpu.memory_space<vmem_shared>> -> memref<64x128xf32, #tpu.memory_space<vmem_shared>>
      %dma_start3A_120 = arith.constant 0 : i32
      %dma_start3A_121 = arith.constant 0 : i32
      %dma_start3A_122 = tpu.memref_slice %arg14[%dma_start3A_120, %dma_start3A_121] : memref<64x128xf32, #tpu.memory_space<vmem>> -> memref<64x128xf32, #tpu.memory_space<vmem>>
      tpu.enqueue_dma source(%dma_start3A_122 : memref<64x128xf32, #tpu.memory_space<vmem>>) target(%dma_start3A_119 : memref<64x128xf32, #tpu.memory_space<vmem_shared>>) target_semaphore(%run_scoped3A : memref<!tpu.dma_semaphore, #tpu.memory_space<semaphore_mem>>)
      %dma_wait3A_123 = arith.constant 0 : i32
      %dma_wait3A_124 = arith.constant 0 : i32
      %dma_wait3A_125 = tpu.memref_slice %arg14[%dma_wait3A_123, %dma_wait3A_124] : memref<64x128xf32, #tpu.memory_space<vmem>> -> memref<64x128xf32, #tpu.memory_space<vmem>>
      %dma_wait3A_126 = arith.constant 0 : i32
      %dma_wait3A_127 = tpu.memref_slice %arg20[%add3A_71, %dma_wait3A_126] : memref<10240x128xf32, #tpu.memory_space<vmem_shared>> -> memref<64x128xf32, #tpu.memory_space<vmem_shared>>
      %dma_wait3A_128 = arith.constant 0 : i32
      %dma_wait3A_129 = tpu.memref_slice %arg20[%add3A_71, %dma_wait3A_128] : memref<10240x128xf32, #tpu.memory_space<vmem_shared>> -> memref<64x128xf32, #tpu.memory_space<vmem_shared>>
      %dma_wait3A_130 = arith.constant 0 : i32
      %dma_wait3A_131 = arith.constant 0 : i32
      %dma_wait3A_132 = tpu.memref_slice %arg14[%dma_wait3A_130, %dma_wait3A_131] : memref<64x128xf32, #tpu.memory_space<vmem>> -> memref<64x128xf32, #tpu.memory_space<vmem>>
      tpu.wait_dma2 semaphore(%run_scoped3A : memref<!tpu.dma_semaphore, #tpu.memory_space<semaphore_mem>>) src(%dma_wait3A_132 : memref<64x128xf32, #tpu.memory_space<vmem>>) dst(%dma_wait3A_129 : memref<64x128xf32, #tpu.memory_space<vmem_shared>>)
      tpu.yield
    }) : () -> ()
    %barrier3A = arith.constant 0 : index
    tpu.barrier barrier_id(%barrier3A)
    %dma_wait3A = tpu.memref_slice %arg3[%mul3A_2] : memref<640000xi32, #tpu.memory_space<hbm>> -> memref<64xi32, #tpu.memory_space<hbm>>
    %dma_wait3A_72 = tpu.memref_slice %arg3[%mul3A_2] : memref<640000xi32, #tpu.memory_space<hbm>> -> memref<64xi32, #tpu.memory_space<hbm>>
    tpu.wait_dma2 semaphore(%arg21 : memref<!tpu.dma_semaphore, #tpu.memory_space<semaphore_mem>>) src(%dma_wait3A_72 : memref<64xi32, #tpu.memory_space<hbm>>) dst(%arg5 : memref<64xi32, #tpu.memory_space<vmem>>)
    %dma_start3A_73 = arith.constant 0 : i32
    %dma_start3A_74 = arith.constant 0 : i32
    %dma_start3A_75 = tpu.memref_slice %arg2[%dma_start3A_73, %dma_start3A_74] : memref<10000x128xf32, #tpu.memory_space<hbm>> -> memref<10000x128xf32, #tpu.memory_space<hbm>>
    tpu.enqueue_indirect_dma source(%dma_start3A_75 : memref<10000x128xf32, #tpu.memory_space<hbm>>) target(%arg13 : memref<64x128xf32, #tpu.memory_space<vmem>>) offsets(%arg5 : memref<64xi32, #tpu.memory_space<vmem>>) semaphore(%arg29 : memref<!tpu.dma_semaphore, #tpu.memory_space<semaphore_mem>>)
    %dma_wait3A_76 = tpu.memref_slice %arg3[%mul3A_2] : memref<640000xi32, #tpu.memory_space<hbm>> -> memref<64xi32, #tpu.memory_space<hbm>>
    %dma_wait3A_77 = tpu.memref_slice %arg3[%mul3A_2] : memref<640000xi32, #tpu.memory_space<hbm>> -> memref<64xi32, #tpu.memory_space<hbm>>
    tpu.wait_dma2 semaphore(%arg22 : memref<!tpu.dma_semaphore, #tpu.memory_space<semaphore_mem>>) src(%dma_wait3A_77 : memref<64xi32, #tpu.memory_space<hbm>>) dst(%arg6 : memref<64xi32, #tpu.memory_space<vmem>>)
    %dma_start3A_78 = arith.constant 0 : i32
    %dma_start3A_79 = arith.constant 0 : i32
    %dma_start3A_80 = tpu.memref_slice %arg2[%dma_start3A_78, %dma_start3A_79] : memref<10000x128xf32, #tpu.memory_space<hbm>> -> memref<10000x128xf32, #tpu.memory_space<hbm>>
    tpu.enqueue_indirect_dma source(%dma_start3A_80 : memref<10000x128xf32, #tpu.memory_space<hbm>>) target(%arg14 : memref<64x128xf32, #tpu.memory_space<vmem>>) offsets(%arg6 : memref<64xi32, #tpu.memory_space<vmem>>) semaphore(%arg30 : memref<!tpu.dma_semaphore, #tpu.memory_space<semaphore_mem>>)
    %scan3A_81 = arith.constant 0 : i32
    %scan3A_82 = arith.constant 0 : i32
    %scan3A_83 = arith.constant 39 : i32
    %scan3A_84 = arith.addi %scan3A_82, %scan3A_83 : i32
    %scan3A_85 = arith.constant 1 : i32
    %scan3A_86 = scf.for %scan3A_113 = %scan3A_82 to %scan3A_84 step %scan3A_85 iter_args(%scan3A_114 = %scan3A_81) -> (i32)  : i32 {
      %mul3A_115 = arith.constant 4 : i32
      %mul3A_116 = arith.muli %mul3A_115, %scan3A_113 : i32
      %add3A_117 = arith.constant 0 : i32
      %add3A_118 = arith.addi %mul3A_116, %add3A_117 : i32
      %add3A_119 = arith.constant 2 : i32
      %add3A_120 = arith.addi %add3A_118, %add3A_119 : i32
      %lt3A = arith.constant 156 : i32
      %lt3A_121 = arith.cmpi slt, %add3A_120, %lt3A : i32
      %convert_element_type3A = arith.extui %lt3A_121 : i1 to i32
      %cond3A = arith.constant 0 : i32
      %cond3A_122 = arith.cmpi ne, %convert_element_type3A, %cond3A : i32
      scf.if %cond3A_122 {
        %ge3A = arith.constant 2 : i32
        %ge3A_217 = arith.cmpi sge, %add3A_118, %ge3A : i32
        %convert_element_type3A_218 = arith.extui %ge3A_217 : i1 to i32
        %cond3A_219 = arith.constant 0 : i32
        %cond3A_220 = arith.cmpi ne, %convert_element_type3A_218, %cond3A_219 : i32
        scf.if %cond3A_220 {
          %dma_wait3A_233 = arith.constant 0 : i32
          %dma_wait3A_234 = arith.constant 0 : i32
          %dma_wait3A_235 = tpu.memref_slice %arg20[%dma_wait3A_233, %dma_wait3A_234] : memref<10240x128xf32, #tpu.memory_space<vmem_shared>> -> memref<10240x128xf32, #tpu.memory_space<vmem_shared>>
          tpu.wait_indirect_dma semaphore(%arg35 : memref<!tpu.dma_semaphore, #tpu.memory_space<semaphore_mem>>) src(%arg15 : memref<64x128xf32, #tpu.memory_space<vmem>>) dst(%dma_wait3A_235 : memref<10240x128xf32, #tpu.memory_space<vmem_shared>>)
        } else {
        }
        %add3A_221 = arith.constant 2 : i32
        %add3A_222 = arith.addi %add3A_118, %add3A_221 : i32
        %mul3A_223 = arith.constant 64 : i32
        %mul3A_224 = arith.muli %add3A_222, %mul3A_223 : i32
        %add3A_225 = arith.addi %add3A_6, %mul3A_224 : i32
        %dma_start3A_226 = tpu.memref_slice %arg3[%add3A_225] : memref<640000xi32, #tpu.memory_space<hbm>> -> memref<64xi32, #tpu.memory_space<hbm>>
        %dma_start3A_227 = tpu.memref_slice %arg3[%add3A_225] : memref<640000xi32, #tpu.memory_space<hbm>> -> memref<64xi32, #tpu.memory_space<hbm>>
        tpu.enqueue_dma source(%dma_start3A_227 : memref<64xi32, #tpu.memory_space<hbm>>) target(%arg11 : memref<64xi32, #tpu.memory_space<vmem>>) target_semaphore(%arg27 : memref<!tpu.dma_semaphore, #tpu.memory_space<semaphore_mem>>)
        %dma_wait3A_228 = tpu.memref_slice %arg3[%mul3A_2] : memref<640000xi32, #tpu.memory_space<hbm>> -> memref<64xi32, #tpu.memory_space<hbm>>
        %dma_wait3A_229 = tpu.memref_slice %arg3[%mul3A_2] : memref<640000xi32, #tpu.memory_space<hbm>> -> memref<64xi32, #tpu.memory_space<hbm>>
        tpu.wait_dma2 semaphore(%arg23 : memref<!tpu.dma_semaphore, #tpu.memory_space<semaphore_mem>>) src(%dma_wait3A_229 : memref<64xi32, #tpu.memory_space<hbm>>) dst(%arg7 : memref<64xi32, #tpu.memory_space<vmem>>)
        %dma_start3A_230 = arith.constant 0 : i32
        %dma_start3A_231 = arith.constant 0 : i32
        %dma_start3A_232 = tpu.memref_slice %arg2[%dma_start3A_230, %dma_start3A_231] : memref<10000x128xf32, #tpu.memory_space<hbm>> -> memref<10000x128xf32, #tpu.memory_space<hbm>>
        tpu.enqueue_indirect_dma source(%dma_start3A_232 : memref<10000x128xf32, #tpu.memory_space<hbm>>) target(%arg15 : memref<64x128xf32, #tpu.memory_space<vmem>>) offsets(%arg7 : memref<64xi32, #tpu.memory_space<vmem>>) semaphore(%arg31 : memref<!tpu.dma_semaphore, #tpu.memory_space<semaphore_mem>>)
      } else {
      }
      %dma_wait3A_123 = arith.constant 0 : i32
      %dma_wait3A_124 = arith.constant 0 : i32
      %dma_wait3A_125 = tpu.memref_slice %arg2[%dma_wait3A_123, %dma_wait3A_124] : memref<10000x128xf32, #tpu.memory_space<hbm>> -> memref<10000x128xf32, #tpu.memory_space<hbm>>
      tpu.wait_indirect_dma semaphore(%arg29 : memref<!tpu.dma_semaphore, #tpu.memory_space<semaphore_mem>>) src(%dma_wait3A_125 : memref<10000x128xf32, #tpu.memory_space<hbm>>) dst(%arg13 : memref<64x128xf32, #tpu.memory_space<vmem>>)
      %dma_wait3A_126 = tpu.memref_slice %arg3[%add3A_6] : memref<640000xi32, #tpu.memory_space<hbm>> -> memref<64xi32, #tpu.memory_space<hbm>>
      %dma_wait3A_127 = tpu.memref_slice %arg3[%add3A_6] : memref<640000xi32, #tpu.memory_space<hbm>> -> memref<64xi32, #tpu.memory_space<hbm>>
      tpu.wait_dma2 semaphore(%arg25 : memref<!tpu.dma_semaphore, #tpu.memory_space<semaphore_mem>>) src(%dma_wait3A_127 : memref<64xi32, #tpu.memory_space<hbm>>) dst(%arg9 : memref<64xi32, #tpu.memory_space<vmem>>)
      %dma_start3A_128 = arith.constant 0 : i32
      %dma_start3A_129 = arith.constant 0 : i32
      %dma_start3A_130 = tpu.memref_slice %arg20[%dma_start3A_128, %dma_start3A_129] : memref<10240x128xf32, #tpu.memory_space<vmem_shared>> -> memref<10240x128xf32, #tpu.memory_space<vmem_shared>>
      tpu.enqueue_indirect_dma source(%arg13 : memref<64x128xf32, #tpu.memory_space<vmem>>) target(%dma_start3A_130 : memref<10240x128xf32, #tpu.memory_space<vmem_shared>>) offsets(%arg9 : memref<64xi32, #tpu.memory_space<vmem>>) semaphore(%arg33 : memref<!tpu.dma_semaphore, #tpu.memory_space<semaphore_mem>>) {add = true}
      %add3A_131 = arith.constant 4 : i32
      %add3A_132 = arith.addi %add3A_118, %add3A_131 : i32
      %lt3A_133 = arith.constant 156 : i32
      %lt3A_134 = arith.cmpi slt, %add3A_132, %lt3A_133 : i32
      %convert_element_type3A_135 = arith.extui %lt3A_134 : i1 to i32
      %cond3A_136 = arith.constant 0 : i32
      %cond3A_137 = arith.cmpi ne, %convert_element_type3A_135, %cond3A_136 : i32
      scf.if %cond3A_137 {
        %add3A_217 = arith.constant 4 : i32
        %add3A_218 = arith.addi %add3A_118, %add3A_217 : i32
        %mul3A_219 = arith.constant 64 : i32
        %mul3A_220 = arith.muli %add3A_218, %mul3A_219 : i32
        %add3A_221 = arith.addi %mul3A_2, %mul3A_220 : i32
        %dma_start3A_222 = tpu.memref_slice %arg3[%add3A_221] : memref<640000xi32, #tpu.memory_space<hbm>> -> memref<64xi32, #tpu.memory_space<hbm>>
        %dma_start3A_223 = tpu.memref_slice %arg3[%add3A_221] : memref<640000xi32, #tpu.memory_space<hbm>> -> memref<64xi32, #tpu.memory_space<hbm>>
        tpu.enqueue_dma source(%dma_start3A_223 : memref<64xi32, #tpu.memory_space<hbm>>) target(%arg5 : memref<64xi32, #tpu.memory_space<vmem>>) target_semaphore(%arg21 : memref<!tpu.dma_semaphore, #tpu.memory_space<semaphore_mem>>)
      } else {
      }
      %mul3A_138 = arith.constant 4 : i32
      %mul3A_139 = arith.muli %mul3A_138, %scan3A_113 : i32
      %add3A_140 = arith.constant 1 : i32
      %add3A_141 = arith.addi %mul3A_139, %add3A_140 : i32
      %add3A_142 = arith.constant 2 : i32
      %add3A_143 = arith.addi %add3A_141, %add3A_142 : i32
      %lt3A_144 = arith.constant 156 : i32
      %lt3A_145 = arith.cmpi slt, %add3A_143, %lt3A_144 : i32
      %convert_element_type3A_146 = arith.extui %lt3A_145 : i1 to i32
      %cond3A_147 = arith.constant 0 : i32
      %cond3A_148 = arith.cmpi ne, %convert_element_type3A_146, %cond3A_147 : i32
      scf.if %cond3A_148 {
        %ge3A = arith.constant 2 : i32
        %ge3A_217 = arith.cmpi sge, %add3A_141, %ge3A : i32
        %convert_element_type3A_218 = arith.extui %ge3A_217 : i1 to i32
        %cond3A_219 = arith.constant 0 : i32
        %cond3A_220 = arith.cmpi ne, %convert_element_type3A_218, %cond3A_219 : i32
        scf.if %cond3A_220 {
          %dma_wait3A_233 = arith.constant 0 : i32
          %dma_wait3A_234 = arith.constant 0 : i32
          %dma_wait3A_235 = tpu.memref_slice %arg20[%dma_wait3A_233, %dma_wait3A_234] : memref<10240x128xf32, #tpu.memory_space<vmem_shared>> -> memref<10240x128xf32, #tpu.memory_space<vmem_shared>>
          tpu.wait_indirect_dma semaphore(%arg36 : memref<!tpu.dma_semaphore, #tpu.memory_space<semaphore_mem>>) src(%arg16 : memref<64x128xf32, #tpu.memory_space<vmem>>) dst(%dma_wait3A_235 : memref<10240x128xf32, #tpu.memory_space<vmem_shared>>)
        } else {
        }
        %add3A_221 = arith.constant 2 : i32
        %add3A_222 = arith.addi %add3A_141, %add3A_221 : i32
        %mul3A_223 = arith.constant 64 : i32
        %mul3A_224 = arith.muli %add3A_222, %mul3A_223 : i32
        %add3A_225 = arith.addi %add3A_6, %mul3A_224 : i32
        %dma_start3A_226 = tpu.memref_slice %arg3[%add3A_225] : memref<640000xi32, #tpu.memory_space<hbm>> -> memref<64xi32, #tpu.memory_space<hbm>>
        %dma_start3A_227 = tpu.memref_slice %arg3[%add3A_225] : memref<640000xi32, #tpu.memory_space<hbm>> -> memref<64xi32, #tpu.memory_space<hbm>>
        tpu.enqueue_dma source(%dma_start3A_227 : memref<64xi32, #tpu.memory_space<hbm>>) target(%arg12 : memref<64xi32, #tpu.memory_space<vmem>>) target_semaphore(%arg28 : memref<!tpu.dma_semaphore, #tpu.memory_space<semaphore_mem>>)
        %dma_wait3A_228 = tpu.memref_slice %arg3[%mul3A_2] : memref<640000xi32, #tpu.memory_space<hbm>> -> memref<64xi32, #tpu.memory_space<hbm>>
        %dma_wait3A_229 = tpu.memref_slice %arg3[%mul3A_2] : memref<640000xi32, #tpu.memory_space<hbm>> -> memref<64xi32, #tpu.memory_space<hbm>>
        tpu.wait_dma2 semaphore(%arg24 : memref<!tpu.dma_semaphore, #tpu.memory_space<semaphore_mem>>) src(%dma_wait3A_229 : memref<64xi32, #tpu.memory_space<hbm>>) dst(%arg8 : memref<64xi32, #tpu.memory_space<vmem>>)
        %dma_start3A_230 = arith.constant 0 : i32
        %dma_start3A_231 = arith.constant 0 : i32
        %dma_start3A_232 = tpu.memref_slice %arg2[%dma_start3A_230, %dma_start3A_231] : memref<10000x128xf32, #tpu.memory_space<hbm>> -> memref<10000x128xf32, #tpu.memory_space<hbm>>
        tpu.enqueue_indirect_dma source(%dma_start3A_232 : memref<10000x128xf32, #tpu.memory_space<hbm>>) target(%arg16 : memref<64x128xf32, #tpu.memory_space<vmem>>) offsets(%arg8 : memref<64xi32, #tpu.memory_space<vmem>>) semaphore(%arg32 : memref<!tpu.dma_semaphore, #tpu.memory_space<semaphore_mem>>)
      } else {
      }
      %dma_wait3A_149 = arith.constant 0 : i32
      %dma_wait3A_150 = arith.constant 0 : i32
      %dma_wait3A_151 = tpu.memref_slice %arg2[%dma_wait3A_149, %dma_wait3A_150] : memref<10000x128xf32, #tpu.memory_space<hbm>> -> memref<10000x128xf32, #tpu.memory_space<hbm>>
      tpu.wait_indirect_dma semaphore(%arg30 : memref<!tpu.dma_semaphore, #tpu.memory_space<semaphore_mem>>) src(%dma_wait3A_151 : memref<10000x128xf32, #tpu.memory_space<hbm>>) dst(%arg14 : memref<64x128xf32, #tpu.memory_space<vmem>>)
      %dma_wait3A_152 = tpu.memref_slice %arg3[%add3A_6] : memref<640000xi32, #tpu.memory_space<hbm>> -> memref<64xi32, #tpu.memory_space<hbm>>
      %dma_wait3A_153 = tpu.memref_slice %arg3[%add3A_6] : memref<640000xi32, #tpu.memory_space<hbm>> -> memref<64xi32, #tpu.memory_space<hbm>>
      tpu.wait_dma2 semaphore(%arg26 : memref<!tpu.dma_semaphore, #tpu.memory_space<semaphore_mem>>) src(%dma_wait3A_153 : memref<64xi32, #tpu.memory_space<hbm>>) dst(%arg10 : memref<64xi32, #tpu.memory_space<vmem>>)
      %dma_start3A_154 = arith.constant 0 : i32
      %dma_start3A_155 = arith.constant 0 : i32
      %dma_start3A_156 = tpu.memref_slice %arg20[%dma_start3A_154, %dma_start3A_155] : memref<10240x128xf32, #tpu.memory_space<vmem_shared>> -> memref<10240x128xf32, #tpu.memory_space<vmem_shared>>
      tpu.enqueue_indirect_dma source(%arg14 : memref<64x128xf32, #tpu.memory_space<vmem>>) target(%dma_start3A_156 : memref<10240x128xf32, #tpu.memory_space<vmem_shared>>) offsets(%arg10 : memref<64xi32, #tpu.memory_space<vmem>>) semaphore(%arg34 : memref<!tpu.dma_semaphore, #tpu.memory_space<semaphore_mem>>) {add = true}
      %add3A_157 = arith.constant 4 : i32
      %add3A_158 = arith.addi %add3A_141, %add3A_157 : i32
      %lt3A_159 = arith.constant 156 : i32
      %lt3A_160 = arith.cmpi slt, %add3A_158, %lt3A_159 : i32
      %convert_element_type3A_161 = arith.extui %lt3A_160 : i1 to i32
      %cond3A_162 = arith.constant 0 : i32
      %cond3A_163 = arith.cmpi ne, %convert_element_type3A_161, %cond3A_162 : i32
      scf.if %cond3A_163 {
        %add3A_217 = arith.constant 4 : i32
        %add3A_218 = arith.addi %add3A_141, %add3A_217 : i32
        %mul3A_219 = arith.constant 64 : i32
        %mul3A_220 = arith.muli %add3A_218, %mul3A_219 : i32
        %add3A_221 = arith.addi %mul3A_2, %mul3A_220 : i32
        %dma_start3A_222 = tpu.memref_slice %arg3[%add3A_221] : memref<640000xi32, #tpu.memory_space<hbm>> -> memref<64xi32, #tpu.memory_space<hbm>>
        %dma_start3A_223 = tpu.memref_slice %arg3[%add3A_221] : memref<640000xi32, #tpu.memory_space<hbm>> -> memref<64xi32, #tpu.memory_space<hbm>>
        tpu.enqueue_dma source(%dma_start3A_223 : memref<64xi32, #tpu.memory_space<hbm>>) target(%arg6 : memref<64xi32, #tpu.memory_space<vmem>>) target_semaphore(%arg22 : memref<!tpu.dma_semaphore, #tpu.memory_space<semaphore_mem>>)
      } else {
      }
      %mul3A_164 = arith.constant 4 : i32
      %mul3A_165 = arith.muli %mul3A_164, %scan3A_113 : i32
      %add3A_166 = arith.constant 2 : i32
      %add3A_167 = arith.addi %mul3A_165, %add3A_166 : i32
      %add3A_168 = arith.constant 2 : i32
      %add3A_169 = arith.addi %add3A_167, %add3A_168 : i32
      %lt3A_170 = arith.constant 156 : i32
      %lt3A_171 = arith.cmpi slt, %add3A_169, %lt3A_170 : i32
      %convert_element_type3A_172 = arith.extui %lt3A_171 : i1 to i32
      %cond3A_173 = arith.constant 0 : i32
      %cond3A_174 = arith.cmpi ne, %convert_element_type3A_172, %cond3A_173 : i32
      scf.if %cond3A_174 {
        %ge3A = arith.constant 2 : i32
        %ge3A_217 = arith.cmpi sge, %add3A_167, %ge3A : i32
        %convert_element_type3A_218 = arith.extui %ge3A_217 : i1 to i32
        %cond3A_219 = arith.constant 0 : i32
        %cond3A_220 = arith.cmpi ne, %convert_element_type3A_218, %cond3A_219 : i32
        scf.if %cond3A_220 {
          %dma_wait3A_233 = arith.constant 0 : i32
          %dma_wait3A_234 = arith.constant 0 : i32
          %dma_wait3A_235 = tpu.memref_slice %arg20[%dma_wait3A_233, %dma_wait3A_234] : memref<10240x128xf32, #tpu.memory_space<vmem_shared>> -> memref<10240x128xf32, #tpu.memory_space<vmem_shared>>
          tpu.wait_indirect_dma semaphore(%arg33 : memref<!tpu.dma_semaphore, #tpu.memory_space<semaphore_mem>>) src(%arg13 : memref<64x128xf32, #tpu.memory_space<vmem>>) dst(%dma_wait3A_235 : memref<10240x128xf32, #tpu.memory_space<vmem_shared>>)
        } else {
        }
        %add3A_221 = arith.constant 2 : i32
        %add3A_222 = arith.addi %add3A_167, %add3A_221 : i32
        %mul3A_223 = arith.constant 64 : i32
        %mul3A_224 = arith.muli %add3A_222, %mul3A_223 : i32
        %add3A_225 = arith.addi %add3A_6, %mul3A_224 : i32
        %dma_start3A_226 = tpu.memref_slice %arg3[%add3A_225] : memref<640000xi32, #tpu.memory_space<hbm>> -> memref<64xi32, #tpu.memory_space<hbm>>
        %dma_start3A_227 = tpu.memref_slice %arg3[%add3A_225] : memref<640000xi32, #tpu.memory_space<hbm>> -> memref<64xi32, #tpu.memory_space<hbm>>
        tpu.enqueue_dma source(%dma_start3A_227 : memref<64xi32, #tpu.memory_space<hbm>>) target(%arg9 : memref<64xi32, #tpu.memory_space<vmem>>) target_semaphore(%arg25 : memref<!tpu.dma_semaphore, #tpu.memory_space<semaphore_mem>>)
        %dma_wait3A_228 = tpu.memref_slice %arg3[%mul3A_2] : memref<640000xi32, #tpu.memory_space<hbm>> -> memref<64xi32, #tpu.memory_space<hbm>>
        %dma_wait3A_229 = tpu.memref_slice %arg3[%mul3A_2] : memref<640000xi32, #tpu.memory_space<hbm>> -> memref<64xi32, #tpu.memory_space<hbm>>
        tpu.wait_dma2 semaphore(%arg21 : memref<!tpu.dma_semaphore, #tpu.memory_space<semaphore_mem>>) src(%dma_wait3A_229 : memref<64xi32, #tpu.memory_space<hbm>>) dst(%arg5 : memref<64xi32, #tpu.memory_space<vmem>>)
        %dma_start3A_230 = arith.constant 0 : i32
        %dma_start3A_231 = arith.constant 0 : i32
        %dma_start3A_232 = tpu.memref_slice %arg2[%dma_start3A_230, %dma_start3A_231] : memref<10000x128xf32, #tpu.memory_space<hbm>> -> memref<10000x128xf32, #tpu.memory_space<hbm>>
        tpu.enqueue_indirect_dma source(%dma_start3A_232 : memref<10000x128xf32, #tpu.memory_space<hbm>>) target(%arg13 : memref<64x128xf32, #tpu.memory_space<vmem>>) offsets(%arg5 : memref<64xi32, #tpu.memory_space<vmem>>) semaphore(%arg29 : memref<!tpu.dma_semaphore, #tpu.memory_space<semaphore_mem>>)
      } else {
      }
      %dma_wait3A_175 = arith.constant 0 : i32
      %dma_wait3A_176 = arith.constant 0 : i32
      %dma_wait3A_177 = tpu.memref_slice %arg2[%dma_wait3A_175, %dma_wait3A_176] : memref<10000x128xf32, #tpu.memory_space<hbm>> -> memref<10000x128xf32, #tpu.memory_space<hbm>>
      tpu.wait_indirect_dma semaphore(%arg31 : memref<!tpu.dma_semaphore, #tpu.memory_space<semaphore_mem>>) src(%dma_wait3A_177 : memref<10000x128xf32, #tpu.memory_space<hbm>>) dst(%arg15 : memref<64x128xf32, #tpu.memory_space<vmem>>)
      %dma_wait3A_178 = tpu.memref_slice %arg3[%add3A_6] : memref<640000xi32, #tpu.memory_space<hbm>> -> memref<64xi32, #tpu.memory_space<hbm>>
      %dma_wait3A_179 = tpu.memref_slice %arg3[%add3A_6] : memref<640000xi32, #tpu.memory_space<hbm>> -> memref<64xi32, #tpu.memory_space<hbm>>
      tpu.wait_dma2 semaphore(%arg27 : memref<!tpu.dma_semaphore, #tpu.memory_space<semaphore_mem>>) src(%dma_wait3A_179 : memref<64xi32, #tpu.memory_space<hbm>>) dst(%arg11 : memref<64xi32, #tpu.memory_space<vmem>>)
      %dma_start3A_180 = arith.constant 0 : i32
      %dma_start3A_181 = arith.constant 0 : i32
      %dma_start3A_182 = tpu.memref_slice %arg20[%dma_start3A_180, %dma_start3A_181] : memref<10240x128xf32, #tpu.memory_space<vmem_shared>> -> memref<10240x128xf32, #tpu.memory_space<vmem_shared>>
      tpu.enqueue_indirect_dma source(%arg15 : memref<64x128xf32, #tpu.memory_space<vmem>>) target(%dma_start3A_182 : memref<10240x128xf32, #tpu.memory_space<vmem_shared>>) offsets(%arg11 : memref<64xi32, #tpu.memory_space<vmem>>) semaphore(%arg35 : memref<!tpu.dma_semaphore, #tpu.memory_space<semaphore_mem>>) {add = true}
      %add3A_183 = arith.constant 4 : i32
      %add3A_184 = arith.addi %add3A_167, %add3A_183 : i32
      %lt3A_185 = arith.constant 156 : i32
      %lt3A_186 = arith.cmpi slt, %add3A_184, %lt3A_185 : i32
      %convert_element_type3A_187 = arith.extui %lt3A_186 : i1 to i32
      %cond3A_188 = arith.constant 0 : i32
      %cond3A_189 = arith.cmpi ne, %convert_element_type3A_187, %cond3A_188 : i32
      scf.if %cond3A_189 {
        %add3A_217 = arith.constant 4 : i32
        %add3A_218 = arith.addi %add3A_167, %add3A_217 : i32
        %mul3A_219 = arith.constant 64 : i32
        %mul3A_220 = arith.muli %add3A_218, %mul3A_219 : i32
        %add3A_221 = arith.addi %mul3A_2, %mul3A_220 : i32
        %dma_start3A_222 = tpu.memref_slice %arg3[%add3A_221] : memref<640000xi32, #tpu.memory_space<hbm>> -> memref<64xi32, #tpu.memory_space<hbm>>
        %dma_start3A_223 = tpu.memref_slice %arg3[%add3A_221] : memref<640000xi32, #tpu.memory_space<hbm>> -> memref<64xi32, #tpu.memory_space<hbm>>
        tpu.enqueue_dma source(%dma_start3A_223 : memref<64xi32, #tpu.memory_space<hbm>>) target(%arg7 : memref<64xi32, #tpu.memory_space<vmem>>) target_semaphore(%arg23 : memref<!tpu.dma_semaphore, #tpu.memory_space<semaphore_mem>>)
      } else {
      }
      %mul3A_190 = arith.constant 4 : i32
      %mul3A_191 = arith.muli %mul3A_190, %scan3A_113 : i32
      %add3A_192 = arith.constant 3 : i32
      %add3A_193 = arith.addi %mul3A_191, %add3A_192 : i32
      %add3A_194 = arith.constant 2 : i32
      %add3A_195 = arith.addi %add3A_193, %add3A_194 : i32
      %lt3A_196 = arith.constant 156 : i32
      %lt3A_197 = arith.cmpi slt, %add3A_195, %lt3A_196 : i32
      %convert_element_type3A_198 = arith.extui %lt3A_197 : i1 to i32
      %cond3A_199 = arith.constant 0 : i32
      %cond3A_200 = arith.cmpi ne, %convert_element_type3A_198, %cond3A_199 : i32
      scf.if %cond3A_200 {
        %ge3A = arith.constant 2 : i32
        %ge3A_217 = arith.cmpi sge, %add3A_193, %ge3A : i32
        %convert_element_type3A_218 = arith.extui %ge3A_217 : i1 to i32
        %cond3A_219 = arith.constant 0 : i32
        %cond3A_220 = arith.cmpi ne, %convert_element_type3A_218, %cond3A_219 : i32
        scf.if %cond3A_220 {
          %dma_wait3A_233 = arith.constant 0 : i32
          %dma_wait3A_234 = arith.constant 0 : i32
          %dma_wait3A_235 = tpu.memref_slice %arg20[%dma_wait3A_233, %dma_wait3A_234] : memref<10240x128xf32, #tpu.memory_space<vmem_shared>> -> memref<10240x128xf32, #tpu.memory_space<vmem_shared>>
          tpu.wait_indirect_dma semaphore(%arg34 : memref<!tpu.dma_semaphore, #tpu.memory_space<semaphore_mem>>) src(%arg14 : memref<64x128xf32, #tpu.memory_space<vmem>>) dst(%dma_wait3A_235 : memref<10240x128xf32, #tpu.memory_space<vmem_shared>>)
        } else {
        }
        %add3A_221 = arith.constant 2 : i32
        %add3A_222 = arith.addi %add3A_193, %add3A_221 : i32
        %mul3A_223 = arith.constant 64 : i32
        %mul3A_224 = arith.muli %add3A_222, %mul3A_223 : i32
        %add3A_225 = arith.addi %add3A_6, %mul3A_224 : i32
        %dma_start3A_226 = tpu.memref_slice %arg3[%add3A_225] : memref<640000xi32, #tpu.memory_space<hbm>> -> memref<64xi32, #tpu.memory_space<hbm>>
        %dma_start3A_227 = tpu.memref_slice %arg3[%add3A_225] : memref<640000xi32, #tpu.memory_space<hbm>> -> memref<64xi32, #tpu.memory_space<hbm>>
        tpu.enqueue_dma source(%dma_start3A_227 : memref<64xi32, #tpu.memory_space<hbm>>) target(%arg10 : memref<64xi32, #tpu.memory_space<vmem>>) target_semaphore(%arg26 : memref<!tpu.dma_semaphore, #tpu.memory_space<semaphore_mem>>)
        %dma_wait3A_228 = tpu.memref_slice %arg3[%mul3A_2] : memref<640000xi32, #tpu.memory_space<hbm>> -> memref<64xi32, #tpu.memory_space<hbm>>
        %dma_wait3A_229 = tpu.memref_slice %arg3[%mul3A_2] : memref<640000xi32, #tpu.memory_space<hbm>> -> memref<64xi32, #tpu.memory_space<hbm>>
        tpu.wait_dma2 semaphore(%arg22 : memref<!tpu.dma_semaphore, #tpu.memory_space<semaphore_mem>>) src(%dma_wait3A_229 : memref<64xi32, #tpu.memory_space<hbm>>) dst(%arg6 : memref<64xi32, #tpu.memory_space<vmem>>)
        %dma_start3A_230 = arith.constant 0 : i32
        %dma_start3A_231 = arith.constant 0 : i32
        %dma_start3A_232 = tpu.memref_slice %arg2[%dma_start3A_230, %dma_start3A_231] : memref<10000x128xf32, #tpu.memory_space<hbm>> -> memref<10000x128xf32, #tpu.memory_space<hbm>>
        tpu.enqueue_indirect_dma source(%dma_start3A_232 : memref<10000x128xf32, #tpu.memory_space<hbm>>) target(%arg14 : memref<64x128xf32, #tpu.memory_space<vmem>>) offsets(%arg6 : memref<64xi32, #tpu.memory_space<vmem>>) semaphore(%arg30 : memref<!tpu.dma_semaphore, #tpu.memory_space<semaphore_mem>>)
      } else {
      }
      %dma_wait3A_201 = arith.constant 0 : i32
      %dma_wait3A_202 = arith.constant 0 : i32
      %dma_wait3A_203 = tpu.memref_slice %arg2[%dma_wait3A_201, %dma_wait3A_202] : memref<10000x128xf32, #tpu.memory_space<hbm>> -> memref<10000x128xf32, #tpu.memory_space<hbm>>
      tpu.wait_indirect_dma semaphore(%arg32 : memref<!tpu.dma_semaphore, #tpu.memory_space<semaphore_mem>>) src(%dma_wait3A_203 : memref<10000x128xf32, #tpu.memory_space<hbm>>) dst(%arg16 : memref<64x128xf32, #tpu.memory_space<vmem>>)
      %dma_wait3A_204 = tpu.memref_slice %arg3[%add3A_6] : memref<640000xi32, #tpu.memory_space<hbm>> -> memref<64xi32, #tpu.memory_space<hbm>>
      %dma_wait3A_205 = tpu.memref_slice %arg3[%add3A_6] : memref<640000xi32, #tpu.memory_space<hbm>> -> memref<64xi32, #tpu.memory_space<hbm>>
      tpu.wait_dma2 semaphore(%arg28 : memref<!tpu.dma_semaphore, #tpu.memory_space<semaphore_mem>>) src(%dma_wait3A_205 : memref<64xi32, #tpu.memory_space<hbm>>) dst(%arg12 : memref<64xi32, #tpu.memory_space<vmem>>)
      %dma_start3A_206 = arith.constant 0 : i32
      %dma_start3A_207 = arith.constant 0 : i32
      %dma_start3A_208 = tpu.memref_slice %arg20[%dma_start3A_206, %dma_start3A_207] : memref<10240x128xf32, #tpu.memory_space<vmem_shared>> -> memref<10240x128xf32, #tpu.memory_space<vmem_shared>>
      tpu.enqueue_indirect_dma source(%arg16 : memref<64x128xf32, #tpu.memory_space<vmem>>) target(%dma_start3A_208 : memref<10240x128xf32, #tpu.memory_space<vmem_shared>>) offsets(%arg12 : memref<64xi32, #tpu.memory_space<vmem>>) semaphore(%arg36 : memref<!tpu.dma_semaphore, #tpu.memory_space<semaphore_mem>>) {add = true}
      %add3A_209 = arith.constant 4 : i32
      %add3A_210 = arith.addi %add3A_193, %add3A_209 : i32
      %lt3A_211 = arith.constant 156 : i32
      %lt3A_212 = arith.cmpi slt, %add3A_210, %lt3A_211 : i32
      %convert_element_type3A_213 = arith.extui %lt3A_212 : i1 to i32
      %cond3A_214 = arith.constant 0 : i32
      %cond3A_215 = arith.cmpi ne, %convert_element_type3A_213, %cond3A_214 : i32
      scf.if %cond3A_215 {
        %add3A_217 = arith.constant 4 : i32
        %add3A_218 = arith.addi %add3A_193, %add3A_217 : i32
        %mul3A_219 = arith.constant 64 : i32
        %mul3A_220 = arith.muli %add3A_218, %mul3A_219 : i32
        %add3A_221 = arith.addi %mul3A_2, %mul3A_220 : i32
        %dma_start3A_222 = tpu.memref_slice %arg3[%add3A_221] : memref<640000xi32, #tpu.memory_space<hbm>> -> memref<64xi32, #tpu.memory_space<hbm>>
        %dma_start3A_223 = tpu.memref_slice %arg3[%add3A_221] : memref<640000xi32, #tpu.memory_space<hbm>> -> memref<64xi32, #tpu.memory_space<hbm>>
        tpu.enqueue_dma source(%dma_start3A_223 : memref<64xi32, #tpu.memory_space<hbm>>) target(%arg8 : memref<64xi32, #tpu.memory_space<vmem>>) target_semaphore(%arg24 : memref<!tpu.dma_semaphore, #tpu.memory_space<semaphore_mem>>)
      } else {
      }
      %scan3A_216 = arith.constant 0 : i32
      scf.yield %scan3A_216 : i32
    }
    %scan3A_87 = arith.constant 39 : i32
    %dma_wait3A_88 = arith.constant 0 : i32
    %dma_wait3A_89 = arith.constant 0 : i32
    %dma_wait3A_90 = tpu.memref_slice %arg20[%dma_wait3A_88, %dma_wait3A_89] : memref<10240x128xf32, #tpu.memory_space<vmem_shared>> -> memref<10240x128xf32, #tpu.memory_space<vmem_shared>>
    tpu.wait_indirect_dma semaphore(%arg33 : memref<!tpu.dma_semaphore, #tpu.memory_space<semaphore_mem>>) src(%arg13 : memref<64x128xf32, #tpu.memory_space<vmem>>) dst(%dma_wait3A_90 : memref<10240x128xf32, #tpu.memory_space<vmem_shared>>)
    %dma_wait3A_91 = arith.constant 0 : i32
    %dma_wait3A_92 = arith.constant 0 : i32
    %dma_wait3A_93 = tpu.memref_slice %arg20[%dma_wait3A_91, %dma_wait3A_92] : memref<10240x128xf32, #tpu.memory_space<vmem_shared>> -> memref<10240x128xf32, #tpu.memory_space<vmem_shared>>
    tpu.wait_indirect_dma semaphore(%arg34 : memref<!tpu.dma_semaphore, #tpu.memory_space<semaphore_mem>>) src(%arg14 : memref<64x128xf32, #tpu.memory_space<vmem>>) dst(%dma_wait3A_93 : memref<10240x128xf32, #tpu.memory_space<vmem_shared>>)
    %dma_wait3A_94 = arith.constant 0 : i32
    %dma_wait3A_95 = arith.constant 0 : i32
    %dma_wait3A_96 = tpu.memref_slice %arg20[%dma_wait3A_94, %dma_wait3A_95] : memref<10240x128xf32, #tpu.memory_space<vmem_shared>> -> memref<10240x128xf32, #tpu.memory_space<vmem_shared>>
    tpu.wait_indirect_dma semaphore(%arg35 : memref<!tpu.dma_semaphore, #tpu.memory_space<semaphore_mem>>) src(%arg15 : memref<64x128xf32, #tpu.memory_space<vmem>>) dst(%dma_wait3A_96 : memref<10240x128xf32, #tpu.memory_space<vmem_shared>>)
    %dma_wait3A_97 = arith.constant 0 : i32
    %dma_wait3A_98 = arith.constant 0 : i32
    %dma_wait3A_99 = tpu.memref_slice %arg20[%dma_wait3A_97, %dma_wait3A_98] : memref<10240x128xf32, #tpu.memory_space<vmem_shared>> -> memref<10240x128xf32, #tpu.memory_space<vmem_shared>>
    tpu.wait_indirect_dma semaphore(%arg36 : memref<!tpu.dma_semaphore, #tpu.memory_space<semaphore_mem>>) src(%arg16 : memref<64x128xf32, #tpu.memory_space<vmem>>) dst(%dma_wait3A_99 : memref<10240x128xf32, #tpu.memory_space<vmem_shared>>)
    %add3A_100 = arith.constant 9984 : i32
    %add3A_101 = arith.addi %mul3A_2, %add3A_100 : i32
    "tpu.region"() ({
      %run_scoped3A = tpu.sem_alloc : memref<!tpu.dma_semaphore, #tpu.memory_space<semaphore_mem>>
      %dma_start3A_113 = tpu.memref_slice %arg3[%add3A_101] : memref<640000xi32, #tpu.memory_space<hbm>> -> memref<16xi32, #tpu.memory_space<hbm>>
      %dma_start3A_114 = tpu.memref_slice %arg3[%add3A_101] : memref<640000xi32, #tpu.memory_space<hbm>> -> memref<16xi32, #tpu.memory_space<hbm>>
      tpu.enqueue_dma source(%dma_start3A_114 : memref<16xi32, #tpu.memory_space<hbm>>) target(%arg17 : memref<16xi32, #tpu.memory_space<vmem>>) target_semaphore(%run_scoped3A : memref<!tpu.dma_semaphore, #tpu.memory_space<semaphore_mem>>)
      %dma_wait3A_115 = tpu.memref_slice %arg3[%add3A_101] : memref<640000xi32, #tpu.memory_space<hbm>> -> memref<16xi32, #tpu.memory_space<hbm>>
      %dma_wait3A_116 = tpu.memref_slice %arg3[%add3A_101] : memref<640000xi32, #tpu.memory_space<hbm>> -> memref<16xi32, #tpu.memory_space<hbm>>
      tpu.wait_dma2 semaphore(%run_scoped3A : memref<!tpu.dma_semaphore, #tpu.memory_space<semaphore_mem>>) src(%dma_wait3A_116 : memref<16xi32, #tpu.memory_space<hbm>>) dst(%arg17 : memref<16xi32, #tpu.memory_space<vmem>>)
      tpu.yield
    }) : () -> ()
    %add3A_102 = arith.constant 9984 : i32
    %add3A_103 = arith.addi %add3A_6, %add3A_102 : i32
    "tpu.region"() ({
      %run_scoped3A = tpu.sem_alloc : memref<!tpu.dma_semaphore, #tpu.memory_space<semaphore_mem>>
      %dma_start3A_113 = tpu.memref_slice %arg3[%add3A_103] : memref<640000xi32, #tpu.memory_space<hbm>> -> memref<16xi32, #tpu.memory_space<hbm>>
      %dma_start3A_114 = tpu.memref_slice %arg3[%add3A_103] : memref<640000xi32, #tpu.memory_space<hbm>> -> memref<16xi32, #tpu.memory_space<hbm>>
      tpu.enqueue_dma source(%dma_start3A_114 : memref<16xi32, #tpu.memory_space<hbm>>) target(%arg18 : memref<16xi32, #tpu.memory_space<vmem>>) target_semaphore(%run_scoped3A : memref<!tpu.dma_semaphore, #tpu.memory_space<semaphore_mem>>)
      %dma_wait3A_115 = tpu.memref_slice %arg3[%add3A_103] : memref<640000xi32, #tpu.memory_space<hbm>> -> memref<16xi32, #tpu.memory_space<hbm>>
      %dma_wait3A_116 = tpu.memref_slice %arg3[%add3A_103] : memref<640000xi32, #tpu.memory_space<hbm>> -> memref<16xi32, #tpu.memory_space<hbm>>
      tpu.wait_dma2 semaphore(%run_scoped3A : memref<!tpu.dma_semaphore, #tpu.memory_space<semaphore_mem>>) src(%dma_wait3A_116 : memref<16xi32, #tpu.memory_space<hbm>>) dst(%arg18 : memref<16xi32, #tpu.memory_space<vmem>>)
      tpu.yield
    }) : () -> ()
    %dma_start3A_104 = arith.constant 0 : i32
    %dma_start3A_105 = arith.constant 0 : i32
    %dma_start3A_106 = tpu.memref_slice %arg2[%dma_start3A_104, %dma_start3A_105] : memref<10000x128xf32, #tpu.memory_space<hbm>> -> memref<10000x128xf32, #tpu.memory_space<hbm>>
    tpu.enqueue_indirect_dma source(%dma_start3A_106 : memref<10000x128xf32, #tpu.memory_space<hbm>>) target(%arg19 : memref<16x128xf32, #tpu.memory_space<vmem>>) offsets(%arg17 : memref<16xi32, #tpu.memory_space<vmem>>) semaphore(%arg29 : memref<!tpu.dma_semaphore, #tpu.memory_space<semaphore_mem>>)
    %dma_wait3A_107 = arith.constant 0 : i32
    %dma_wait3A_108 = arith.constant 0 : i32
    %dma_wait3A_109 = tpu.memref_slice %arg2[%dma_wait3A_107, %dma_wait3A_108] : memref<10000x128xf32, #tpu.memory_space<hbm>> -> memref<10000x128xf32, #tpu.memory_space<hbm>>
    tpu.wait_indirect_dma semaphore(%arg29 : memref<!tpu.dma_semaphore, #tpu.memory_space<semaphore_mem>>) src(%dma_wait3A_109 : memref<10000x128xf32, #tpu.memory_space<hbm>>) dst(%arg19 : memref<16x128xf32, #tpu.memory_space<vmem>>)
    "tpu.region"() ({
      %run_scoped3A = tpu.sem_alloc : memref<!tpu.dma_semaphore, #tpu.memory_space<semaphore_mem>>
      %dma_start3A_113 = arith.constant 0 : i32
      %dma_start3A_114 = arith.constant 0 : i32
      %dma_start3A_115 = tpu.memref_slice %arg20[%dma_start3A_113, %dma_start3A_114] : memref<10240x128xf32, #tpu.memory_space<vmem_shared>> -> memref<10240x128xf32, #tpu.memory_space<vmem_shared>>
      tpu.enqueue_indirect_dma source(%arg19 : memref<16x128xf32, #tpu.memory_space<vmem>>) target(%dma_start3A_115 : memref<10240x128xf32, #tpu.memory_space<vmem_shared>>) offsets(%arg18 : memref<16xi32, #tpu.memory_space<vmem>>) semaphore(%run_scoped3A : memref<!tpu.dma_semaphore, #tpu.memory_space<semaphore_mem>>) {add = true}
      %dma_wait3A_116 = arith.constant 0 : i32
      %dma_wait3A_117 = arith.constant 0 : i32
      %dma_wait3A_118 = tpu.memref_slice %arg20[%dma_wait3A_116, %dma_wait3A_117] : memref<10240x128xf32, #tpu.memory_space<vmem_shared>> -> memref<10240x128xf32, #tpu.memory_space<vmem_shared>>
      tpu.wait_indirect_dma semaphore(%run_scoped3A : memref<!tpu.dma_semaphore, #tpu.memory_space<semaphore_mem>>) src(%arg19 : memref<16x128xf32, #tpu.memory_space<vmem>>) dst(%dma_wait3A_118 : memref<10240x128xf32, #tpu.memory_space<vmem_shared>>)
      tpu.yield
    }) : () -> ()
    %barrier3A_110 = arith.constant 0 : index
    tpu.barrier barrier_id(%barrier3A_110)
    %mul3A_111 = arith.constant 640 : i32
    %mul3A_112 = arith.muli %arg1, %mul3A_111 : i32
    "tpu.region"() ({
      %run_scoped3A = tpu.sem_alloc : memref<!tpu.dma_semaphore, #tpu.memory_space<semaphore_mem>>
      %dma_start3A_113 = arith.constant 0 : i32
      %dma_start3A_114 = arith.constant 0 : i32
      %dma_start3A_115 = tpu.memref_slice %arg4[%arg0, %dma_start3A_113, %dma_start3A_114] : memref<2x10240x128xf32, #tpu.memory_space<hbm>> -> memref<1x10240x128xf32, #tpu.memory_space<hbm>>
      %dma_start3A_116 = tpu.memref_squeeze %dma_start3A_115 : memref<1x10240x128xf32, #tpu.memory_space<hbm>> -> memref<10240x128xf32, #tpu.memory_space<hbm>>
      %dma_start3A_117 = arith.constant 0 : i32
      %dma_start3A_118 = tpu.memref_slice %dma_start3A_116[%mul3A_112, %dma_start3A_117] : memref<10240x128xf32, #tpu.memory_space<hbm>> -> memref<640x128xf32, #tpu.memory_space<hbm>>
      %dma_start3A_119 = arith.constant 0 : i32
      %dma_start3A_120 = tpu.memref_slice %arg20[%mul3A_112, %dma_start3A_119] : memref<10240x128xf32, #tpu.memory_space<vmem_shared>> -> memref<640x128xf32, #tpu.memory_space<vmem_shared>>
      tpu.enqueue_dma source(%dma_start3A_120 : memref<640x128xf32, #tpu.memory_space<vmem_shared>>) target(%dma_start3A_118 : memref<640x128xf32, #tpu.memory_space<hbm>>) target_semaphore(%run_scoped3A : memref<!tpu.dma_semaphore, #tpu.memory_space<semaphore_mem>>)
      %dma_wait3A_121 = arith.constant 0 : i32
      %dma_wait3A_122 = arith.constant 0 : i32
      %dma_wait3A_123 = tpu.memref_slice %arg4[%arg0, %dma_wait3A_121, %dma_wait3A_122] : memref<2x10240x128xf32, #tpu.memory_space<hbm>> -> memref<1x10240x128xf32, #tpu.memory_space<hbm>>
      %dma_wait3A_124 = tpu.memref_squeeze %dma_wait3A_123 : memref<1x10240x128xf32, #tpu.memory_space<hbm>> -> memref<10240x128xf32, #tpu.memory_space<hbm>>
      %dma_wait3A_125 = arith.constant 0 : i32
      %dma_wait3A_126 = tpu.memref_slice %dma_wait3A_124[%mul3A_112, %dma_wait3A_125] : memref<10240x128xf32, #tpu.memory_space<hbm>> -> memref<640x128xf32, #tpu.memory_space<hbm>>
      %dma_wait3A_127 = arith.constant 0 : i32
      %dma_wait3A_128 = tpu.memref_slice %arg20[%mul3A_112, %dma_wait3A_127] : memref<10240x128xf32, #tpu.memory_space<vmem_shared>> -> memref<640x128xf32, #tpu.memory_space<vmem_shared>>
      tpu.wait_dma2 semaphore(%run_scoped3A : memref<!tpu.dma_semaphore, #tpu.memory_space<semaphore_mem>>) src(%dma_wait3A_128 : memref<640x128xf32, #tpu.memory_space<vmem_shared>>) dst(%dma_wait3A_126 : memref<640x128xf32, #tpu.memory_space<hbm>>)
      tpu.yield
    }) : () -> ()
    return
  }
}

#map = affine_map<(d0, d1) -> (0)>
module attributes {stable_mosaic.version = 14 : i64} {
  func.func @_sc_degree_body(%arg0: i32, %arg1: i32, %arg2: memref<640000xi32, #tpu.memory_space<hbm>>, %arg3: memref<20480xf32, #tpu.memory_space<hbm>>, %arg4: memref<10000xi32, #tpu.memory_space<vmem>>, %arg5: memref<10240xf32, #tpu.memory_space<vmem>>, %arg6: memref<10240xf32, #tpu.memory_space<vmem>>, %arg7: memref<163840xf32, #tpu.memory_space<vmem_shared>>, %arg8: memref<!tpu.dma_semaphore, #tpu.memory_space<semaphore_mem>>) attributes {dimension_semantics = [#tpu.dimension_semantics<core_parallel>, #tpu.dimension_semantics<subcore_parallel>], iteration_bounds = array<i64: 2, 16>, scalar_prefetch = 0 : i64, scratch_operands = 5 : i64, tpu.core_type = #tpu.core_type<sc_vector_subcore>, window_params = [{transform_indices = #map}, {transform_indices = #map}]} {
    %mul3A = arith.constant 16 : i32
    %mul3A_0 = arith.muli %arg0, %mul3A : i32
    %add3A = arith.addi %mul3A_0, %arg1 : i32
    %mul3A_1 = arith.constant 10000 : i32
    %mul3A_2 = arith.muli %add3A, %mul3A_1 : i32
    %add3A_3 = arith.constant 320000 : i32
    %add3A_4 = arith.addi %add3A_3, %mul3A_2 : i32
    %dma_start3A = tpu.memref_slice %arg2[%add3A_4] : memref<640000xi32, #tpu.memory_space<hbm>> -> memref<10000xi32, #tpu.memory_space<hbm>>
    %dma_start3A_5 = tpu.memref_slice %arg2[%add3A_4] : memref<640000xi32, #tpu.memory_space<hbm>> -> memref<10000xi32, #tpu.memory_space<hbm>>
    tpu.enqueue_dma source(%dma_start3A_5 : memref<10000xi32, #tpu.memory_space<hbm>>) target(%arg4 : memref<10000xi32, #tpu.memory_space<vmem>>) target_semaphore(%arg8 : memref<!tpu.dma_semaphore, #tpu.memory_space<semaphore_mem>>)
    %scan3A = arith.constant 0 : i32
    %scan3A_6 = arith.constant 0 : i32
    %scan3A_7 = arith.constant 640 : i32
    %scan3A_8 = arith.addi %scan3A_6, %scan3A_7 : i32
    %scan3A_9 = arith.constant 1 : i32
    %scan3A_10 = scf.for %scan3A_67 = %scan3A_6 to %scan3A_8 step %scan3A_9 iter_args(%scan3A_68 = %scan3A) -> (i32)  : i32 {
      %broadcast_in_dim3A_69 = arith.constant 0.000000e+00 : f32
      %broadcast_in_dim3A_70 = vector.broadcast %broadcast_in_dim3A_69 : f32 to vector<16xf32>
      %mul3A_71 = arith.constant 16 : i32
      %mul3A_72 = arith.muli %scan3A_67, %mul3A_71 : i32
      %swap3A = arith.index_cast %mul3A_72 : i32 to index
      %swap3A_73 = tpu.vector_load %arg5[%swap3A] {strides = array<i32>} : memref<10240xf32, #tpu.memory_space<vmem>>, vector<16xf32>,
      tpu.vector_store %arg5[%swap3A], %broadcast_in_dim3A_70 {strides = array<i32>} : memref<10240xf32, #tpu.memory_space<vmem>>, vector<16xf32>,
      %scan3A_74 = arith.constant 0 : i32
      scf.yield %scan3A_74 : i32
    }
    %scan3A_11 = arith.constant 640 : i32
    %dma_wait3A = tpu.memref_slice %arg2[%add3A_4] : memref<640000xi32, #tpu.memory_space<hbm>> -> memref<10000xi32, #tpu.memory_space<hbm>>
    %dma_wait3A_12 = tpu.memref_slice %arg2[%add3A_4] : memref<640000xi32, #tpu.memory_space<hbm>> -> memref<10000xi32, #tpu.memory_space<hbm>>
    tpu.wait_dma2 semaphore(%arg8 : memref<!tpu.dma_semaphore, #tpu.memory_space<semaphore_mem>>) src(%dma_wait3A_12 : memref<10000xi32, #tpu.memory_space<hbm>>) dst(%arg4 : memref<10000xi32, #tpu.memory_space<vmem>>)
    %broadcast_in_dim3A = arith.constant 1.000000e+00 : f32
    %broadcast_in_dim3A_13 = vector.broadcast %broadcast_in_dim3A : f32 to vector<16xf32>
    %scan3A_14 = arith.constant 0 : i32
    %scan3A_15 = arith.constant 0 : i32
    %scan3A_16 = arith.constant 625 : i32
    %scan3A_17 = arith.addi %scan3A_15, %scan3A_16 : i32
    %scan3A_18 = arith.constant 1 : i32
    %scan3A_19 = scf.for %scan3A_67 = %scan3A_15 to %scan3A_17 step %scan3A_18 iter_args(%scan3A_68 = %scan3A_14) -> (i32)  : i32 {
      %mul3A_69 = arith.constant 16 : i32
      %mul3A_70 = arith.muli %scan3A_67, %mul3A_69 : i32
      %get3A = arith.index_cast %mul3A_70 : i32 to index
      %get3A_71 = tpu.vector_load %arg4[%get3A] {strides = array<i32>} : memref<10000xi32, #tpu.memory_space<vmem>>, vector<16xi32>,
      tpu.vector_store_idx %arg5[%get3A_71], %broadcast_in_dim3A_13 {add = true} : memref<10240xf32, #tpu.memory_space<vmem>>[vector<16xi32>], vector<16xf32>,
      %scan3A_72 = arith.constant 0 : i32
      scf.yield %scan3A_72 : i32
    }
    %scan3A_20 = arith.constant 625 : i32
    %mul3A_21 = arith.constant 10240 : i32
    %mul3A_22 = arith.muli %arg1, %mul3A_21 : i32
    "tpu.region"() ({
      %run_scoped3A = tpu.sem_alloc : memref<!tpu.dma_semaphore, #tpu.memory_space<semaphore_mem>>
      %dma_start3A_67 = tpu.memref_slice %arg7[%mul3A_22] : memref<163840xf32, #tpu.memory_space<vmem_shared>> -> memref<10240xf32, #tpu.memory_space<vmem_shared>>
      %dma_start3A_68 = tpu.memref_slice %arg7[%mul3A_22] : memref<163840xf32, #tpu.memory_space<vmem_shared>> -> memref<10240xf32, #tpu.memory_space<vmem_shared>>
      tpu.enqueue_dma source(%arg5 : memref<10240xf32, #tpu.memory_space<vmem>>) target(%dma_start3A_68 : memref<10240xf32, #tpu.memory_space<vmem_shared>>) target_semaphore(%run_scoped3A : memref<!tpu.dma_semaphore, #tpu.memory_space<semaphore_mem>>)
      %dma_wait3A_69 = tpu.memref_slice %arg7[%mul3A_22] : memref<163840xf32, #tpu.memory_space<vmem_shared>> -> memref<10240xf32, #tpu.memory_space<vmem_shared>>
      %dma_wait3A_70 = tpu.memref_slice %arg7[%mul3A_22] : memref<163840xf32, #tpu.memory_space<vmem_shared>> -> memref<10240xf32, #tpu.memory_space<vmem_shared>>
      tpu.wait_dma2 semaphore(%run_scoped3A : memref<!tpu.dma_semaphore, #tpu.memory_space<semaphore_mem>>) src(%arg5 : memref<10240xf32, #tpu.memory_space<vmem>>) dst(%dma_wait3A_70 : memref<10240xf32, #tpu.memory_space<vmem_shared>>)
      tpu.yield
    }) : () -> ()
    %barrier3A = arith.constant 0 : index
    tpu.barrier barrier_id(%barrier3A)
    %mul3A_23 = arith.constant 640 : i32
    %mul3A_24 = arith.muli %arg1, %mul3A_23 : i32
    %add3A_25 = arith.constant 0 : i32
    %add3A_26 = arith.addi %add3A_25, %mul3A_24 : i32
    "tpu.region"() ({
      %run_scoped3A = tpu.sem_alloc : memref<!tpu.dma_semaphore, #tpu.memory_space<semaphore_mem>>
      %dma_start3A_67 = arith.constant 0 : i32
      %dma_start3A_68 = tpu.memref_slice %arg6[%dma_start3A_67] : memref<10240xf32, #tpu.memory_space<vmem>> -> memref<640xf32, #tpu.memory_space<vmem>>
      %dma_start3A_69 = tpu.memref_slice %arg7[%add3A_26] : memref<163840xf32, #tpu.memory_space<vmem_shared>> -> memref<640xf32, #tpu.memory_space<vmem_shared>>
      %dma_start3A_70 = arith.constant 0 : i32
      %dma_start3A_71 = tpu.memref_slice %arg6[%dma_start3A_70] : memref<10240xf32, #tpu.memory_space<vmem>> -> memref<640xf32, #tpu.memory_space<vmem>>
      %dma_start3A_72 = tpu.memref_slice %arg7[%add3A_26] : memref<163840xf32, #tpu.memory_space<vmem_shared>> -> memref<640xf32, #tpu.memory_space<vmem_shared>>
      tpu.enqueue_dma source(%dma_start3A_72 : memref<640xf32, #tpu.memory_space<vmem_shared>>) target(%dma_start3A_71 : memref<640xf32, #tpu.memory_space<vmem>>) target_semaphore(%run_scoped3A : memref<!tpu.dma_semaphore, #tpu.memory_space<semaphore_mem>>)
      %dma_wait3A_73 = arith.constant 0 : i32
      %dma_wait3A_74 = tpu.memref_slice %arg6[%dma_wait3A_73] : memref<10240xf32, #tpu.memory_space<vmem>> -> memref<640xf32, #tpu.memory_space<vmem>>
      %dma_wait3A_75 = tpu.memref_slice %arg7[%add3A_26] : memref<163840xf32, #tpu.memory_space<vmem_shared>> -> memref<640xf32, #tpu.memory_space<vmem_shared>>
      %dma_wait3A_76 = arith.constant 0 : i32
      %dma_wait3A_77 = tpu.memref_slice %arg6[%dma_wait3A_76] : memref<10240xf32, #tpu.memory_space<vmem>> -> memref<640xf32, #tpu.memory_space<vmem>>
      %dma_wait3A_78 = tpu.memref_slice %arg7[%add3A_26] : memref<163840xf32, #tpu.memory_space<vmem_shared>> -> memref<640xf32, #tpu.memory_space<vmem_shared>>
      tpu.wait_dma2 semaphore(%run_scoped3A : memref<!tpu.dma_semaphore, #tpu.memory_space<semaphore_mem>>) src(%dma_wait3A_78 : memref<640xf32, #tpu.memory_space<vmem_shared>>) dst(%dma_wait3A_77 : memref<640xf32, #tpu.memory_space<vmem>>)
      tpu.yield
    }) : () -> ()
    %add3A_27 = arith.constant 10240 : i32
    %add3A_28 = arith.addi %add3A_27, %mul3A_24 : i32
    "tpu.region"() ({
      %run_scoped3A = tpu.sem_alloc : memref<!tpu.dma_semaphore, #tpu.memory_space<semaphore_mem>>
      %dma_start3A_67 = arith.constant 640 : i32
      %dma_start3A_68 = tpu.memref_slice %arg6[%dma_start3A_67] : memref<10240xf32, #tpu.memory_space<vmem>> -> memref<640xf32, #tpu.memory_space<vmem>>
      %dma_start3A_69 = tpu.memref_slice %arg7[%add3A_28] : memref<163840xf32, #tpu.memory_space<vmem_shared>> -> memref<640xf32, #tpu.memory_space<vmem_shared>>
      %dma_start3A_70 = arith.constant 640 : i32
      %dma_start3A_71 = tpu.memref_slice %arg6[%dma_start3A_70] : memref<10240xf32, #tpu.memory_space<vmem>> -> memref<640xf32, #tpu.memory_space<vmem>>
      %dma_start3A_72 = tpu.memref_slice %arg7[%add3A_28] : memref<163840xf32, #tpu.memory_space<vmem_shared>> -> memref<640xf32, #tpu.memory_space<vmem_shared>>
      tpu.enqueue_dma source(%dma_start3A_72 : memref<640xf32, #tpu.memory_space<vmem_shared>>) target(%dma_start3A_71 : memref<640xf32, #tpu.memory_space<vmem>>) target_semaphore(%run_scoped3A : memref<!tpu.dma_semaphore, #tpu.memory_space<semaphore_mem>>)
      %dma_wait3A_73 = arith.constant 640 : i32
      %dma_wait3A_74 = tpu.memref_slice %arg6[%dma_wait3A_73] : memref<10240xf32, #tpu.memory_space<vmem>> -> memref<640xf32, #tpu.memory_space<vmem>>
      %dma_wait3A_75 = tpu.memref_slice %arg7[%add3A_28] : memref<163840xf32, #tpu.memory_space<vmem_shared>> -> memref<640xf32, #tpu.memory_space<vmem_shared>>
      %dma_wait3A_76 = arith.constant 640 : i32
      %dma_wait3A_77 = tpu.memref_slice %arg6[%dma_wait3A_76] : memref<10240xf32, #tpu.memory_space<vmem>> -> memref<640xf32, #tpu.memory_space<vmem>>
      %dma_wait3A_78 = tpu.memref_slice %arg7[%add3A_28] : memref<163840xf32, #tpu.memory_space<vmem_shared>> -> memref<640xf32, #tpu.memory_space<vmem_shared>>
      tpu.wait_dma2 semaphore(%run_scoped3A : memref<!tpu.dma_semaphore, #tpu.memory_space<semaphore_mem>>) src(%dma_wait3A_78 : memref<640xf32, #tpu.memory_space<vmem_shared>>) dst(%dma_wait3A_77 : memref<640xf32, #tpu.memory_space<vmem>>)
      tpu.yield
    }) : () -> ()
    %add3A_29 = arith.constant 20480 : i32
    %add3A_30 = arith.addi %add3A_29, %mul3A_24 : i32
    "tpu.region"() ({
      %run_scoped3A = tpu.sem_alloc : memref<!tpu.dma_semaphore, #tpu.memory_space<semaphore_mem>>
      %dma_start3A_67 = arith.constant 1280 : i32
      %dma_start3A_68 = tpu.memref_slice %arg6[%dma_start3A_67] : memref<10240xf32, #tpu.memory_space<vmem>> -> memref<640xf32, #tpu.memory_space<vmem>>
      %dma_start3A_69 = tpu.memref_slice %arg7[%add3A_30] : memref<163840xf32, #tpu.memory_space<vmem_shared>> -> memref<640xf32, #tpu.memory_space<vmem_shared>>
      %dma_start3A_70 = arith.constant 1280 : i32
      %dma_start3A_71 = tpu.memref_slice %arg6[%dma_start3A_70] : memref<10240xf32, #tpu.memory_space<vmem>> -> memref<640xf32, #tpu.memory_space<vmem>>
      %dma_start3A_72 = tpu.memref_slice %arg7[%add3A_30] : memref<163840xf32, #tpu.memory_space<vmem_shared>> -> memref<640xf32, #tpu.memory_space<vmem_shared>>
      tpu.enqueue_dma source(%dma_start3A_72 : memref<640xf32, #tpu.memory_space<vmem_shared>>) target(%dma_start3A_71 : memref<640xf32, #tpu.memory_space<vmem>>) target_semaphore(%run_scoped3A : memref<!tpu.dma_semaphore, #tpu.memory_space<semaphore_mem>>)
      %dma_wait3A_73 = arith.constant 1280 : i32
      %dma_wait3A_74 = tpu.memref_slice %arg6[%dma_wait3A_73] : memref<10240xf32, #tpu.memory_space<vmem>> -> memref<640xf32, #tpu.memory_space<vmem>>
      %dma_wait3A_75 = tpu.memref_slice %arg7[%add3A_30] : memref<163840xf32, #tpu.memory_space<vmem_shared>> -> memref<640xf32, #tpu.memory_space<vmem_shared>>
      %dma_wait3A_76 = arith.constant 1280 : i32
      %dma_wait3A_77 = tpu.memref_slice %arg6[%dma_wait3A_76] : memref<10240xf32, #tpu.memory_space<vmem>> -> memref<640xf32, #tpu.memory_space<vmem>>
      %dma_wait3A_78 = tpu.memref_slice %arg7[%add3A_30] : memref<163840xf32, #tpu.memory_space<vmem_shared>> -> memref<640xf32, #tpu.memory_space<vmem_shared>>
      tpu.wait_dma2 semaphore(%run_scoped3A : memref<!tpu.dma_semaphore, #tpu.memory_space<semaphore_mem>>) src(%dma_wait3A_78 : memref<640xf32, #tpu.memory_space<vmem_shared>>) dst(%dma_wait3A_77 : memref<640xf32, #tpu.memory_space<vmem>>)
      tpu.yield
    }) : () -> ()
    %add3A_31 = arith.constant 30720 : i32
    %add3A_32 = arith.addi %add3A_31, %mul3A_24 : i32
    "tpu.region"() ({
      %run_scoped3A = tpu.sem_alloc : memref<!tpu.dma_semaphore, #tpu.memory_space<semaphore_mem>>
      %dma_start3A_67 = arith.constant 1920 : i32
      %dma_start3A_68 = tpu.memref_slice %arg6[%dma_start3A_67] : memref<10240xf32, #tpu.memory_space<vmem>> -> memref<640xf32, #tpu.memory_space<vmem>>
      %dma_start3A_69 = tpu.memref_slice %arg7[%add3A_32] : memref<163840xf32, #tpu.memory_space<vmem_shared>> -> memref<640xf32, #tpu.memory_space<vmem_shared>>
      %dma_start3A_70 = arith.constant 1920 : i32
      %dma_start3A_71 = tpu.memref_slice %arg6[%dma_start3A_70] : memref<10240xf32, #tpu.memory_space<vmem>> -> memref<640xf32, #tpu.memory_space<vmem>>
      %dma_start3A_72 = tpu.memref_slice %arg7[%add3A_32] : memref<163840xf32, #tpu.memory_space<vmem_shared>> -> memref<640xf32, #tpu.memory_space<vmem_shared>>
      tpu.enqueue_dma source(%dma_start3A_72 : memref<640xf32, #tpu.memory_space<vmem_shared>>) target(%dma_start3A_71 : memref<640xf32, #tpu.memory_space<vmem>>) target_semaphore(%run_scoped3A : memref<!tpu.dma_semaphore, #tpu.memory_space<semaphore_mem>>)
      %dma_wait3A_73 = arith.constant 1920 : i32
      %dma_wait3A_74 = tpu.memref_slice %arg6[%dma_wait3A_73] : memref<10240xf32, #tpu.memory_space<vmem>> -> memref<640xf32, #tpu.memory_space<vmem>>
      %dma_wait3A_75 = tpu.memref_slice %arg7[%add3A_32] : memref<163840xf32, #tpu.memory_space<vmem_shared>> -> memref<640xf32, #tpu.memory_space<vmem_shared>>
      %dma_wait3A_76 = arith.constant 1920 : i32
      %dma_wait3A_77 = tpu.memref_slice %arg6[%dma_wait3A_76] : memref<10240xf32, #tpu.memory_space<vmem>> -> memref<640xf32, #tpu.memory_space<vmem>>
      %dma_wait3A_78 = tpu.memref_slice %arg7[%add3A_32] : memref<163840xf32, #tpu.memory_space<vmem_shared>> -> memref<640xf32, #tpu.memory_space<vmem_shared>>
      tpu.wait_dma2 semaphore(%run_scoped3A : memref<!tpu.dma_semaphore, #tpu.memory_space<semaphore_mem>>) src(%dma_wait3A_78 : memref<640xf32, #tpu.memory_space<vmem_shared>>) dst(%dma_wait3A_77 : memref<640xf32, #tpu.memory_space<vmem>>)
      tpu.yield
    }) : () -> ()
    %add3A_33 = arith.constant 40960 : i32
    %add3A_34 = arith.addi %add3A_33, %mul3A_24 : i32
    "tpu.region"() ({
      %run_scoped3A = tpu.sem_alloc : memref<!tpu.dma_semaphore, #tpu.memory_space<semaphore_mem>>
      %dma_start3A_67 = arith.constant 2560 : i32
      %dma_start3A_68 = tpu.memref_slice %arg6[%dma_start3A_67] : memref<10240xf32, #tpu.memory_space<vmem>> -> memref<640xf32, #tpu.memory_space<vmem>>
      %dma_start3A_69 = tpu.memref_slice %arg7[%add3A_34] : memref<163840xf32, #tpu.memory_space<vmem_shared>> -> memref<640xf32, #tpu.memory_space<vmem_shared>>
      %dma_start3A_70 = arith.constant 2560 : i32
      %dma_start3A_71 = tpu.memref_slice %arg6[%dma_start3A_70] : memref<10240xf32, #tpu.memory_space<vmem>> -> memref<640xf32, #tpu.memory_space<vmem>>
      %dma_start3A_72 = tpu.memref_slice %arg7[%add3A_34] : memref<163840xf32, #tpu.memory_space<vmem_shared>> -> memref<640xf32, #tpu.memory_space<vmem_shared>>
      tpu.enqueue_dma source(%dma_start3A_72 : memref<640xf32, #tpu.memory_space<vmem_shared>>) target(%dma_start3A_71 : memref<640xf32, #tpu.memory_space<vmem>>) target_semaphore(%run_scoped3A : memref<!tpu.dma_semaphore, #tpu.memory_space<semaphore_mem>>)
      %dma_wait3A_73 = arith.constant 2560 : i32
      %dma_wait3A_74 = tpu.memref_slice %arg6[%dma_wait3A_73] : memref<10240xf32, #tpu.memory_space<vmem>> -> memref<640xf32, #tpu.memory_space<vmem>>
      %dma_wait3A_75 = tpu.memref_slice %arg7[%add3A_34] : memref<163840xf32, #tpu.memory_space<vmem_shared>> -> memref<640xf32, #tpu.memory_space<vmem_shared>>
      %dma_wait3A_76 = arith.constant 2560 : i32
      %dma_wait3A_77 = tpu.memref_slice %arg6[%dma_wait3A_76] : memref<10240xf32, #tpu.memory_space<vmem>> -> memref<640xf32, #tpu.memory_space<vmem>>
      %dma_wait3A_78 = tpu.memref_slice %arg7[%add3A_34] : memref<163840xf32, #tpu.memory_space<vmem_shared>> -> memref<640xf32, #tpu.memory_space<vmem_shared>>
      tpu.wait_dma2 semaphore(%run_scoped3A : memref<!tpu.dma_semaphore, #tpu.memory_space<semaphore_mem>>) src(%dma_wait3A_78 : memref<640xf32, #tpu.memory_space<vmem_shared>>) dst(%dma_wait3A_77 : memref<640xf32, #tpu.memory_space<vmem>>)
      tpu.yield
    }) : () -> ()
    %add3A_35 = arith.constant 51200 : i32
    %add3A_36 = arith.addi %add3A_35, %mul3A_24 : i32
    "tpu.region"() ({
      %run_scoped3A = tpu.sem_alloc : memref<!tpu.dma_semaphore, #tpu.memory_space<semaphore_mem>>
      %dma_start3A_67 = arith.constant 3200 : i32
      %dma_start3A_68 = tpu.memref_slice %arg6[%dma_start3A_67] : memref<10240xf32, #tpu.memory_space<vmem>> -> memref<640xf32, #tpu.memory_space<vmem>>
      %dma_start3A_69 = tpu.memref_slice %arg7[%add3A_36] : memref<163840xf32, #tpu.memory_space<vmem_shared>> -> memref<640xf32, #tpu.memory_space<vmem_shared>>
      %dma_start3A_70 = arith.constant 3200 : i32
      %dma_start3A_71 = tpu.memref_slice %arg6[%dma_start3A_70] : memref<10240xf32, #tpu.memory_space<vmem>> -> memref<640xf32, #tpu.memory_space<vmem>>
      %dma_start3A_72 = tpu.memref_slice %arg7[%add3A_36] : memref<163840xf32, #tpu.memory_space<vmem_shared>> -> memref<640xf32, #tpu.memory_space<vmem_shared>>
      tpu.enqueue_dma source(%dma_start3A_72 : memref<640xf32, #tpu.memory_space<vmem_shared>>) target(%dma_start3A_71 : memref<640xf32, #tpu.memory_space<vmem>>) target_semaphore(%run_scoped3A : memref<!tpu.dma_semaphore, #tpu.memory_space<semaphore_mem>>)
      %dma_wait3A_73 = arith.constant 3200 : i32
      %dma_wait3A_74 = tpu.memref_slice %arg6[%dma_wait3A_73] : memref<10240xf32, #tpu.memory_space<vmem>> -> memref<640xf32, #tpu.memory_space<vmem>>
      %dma_wait3A_75 = tpu.memref_slice %arg7[%add3A_36] : memref<163840xf32, #tpu.memory_space<vmem_shared>> -> memref<640xf32, #tpu.memory_space<vmem_shared>>
      %dma_wait3A_76 = arith.constant 3200 : i32
      %dma_wait3A_77 = tpu.memref_slice %arg6[%dma_wait3A_76] : memref<10240xf32, #tpu.memory_space<vmem>> -> memref<640xf32, #tpu.memory_space<vmem>>
      %dma_wait3A_78 = tpu.memref_slice %arg7[%add3A_36] : memref<163840xf32, #tpu.memory_space<vmem_shared>> -> memref<640xf32, #tpu.memory_space<vmem_shared>>
      tpu.wait_dma2 semaphore(%run_scoped3A : memref<!tpu.dma_semaphore, #tpu.memory_space<semaphore_mem>>) src(%dma_wait3A_78 : memref<640xf32, #tpu.memory_space<vmem_shared>>) dst(%dma_wait3A_77 : memref<640xf32, #tpu.memory_space<vmem>>)
      tpu.yield
    }) : () -> ()
    %add3A_37 = arith.constant 61440 : i32
    %add3A_38 = arith.addi %add3A_37, %mul3A_24 : i32
    "tpu.region"() ({
      %run_scoped3A = tpu.sem_alloc : memref<!tpu.dma_semaphore, #tpu.memory_space<semaphore_mem>>
      %dma_start3A_67 = arith.constant 3840 : i32
      %dma_start3A_68 = tpu.memref_slice %arg6[%dma_start3A_67] : memref<10240xf32, #tpu.memory_space<vmem>> -> memref<640xf32, #tpu.memory_space<vmem>>
      %dma_start3A_69 = tpu.memref_slice %arg7[%add3A_38] : memref<163840xf32, #tpu.memory_space<vmem_shared>> -> memref<640xf32, #tpu.memory_space<vmem_shared>>
      %dma_start3A_70 = arith.constant 3840 : i32
      %dma_start3A_71 = tpu.memref_slice %arg6[%dma_start3A_70] : memref<10240xf32, #tpu.memory_space<vmem>> -> memref<640xf32, #tpu.memory_space<vmem>>
      %dma_start3A_72 = tpu.memref_slice %arg7[%add3A_38] : memref<163840xf32, #tpu.memory_space<vmem_shared>> -> memref<640xf32, #tpu.memory_space<vmem_shared>>
      tpu.enqueue_dma source(%dma_start3A_72 : memref<640xf32, #tpu.memory_space<vmem_shared>>) target(%dma_start3A_71 : memref<640xf32, #tpu.memory_space<vmem>>) target_semaphore(%run_scoped3A : memref<!tpu.dma_semaphore, #tpu.memory_space<semaphore_mem>>)
      %dma_wait3A_73 = arith.constant 3840 : i32
      %dma_wait3A_74 = tpu.memref_slice %arg6[%dma_wait3A_73] : memref<10240xf32, #tpu.memory_space<vmem>> -> memref<640xf32, #tpu.memory_space<vmem>>
      %dma_wait3A_75 = tpu.memref_slice %arg7[%add3A_38] : memref<163840xf32, #tpu.memory_space<vmem_shared>> -> memref<640xf32, #tpu.memory_space<vmem_shared>>
      %dma_wait3A_76 = arith.constant 3840 : i32
      %dma_wait3A_77 = tpu.memref_slice %arg6[%dma_wait3A_76] : memref<10240xf32, #tpu.memory_space<vmem>> -> memref<640xf32, #tpu.memory_space<vmem>>
      %dma_wait3A_78 = tpu.memref_slice %arg7[%add3A_38] : memref<163840xf32, #tpu.memory_space<vmem_shared>> -> memref<640xf32, #tpu.memory_space<vmem_shared>>
      tpu.wait_dma2 semaphore(%run_scoped3A : memref<!tpu.dma_semaphore, #tpu.memory_space<semaphore_mem>>) src(%dma_wait3A_78 : memref<640xf32, #tpu.memory_space<vmem_shared>>) dst(%dma_wait3A_77 : memref<640xf32, #tpu.memory_space<vmem>>)
      tpu.yield
    }) : () -> ()
    %add3A_39 = arith.constant 71680 : i32
    %add3A_40 = arith.addi %add3A_39, %mul3A_24 : i32
    "tpu.region"() ({
      %run_scoped3A = tpu.sem_alloc : memref<!tpu.dma_semaphore, #tpu.memory_space<semaphore_mem>>
      %dma_start3A_67 = arith.constant 4480 : i32
      %dma_start3A_68 = tpu.memref_slice %arg6[%dma_start3A_67] : memref<10240xf32, #tpu.memory_space<vmem>> -> memref<640xf32, #tpu.memory_space<vmem>>
      %dma_start3A_69 = tpu.memref_slice %arg7[%add3A_40] : memref<163840xf32, #tpu.memory_space<vmem_shared>> -> memref<640xf32, #tpu.memory_space<vmem_shared>>
      %dma_start3A_70 = arith.constant 4480 : i32
      %dma_start3A_71 = tpu.memref_slice %arg6[%dma_start3A_70] : memref<10240xf32, #tpu.memory_space<vmem>> -> memref<640xf32, #tpu.memory_space<vmem>>
      %dma_start3A_72 = tpu.memref_slice %arg7[%add3A_40] : memref<163840xf32, #tpu.memory_space<vmem_shared>> -> memref<640xf32, #tpu.memory_space<vmem_shared>>
      tpu.enqueue_dma source(%dma_start3A_72 : memref<640xf32, #tpu.memory_space<vmem_shared>>) target(%dma_start3A_71 : memref<640xf32, #tpu.memory_space<vmem>>) target_semaphore(%run_scoped3A : memref<!tpu.dma_semaphore, #tpu.memory_space<semaphore_mem>>)
      %dma_wait3A_73 = arith.constant 4480 : i32
      %dma_wait3A_74 = tpu.memref_slice %arg6[%dma_wait3A_73] : memref<10240xf32, #tpu.memory_space<vmem>> -> memref<640xf32, #tpu.memory_space<vmem>>
      %dma_wait3A_75 = tpu.memref_slice %arg7[%add3A_40] : memref<163840xf32, #tpu.memory_space<vmem_shared>> -> memref<640xf32, #tpu.memory_space<vmem_shared>>
      %dma_wait3A_76 = arith.constant 4480 : i32
      %dma_wait3A_77 = tpu.memref_slice %arg6[%dma_wait3A_76] : memref<10240xf32, #tpu.memory_space<vmem>> -> memref<640xf32, #tpu.memory_space<vmem>>
      %dma_wait3A_78 = tpu.memref_slice %arg7[%add3A_40] : memref<163840xf32, #tpu.memory_space<vmem_shared>> -> memref<640xf32, #tpu.memory_space<vmem_shared>>
      tpu.wait_dma2 semaphore(%run_scoped3A : memref<!tpu.dma_semaphore, #tpu.memory_space<semaphore_mem>>) src(%dma_wait3A_78 : memref<640xf32, #tpu.memory_space<vmem_shared>>) dst(%dma_wait3A_77 : memref<640xf32, #tpu.memory_space<vmem>>)
      tpu.yield
    }) : () -> ()
    %add3A_41 = arith.constant 81920 : i32
    %add3A_42 = arith.addi %add3A_41, %mul3A_24 : i32
    "tpu.region"() ({
      %run_scoped3A = tpu.sem_alloc : memref<!tpu.dma_semaphore, #tpu.memory_space<semaphore_mem>>
      %dma_start3A_67 = arith.constant 5120 : i32
      %dma_start3A_68 = tpu.memref_slice %arg6[%dma_start3A_67] : memref<10240xf32, #tpu.memory_space<vmem>> -> memref<640xf32, #tpu.memory_space<vmem>>
      %dma_start3A_69 = tpu.memref_slice %arg7[%add3A_42] : memref<163840xf32, #tpu.memory_space<vmem_shared>> -> memref<640xf32, #tpu.memory_space<vmem_shared>>
      %dma_start3A_70 = arith.constant 5120 : i32
      %dma_start3A_71 = tpu.memref_slice %arg6[%dma_start3A_70] : memref<10240xf32, #tpu.memory_space<vmem>> -> memref<640xf32, #tpu.memory_space<vmem>>
      %dma_start3A_72 = tpu.memref_slice %arg7[%add3A_42] : memref<163840xf32, #tpu.memory_space<vmem_shared>> -> memref<640xf32, #tpu.memory_space<vmem_shared>>
      tpu.enqueue_dma source(%dma_start3A_72 : memref<640xf32, #tpu.memory_space<vmem_shared>>) target(%dma_start3A_71 : memref<640xf32, #tpu.memory_space<vmem>>) target_semaphore(%run_scoped3A : memref<!tpu.dma_semaphore, #tpu.memory_space<semaphore_mem>>)
      %dma_wait3A_73 = arith.constant 5120 : i32
      %dma_wait3A_74 = tpu.memref_slice %arg6[%dma_wait3A_73] : memref<10240xf32, #tpu.memory_space<vmem>> -> memref<640xf32, #tpu.memory_space<vmem>>
      %dma_wait3A_75 = tpu.memref_slice %arg7[%add3A_42] : memref<163840xf32, #tpu.memory_space<vmem_shared>> -> memref<640xf32, #tpu.memory_space<vmem_shared>>
      %dma_wait3A_76 = arith.constant 5120 : i32
      %dma_wait3A_77 = tpu.memref_slice %arg6[%dma_wait3A_76] : memref<10240xf32, #tpu.memory_space<vmem>> -> memref<640xf32, #tpu.memory_space<vmem>>
      %dma_wait3A_78 = tpu.memref_slice %arg7[%add3A_42] : memref<163840xf32, #tpu.memory_space<vmem_shared>> -> memref<640xf32, #tpu.memory_space<vmem_shared>>
      tpu.wait_dma2 semaphore(%run_scoped3A : memref<!tpu.dma_semaphore, #tpu.memory_space<semaphore_mem>>) src(%dma_wait3A_78 : memref<640xf32, #tpu.memory_space<vmem_shared>>) dst(%dma_wait3A_77 : memref<640xf32, #tpu.memory_space<vmem>>)
      tpu.yield
    }) : () -> ()
    %add3A_43 = arith.constant 92160 : i32
    %add3A_44 = arith.addi %add3A_43, %mul3A_24 : i32
    "tpu.region"() ({
      %run_scoped3A = tpu.sem_alloc : memref<!tpu.dma_semaphore, #tpu.memory_space<semaphore_mem>>
      %dma_start3A_67 = arith.constant 5760 : i32
      %dma_start3A_68 = tpu.memref_slice %arg6[%dma_start3A_67] : memref<10240xf32, #tpu.memory_space<vmem>> -> memref<640xf32, #tpu.memory_space<vmem>>
      %dma_start3A_69 = tpu.memref_slice %arg7[%add3A_44] : memref<163840xf32, #tpu.memory_space<vmem_shared>> -> memref<640xf32, #tpu.memory_space<vmem_shared>>
      %dma_start3A_70 = arith.constant 5760 : i32
      %dma_start3A_71 = tpu.memref_slice %arg6[%dma_start3A_70] : memref<10240xf32, #tpu.memory_space<vmem>> -> memref<640xf32, #tpu.memory_space<vmem>>
      %dma_start3A_72 = tpu.memref_slice %arg7[%add3A_44] : memref<163840xf32, #tpu.memory_space<vmem_shared>> -> memref<640xf32, #tpu.memory_space<vmem_shared>>
      tpu.enqueue_dma source(%dma_start3A_72 : memref<640xf32, #tpu.memory_space<vmem_shared>>) target(%dma_start3A_71 : memref<640xf32, #tpu.memory_space<vmem>>) target_semaphore(%run_scoped3A : memref<!tpu.dma_semaphore, #tpu.memory_space<semaphore_mem>>)
      %dma_wait3A_73 = arith.constant 5760 : i32
      %dma_wait3A_74 = tpu.memref_slice %arg6[%dma_wait3A_73] : memref<10240xf32, #tpu.memory_space<vmem>> -> memref<640xf32, #tpu.memory_space<vmem>>
      %dma_wait3A_75 = tpu.memref_slice %arg7[%add3A_44] : memref<163840xf32, #tpu.memory_space<vmem_shared>> -> memref<640xf32, #tpu.memory_space<vmem_shared>>
      %dma_wait3A_76 = arith.constant 5760 : i32
      %dma_wait3A_77 = tpu.memref_slice %arg6[%dma_wait3A_76] : memref<10240xf32, #tpu.memory_space<vmem>> -> memref<640xf32, #tpu.memory_space<vmem>>
      %dma_wait3A_78 = tpu.memref_slice %arg7[%add3A_44] : memref<163840xf32, #tpu.memory_space<vmem_shared>> -> memref<640xf32, #tpu.memory_space<vmem_shared>>
      tpu.wait_dma2 semaphore(%run_scoped3A : memref<!tpu.dma_semaphore, #tpu.memory_space<semaphore_mem>>) src(%dma_wait3A_78 : memref<640xf32, #tpu.memory_space<vmem_shared>>) dst(%dma_wait3A_77 : memref<640xf32, #tpu.memory_space<vmem>>)
      tpu.yield
    }) : () -> ()
    %add3A_45 = arith.constant 102400 : i32
    %add3A_46 = arith.addi %add3A_45, %mul3A_24 : i32
    "tpu.region"() ({
      %run_scoped3A = tpu.sem_alloc : memref<!tpu.dma_semaphore, #tpu.memory_space<semaphore_mem>>
      %dma_start3A_67 = arith.constant 6400 : i32
      %dma_start3A_68 = tpu.memref_slice %arg6[%dma_start3A_67] : memref<10240xf32, #tpu.memory_space<vmem>> -> memref<640xf32, #tpu.memory_space<vmem>>
      %dma_start3A_69 = tpu.memref_slice %arg7[%add3A_46] : memref<163840xf32, #tpu.memory_space<vmem_shared>> -> memref<640xf32, #tpu.memory_space<vmem_shared>>
      %dma_start3A_70 = arith.constant 6400 : i32
      %dma_start3A_71 = tpu.memref_slice %arg6[%dma_start3A_70] : memref<10240xf32, #tpu.memory_space<vmem>> -> memref<640xf32, #tpu.memory_space<vmem>>
      %dma_start3A_72 = tpu.memref_slice %arg7[%add3A_46] : memref<163840xf32, #tpu.memory_space<vmem_shared>> -> memref<640xf32, #tpu.memory_space<vmem_shared>>
      tpu.enqueue_dma source(%dma_start3A_72 : memref<640xf32, #tpu.memory_space<vmem_shared>>) target(%dma_start3A_71 : memref<640xf32, #tpu.memory_space<vmem>>) target_semaphore(%run_scoped3A : memref<!tpu.dma_semaphore, #tpu.memory_space<semaphore_mem>>)
      %dma_wait3A_73 = arith.constant 6400 : i32
      %dma_wait3A_74 = tpu.memref_slice %arg6[%dma_wait3A_73] : memref<10240xf32, #tpu.memory_space<vmem>> -> memref<640xf32, #tpu.memory_space<vmem>>
      %dma_wait3A_75 = tpu.memref_slice %arg7[%add3A_46] : memref<163840xf32, #tpu.memory_space<vmem_shared>> -> memref<640xf32, #tpu.memory_space<vmem_shared>>
      %dma_wait3A_76 = arith.constant 6400 : i32
      %dma_wait3A_77 = tpu.memref_slice %arg6[%dma_wait3A_76] : memref<10240xf32, #tpu.memory_space<vmem>> -> memref<640xf32, #tpu.memory_space<vmem>>
      %dma_wait3A_78 = tpu.memref_slice %arg7[%add3A_46] : memref<163840xf32, #tpu.memory_space<vmem_shared>> -> memref<640xf32, #tpu.memory_space<vmem_shared>>
      tpu.wait_dma2 semaphore(%run_scoped3A : memref<!tpu.dma_semaphore, #tpu.memory_space<semaphore_mem>>) src(%dma_wait3A_78 : memref<640xf32, #tpu.memory_space<vmem_shared>>) dst(%dma_wait3A_77 : memref<640xf32, #tpu.memory_space<vmem>>)
      tpu.yield
    }) : () -> ()
    %add3A_47 = arith.constant 112640 : i32
    %add3A_48 = arith.addi %add3A_47, %mul3A_24 : i32
    "tpu.region"() ({
      %run_scoped3A = tpu.sem_alloc : memref<!tpu.dma_semaphore, #tpu.memory_space<semaphore_mem>>
      %dma_start3A_67 = arith.constant 7040 : i32
      %dma_start3A_68 = tpu.memref_slice %arg6[%dma_start3A_67] : memref<10240xf32, #tpu.memory_space<vmem>> -> memref<640xf32, #tpu.memory_space<vmem>>
      %dma_start3A_69 = tpu.memref_slice %arg7[%add3A_48] : memref<163840xf32, #tpu.memory_space<vmem_shared>> -> memref<640xf32, #tpu.memory_space<vmem_shared>>
      %dma_start3A_70 = arith.constant 7040 : i32
      %dma_start3A_71 = tpu.memref_slice %arg6[%dma_start3A_70] : memref<10240xf32, #tpu.memory_space<vmem>> -> memref<640xf32, #tpu.memory_space<vmem>>
      %dma_start3A_72 = tpu.memref_slice %arg7[%add3A_48] : memref<163840xf32, #tpu.memory_space<vmem_shared>> -> memref<640xf32, #tpu.memory_space<vmem_shared>>
      tpu.enqueue_dma source(%dma_start3A_72 : memref<640xf32, #tpu.memory_space<vmem_shared>>) target(%dma_start3A_71 : memref<640xf32, #tpu.memory_space<vmem>>) target_semaphore(%run_scoped3A : memref<!tpu.dma_semaphore, #tpu.memory_space<semaphore_mem>>)
      %dma_wait3A_73 = arith.constant 7040 : i32
      %dma_wait3A_74 = tpu.memref_slice %arg6[%dma_wait3A_73] : memref<10240xf32, #tpu.memory_space<vmem>> -> memref<640xf32, #tpu.memory_space<vmem>>
      %dma_wait3A_75 = tpu.memref_slice %arg7[%add3A_48] : memref<163840xf32, #tpu.memory_space<vmem_shared>> -> memref<640xf32, #tpu.memory_space<vmem_shared>>
      %dma_wait3A_76 = arith.constant 7040 : i32
      %dma_wait3A_77 = tpu.memref_slice %arg6[%dma_wait3A_76] : memref<10240xf32, #tpu.memory_space<vmem>> -> memref<640xf32, #tpu.memory_space<vmem>>
      %dma_wait3A_78 = tpu.memref_slice %arg7[%add3A_48] : memref<163840xf32, #tpu.memory_space<vmem_shared>> -> memref<640xf32, #tpu.memory_space<vmem_shared>>
      tpu.wait_dma2 semaphore(%run_scoped3A : memref<!tpu.dma_semaphore, #tpu.memory_space<semaphore_mem>>) src(%dma_wait3A_78 : memref<640xf32, #tpu.memory_space<vmem_shared>>) dst(%dma_wait3A_77 : memref<640xf32, #tpu.memory_space<vmem>>)
      tpu.yield
    }) : () -> ()
    %add3A_49 = arith.constant 122880 : i32
    %add3A_50 = arith.addi %add3A_49, %mul3A_24 : i32
    "tpu.region"() ({
      %run_scoped3A = tpu.sem_alloc : memref<!tpu.dma_semaphore, #tpu.memory_space<semaphore_mem>>
      %dma_start3A_67 = arith.constant 7680 : i32
      %dma_start3A_68 = tpu.memref_slice %arg6[%dma_start3A_67] : memref<10240xf32, #tpu.memory_space<vmem>> -> memref<640xf32, #tpu.memory_space<vmem>>
      %dma_start3A_69 = tpu.memref_slice %arg7[%add3A_50] : memref<163840xf32, #tpu.memory_space<vmem_shared>> -> memref<640xf32, #tpu.memory_space<vmem_shared>>
      %dma_start3A_70 = arith.constant 7680 : i32
      %dma_start3A_71 = tpu.memref_slice %arg6[%dma_start3A_70] : memref<10240xf32, #tpu.memory_space<vmem>> -> memref<640xf32, #tpu.memory_space<vmem>>
      %dma_start3A_72 = tpu.memref_slice %arg7[%add3A_50] : memref<163840xf32, #tpu.memory_space<vmem_shared>> -> memref<640xf32, #tpu.memory_space<vmem_shared>>
      tpu.enqueue_dma source(%dma_start3A_72 : memref<640xf32, #tpu.memory_space<vmem_shared>>) target(%dma_start3A_71 : memref<640xf32, #tpu.memory_space<vmem>>) target_semaphore(%run_scoped3A : memref<!tpu.dma_semaphore, #tpu.memory_space<semaphore_mem>>)
      %dma_wait3A_73 = arith.constant 7680 : i32
      %dma_wait3A_74 = tpu.memref_slice %arg6[%dma_wait3A_73] : memref<10240xf32, #tpu.memory_space<vmem>> -> memref<640xf32, #tpu.memory_space<vmem>>
      %dma_wait3A_75 = tpu.memref_slice %arg7[%add3A_50] : memref<163840xf32, #tpu.memory_space<vmem_shared>> -> memref<640xf32, #tpu.memory_space<vmem_shared>>
      %dma_wait3A_76 = arith.constant 7680 : i32
      %dma_wait3A_77 = tpu.memref_slice %arg6[%dma_wait3A_76] : memref<10240xf32, #tpu.memory_space<vmem>> -> memref<640xf32, #tpu.memory_space<vmem>>
      %dma_wait3A_78 = tpu.memref_slice %arg7[%add3A_50] : memref<163840xf32, #tpu.memory_space<vmem_shared>> -> memref<640xf32, #tpu.memory_space<vmem_shared>>
      tpu.wait_dma2 semaphore(%run_scoped3A : memref<!tpu.dma_semaphore, #tpu.memory_space<semaphore_mem>>) src(%dma_wait3A_78 : memref<640xf32, #tpu.memory_space<vmem_shared>>) dst(%dma_wait3A_77 : memref<640xf32, #tpu.memory_space<vmem>>)
      tpu.yield
    }) : () -> ()
    %add3A_51 = arith.constant 133120 : i32
    %add3A_52 = arith.addi %add3A_51, %mul3A_24 : i32
    "tpu.region"() ({
      %run_scoped3A = tpu.sem_alloc : memref<!tpu.dma_semaphore, #tpu.memory_space<semaphore_mem>>
      %dma_start3A_67 = arith.constant 8320 : i32
      %dma_start3A_68 = tpu.memref_slice %arg6[%dma_start3A_67] : memref<10240xf32, #tpu.memory_space<vmem>> -> memref<640xf32, #tpu.memory_space<vmem>>
      %dma_start3A_69 = tpu.memref_slice %arg7[%add3A_52] : memref<163840xf32, #tpu.memory_space<vmem_shared>> -> memref<640xf32, #tpu.memory_space<vmem_shared>>
      %dma_start3A_70 = arith.constant 8320 : i32
      %dma_start3A_71 = tpu.memref_slice %arg6[%dma_start3A_70] : memref<10240xf32, #tpu.memory_space<vmem>> -> memref<640xf32, #tpu.memory_space<vmem>>
      %dma_start3A_72 = tpu.memref_slice %arg7[%add3A_52] : memref<163840xf32, #tpu.memory_space<vmem_shared>> -> memref<640xf32, #tpu.memory_space<vmem_shared>>
      tpu.enqueue_dma source(%dma_start3A_72 : memref<640xf32, #tpu.memory_space<vmem_shared>>) target(%dma_start3A_71 : memref<640xf32, #tpu.memory_space<vmem>>) target_semaphore(%run_scoped3A : memref<!tpu.dma_semaphore, #tpu.memory_space<semaphore_mem>>)
      %dma_wait3A_73 = arith.constant 8320 : i32
      %dma_wait3A_74 = tpu.memref_slice %arg6[%dma_wait3A_73] : memref<10240xf32, #tpu.memory_space<vmem>> -> memref<640xf32, #tpu.memory_space<vmem>>
      %dma_wait3A_75 = tpu.memref_slice %arg7[%add3A_52] : memref<163840xf32, #tpu.memory_space<vmem_shared>> -> memref<640xf32, #tpu.memory_space<vmem_shared>>
      %dma_wait3A_76 = arith.constant 8320 : i32
      %dma_wait3A_77 = tpu.memref_slice %arg6[%dma_wait3A_76] : memref<10240xf32, #tpu.memory_space<vmem>> -> memref<640xf32, #tpu.memory_space<vmem>>
      %dma_wait3A_78 = tpu.memref_slice %arg7[%add3A_52] : memref<163840xf32, #tpu.memory_space<vmem_shared>> -> memref<640xf32, #tpu.memory_space<vmem_shared>>
      tpu.wait_dma2 semaphore(%run_scoped3A : memref<!tpu.dma_semaphore, #tpu.memory_space<semaphore_mem>>) src(%dma_wait3A_78 : memref<640xf32, #tpu.memory_space<vmem_shared>>) dst(%dma_wait3A_77 : memref<640xf32, #tpu.memory_space<vmem>>)
      tpu.yield
    }) : () -> ()
    %add3A_53 = arith.constant 143360 : i32
    %add3A_54 = arith.addi %add3A_53, %mul3A_24 : i32
    "tpu.region"() ({
      %run_scoped3A = tpu.sem_alloc : memref<!tpu.dma_semaphore, #tpu.memory_space<semaphore_mem>>
      %dma_start3A_67 = arith.constant 8960 : i32
      %dma_start3A_68 = tpu.memref_slice %arg6[%dma_start3A_67] : memref<10240xf32, #tpu.memory_space<vmem>> -> memref<640xf32, #tpu.memory_space<vmem>>
      %dma_start3A_69 = tpu.memref_slice %arg7[%add3A_54] : memref<163840xf32, #tpu.memory_space<vmem_shared>> -> memref<640xf32, #tpu.memory_space<vmem_shared>>
      %dma_start3A_70 = arith.constant 8960 : i32
      %dma_start3A_71 = tpu.memref_slice %arg6[%dma_start3A_70] : memref<10240xf32, #tpu.memory_space<vmem>> -> memref<640xf32, #tpu.memory_space<vmem>>
      %dma_start3A_72 = tpu.memref_slice %arg7[%add3A_54] : memref<163840xf32, #tpu.memory_space<vmem_shared>> -> memref<640xf32, #tpu.memory_space<vmem_shared>>
      tpu.enqueue_dma source(%dma_start3A_72 : memref<640xf32, #tpu.memory_space<vmem_shared>>) target(%dma_start3A_71 : memref<640xf32, #tpu.memory_space<vmem>>) target_semaphore(%run_scoped3A : memref<!tpu.dma_semaphore, #tpu.memory_space<semaphore_mem>>)
      %dma_wait3A_73 = arith.constant 8960 : i32
      %dma_wait3A_74 = tpu.memref_slice %arg6[%dma_wait3A_73] : memref<10240xf32, #tpu.memory_space<vmem>> -> memref<640xf32, #tpu.memory_space<vmem>>
      %dma_wait3A_75 = tpu.memref_slice %arg7[%add3A_54] : memref<163840xf32, #tpu.memory_space<vmem_shared>> -> memref<640xf32, #tpu.memory_space<vmem_shared>>
      %dma_wait3A_76 = arith.constant 8960 : i32
      %dma_wait3A_77 = tpu.memref_slice %arg6[%dma_wait3A_76] : memref<10240xf32, #tpu.memory_space<vmem>> -> memref<640xf32, #tpu.memory_space<vmem>>
      %dma_wait3A_78 = tpu.memref_slice %arg7[%add3A_54] : memref<163840xf32, #tpu.memory_space<vmem_shared>> -> memref<640xf32, #tpu.memory_space<vmem_shared>>
      tpu.wait_dma2 semaphore(%run_scoped3A : memref<!tpu.dma_semaphore, #tpu.memory_space<semaphore_mem>>) src(%dma_wait3A_78 : memref<640xf32, #tpu.memory_space<vmem_shared>>) dst(%dma_wait3A_77 : memref<640xf32, #tpu.memory_space<vmem>>)
      tpu.yield
    }) : () -> ()
    %add3A_55 = arith.constant 153600 : i32
    %add3A_56 = arith.addi %add3A_55, %mul3A_24 : i32
    "tpu.region"() ({
      %run_scoped3A = tpu.sem_alloc : memref<!tpu.dma_semaphore, #tpu.memory_space<semaphore_mem>>
      %dma_start3A_67 = arith.constant 9600 : i32
      %dma_start3A_68 = tpu.memref_slice %arg6[%dma_start3A_67] : memref<10240xf32, #tpu.memory_space<vmem>> -> memref<640xf32, #tpu.memory_space<vmem>>
      %dma_start3A_69 = tpu.memref_slice %arg7[%add3A_56] : memref<163840xf32, #tpu.memory_space<vmem_shared>> -> memref<640xf32, #tpu.memory_space<vmem_shared>>
      %dma_start3A_70 = arith.constant 9600 : i32
      %dma_start3A_71 = tpu.memref_slice %arg6[%dma_start3A_70] : memref<10240xf32, #tpu.memory_space<vmem>> -> memref<640xf32, #tpu.memory_space<vmem>>
      %dma_start3A_72 = tpu.memref_slice %arg7[%add3A_56] : memref<163840xf32, #tpu.memory_space<vmem_shared>> -> memref<640xf32, #tpu.memory_space<vmem_shared>>
      tpu.enqueue_dma source(%dma_start3A_72 : memref<640xf32, #tpu.memory_space<vmem_shared>>) target(%dma_start3A_71 : memref<640xf32, #tpu.memory_space<vmem>>) target_semaphore(%run_scoped3A : memref<!tpu.dma_semaphore, #tpu.memory_space<semaphore_mem>>)
      %dma_wait3A_73 = arith.constant 9600 : i32
      %dma_wait3A_74 = tpu.memref_slice %arg6[%dma_wait3A_73] : memref<10240xf32, #tpu.memory_space<vmem>> -> memref<640xf32, #tpu.memory_space<vmem>>
      %dma_wait3A_75 = tpu.memref_slice %arg7[%add3A_56] : memref<163840xf32, #tpu.memory_space<vmem_shared>> -> memref<640xf32, #tpu.memory_space<vmem_shared>>
      %dma_wait3A_76 = arith.constant 9600 : i32
      %dma_wait3A_77 = tpu.memref_slice %arg6[%dma_wait3A_76] : memref<10240xf32, #tpu.memory_space<vmem>> -> memref<640xf32, #tpu.memory_space<vmem>>
      %dma_wait3A_78 = tpu.memref_slice %arg7[%add3A_56] : memref<163840xf32, #tpu.memory_space<vmem_shared>> -> memref<640xf32, #tpu.memory_space<vmem_shared>>
      tpu.wait_dma2 semaphore(%run_scoped3A : memref<!tpu.dma_semaphore, #tpu.memory_space<semaphore_mem>>) src(%dma_wait3A_78 : memref<640xf32, #tpu.memory_space<vmem_shared>>) dst(%dma_wait3A_77 : memref<640xf32, #tpu.memory_space<vmem>>)
      tpu.yield
    }) : () -> ()
    %scan3A_57 = arith.constant 0 : i32
    %scan3A_58 = arith.constant 0 : i32
    %scan3A_59 = arith.constant 40 : i32
    %scan3A_60 = arith.addi %scan3A_58, %scan3A_59 : i32
    %scan3A_61 = arith.constant 1 : i32
    %scan3A_62 = scf.for %scan3A_67 = %scan3A_58 to %scan3A_60 step %scan3A_61 iter_args(%scan3A_68 = %scan3A_57) -> (i32)  : i32 {
      %mul3A_69 = arith.constant 16 : i32
      %mul3A_70 = arith.muli %scan3A_67, %mul3A_69 : i32
      %get3A = arith.index_cast %mul3A_70 : i32 to index
      %get3A_71 = tpu.vector_load %arg6[%get3A] {strides = array<i32>} : memref<10240xf32, #tpu.memory_space<vmem>>, vector<16xf32>,
      %mul3A_72 = arith.constant 16 : i32
      %mul3A_73 = arith.muli %scan3A_67, %mul3A_72 : i32
      %add3A_74 = arith.constant 640 : i32
      %add3A_75 = arith.addi %add3A_74, %mul3A_73 : i32
      %get3A_76 = arith.index_cast %add3A_75 : i32 to index
      %get3A_77 = tpu.vector_load %arg6[%get3A_76] {strides = array<i32>} : memref<10240xf32, #tpu.memory_space<vmem>>, vector<16xf32>,
      %add3A_78 = arith.addf %get3A_71, %get3A_77 : vector<16xf32>
      %mul3A_79 = arith.constant 16 : i32
      %mul3A_80 = arith.muli %scan3A_67, %mul3A_79 : i32
      %add3A_81 = arith.constant 1280 : i32
      %add3A_82 = arith.addi %add3A_81, %mul3A_80 : i32
      %get3A_83 = arith.index_cast %add3A_82 : i32 to index
      %get3A_84 = tpu.vector_load %arg6[%get3A_83] {strides = array<i32>} : memref<10240xf32, #tpu.memory_space<vmem>>, vector<16xf32>,
      %add3A_85 = arith.addf %add3A_78, %get3A_84 : vector<16xf32>
      %mul3A_86 = arith.constant 16 : i32
      %mul3A_87 = arith.muli %scan3A_67, %mul3A_86 : i32
      %add3A_88 = arith.constant 1920 : i32
      %add3A_89 = arith.addi %add3A_88, %mul3A_87 : i32
      %get3A_90 = arith.index_cast %add3A_89 : i32 to index
      %get3A_91 = tpu.vector_load %arg6[%get3A_90] {strides = array<i32>} : memref<10240xf32, #tpu.memory_space<vmem>>, vector<16xf32>,
      %add3A_92 = arith.addf %add3A_85, %get3A_91 : vector<16xf32>
      %mul3A_93 = arith.constant 16 : i32
      %mul3A_94 = arith.muli %scan3A_67, %mul3A_93 : i32
      %add3A_95 = arith.constant 2560 : i32
      %add3A_96 = arith.addi %add3A_95, %mul3A_94 : i32
      %get3A_97 = arith.index_cast %add3A_96 : i32 to index
      %get3A_98 = tpu.vector_load %arg6[%get3A_97] {strides = array<i32>} : memref<10240xf32, #tpu.memory_space<vmem>>, vector<16xf32>,
      %add3A_99 = arith.addf %add3A_92, %get3A_98 : vector<16xf32>
      %mul3A_100 = arith.constant 16 : i32
      %mul3A_101 = arith.muli %scan3A_67, %mul3A_100 : i32
      %add3A_102 = arith.constant 3200 : i32
      %add3A_103 = arith.addi %add3A_102, %mul3A_101 : i32
      %get3A_104 = arith.index_cast %add3A_103 : i32 to index
      %get3A_105 = tpu.vector_load %arg6[%get3A_104] {strides = array<i32>} : memref<10240xf32, #tpu.memory_space<vmem>>, vector<16xf32>,
      %add3A_106 = arith.addf %add3A_99, %get3A_105 : vector<16xf32>
      %mul3A_107 = arith.constant 16 : i32
      %mul3A_108 = arith.muli %scan3A_67, %mul3A_107 : i32
      %add3A_109 = arith.constant 3840 : i32
      %add3A_110 = arith.addi %add3A_109, %mul3A_108 : i32
      %get3A_111 = arith.index_cast %add3A_110 : i32 to index
      %get3A_112 = tpu.vector_load %arg6[%get3A_111] {strides = array<i32>} : memref<10240xf32, #tpu.memory_space<vmem>>, vector<16xf32>,
      %add3A_113 = arith.addf %add3A_106, %get3A_112 : vector<16xf32>
      %mul3A_114 = arith.constant 16 : i32
      %mul3A_115 = arith.muli %scan3A_67, %mul3A_114 : i32
      %add3A_116 = arith.constant 4480 : i32
      %add3A_117 = arith.addi %add3A_116, %mul3A_115 : i32
      %get3A_118 = arith.index_cast %add3A_117 : i32 to index
      %get3A_119 = tpu.vector_load %arg6[%get3A_118] {strides = array<i32>} : memref<10240xf32, #tpu.memory_space<vmem>>, vector<16xf32>,
      %add3A_120 = arith.addf %add3A_113, %get3A_119 : vector<16xf32>
      %mul3A_121 = arith.constant 16 : i32
      %mul3A_122 = arith.muli %scan3A_67, %mul3A_121 : i32
      %add3A_123 = arith.constant 5120 : i32
      %add3A_124 = arith.addi %add3A_123, %mul3A_122 : i32
      %get3A_125 = arith.index_cast %add3A_124 : i32 to index
      %get3A_126 = tpu.vector_load %arg6[%get3A_125] {strides = array<i32>} : memref<10240xf32, #tpu.memory_space<vmem>>, vector<16xf32>,
      %add3A_127 = arith.addf %add3A_120, %get3A_126 : vector<16xf32>
      %mul3A_128 = arith.constant 16 : i32
      %mul3A_129 = arith.muli %scan3A_67, %mul3A_128 : i32
      %add3A_130 = arith.constant 5760 : i32
      %add3A_131 = arith.addi %add3A_130, %mul3A_129 : i32
      %get3A_132 = arith.index_cast %add3A_131 : i32 to index
      %get3A_133 = tpu.vector_load %arg6[%get3A_132] {strides = array<i32>} : memref<10240xf32, #tpu.memory_space<vmem>>, vector<16xf32>,
      %add3A_134 = arith.addf %add3A_127, %get3A_133 : vector<16xf32>
      %mul3A_135 = arith.constant 16 : i32
      %mul3A_136 = arith.muli %scan3A_67, %mul3A_135 : i32
      %add3A_137 = arith.constant 6400 : i32
      %add3A_138 = arith.addi %add3A_137, %mul3A_136 : i32
      %get3A_139 = arith.index_cast %add3A_138 : i32 to index
      %get3A_140 = tpu.vector_load %arg6[%get3A_139] {strides = array<i32>} : memref<10240xf32, #tpu.memory_space<vmem>>, vector<16xf32>,
      %add3A_141 = arith.addf %add3A_134, %get3A_140 : vector<16xf32>
      %mul3A_142 = arith.constant 16 : i32
      %mul3A_143 = arith.muli %scan3A_67, %mul3A_142 : i32
      %add3A_144 = arith.constant 7040 : i32
      %add3A_145 = arith.addi %add3A_144, %mul3A_143 : i32
      %get3A_146 = arith.index_cast %add3A_145 : i32 to index
      %get3A_147 = tpu.vector_load %arg6[%get3A_146] {strides = array<i32>} : memref<10240xf32, #tpu.memory_space<vmem>>, vector<16xf32>,
      %add3A_148 = arith.addf %add3A_141, %get3A_147 : vector<16xf32>
      %mul3A_149 = arith.constant 16 : i32
      %mul3A_150 = arith.muli %scan3A_67, %mul3A_149 : i32
      %add3A_151 = arith.constant 7680 : i32
      %add3A_152 = arith.addi %add3A_151, %mul3A_150 : i32
      %get3A_153 = arith.index_cast %add3A_152 : i32 to index
      %get3A_154 = tpu.vector_load %arg6[%get3A_153] {strides = array<i32>} : memref<10240xf32, #tpu.memory_space<vmem>>, vector<16xf32>,
      %add3A_155 = arith.addf %add3A_148, %get3A_154 : vector<16xf32>
      %mul3A_156 = arith.constant 16 : i32
      %mul3A_157 = arith.muli %scan3A_67, %mul3A_156 : i32
      %add3A_158 = arith.constant 8320 : i32
      %add3A_159 = arith.addi %add3A_158, %mul3A_157 : i32
      %get3A_160 = arith.index_cast %add3A_159 : i32 to index
      %get3A_161 = tpu.vector_load %arg6[%get3A_160] {strides = array<i32>} : memref<10240xf32, #tpu.memory_space<vmem>>, vector<16xf32>,
      %add3A_162 = arith.addf %add3A_155, %get3A_161 : vector<16xf32>
      %mul3A_163 = arith.constant 16 : i32
      %mul3A_164 = arith.muli %scan3A_67, %mul3A_163 : i32
      %add3A_165 = arith.constant 8960 : i32
      %add3A_166 = arith.addi %add3A_165, %mul3A_164 : i32
      %get3A_167 = arith.index_cast %add3A_166 : i32 to index
      %get3A_168 = tpu.vector_load %arg6[%get3A_167] {strides = array<i32>} : memref<10240xf32, #tpu.memory_space<vmem>>, vector<16xf32>,
      %add3A_169 = arith.addf %add3A_162, %get3A_168 : vector<16xf32>
      %mul3A_170 = arith.constant 16 : i32
      %mul3A_171 = arith.muli %scan3A_67, %mul3A_170 : i32
      %add3A_172 = arith.constant 9600 : i32
      %add3A_173 = arith.addi %add3A_172, %mul3A_171 : i32
      %get3A_174 = arith.index_cast %add3A_173 : i32 to index
      %get3A_175 = tpu.vector_load %arg6[%get3A_174] {strides = array<i32>} : memref<10240xf32, #tpu.memory_space<vmem>>, vector<16xf32>,
      %add3A_176 = arith.addf %add3A_169, %get3A_175 : vector<16xf32>
      %mul3A_177 = arith.constant 16 : i32
      %mul3A_178 = arith.muli %scan3A_67, %mul3A_177 : i32
      %swap3A = arith.index_cast %mul3A_178 : i32 to index
      %swap3A_179 = tpu.vector_load %arg5[%swap3A] {strides = array<i32>} : memref<10240xf32, #tpu.memory_space<vmem>>, vector<16xf32>,
      tpu.vector_store %arg5[%swap3A], %add3A_176 {strides = array<i32>} : memref<10240xf32, #tpu.memory_space<vmem>>, vector<16xf32>,
      %scan3A_180 = arith.constant 0 : i32
      scf.yield %scan3A_180 : i32
    }
    %scan3A_63 = arith.constant 40 : i32
    %mul3A_64 = arith.constant 10240 : i32
    %mul3A_65 = arith.muli %arg0, %mul3A_64 : i32
    %add3A_66 = arith.addi %mul3A_65, %mul3A_24 : i32
    "tpu.region"() ({
      %run_scoped3A = tpu.sem_alloc : memref<!tpu.dma_semaphore, #tpu.memory_space<semaphore_mem>>
      %dma_start3A_67 = arith.constant 0 : i32
      %dma_start3A_68 = tpu.memref_slice %arg5[%dma_start3A_67] : memref<10240xf32, #tpu.memory_space<vmem>> -> memref<640xf32, #tpu.memory_space<vmem>>
      %dma_start3A_69 = tpu.memref_slice %arg3[%add3A_66] : memref<20480xf32, #tpu.memory_space<hbm>> -> memref<640xf32, #tpu.memory_space<hbm>>
      %dma_start3A_70 = tpu.memref_slice %arg3[%add3A_66] : memref<20480xf32, #tpu.memory_space<hbm>> -> memref<640xf32, #tpu.memory_space<hbm>>
      %dma_start3A_71 = arith.constant 0 : i32
      %dma_start3A_72 = tpu.memref_slice %arg5[%dma_start3A_71] : memref<10240xf32, #tpu.memory_space<vmem>> -> memref<640xf32, #tpu.memory_space<vmem>>
      tpu.enqueue_dma source(%dma_start3A_72 : memref<640xf32, #tpu.memory_space<vmem>>) target(%dma_start3A_70 : memref<640xf32, #tpu.memory_space<hbm>>) target_semaphore(%run_scoped3A : memref<!tpu.dma_semaphore, #tpu.memory_space<semaphore_mem>>)
      %dma_wait3A_73 = arith.constant 0 : i32
      %dma_wait3A_74 = tpu.memref_slice %arg5[%dma_wait3A_73] : memref<10240xf32, #tpu.memory_space<vmem>> -> memref<640xf32, #tpu.memory_space<vmem>>
      %dma_wait3A_75 = tpu.memref_slice %arg3[%add3A_66] : memref<20480xf32, #tpu.memory_space<hbm>> -> memref<640xf32, #tpu.memory_space<hbm>>
      %dma_wait3A_76 = tpu.memref_slice %arg3[%add3A_66] : memref<20480xf32, #tpu.memory_space<hbm>> -> memref<640xf32, #tpu.memory_space<hbm>>
      %dma_wait3A_77 = arith.constant 0 : i32
      %dma_wait3A_78 = tpu.memref_slice %arg5[%dma_wait3A_77] : memref<10240xf32, #tpu.memory_space<vmem>> -> memref<640xf32, #tpu.memory_space<vmem>>
      tpu.wait_dma2 semaphore(%run_scoped3A : memref<!tpu.dma_semaphore, #tpu.memory_space<semaphore_mem>>) src(%dma_wait3A_78 : memref<640xf32, #tpu.memory_space<vmem>>) dst(%dma_wait3A_76 : memref<640xf32, #tpu.memory_space<hbm>>)
      tpu.yield
    }) : () -> ()
    return
  }
}

#map = affine_map<(d0, d1) -> (0, 0)>
#map1 = affine_map<(d0, d1) -> (0)>
#map2 = affine_map<(d0, d1) -> (0, 0, 0)>
module attributes {stable_mosaic.version = 14 : i64} {
  func.func @_sc_segment_sum_body(%arg0: i32, %arg1: i32, %arg2: memref<10000x128xf32, #tpu.memory_space<hbm>>, %arg3: memref<640000xi32, #tpu.memory_space<hbm>>, %arg4: memref<2x10240x128xf32, #tpu.memory_space<hbm>>, %arg5: memref<64xi32, #tpu.memory_space<vmem>>, %arg6: memref<64xi32, #tpu.memory_space<vmem>>, %arg7: memref<64xi32, #tpu.memory_space<vmem>>, %arg8: memref<64xi32, #tpu.memory_space<vmem>>, %arg9: memref<64xi32, #tpu.memory_space<vmem>>, %arg10: memref<64xi32, #tpu.memory_space<vmem>>, %arg11: memref<64xi32, #tpu.memory_space<vmem>>, %arg12: memref<64xi32, #tpu.memory_space<vmem>>, %arg13: memref<64x128xf32, #tpu.memory_space<vmem>>, %arg14: memref<64x128xf32, #tpu.memory_space<vmem>>, %arg15: memref<64x128xf32, #tpu.memory_space<vmem>>, %arg16: memref<64x128xf32, #tpu.memory_space<vmem>>, %arg17: memref<16xi32, #tpu.memory_space<vmem>>, %arg18: memref<16xi32, #tpu.memory_space<vmem>>, %arg19: memref<16x128xf32, #tpu.memory_space<vmem>>, %arg20: memref<10240x128xf32, #tpu.memory_space<vmem_shared>>, %arg21: memref<!tpu.dma_semaphore, #tpu.memory_space<semaphore_mem>>, %arg22: memref<!tpu.dma_semaphore, #tpu.memory_space<semaphore_mem>>, %arg23: memref<!tpu.dma_semaphore, #tpu.memory_space<semaphore_mem>>, %arg24: memref<!tpu.dma_semaphore, #tpu.memory_space<semaphore_mem>>, %arg25: memref<!tpu.dma_semaphore, #tpu.memory_space<semaphore_mem>>, %arg26: memref<!tpu.dma_semaphore, #tpu.memory_space<semaphore_mem>>, %arg27: memref<!tpu.dma_semaphore, #tpu.memory_space<semaphore_mem>>, %arg28: memref<!tpu.dma_semaphore, #tpu.memory_space<semaphore_mem>>, %arg29: memref<!tpu.dma_semaphore, #tpu.memory_space<semaphore_mem>>, %arg30: memref<!tpu.dma_semaphore, #tpu.memory_space<semaphore_mem>>, %arg31: memref<!tpu.dma_semaphore, #tpu.memory_space<semaphore_mem>>, %arg32: memref<!tpu.dma_semaphore, #tpu.memory_space<semaphore_mem>>, %arg33: memref<!tpu.dma_semaphore, #tpu.memory_space<semaphore_mem>>, %arg34: memref<!tpu.dma_semaphore, #tpu.memory_space<semaphore_mem>>, %arg35: memref<!tpu.dma_semaphore, #tpu.memory_space<semaphore_mem>>, %arg36: memref<!tpu.dma_semaphore, #tpu.memory_space<semaphore_mem>>) attributes {dimension_semantics = [#tpu.dimension_semantics<core_parallel>, #tpu.dimension_semantics<subcore_parallel>], iteration_bounds = array<i64: 2, 16>, scalar_prefetch = 0 : i64, scratch_operands = 32 : i64, tpu.core_type = #tpu.core_type<sc_vector_subcore>, window_params = [{transform_indices = #map}, {transform_indices = #map1}, {transform_indices = #map2}]} {
    %mul3A = arith.constant 16 : i32
    %mul3A_0 = arith.muli %arg0, %mul3A : i32
    %add3A = arith.addi %mul3A_0, %arg1 : i32
    %mul3A_1 = arith.constant 10000 : i32
    %mul3A_2 = arith.muli %add3A, %mul3A_1 : i32
    %mul3A_3 = arith.constant 10000 : i32
    %mul3A_4 = arith.muli %add3A, %mul3A_3 : i32
    %add3A_5 = arith.constant 320000 : i32
    %add3A_6 = arith.addi %add3A_5, %mul3A_4 : i32
    %add3A_7 = arith.constant 0 : i32
    %add3A_8 = arith.addi %mul3A_2, %add3A_7 : i32
    %dma_start3A = tpu.memref_slice %arg3[%add3A_8] : memref<640000xi32, #tpu.memory_space<hbm>> -> memref<64xi32, #tpu.memory_space<hbm>>
    %dma_start3A_9 = tpu.memref_slice %arg3[%add3A_8] : memref<640000xi32, #tpu.memory_space<hbm>> -> memref<64xi32, #tpu.memory_space<hbm>>
    tpu.enqueue_dma source(%dma_start3A_9 : memref<64xi32, #tpu.memory_space<hbm>>) target(%arg5 : memref<64xi32, #tpu.memory_space<vmem>>) target_semaphore(%arg21 : memref<!tpu.dma_semaphore, #tpu.memory_space<semaphore_mem>>)
    %add3A_10 = arith.constant 64 : i32
    %add3A_11 = arith.addi %mul3A_2, %add3A_10 : i32
    %dma_start3A_12 = tpu.memref_slice %arg3[%add3A_11] : memref<640000xi32, #tpu.memory_space<hbm>> -> memref<64xi32, #tpu.memory_space<hbm>>
    %dma_start3A_13 = tpu.memref_slice %arg3[%add3A_11] : memref<640000xi32, #tpu.memory_space<hbm>> -> memref<64xi32, #tpu.memory_space<hbm>>
    tpu.enqueue_dma source(%dma_start3A_13 : memref<64xi32, #tpu.memory_space<hbm>>) target(%arg6 : memref<64xi32, #tpu.memory_space<vmem>>) target_semaphore(%arg22 : memref<!tpu.dma_semaphore, #tpu.memory_space<semaphore_mem>>)
    %add3A_14 = arith.constant 128 : i32
    %add3A_15 = arith.addi %mul3A_2, %add3A_14 : i32
    %dma_start3A_16 = tpu.memref_slice %arg3[%add3A_15] : memref<640000xi32, #tpu.memory_space<hbm>> -> memref<64xi32, #tpu.memory_space<hbm>>
    %dma_start3A_17 = tpu.memref_slice %arg3[%add3A_15] : memref<640000xi32, #tpu.memory_space<hbm>> -> memref<64xi32, #tpu.memory_space<hbm>>
    tpu.enqueue_dma source(%dma_start3A_17 : memref<64xi32, #tpu.memory_space<hbm>>) target(%arg7 : memref<64xi32, #tpu.memory_space<vmem>>) target_semaphore(%arg23 : memref<!tpu.dma_semaphore, #tpu.memory_space<semaphore_mem>>)
    %add3A_18 = arith.constant 192 : i32
    %add3A_19 = arith.addi %mul3A_2, %add3A_18 : i32
    %dma_start3A_20 = tpu.memref_slice %arg3[%add3A_19] : memref<640000xi32, #tpu.memory_space<hbm>> -> memref<64xi32, #tpu.memory_space<hbm>>
    %dma_start3A_21 = tpu.memref_slice %arg3[%add3A_19] : memref<640000xi32, #tpu.memory_space<hbm>> -> memref<64xi32, #tpu.memory_space<hbm>>
    tpu.enqueue_dma source(%dma_start3A_21 : memref<64xi32, #tpu.memory_space<hbm>>) target(%arg8 : memref<64xi32, #tpu.memory_space<vmem>>) target_semaphore(%arg24 : memref<!tpu.dma_semaphore, #tpu.memory_space<semaphore_mem>>)
    %add3A_22 = arith.constant 0 : i32
    %add3A_23 = arith.addi %add3A_6, %add3A_22 : i32
    %dma_start3A_24 = tpu.memref_slice %arg3[%add3A_23] : memref<640000xi32, #tpu.memory_space<hbm>> -> memref<64xi32, #tpu.memory_space<hbm>>
    %dma_start3A_25 = tpu.memref_slice %arg3[%add3A_23] : memref<640000xi32, #tpu.memory_space<hbm>> -> memref<64xi32, #tpu.memory_space<hbm>>
    tpu.enqueue_dma source(%dma_start3A_25 : memref<64xi32, #tpu.memory_space<hbm>>) target(%arg9 : memref<64xi32, #tpu.memory_space<vmem>>) target_semaphore(%arg25 : memref<!tpu.dma_semaphore, #tpu.memory_space<semaphore_mem>>)
    %add3A_26 = arith.constant 64 : i32
    %add3A_27 = arith.addi %add3A_6, %add3A_26 : i32
    %dma_start3A_28 = tpu.memref_slice %arg3[%add3A_27] : memref<640000xi32, #tpu.memory_space<hbm>> -> memref<64xi32, #tpu.memory_space<hbm>>
    %dma_start3A_29 = tpu.memref_slice %arg3[%add3A_27] : memref<640000xi32, #tpu.memory_space<hbm>> -> memref<64xi32, #tpu.memory_space<hbm>>
    tpu.enqueue_dma source(%dma_start3A_29 : memref<64xi32, #tpu.memory_space<hbm>>) target(%arg10 : memref<64xi32, #tpu.memory_space<vmem>>) target_semaphore(%arg26 : memref<!tpu.dma_semaphore, #tpu.memory_space<semaphore_mem>>)
    %broadcast_in_dim3A = arith.constant 0.000000e+00 : f32
    %broadcast_in_dim3A_30 = vector.broadcast %broadcast_in_dim3A : f32 to vector<16xf32>
    %scan3A = arith.constant 0 : i32
    %scan3A_31 = arith.constant 0 : i32
    %scan3A_32 = arith.constant 64 : i32
    %scan3A_33 = arith.addi %scan3A_31, %scan3A_32 : i32
    %scan3A_34 = arith.constant 1 : i32
    %scan3A_35 = scf.for %scan3A_113 = %scan3A_31 to %scan3A_33 step %scan3A_34 iter_args(%scan3A_114 = %scan3A) -> (i32)  : i32 {
      %swap3A = arith.index_cast %scan3A_113 : i32 to index
      %swap3A_115 = arith.constant 0 : index
      %swap3A_116 = tpu.vector_load %arg13[%swap3A, %swap3A_115] {strides = array<i32>} : memref<64x128xf32, #tpu.memory_space<vmem>>, vector<1x16xf32>,
      %swap3A_117 = vector.shape_cast %swap3A_116 : vector<1x16xf32> to vector<16xf32>
      %swap3A_118 = vector.shape_cast %broadcast_in_dim3A_30 : vector<16xf32> to vector<1x16xf32>
      tpu.vector_store %arg13[%swap3A, %swap3A_115], %swap3A_118 {strides = array<i32>} : memref<64x128xf32, #tpu.memory_space<vmem>>, vector<1x16xf32>,
      %swap3A_119 = arith.index_cast %scan3A_113 : i32 to index
      %swap3A_120 = arith.constant 16 : index
      %swap3A_121 = tpu.vector_load %arg13[%swap3A_119, %swap3A_120] {strides = array<i32>} : memref<64x128xf32, #tpu.memory_space<vmem>>, vector<1x16xf32>,
      %swap3A_122 = vector.shape_cast %swap3A_121 : vector<1x16xf32> to vector<16xf32>
      %swap3A_123 = vector.shape_cast %broadcast_in_dim3A_30 : vector<16xf32> to vector<1x16xf32>
      tpu.vector_store %arg13[%swap3A_119, %swap3A_120], %swap3A_123 {strides = array<i32>} : memref<64x128xf32, #tpu.memory_space<vmem>>, vector<1x16xf32>,
      %swap3A_124 = arith.index_cast %scan3A_113 : i32 to index
      %swap3A_125 = arith.constant 32 : index
      %swap3A_126 = tpu.vector_load %arg13[%swap3A_124, %swap3A_125] {strides = array<i32>} : memref<64x128xf32, #tpu.memory_space<vmem>>, vector<1x16xf32>,
      %swap3A_127 = vector.shape_cast %swap3A_126 : vector<1x16xf32> to vector<16xf32>
      %swap3A_128 = vector.shape_cast %broadcast_in_dim3A_30 : vector<16xf32> to vector<1x16xf32>
      tpu.vector_store %arg13[%swap3A_124, %swap3A_125], %swap3A_128 {strides = array<i32>} : memref<64x128xf32, #tpu.memory_space<vmem>>, vector<1x16xf32>,
      %swap3A_129 = arith.index_cast %scan3A_113 : i32 to index
      %swap3A_130 = arith.constant 48 : index
      %swap3A_131 = tpu.vector_load %arg13[%swap3A_129, %swap3A_130] {strides = array<i32>} : memref<64x128xf32, #tpu.memory_space<vmem>>, vector<1x16xf32>,
      %swap3A_132 = vector.shape_cast %swap3A_131 : vector<1x16xf32> to vector<16xf32>
      %swap3A_133 = vector.shape_cast %broadcast_in_dim3A_30 : vector<16xf32> to vector<1x16xf32>
      tpu.vector_store %arg13[%swap3A_129, %swap3A_130], %swap3A_133 {strides = array<i32>} : memref<64x128xf32, #tpu.memory_space<vmem>>, vector<1x16xf32>,
      %swap3A_134 = arith.index_cast %scan3A_113 : i32 to index
      %swap3A_135 = arith.constant 64 : index
      %swap3A_136 = tpu.vector_load %arg13[%swap3A_134, %swap3A_135] {strides = array<i32>} : memref<64x128xf32, #tpu.memory_space<vmem>>, vector<1x16xf32>,
      %swap3A_137 = vector.shape_cast %swap3A_136 : vector<1x16xf32> to vector<16xf32>
      %swap3A_138 = vector.shape_cast %broadcast_in_dim3A_30 : vector<16xf32> to vector<1x16xf32>
      tpu.vector_store %arg13[%swap3A_134, %swap3A_135], %swap3A_138 {strides = array<i32>} : memref<64x128xf32, #tpu.memory_space<vmem>>, vector<1x16xf32>,
      %swap3A_139 = arith.index_cast %scan3A_113 : i32 to index
      %swap3A_140 = arith.constant 80 : index
      %swap3A_141 = tpu.vector_load %arg13[%swap3A_139, %swap3A_140] {strides = array<i32>} : memref<64x128xf32, #tpu.memory_space<vmem>>, vector<1x16xf32>,
      %swap3A_142 = vector.shape_cast %swap3A_141 : vector<1x16xf32> to vector<16xf32>
      %swap3A_143 = vector.shape_cast %broadcast_in_dim3A_30 : vector<16xf32> to vector<1x16xf32>
      tpu.vector_store %arg13[%swap3A_139, %swap3A_140], %swap3A_143 {strides = array<i32>} : memref<64x128xf32, #tpu.memory_space<vmem>>, vector<1x16xf32>,
      %swap3A_144 = arith.index_cast %scan3A_113 : i32 to index
      %swap3A_145 = arith.constant 96 : index
      %swap3A_146 = tpu.vector_load %arg13[%swap3A_144, %swap3A_145] {strides = array<i32>} : memref<64x128xf32, #tpu.memory_space<vmem>>, vector<1x16xf32>,
      %swap3A_147 = vector.shape_cast %swap3A_146 : vector<1x16xf32> to vector<16xf32>
      %swap3A_148 = vector.shape_cast %broadcast_in_dim3A_30 : vector<16xf32> to vector<1x16xf32>
      tpu.vector_store %arg13[%swap3A_144, %swap3A_145], %swap3A_148 {strides = array<i32>} : memref<64x128xf32, #tpu.memory_space<vmem>>, vector<1x16xf32>,
      %swap3A_149 = arith.index_cast %scan3A_113 : i32 to index
      %swap3A_150 = arith.constant 112 : index
      %swap3A_151 = tpu.vector_load %arg13[%swap3A_149, %swap3A_150] {strides = array<i32>} : memref<64x128xf32, #tpu.memory_space<vmem>>, vector<1x16xf32>,
      %swap3A_152 = vector.shape_cast %swap3A_151 : vector<1x16xf32> to vector<16xf32>
      %swap3A_153 = vector.shape_cast %broadcast_in_dim3A_30 : vector<16xf32> to vector<1x16xf32>
      tpu.vector_store %arg13[%swap3A_149, %swap3A_150], %swap3A_153 {strides = array<i32>} : memref<64x128xf32, #tpu.memory_space<vmem>>, vector<1x16xf32>,
      %scan3A_154 = arith.constant 0 : i32
      scf.yield %scan3A_154 : i32
    }
    %scan3A_36 = arith.constant 64 : i32
    %broadcast_in_dim3A_37 = arith.constant 0.000000e+00 : f32
    %broadcast_in_dim3A_38 = vector.broadcast %broadcast_in_dim3A_37 : f32 to vector<16xf32>
    %scan3A_39 = arith.constant 0 : i32
    %scan3A_40 = arith.constant 0 : i32
    %scan3A_41 = arith.constant 64 : i32
    %scan3A_42 = arith.addi %scan3A_40, %scan3A_41 : i32
    %scan3A_43 = arith.constant 1 : i32
    %scan3A_44 = scf.for %scan3A_113 = %scan3A_40 to %scan3A_42 step %scan3A_43 iter_args(%scan3A_114 = %scan3A_39) -> (i32)  : i32 {
      %swap3A = arith.index_cast %scan3A_113 : i32 to index
      %swap3A_115 = arith.constant 0 : index
      %swap3A_116 = tpu.vector_load %arg14[%swap3A, %swap3A_115] {strides = array<i32>} : memref<64x128xf32, #tpu.memory_space<vmem>>, vector<1x16xf32>,
      %swap3A_117 = vector.shape_cast %swap3A_116 : vector<1x16xf32> to vector<16xf32>
      %swap3A_118 = vector.shape_cast %broadcast_in_dim3A_38 : vector<16xf32> to vector<1x16xf32>
      tpu.vector_store %arg14[%swap3A, %swap3A_115], %swap3A_118 {strides = array<i32>} : memref<64x128xf32, #tpu.memory_space<vmem>>, vector<1x16xf32>,
      %swap3A_119 = arith.index_cast %scan3A_113 : i32 to index
      %swap3A_120 = arith.constant 16 : index
      %swap3A_121 = tpu.vector_load %arg14[%swap3A_119, %swap3A_120] {strides = array<i32>} : memref<64x128xf32, #tpu.memory_space<vmem>>, vector<1x16xf32>,
      %swap3A_122 = vector.shape_cast %swap3A_121 : vector<1x16xf32> to vector<16xf32>
      %swap3A_123 = vector.shape_cast %broadcast_in_dim3A_38 : vector<16xf32> to vector<1x16xf32>
      tpu.vector_store %arg14[%swap3A_119, %swap3A_120], %swap3A_123 {strides = array<i32>} : memref<64x128xf32, #tpu.memory_space<vmem>>, vector<1x16xf32>,
      %swap3A_124 = arith.index_cast %scan3A_113 : i32 to index
      %swap3A_125 = arith.constant 32 : index
      %swap3A_126 = tpu.vector_load %arg14[%swap3A_124, %swap3A_125] {strides = array<i32>} : memref<64x128xf32, #tpu.memory_space<vmem>>, vector<1x16xf32>,
      %swap3A_127 = vector.shape_cast %swap3A_126 : vector<1x16xf32> to vector<16xf32>
      %swap3A_128 = vector.shape_cast %broadcast_in_dim3A_38 : vector<16xf32> to vector<1x16xf32>
      tpu.vector_store %arg14[%swap3A_124, %swap3A_125], %swap3A_128 {strides = array<i32>} : memref<64x128xf32, #tpu.memory_space<vmem>>, vector<1x16xf32>,
      %swap3A_129 = arith.index_cast %scan3A_113 : i32 to index
      %swap3A_130 = arith.constant 48 : index
      %swap3A_131 = tpu.vector_load %arg14[%swap3A_129, %swap3A_130] {strides = array<i32>} : memref<64x128xf32, #tpu.memory_space<vmem>>, vector<1x16xf32>,
      %swap3A_132 = vector.shape_cast %swap3A_131 : vector<1x16xf32> to vector<16xf32>
      %swap3A_133 = vector.shape_cast %broadcast_in_dim3A_38 : vector<16xf32> to vector<1x16xf32>
      tpu.vector_store %arg14[%swap3A_129, %swap3A_130], %swap3A_133 {strides = array<i32>} : memref<64x128xf32, #tpu.memory_space<vmem>>, vector<1x16xf32>,
      %swap3A_134 = arith.index_cast %scan3A_113 : i32 to index
      %swap3A_135 = arith.constant 64 : index
      %swap3A_136 = tpu.vector_load %arg14[%swap3A_134, %swap3A_135] {strides = array<i32>} : memref<64x128xf32, #tpu.memory_space<vmem>>, vector<1x16xf32>,
      %swap3A_137 = vector.shape_cast %swap3A_136 : vector<1x16xf32> to vector<16xf32>
      %swap3A_138 = vector.shape_cast %broadcast_in_dim3A_38 : vector<16xf32> to vector<1x16xf32>
      tpu.vector_store %arg14[%swap3A_134, %swap3A_135], %swap3A_138 {strides = array<i32>} : memref<64x128xf32, #tpu.memory_space<vmem>>, vector<1x16xf32>,
      %swap3A_139 = arith.index_cast %scan3A_113 : i32 to index
      %swap3A_140 = arith.constant 80 : index
      %swap3A_141 = tpu.vector_load %arg14[%swap3A_139, %swap3A_140] {strides = array<i32>} : memref<64x128xf32, #tpu.memory_space<vmem>>, vector<1x16xf32>,
      %swap3A_142 = vector.shape_cast %swap3A_141 : vector<1x16xf32> to vector<16xf32>
      %swap3A_143 = vector.shape_cast %broadcast_in_dim3A_38 : vector<16xf32> to vector<1x16xf32>
      tpu.vector_store %arg14[%swap3A_139, %swap3A_140], %swap3A_143 {strides = array<i32>} : memref<64x128xf32, #tpu.memory_space<vmem>>, vector<1x16xf32>,
      %swap3A_144 = arith.index_cast %scan3A_113 : i32 to index
      %swap3A_145 = arith.constant 96 : index
      %swap3A_146 = tpu.vector_load %arg14[%swap3A_144, %swap3A_145] {strides = array<i32>} : memref<64x128xf32, #tpu.memory_space<vmem>>, vector<1x16xf32>,
      %swap3A_147 = vector.shape_cast %swap3A_146 : vector<1x16xf32> to vector<16xf32>
      %swap3A_148 = vector.shape_cast %broadcast_in_dim3A_38 : vector<16xf32> to vector<1x16xf32>
      tpu.vector_store %arg14[%swap3A_144, %swap3A_145], %swap3A_148 {strides = array<i32>} : memref<64x128xf32, #tpu.memory_space<vmem>>, vector<1x16xf32>,
      %swap3A_149 = arith.index_cast %scan3A_113 : i32 to index
      %swap3A_150 = arith.constant 112 : index
      %swap3A_151 = tpu.vector_load %arg14[%swap3A_149, %swap3A_150] {strides = array<i32>} : memref<64x128xf32, #tpu.memory_space<vmem>>, vector<1x16xf32>,
      %swap3A_152 = vector.shape_cast %swap3A_151 : vector<1x16xf32> to vector<16xf32>
      %swap3A_153 = vector.shape_cast %broadcast_in_dim3A_38 : vector<16xf32> to vector<1x16xf32>
      tpu.vector_store %arg14[%swap3A_149, %swap3A_150], %swap3A_153 {strides = array<i32>} : memref<64x128xf32, #tpu.memory_space<vmem>>, vector<1x16xf32>,
      %scan3A_154 = arith.constant 0 : i32
      scf.yield %scan3A_154 : i32
    }
    %scan3A_45 = arith.constant 64 : i32
    %mul3A_46 = arith.constant 640 : i32
    %mul3A_47 = arith.muli %arg1, %mul3A_46 : i32
    %add3A_48 = arith.constant 0 : i32
    %add3A_49 = arith.addi %mul3A_47, %add3A_48 : i32
    "tpu.region"() ({
      %run_scoped3A = tpu.sem_alloc : memref<!tpu.dma_semaphore, #tpu.memory_space<semaphore_mem>>
      %dma_start3A_113 = arith.constant 0 : i32
      %dma_start3A_114 = arith.constant 0 : i32
      %dma_start3A_115 = tpu.memref_slice %arg13[%dma_start3A_113, %dma_start3A_114] : memref<64x128xf32, #tpu.memory_space<vmem>> -> memref<64x128xf32, #tpu.memory_space<vmem>>
      %dma_start3A_116 = arith.constant 0 : i32
      %dma_start3A_117 = tpu.memref_slice %arg20[%add3A_49, %dma_start3A_116] : memref<10240x128xf32, #tpu.memory_space<vmem_shared>> -> memref<64x128xf32, #tpu.memory_space<vmem_shared>>
      %dma_start3A_118 = arith.constant 0 : i32
      %dma_start3A_119 = tpu.memref_slice %arg20[%add3A_49, %dma_start3A_118] : memref<10240x128xf32, #tpu.memory_space<vmem_shared>> -> memref<64x128xf32, #tpu.memory_space<vmem_shared>>
      %dma_start3A_120 = arith.constant 0 : i32
      %dma_start3A_121 = arith.constant 0 : i32
      %dma_start3A_122 = tpu.memref_slice %arg13[%dma_start3A_120, %dma_start3A_121] : memref<64x128xf32, #tpu.memory_space<vmem>> -> memref<64x128xf32, #tpu.memory_space<vmem>>
      tpu.enqueue_dma source(%dma_start3A_122 : memref<64x128xf32, #tpu.memory_space<vmem>>) target(%dma_start3A_119 : memref<64x128xf32, #tpu.memory_space<vmem_shared>>) target_semaphore(%run_scoped3A : memref<!tpu.dma_semaphore, #tpu.memory_space<semaphore_mem>>)
      %dma_wait3A_123 = arith.constant 0 : i32
      %dma_wait3A_124 = arith.constant 0 : i32
      %dma_wait3A_125 = tpu.memref_slice %arg13[%dma_wait3A_123, %dma_wait3A_124] : memref<64x128xf32, #tpu.memory_space<vmem>> -> memref<64x128xf32, #tpu.memory_space<vmem>>
      %dma_wait3A_126 = arith.constant 0 : i32
      %dma_wait3A_127 = tpu.memref_slice %arg20[%add3A_49, %dma_wait3A_126] : memref<10240x128xf32, #tpu.memory_space<vmem_shared>> -> memref<64x128xf32, #tpu.memory_space<vmem_shared>>
      %dma_wait3A_128 = arith.constant 0 : i32
      %dma_wait3A_129 = tpu.memref_slice %arg20[%add3A_49, %dma_wait3A_128] : memref<10240x128xf32, #tpu.memory_space<vmem_shared>> -> memref<64x128xf32, #tpu.memory_space<vmem_shared>>
      %dma_wait3A_130 = arith.constant 0 : i32
      %dma_wait3A_131 = arith.constant 0 : i32
      %dma_wait3A_132 = tpu.memref_slice %arg13[%dma_wait3A_130, %dma_wait3A_131] : memref<64x128xf32, #tpu.memory_space<vmem>> -> memref<64x128xf32, #tpu.memory_space<vmem>>
      tpu.wait_dma2 semaphore(%run_scoped3A : memref<!tpu.dma_semaphore, #tpu.memory_space<semaphore_mem>>) src(%dma_wait3A_132 : memref<64x128xf32, #tpu.memory_space<vmem>>) dst(%dma_wait3A_129 : memref<64x128xf32, #tpu.memory_space<vmem_shared>>)
      tpu.yield
    }) : () -> ()
    %add3A_50 = arith.constant 64 : i32
    %add3A_51 = arith.addi %mul3A_47, %add3A_50 : i32
    "tpu.region"() ({
      %run_scoped3A = tpu.sem_alloc : memref<!tpu.dma_semaphore, #tpu.memory_space<semaphore_mem>>
      %dma_start3A_113 = arith.constant 0 : i32
      %dma_start3A_114 = arith.constant 0 : i32
      %dma_start3A_115 = tpu.memref_slice %arg13[%dma_start3A_113, %dma_start3A_114] : memref<64x128xf32, #tpu.memory_space<vmem>> -> memref<64x128xf32, #tpu.memory_space<vmem>>
      %dma_start3A_116 = arith.constant 0 : i32
      %dma_start3A_117 = tpu.memref_slice %arg20[%add3A_51, %dma_start3A_116] : memref<10240x128xf32, #tpu.memory_space<vmem_shared>> -> memref<64x128xf32, #tpu.memory_space<vmem_shared>>
      %dma_start3A_118 = arith.constant 0 : i32
      %dma_start3A_119 = tpu.memref_slice %arg20[%add3A_51, %dma_start3A_118] : memref<10240x128xf32, #tpu.memory_space<vmem_shared>> -> memref<64x128xf32, #tpu.memory_space<vmem_shared>>
      %dma_start3A_120 = arith.constant 0 : i32
      %dma_start3A_121 = arith.constant 0 : i32
      %dma_start3A_122 = tpu.memref_slice %arg13[%dma_start3A_120, %dma_start3A_121] : memref<64x128xf32, #tpu.memory_space<vmem>> -> memref<64x128xf32, #tpu.memory_space<vmem>>
      tpu.enqueue_dma source(%dma_start3A_122 : memref<64x128xf32, #tpu.memory_space<vmem>>) target(%dma_start3A_119 : memref<64x128xf32, #tpu.memory_space<vmem_shared>>) target_semaphore(%run_scoped3A : memref<!tpu.dma_semaphore, #tpu.memory_space<semaphore_mem>>)
      %dma_wait3A_123 = arith.constant 0 : i32
      %dma_wait3A_124 = arith.constant 0 : i32
      %dma_wait3A_125 = tpu.memref_slice %arg13[%dma_wait3A_123, %dma_wait3A_124] : memref<64x128xf32, #tpu.memory_space<vmem>> -> memref<64x128xf32, #tpu.memory_space<vmem>>
      %dma_wait3A_126 = arith.constant 0 : i32
      %dma_wait3A_127 = tpu.memref_slice %arg20[%add3A_51, %dma_wait3A_126] : memref<10240x128xf32, #tpu.memory_space<vmem_shared>> -> memref<64x128xf32, #tpu.memory_space<vmem_shared>>
      %dma_wait3A_128 = arith.constant 0 : i32
      %dma_wait3A_129 = tpu.memref_slice %arg20[%add3A_51, %dma_wait3A_128] : memref<10240x128xf32, #tpu.memory_space<vmem_shared>> -> memref<64x128xf32, #tpu.memory_space<vmem_shared>>
      %dma_wait3A_130 = arith.constant 0 : i32
      %dma_wait3A_131 = arith.constant 0 : i32
      %dma_wait3A_132 = tpu.memref_slice %arg13[%dma_wait3A_130, %dma_wait3A_131] : memref<64x128xf32, #tpu.memory_space<vmem>> -> memref<64x128xf32, #tpu.memory_space<vmem>>
      tpu.wait_dma2 semaphore(%run_scoped3A : memref<!tpu.dma_semaphore, #tpu.memory_space<semaphore_mem>>) src(%dma_wait3A_132 : memref<64x128xf32, #tpu.memory_space<vmem>>) dst(%dma_wait3A_129 : memref<64x128xf32, #tpu.memory_space<vmem_shared>>)
      tpu.yield
    }) : () -> ()
    %add3A_52 = arith.constant 128 : i32
    %add3A_53 = arith.addi %mul3A_47, %add3A_52 : i32
    "tpu.region"() ({
      %run_scoped3A = tpu.sem_alloc : memref<!tpu.dma_semaphore, #tpu.memory_space<semaphore_mem>>
      %dma_start3A_113 = arith.constant 0 : i32
      %dma_start3A_114 = arith.constant 0 : i32
      %dma_start3A_115 = tpu.memref_slice %arg13[%dma_start3A_113, %dma_start3A_114] : memref<64x128xf32, #tpu.memory_space<vmem>> -> memref<64x128xf32, #tpu.memory_space<vmem>>
      %dma_start3A_116 = arith.constant 0 : i32
      %dma_start3A_117 = tpu.memref_slice %arg20[%add3A_53, %dma_start3A_116] : memref<10240x128xf32, #tpu.memory_space<vmem_shared>> -> memref<64x128xf32, #tpu.memory_space<vmem_shared>>
      %dma_start3A_118 = arith.constant 0 : i32
      %dma_start3A_119 = tpu.memref_slice %arg20[%add3A_53, %dma_start3A_118] : memref<10240x128xf32, #tpu.memory_space<vmem_shared>> -> memref<64x128xf32, #tpu.memory_space<vmem_shared>>
      %dma_start3A_120 = arith.constant 0 : i32
      %dma_start3A_121 = arith.constant 0 : i32
      %dma_start3A_122 = tpu.memref_slice %arg13[%dma_start3A_120, %dma_start3A_121] : memref<64x128xf32, #tpu.memory_space<vmem>> -> memref<64x128xf32, #tpu.memory_space<vmem>>
      tpu.enqueue_dma source(%dma_start3A_122 : memref<64x128xf32, #tpu.memory_space<vmem>>) target(%dma_start3A_119 : memref<64x128xf32, #tpu.memory_space<vmem_shared>>) target_semaphore(%run_scoped3A : memref<!tpu.dma_semaphore, #tpu.memory_space<semaphore_mem>>)
      %dma_wait3A_123 = arith.constant 0 : i32
      %dma_wait3A_124 = arith.constant 0 : i32
      %dma_wait3A_125 = tpu.memref_slice %arg13[%dma_wait3A_123, %dma_wait3A_124] : memref<64x128xf32, #tpu.memory_space<vmem>> -> memref<64x128xf32, #tpu.memory_space<vmem>>
      %dma_wait3A_126 = arith.constant 0 : i32
      %dma_wait3A_127 = tpu.memref_slice %arg20[%add3A_53, %dma_wait3A_126] : memref<10240x128xf32, #tpu.memory_space<vmem_shared>> -> memref<64x128xf32, #tpu.memory_space<vmem_shared>>
      %dma_wait3A_128 = arith.constant 0 : i32
      %dma_wait3A_129 = tpu.memref_slice %arg20[%add3A_53, %dma_wait3A_128] : memref<10240x128xf32, #tpu.memory_space<vmem_shared>> -> memref<64x128xf32, #tpu.memory_space<vmem_shared>>
      %dma_wait3A_130 = arith.constant 0 : i32
      %dma_wait3A_131 = arith.constant 0 : i32
      %dma_wait3A_132 = tpu.memref_slice %arg13[%dma_wait3A_130, %dma_wait3A_131] : memref<64x128xf32, #tpu.memory_space<vmem>> -> memref<64x128xf32, #tpu.memory_space<vmem>>
      tpu.wait_dma2 semaphore(%run_scoped3A : memref<!tpu.dma_semaphore, #tpu.memory_space<semaphore_mem>>) src(%dma_wait3A_132 : memref<64x128xf32, #tpu.memory_space<vmem>>) dst(%dma_wait3A_129 : memref<64x128xf32, #tpu.memory_space<vmem_shared>>)
      tpu.yield
    }) : () -> ()
    %add3A_54 = arith.constant 192 : i32
    %add3A_55 = arith.addi %mul3A_47, %add3A_54 : i32
    "tpu.region"() ({
      %run_scoped3A = tpu.sem_alloc : memref<!tpu.dma_semaphore, #tpu.memory_space<semaphore_mem>>
      %dma_start3A_113 = arith.constant 0 : i32
      %dma_start3A_114 = arith.constant 0 : i32
      %dma_start3A_115 = tpu.memref_slice %arg13[%dma_start3A_113, %dma_start3A_114] : memref<64x128xf32, #tpu.memory_space<vmem>> -> memref<64x128xf32, #tpu.memory_space<vmem>>
      %dma_start3A_116 = arith.constant 0 : i32
      %dma_start3A_117 = tpu.memref_slice %arg20[%add3A_55, %dma_start3A_116] : memref<10240x128xf32, #tpu.memory_space<vmem_shared>> -> memref<64x128xf32, #tpu.memory_space<vmem_shared>>
      %dma_start3A_118 = arith.constant 0 : i32
      %dma_start3A_119 = tpu.memref_slice %arg20[%add3A_55, %dma_start3A_118] : memref<10240x128xf32, #tpu.memory_space<vmem_shared>> -> memref<64x128xf32, #tpu.memory_space<vmem_shared>>
      %dma_start3A_120 = arith.constant 0 : i32
      %dma_start3A_121 = arith.constant 0 : i32
      %dma_start3A_122 = tpu.memref_slice %arg13[%dma_start3A_120, %dma_start3A_121] : memref<64x128xf32, #tpu.memory_space<vmem>> -> memref<64x128xf32, #tpu.memory_space<vmem>>
      tpu.enqueue_dma source(%dma_start3A_122 : memref<64x128xf32, #tpu.memory_space<vmem>>) target(%dma_start3A_119 : memref<64x128xf32, #tpu.memory_space<vmem_shared>>) target_semaphore(%run_scoped3A : memref<!tpu.dma_semaphore, #tpu.memory_space<semaphore_mem>>)
      %dma_wait3A_123 = arith.constant 0 : i32
      %dma_wait3A_124 = arith.constant 0 : i32
      %dma_wait3A_125 = tpu.memref_slice %arg13[%dma_wait3A_123, %dma_wait3A_124] : memref<64x128xf32, #tpu.memory_space<vmem>> -> memref<64x128xf32, #tpu.memory_space<vmem>>
      %dma_wait3A_126 = arith.constant 0 : i32
      %dma_wait3A_127 = tpu.memref_slice %arg20[%add3A_55, %dma_wait3A_126] : memref<10240x128xf32, #tpu.memory_space<vmem_shared>> -> memref<64x128xf32, #tpu.memory_space<vmem_shared>>
      %dma_wait3A_128 = arith.constant 0 : i32
      %dma_wait3A_129 = tpu.memref_slice %arg20[%add3A_55, %dma_wait3A_128] : memref<10240x128xf32, #tpu.memory_space<vmem_shared>> -> memref<64x128xf32, #tpu.memory_space<vmem_shared>>
      %dma_wait3A_130 = arith.constant 0 : i32
      %dma_wait3A_131 = arith.constant 0 : i32
      %dma_wait3A_132 = tpu.memref_slice %arg13[%dma_wait3A_130, %dma_wait3A_131] : memref<64x128xf32, #tpu.memory_space<vmem>> -> memref<64x128xf32, #tpu.memory_space<vmem>>
      tpu.wait_dma2 semaphore(%run_scoped3A : memref<!tpu.dma_semaphore, #tpu.memory_space<semaphore_mem>>) src(%dma_wait3A_132 : memref<64x128xf32, #tpu.memory_space<vmem>>) dst(%dma_wait3A_129 : memref<64x128xf32, #tpu.memory_space<vmem_shared>>)
      tpu.yield
    }) : () -> ()
    %add3A_56 = arith.constant 256 : i32
    %add3A_57 = arith.addi %mul3A_47, %add3A_56 : i32
    "tpu.region"() ({
      %run_scoped3A = tpu.sem_alloc : memref<!tpu.dma_semaphore, #tpu.memory_space<semaphore_mem>>
      %dma_start3A_113 = arith.constant 0 : i32
      %dma_start3A_114 = arith.constant 0 : i32
      %dma_start3A_115 = tpu.memref_slice %arg13[%dma_start3A_113, %dma_start3A_114] : memref<64x128xf32, #tpu.memory_space<vmem>> -> memref<64x128xf32, #tpu.memory_space<vmem>>
      %dma_start3A_116 = arith.constant 0 : i32
      %dma_start3A_117 = tpu.memref_slice %arg20[%add3A_57, %dma_start3A_116] : memref<10240x128xf32, #tpu.memory_space<vmem_shared>> -> memref<64x128xf32, #tpu.memory_space<vmem_shared>>
      %dma_start3A_118 = arith.constant 0 : i32
      %dma_start3A_119 = tpu.memref_slice %arg20[%add3A_57, %dma_start3A_118] : memref<10240x128xf32, #tpu.memory_space<vmem_shared>> -> memref<64x128xf32, #tpu.memory_space<vmem_shared>>
      %dma_start3A_120 = arith.constant 0 : i32
      %dma_start3A_121 = arith.constant 0 : i32
      %dma_start3A_122 = tpu.memref_slice %arg13[%dma_start3A_120, %dma_start3A_121] : memref<64x128xf32, #tpu.memory_space<vmem>> -> memref<64x128xf32, #tpu.memory_space<vmem>>
      tpu.enqueue_dma source(%dma_start3A_122 : memref<64x128xf32, #tpu.memory_space<vmem>>) target(%dma_start3A_119 : memref<64x128xf32, #tpu.memory_space<vmem_shared>>) target_semaphore(%run_scoped3A : memref<!tpu.dma_semaphore, #tpu.memory_space<semaphore_mem>>)
      %dma_wait3A_123 = arith.constant 0 : i32
      %dma_wait3A_124 = arith.constant 0 : i32
      %dma_wait3A_125 = tpu.memref_slice %arg13[%dma_wait3A_123, %dma_wait3A_124] : memref<64x128xf32, #tpu.memory_space<vmem>> -> memref<64x128xf32, #tpu.memory_space<vmem>>
      %dma_wait3A_126 = arith.constant 0 : i32
      %dma_wait3A_127 = tpu.memref_slice %arg20[%add3A_57, %dma_wait3A_126] : memref<10240x128xf32, #tpu.memory_space<vmem_shared>> -> memref<64x128xf32, #tpu.memory_space<vmem_shared>>
      %dma_wait3A_128 = arith.constant 0 : i32
      %dma_wait3A_129 = tpu.memref_slice %arg20[%add3A_57, %dma_wait3A_128] : memref<10240x128xf32, #tpu.memory_space<vmem_shared>> -> memref<64x128xf32, #tpu.memory_space<vmem_shared>>
      %dma_wait3A_130 = arith.constant 0 : i32
      %dma_wait3A_131 = arith.constant 0 : i32
      %dma_wait3A_132 = tpu.memref_slice %arg13[%dma_wait3A_130, %dma_wait3A_131] : memref<64x128xf32, #tpu.memory_space<vmem>> -> memref<64x128xf32, #tpu.memory_space<vmem>>
      tpu.wait_dma2 semaphore(%run_scoped3A : memref<!tpu.dma_semaphore, #tpu.memory_space<semaphore_mem>>) src(%dma_wait3A_132 : memref<64x128xf32, #tpu.memory_space<vmem>>) dst(%dma_wait3A_129 : memref<64x128xf32, #tpu.memory_space<vmem_shared>>)
      tpu.yield
    }) : () -> ()
    %mul3A_58 = arith.constant 640 : i32
    %mul3A_59 = arith.muli %arg1, %mul3A_58 : i32
    %add3A_60 = arith.constant 320 : i32
    %add3A_61 = arith.addi %mul3A_59, %add3A_60 : i32
    %add3A_62 = arith.constant 0 : i32
    %add3A_63 = arith.addi %add3A_61, %add3A_62 : i32
    "tpu.region"() ({
      %run_scoped3A = tpu.sem_alloc : memref<!tpu.dma_semaphore, #tpu.memory_space<semaphore_mem>>
      %dma_start3A_113 = arith.constant 0 : i32
      %dma_start3A_114 = arith.constant 0 : i32
      %dma_start3A_115 = tpu.memref_slice %arg14[%dma_start3A_113, %dma_start3A_114] : memref<64x128xf32, #tpu.memory_space<vmem>> -> memref<64x128xf32, #tpu.memory_space<vmem>>
      %dma_start3A_116 = arith.constant 0 : i32
      %dma_start3A_117 = tpu.memref_slice %arg20[%add3A_63, %dma_start3A_116] : memref<10240x128xf32, #tpu.memory_space<vmem_shared>> -> memref<64x128xf32, #tpu.memory_space<vmem_shared>>
      %dma_start3A_118 = arith.constant 0 : i32
      %dma_start3A_119 = tpu.memref_slice %arg20[%add3A_63, %dma_start3A_118] : memref<10240x128xf32, #tpu.memory_space<vmem_shared>> -> memref<64x128xf32, #tpu.memory_space<vmem_shared>>
      %dma_start3A_120 = arith.constant 0 : i32
      %dma_start3A_121 = arith.constant 0 : i32
      %dma_start3A_122 = tpu.memref_slice %arg14[%dma_start3A_120, %dma_start3A_121] : memref<64x128xf32, #tpu.memory_space<vmem>> -> memref<64x128xf32, #tpu.memory_space<vmem>>
      tpu.enqueue_dma source(%dma_start3A_122 : memref<64x128xf32, #tpu.memory_space<vmem>>) target(%dma_start3A_119 : memref<64x128xf32, #tpu.memory_space<vmem_shared>>) target_semaphore(%run_scoped3A : memref<!tpu.dma_semaphore, #tpu.memory_space<semaphore_mem>>)
      %dma_wait3A_123 = arith.constant 0 : i32
      %dma_wait3A_124 = arith.constant 0 : i32
      %dma_wait3A_125 = tpu.memref_slice %arg14[%dma_wait3A_123, %dma_wait3A_124] : memref<64x128xf32, #tpu.memory_space<vmem>> -> memref<64x128xf32, #tpu.memory_space<vmem>>
      %dma_wait3A_126 = arith.constant 0 : i32
      %dma_wait3A_127 = tpu.memref_slice %arg20[%add3A_63, %dma_wait3A_126] : memref<10240x128xf32, #tpu.memory_space<vmem_shared>> -> memref<64x128xf32, #tpu.memory_space<vmem_shared>>
      %dma_wait3A_128 = arith.constant 0 : i32
      %dma_wait3A_129 = tpu.memref_slice %arg20[%add3A_63, %dma_wait3A_128] : memref<10240x128xf32, #tpu.memory_space<vmem_shared>> -> memref<64x128xf32, #tpu.memory_space<vmem_shared>>
      %dma_wait3A_130 = arith.constant 0 : i32
      %dma_wait3A_131 = arith.constant 0 : i32
      %dma_wait3A_132 = tpu.memref_slice %arg14[%dma_wait3A_130, %dma_wait3A_131] : memref<64x128xf32, #tpu.memory_space<vmem>> -> memref<64x128xf32, #tpu.memory_space<vmem>>
      tpu.wait_dma2 semaphore(%run_scoped3A : memref<!tpu.dma_semaphore, #tpu.memory_space<semaphore_mem>>) src(%dma_wait3A_132 : memref<64x128xf32, #tpu.memory_space<vmem>>) dst(%dma_wait3A_129 : memref<64x128xf32, #tpu.memory_space<vmem_shared>>)
      tpu.yield
    }) : () -> ()
    %add3A_64 = arith.constant 64 : i32
    %add3A_65 = arith.addi %add3A_61, %add3A_64 : i32
    "tpu.region"() ({
      %run_scoped3A = tpu.sem_alloc : memref<!tpu.dma_semaphore, #tpu.memory_space<semaphore_mem>>
      %dma_start3A_113 = arith.constant 0 : i32
      %dma_start3A_114 = arith.constant 0 : i32
      %dma_start3A_115 = tpu.memref_slice %arg14[%dma_start3A_113, %dma_start3A_114] : memref<64x128xf32, #tpu.memory_space<vmem>> -> memref<64x128xf32, #tpu.memory_space<vmem>>
      %dma_start3A_116 = arith.constant 0 : i32
      %dma_start3A_117 = tpu.memref_slice %arg20[%add3A_65, %dma_start3A_116] : memref<10240x128xf32, #tpu.memory_space<vmem_shared>> -> memref<64x128xf32, #tpu.memory_space<vmem_shared>>
      %dma_start3A_118 = arith.constant 0 : i32
      %dma_start3A_119 = tpu.memref_slice %arg20[%add3A_65, %dma_start3A_118] : memref<10240x128xf32, #tpu.memory_space<vmem_shared>> -> memref<64x128xf32, #tpu.memory_space<vmem_shared>>
      %dma_start3A_120 = arith.constant 0 : i32
      %dma_start3A_121 = arith.constant 0 : i32
      %dma_start3A_122 = tpu.memref_slice %arg14[%dma_start3A_120, %dma_start3A_121] : memref<64x128xf32, #tpu.memory_space<vmem>> -> memref<64x128xf32, #tpu.memory_space<vmem>>
      tpu.enqueue_dma source(%dma_start3A_122 : memref<64x128xf32, #tpu.memory_space<vmem>>) target(%dma_start3A_119 : memref<64x128xf32, #tpu.memory_space<vmem_shared>>) target_semaphore(%run_scoped3A : memref<!tpu.dma_semaphore, #tpu.memory_space<semaphore_mem>>)
      %dma_wait3A_123 = arith.constant 0 : i32
      %dma_wait3A_124 = arith.constant 0 : i32
      %dma_wait3A_125 = tpu.memref_slice %arg14[%dma_wait3A_123, %dma_wait3A_124] : memref<64x128xf32, #tpu.memory_space<vmem>> -> memref<64x128xf32, #tpu.memory_space<vmem>>
      %dma_wait3A_126 = arith.constant 0 : i32
      %dma_wait3A_127 = tpu.memref_slice %arg20[%add3A_65, %dma_wait3A_126] : memref<10240x128xf32, #tpu.memory_space<vmem_shared>> -> memref<64x128xf32, #tpu.memory_space<vmem_shared>>
      %dma_wait3A_128 = arith.constant 0 : i32
      %dma_wait3A_129 = tpu.memref_slice %arg20[%add3A_65, %dma_wait3A_128] : memref<10240x128xf32, #tpu.memory_space<vmem_shared>> -> memref<64x128xf32, #tpu.memory_space<vmem_shared>>
      %dma_wait3A_130 = arith.constant 0 : i32
      %dma_wait3A_131 = arith.constant 0 : i32
      %dma_wait3A_132 = tpu.memref_slice %arg14[%dma_wait3A_130, %dma_wait3A_131] : memref<64x128xf32, #tpu.memory_space<vmem>> -> memref<64x128xf32, #tpu.memory_space<vmem>>
      tpu.wait_dma2 semaphore(%run_scoped3A : memref<!tpu.dma_semaphore, #tpu.memory_space<semaphore_mem>>) src(%dma_wait3A_132 : memref<64x128xf32, #tpu.memory_space<vmem>>) dst(%dma_wait3A_129 : memref<64x128xf32, #tpu.memory_space<vmem_shared>>)
      tpu.yield
    }) : () -> ()
    %add3A_66 = arith.constant 128 : i32
    %add3A_67 = arith.addi %add3A_61, %add3A_66 : i32
    "tpu.region"() ({
      %run_scoped3A = tpu.sem_alloc : memref<!tpu.dma_semaphore, #tpu.memory_space<semaphore_mem>>
      %dma_start3A_113 = arith.constant 0 : i32
      %dma_start3A_114 = arith.constant 0 : i32
      %dma_start3A_115 = tpu.memref_slice %arg14[%dma_start3A_113, %dma_start3A_114] : memref<64x128xf32, #tpu.memory_space<vmem>> -> memref<64x128xf32, #tpu.memory_space<vmem>>
      %dma_start3A_116 = arith.constant 0 : i32
      %dma_start3A_117 = tpu.memref_slice %arg20[%add3A_67, %dma_start3A_116] : memref<10240x128xf32, #tpu.memory_space<vmem_shared>> -> memref<64x128xf32, #tpu.memory_space<vmem_shared>>
      %dma_start3A_118 = arith.constant 0 : i32
      %dma_start3A_119 = tpu.memref_slice %arg20[%add3A_67, %dma_start3A_118] : memref<10240x128xf32, #tpu.memory_space<vmem_shared>> -> memref<64x128xf32, #tpu.memory_space<vmem_shared>>
      %dma_start3A_120 = arith.constant 0 : i32
      %dma_start3A_121 = arith.constant 0 : i32
      %dma_start3A_122 = tpu.memref_slice %arg14[%dma_start3A_120, %dma_start3A_121] : memref<64x128xf32, #tpu.memory_space<vmem>> -> memref<64x128xf32, #tpu.memory_space<vmem>>
      tpu.enqueue_dma source(%dma_start3A_122 : memref<64x128xf32, #tpu.memory_space<vmem>>) target(%dma_start3A_119 : memref<64x128xf32, #tpu.memory_space<vmem_shared>>) target_semaphore(%run_scoped3A : memref<!tpu.dma_semaphore, #tpu.memory_space<semaphore_mem>>)
      %dma_wait3A_123 = arith.constant 0 : i32
      %dma_wait3A_124 = arith.constant 0 : i32
      %dma_wait3A_125 = tpu.memref_slice %arg14[%dma_wait3A_123, %dma_wait3A_124] : memref<64x128xf32, #tpu.memory_space<vmem>> -> memref<64x128xf32, #tpu.memory_space<vmem>>
      %dma_wait3A_126 = arith.constant 0 : i32
      %dma_wait3A_127 = tpu.memref_slice %arg20[%add3A_67, %dma_wait3A_126] : memref<10240x128xf32, #tpu.memory_space<vmem_shared>> -> memref<64x128xf32, #tpu.memory_space<vmem_shared>>
      %dma_wait3A_128 = arith.constant 0 : i32
      %dma_wait3A_129 = tpu.memref_slice %arg20[%add3A_67, %dma_wait3A_128] : memref<10240x128xf32, #tpu.memory_space<vmem_shared>> -> memref<64x128xf32, #tpu.memory_space<vmem_shared>>
      %dma_wait3A_130 = arith.constant 0 : i32
      %dma_wait3A_131 = arith.constant 0 : i32
      %dma_wait3A_132 = tpu.memref_slice %arg14[%dma_wait3A_130, %dma_wait3A_131] : memref<64x128xf32, #tpu.memory_space<vmem>> -> memref<64x128xf32, #tpu.memory_space<vmem>>
      tpu.wait_dma2 semaphore(%run_scoped3A : memref<!tpu.dma_semaphore, #tpu.memory_space<semaphore_mem>>) src(%dma_wait3A_132 : memref<64x128xf32, #tpu.memory_space<vmem>>) dst(%dma_wait3A_129 : memref<64x128xf32, #tpu.memory_space<vmem_shared>>)
      tpu.yield
    }) : () -> ()
    %add3A_68 = arith.constant 192 : i32
    %add3A_69 = arith.addi %add3A_61, %add3A_68 : i32
    "tpu.region"() ({
      %run_scoped3A = tpu.sem_alloc : memref<!tpu.dma_semaphore, #tpu.memory_space<semaphore_mem>>
      %dma_start3A_113 = arith.constant 0 : i32
      %dma_start3A_114 = arith.constant 0 : i32
      %dma_start3A_115 = tpu.memref_slice %arg14[%dma_start3A_113, %dma_start3A_114] : memref<64x128xf32, #tpu.memory_space<vmem>> -> memref<64x128xf32, #tpu.memory_space<vmem>>
      %dma_start3A_116 = arith.constant 0 : i32
      %dma_start3A_117 = tpu.memref_slice %arg20[%add3A_69, %dma_start3A_116] : memref<10240x128xf32, #tpu.memory_space<vmem_shared>> -> memref<64x128xf32, #tpu.memory_space<vmem_shared>>
      %dma_start3A_118 = arith.constant 0 : i32
      %dma_start3A_119 = tpu.memref_slice %arg20[%add3A_69, %dma_start3A_118] : memref<10240x128xf32, #tpu.memory_space<vmem_shared>> -> memref<64x128xf32, #tpu.memory_space<vmem_shared>>
      %dma_start3A_120 = arith.constant 0 : i32
      %dma_start3A_121 = arith.constant 0 : i32
      %dma_start3A_122 = tpu.memref_slice %arg14[%dma_start3A_120, %dma_start3A_121] : memref<64x128xf32, #tpu.memory_space<vmem>> -> memref<64x128xf32, #tpu.memory_space<vmem>>
      tpu.enqueue_dma source(%dma_start3A_122 : memref<64x128xf32, #tpu.memory_space<vmem>>) target(%dma_start3A_119 : memref<64x128xf32, #tpu.memory_space<vmem_shared>>) target_semaphore(%run_scoped3A : memref<!tpu.dma_semaphore, #tpu.memory_space<semaphore_mem>>)
      %dma_wait3A_123 = arith.constant 0 : i32
      %dma_wait3A_124 = arith.constant 0 : i32
      %dma_wait3A_125 = tpu.memref_slice %arg14[%dma_wait3A_123, %dma_wait3A_124] : memref<64x128xf32, #tpu.memory_space<vmem>> -> memref<64x128xf32, #tpu.memory_space<vmem>>
      %dma_wait3A_126 = arith.constant 0 : i32
      %dma_wait3A_127 = tpu.memref_slice %arg20[%add3A_69, %dma_wait3A_126] : memref<10240x128xf32, #tpu.memory_space<vmem_shared>> -> memref<64x128xf32, #tpu.memory_space<vmem_shared>>
      %dma_wait3A_128 = arith.constant 0 : i32
      %dma_wait3A_129 = tpu.memref_slice %arg20[%add3A_69, %dma_wait3A_128] : memref<10240x128xf32, #tpu.memory_space<vmem_shared>> -> memref<64x128xf32, #tpu.memory_space<vmem_shared>>
      %dma_wait3A_130 = arith.constant 0 : i32
      %dma_wait3A_131 = arith.constant 0 : i32
      %dma_wait3A_132 = tpu.memref_slice %arg14[%dma_wait3A_130, %dma_wait3A_131] : memref<64x128xf32, #tpu.memory_space<vmem>> -> memref<64x128xf32, #tpu.memory_space<vmem>>
      tpu.wait_dma2 semaphore(%run_scoped3A : memref<!tpu.dma_semaphore, #tpu.memory_space<semaphore_mem>>) src(%dma_wait3A_132 : memref<64x128xf32, #tpu.memory_space<vmem>>) dst(%dma_wait3A_129 : memref<64x128xf32, #tpu.memory_space<vmem_shared>>)
      tpu.yield
    }) : () -> ()
    %add3A_70 = arith.constant 256 : i32
    %add3A_71 = arith.addi %add3A_61, %add3A_70 : i32
    "tpu.region"() ({
      %run_scoped3A = tpu.sem_alloc : memref<!tpu.dma_semaphore, #tpu.memory_space<semaphore_mem>>
      %dma_start3A_113 = arith.constant 0 : i32
      %dma_start3A_114 = arith.constant 0 : i32
      %dma_start3A_115 = tpu.memref_slice %arg14[%dma_start3A_113, %dma_start3A_114] : memref<64x128xf32, #tpu.memory_space<vmem>> -> memref<64x128xf32, #tpu.memory_space<vmem>>
      %dma_start3A_116 = arith.constant 0 : i32
      %dma_start3A_117 = tpu.memref_slice %arg20[%add3A_71, %dma_start3A_116] : memref<10240x128xf32, #tpu.memory_space<vmem_shared>> -> memref<64x128xf32, #tpu.memory_space<vmem_shared>>
      %dma_start3A_118 = arith.constant 0 : i32
      %dma_start3A_119 = tpu.memref_slice %arg20[%add3A_71, %dma_start3A_118] : memref<10240x128xf32, #tpu.memory_space<vmem_shared>> -> memref<64x128xf32, #tpu.memory_space<vmem_shared>>
      %dma_start3A_120 = arith.constant 0 : i32
      %dma_start3A_121 = arith.constant 0 : i32
      %dma_start3A_122 = tpu.memref_slice %arg14[%dma_start3A_120, %dma_start3A_121] : memref<64x128xf32, #tpu.memory_space<vmem>> -> memref<64x128xf32, #tpu.memory_space<vmem>>
      tpu.enqueue_dma source(%dma_start3A_122 : memref<64x128xf32, #tpu.memory_space<vmem>>) target(%dma_start3A_119 : memref<64x128xf32, #tpu.memory_space<vmem_shared>>) target_semaphore(%run_scoped3A : memref<!tpu.dma_semaphore, #tpu.memory_space<semaphore_mem>>)
      %dma_wait3A_123 = arith.constant 0 : i32
      %dma_wait3A_124 = arith.constant 0 : i32
      %dma_wait3A_125 = tpu.memref_slice %arg14[%dma_wait3A_123, %dma_wait3A_124] : memref<64x128xf32, #tpu.memory_space<vmem>> -> memref<64x128xf32, #tpu.memory_space<vmem>>
      %dma_wait3A_126 = arith.constant 0 : i32
      %dma_wait3A_127 = tpu.memref_slice %arg20[%add3A_71, %dma_wait3A_126] : memref<10240x128xf32, #tpu.memory_space<vmem_shared>> -> memref<64x128xf32, #tpu.memory_space<vmem_shared>>
      %dma_wait3A_128 = arith.constant 0 : i32
      %dma_wait3A_129 = tpu.memref_slice %arg20[%add3A_71, %dma_wait3A_128] : memref<10240x128xf32, #tpu.memory_space<vmem_shared>> -> memref<64x128xf32, #tpu.memory_space<vmem_shared>>
      %dma_wait3A_130 = arith.constant 0 : i32
      %dma_wait3A_131 = arith.constant 0 : i32
      %dma_wait3A_132 = tpu.memref_slice %arg14[%dma_wait3A_130, %dma_wait3A_131] : memref<64x128xf32, #tpu.memory_space<vmem>> -> memref<64x128xf32, #tpu.memory_space<vmem>>
      tpu.wait_dma2 semaphore(%run_scoped3A : memref<!tpu.dma_semaphore, #tpu.memory_space<semaphore_mem>>) src(%dma_wait3A_132 : memref<64x128xf32, #tpu.memory_space<vmem>>) dst(%dma_wait3A_129 : memref<64x128xf32, #tpu.memory_space<vmem_shared>>)
      tpu.yield
    }) : () -> ()
    %barrier3A = arith.constant 0 : index
    tpu.barrier barrier_id(%barrier3A)
    %dma_wait3A = tpu.memref_slice %arg3[%mul3A_2] : memref<640000xi32, #tpu.memory_space<hbm>> -> memref<64xi32, #tpu.memory_space<hbm>>
    %dma_wait3A_72 = tpu.memref_slice %arg3[%mul3A_2] : memref<640000xi32, #tpu.memory_space<hbm>> -> memref<64xi32, #tpu.memory_space<hbm>>
    tpu.wait_dma2 semaphore(%arg21 : memref<!tpu.dma_semaphore, #tpu.memory_space<semaphore_mem>>) src(%dma_wait3A_72 : memref<64xi32, #tpu.memory_space<hbm>>) dst(%arg5 : memref<64xi32, #tpu.memory_space<vmem>>)
    %dma_start3A_73 = arith.constant 0 : i32
    %dma_start3A_74 = arith.constant 0 : i32
    %dma_start3A_75 = tpu.memref_slice %arg2[%dma_start3A_73, %dma_start3A_74] : memref<10000x128xf32, #tpu.memory_space<hbm>> -> memref<10000x128xf32, #tpu.memory_space<hbm>>
    tpu.enqueue_indirect_dma source(%dma_start3A_75 : memref<10000x128xf32, #tpu.memory_space<hbm>>) target(%arg13 : memref<64x128xf32, #tpu.memory_space<vmem>>) offsets(%arg5 : memref<64xi32, #tpu.memory_space<vmem>>) semaphore(%arg29 : memref<!tpu.dma_semaphore, #tpu.memory_space<semaphore_mem>>)
    %dma_wait3A_76 = tpu.memref_slice %arg3[%mul3A_2] : memref<640000xi32, #tpu.memory_space<hbm>> -> memref<64xi32, #tpu.memory_space<hbm>>
    %dma_wait3A_77 = tpu.memref_slice %arg3[%mul3A_2] : memref<640000xi32, #tpu.memory_space<hbm>> -> memref<64xi32, #tpu.memory_space<hbm>>
    tpu.wait_dma2 semaphore(%arg22 : memref<!tpu.dma_semaphore, #tpu.memory_space<semaphore_mem>>) src(%dma_wait3A_77 : memref<64xi32, #tpu.memory_space<hbm>>) dst(%arg6 : memref<64xi32, #tpu.memory_space<vmem>>)
    %dma_start3A_78 = arith.constant 0 : i32
    %dma_start3A_79 = arith.constant 0 : i32
    %dma_start3A_80 = tpu.memref_slice %arg2[%dma_start3A_78, %dma_start3A_79] : memref<10000x128xf32, #tpu.memory_space<hbm>> -> memref<10000x128xf32, #tpu.memory_space<hbm>>
    tpu.enqueue_indirect_dma source(%dma_start3A_80 : memref<10000x128xf32, #tpu.memory_space<hbm>>) target(%arg14 : memref<64x128xf32, #tpu.memory_space<vmem>>) offsets(%arg6 : memref<64xi32, #tpu.memory_space<vmem>>) semaphore(%arg30 : memref<!tpu.dma_semaphore, #tpu.memory_space<semaphore_mem>>)
    %scan3A_81 = arith.constant 0 : i32
    %scan3A_82 = arith.constant 0 : i32
    %scan3A_83 = arith.constant 39 : i32
    %scan3A_84 = arith.addi %scan3A_82, %scan3A_83 : i32
    %scan3A_85 = arith.constant 1 : i32
    %scan3A_86 = scf.for %scan3A_113 = %scan3A_82 to %scan3A_84 step %scan3A_85 iter_args(%scan3A_114 = %scan3A_81) -> (i32)  : i32 {
      %mul3A_115 = arith.constant 4 : i32
      %mul3A_116 = arith.muli %mul3A_115, %scan3A_113 : i32
      %add3A_117 = arith.constant 0 : i32
      %add3A_118 = arith.addi %mul3A_116, %add3A_117 : i32
      %add3A_119 = arith.constant 2 : i32
      %add3A_120 = arith.addi %add3A_118, %add3A_119 : i32
      %lt3A = arith.constant 156 : i32
      %lt3A_121 = arith.cmpi slt, %add3A_120, %lt3A : i32
      %convert_element_type3A = arith.extui %lt3A_121 : i1 to i32
      %cond3A = arith.constant 0 : i32
      %cond3A_122 = arith.cmpi ne, %convert_element_type3A, %cond3A : i32
      scf.if %cond3A_122 {
        %ge3A = arith.constant 2 : i32
        %ge3A_217 = arith.cmpi sge, %add3A_118, %ge3A : i32
        %convert_element_type3A_218 = arith.extui %ge3A_217 : i1 to i32
        %cond3A_219 = arith.constant 0 : i32
        %cond3A_220 = arith.cmpi ne, %convert_element_type3A_218, %cond3A_219 : i32
        scf.if %cond3A_220 {
          %dma_wait3A_233 = arith.constant 0 : i32
          %dma_wait3A_234 = arith.constant 0 : i32
          %dma_wait3A_235 = tpu.memref_slice %arg20[%dma_wait3A_233, %dma_wait3A_234] : memref<10240x128xf32, #tpu.memory_space<vmem_shared>> -> memref<10240x128xf32, #tpu.memory_space<vmem_shared>>
          tpu.wait_indirect_dma semaphore(%arg35 : memref<!tpu.dma_semaphore, #tpu.memory_space<semaphore_mem>>) src(%arg15 : memref<64x128xf32, #tpu.memory_space<vmem>>) dst(%dma_wait3A_235 : memref<10240x128xf32, #tpu.memory_space<vmem_shared>>)
        } else {
        }
        %add3A_221 = arith.constant 2 : i32
        %add3A_222 = arith.addi %add3A_118, %add3A_221 : i32
        %mul3A_223 = arith.constant 64 : i32
        %mul3A_224 = arith.muli %add3A_222, %mul3A_223 : i32
        %add3A_225 = arith.addi %add3A_6, %mul3A_224 : i32
        %dma_start3A_226 = tpu.memref_slice %arg3[%add3A_225] : memref<640000xi32, #tpu.memory_space<hbm>> -> memref<64xi32, #tpu.memory_space<hbm>>
        %dma_start3A_227 = tpu.memref_slice %arg3[%add3A_225] : memref<640000xi32, #tpu.memory_space<hbm>> -> memref<64xi32, #tpu.memory_space<hbm>>
        tpu.enqueue_dma source(%dma_start3A_227 : memref<64xi32, #tpu.memory_space<hbm>>) target(%arg11 : memref<64xi32, #tpu.memory_space<vmem>>) target_semaphore(%arg27 : memref<!tpu.dma_semaphore, #tpu.memory_space<semaphore_mem>>)
        %dma_wait3A_228 = tpu.memref_slice %arg3[%mul3A_2] : memref<640000xi32, #tpu.memory_space<hbm>> -> memref<64xi32, #tpu.memory_space<hbm>>
        %dma_wait3A_229 = tpu.memref_slice %arg3[%mul3A_2] : memref<640000xi32, #tpu.memory_space<hbm>> -> memref<64xi32, #tpu.memory_space<hbm>>
        tpu.wait_dma2 semaphore(%arg23 : memref<!tpu.dma_semaphore, #tpu.memory_space<semaphore_mem>>) src(%dma_wait3A_229 : memref<64xi32, #tpu.memory_space<hbm>>) dst(%arg7 : memref<64xi32, #tpu.memory_space<vmem>>)
        %dma_start3A_230 = arith.constant 0 : i32
        %dma_start3A_231 = arith.constant 0 : i32
        %dma_start3A_232 = tpu.memref_slice %arg2[%dma_start3A_230, %dma_start3A_231] : memref<10000x128xf32, #tpu.memory_space<hbm>> -> memref<10000x128xf32, #tpu.memory_space<hbm>>
        tpu.enqueue_indirect_dma source(%dma_start3A_232 : memref<10000x128xf32, #tpu.memory_space<hbm>>) target(%arg15 : memref<64x128xf32, #tpu.memory_space<vmem>>) offsets(%arg7 : memref<64xi32, #tpu.memory_space<vmem>>) semaphore(%arg31 : memref<!tpu.dma_semaphore, #tpu.memory_space<semaphore_mem>>)
      } else {
      }
      %dma_wait3A_123 = arith.constant 0 : i32
      %dma_wait3A_124 = arith.constant 0 : i32
      %dma_wait3A_125 = tpu.memref_slice %arg2[%dma_wait3A_123, %dma_wait3A_124] : memref<10000x128xf32, #tpu.memory_space<hbm>> -> memref<10000x128xf32, #tpu.memory_space<hbm>>
      tpu.wait_indirect_dma semaphore(%arg29 : memref<!tpu.dma_semaphore, #tpu.memory_space<semaphore_mem>>) src(%dma_wait3A_125 : memref<10000x128xf32, #tpu.memory_space<hbm>>) dst(%arg13 : memref<64x128xf32, #tpu.memory_space<vmem>>)
      %dma_wait3A_126 = tpu.memref_slice %arg3[%add3A_6] : memref<640000xi32, #tpu.memory_space<hbm>> -> memref<64xi32, #tpu.memory_space<hbm>>
      %dma_wait3A_127 = tpu.memref_slice %arg3[%add3A_6] : memref<640000xi32, #tpu.memory_space<hbm>> -> memref<64xi32, #tpu.memory_space<hbm>>
      tpu.wait_dma2 semaphore(%arg25 : memref<!tpu.dma_semaphore, #tpu.memory_space<semaphore_mem>>) src(%dma_wait3A_127 : memref<64xi32, #tpu.memory_space<hbm>>) dst(%arg9 : memref<64xi32, #tpu.memory_space<vmem>>)
      %dma_start3A_128 = arith.constant 0 : i32
      %dma_start3A_129 = arith.constant 0 : i32
      %dma_start3A_130 = tpu.memref_slice %arg20[%dma_start3A_128, %dma_start3A_129] : memref<10240x128xf32, #tpu.memory_space<vmem_shared>> -> memref<10240x128xf32, #tpu.memory_space<vmem_shared>>
      tpu.enqueue_indirect_dma source(%arg13 : memref<64x128xf32, #tpu.memory_space<vmem>>) target(%dma_start3A_130 : memref<10240x128xf32, #tpu.memory_space<vmem_shared>>) offsets(%arg9 : memref<64xi32, #tpu.memory_space<vmem>>) semaphore(%arg33 : memref<!tpu.dma_semaphore, #tpu.memory_space<semaphore_mem>>) {add = true}
      %add3A_131 = arith.constant 4 : i32
      %add3A_132 = arith.addi %add3A_118, %add3A_131 : i32
      %lt3A_133 = arith.constant 156 : i32
      %lt3A_134 = arith.cmpi slt, %add3A_132, %lt3A_133 : i32
      %convert_element_type3A_135 = arith.extui %lt3A_134 : i1 to i32
      %cond3A_136 = arith.constant 0 : i32
      %cond3A_137 = arith.cmpi ne, %convert_element_type3A_135, %cond3A_136 : i32
      scf.if %cond3A_137 {
        %add3A_217 = arith.constant 4 : i32
        %add3A_218 = arith.addi %add3A_118, %add3A_217 : i32
        %mul3A_219 = arith.constant 64 : i32
        %mul3A_220 = arith.muli %add3A_218, %mul3A_219 : i32
        %add3A_221 = arith.addi %mul3A_2, %mul3A_220 : i32
        %dma_start3A_222 = tpu.memref_slice %arg3[%add3A_221] : memref<640000xi32, #tpu.memory_space<hbm>> -> memref<64xi32, #tpu.memory_space<hbm>>
        %dma_start3A_223 = tpu.memref_slice %arg3[%add3A_221] : memref<640000xi32, #tpu.memory_space<hbm>> -> memref<64xi32, #tpu.memory_space<hbm>>
        tpu.enqueue_dma source(%dma_start3A_223 : memref<64xi32, #tpu.memory_space<hbm>>) target(%arg5 : memref<64xi32, #tpu.memory_space<vmem>>) target_semaphore(%arg21 : memref<!tpu.dma_semaphore, #tpu.memory_space<semaphore_mem>>)
      } else {
      }
      %mul3A_138 = arith.constant 4 : i32
      %mul3A_139 = arith.muli %mul3A_138, %scan3A_113 : i32
      %add3A_140 = arith.constant 1 : i32
      %add3A_141 = arith.addi %mul3A_139, %add3A_140 : i32
      %add3A_142 = arith.constant 2 : i32
      %add3A_143 = arith.addi %add3A_141, %add3A_142 : i32
      %lt3A_144 = arith.constant 156 : i32
      %lt3A_145 = arith.cmpi slt, %add3A_143, %lt3A_144 : i32
      %convert_element_type3A_146 = arith.extui %lt3A_145 : i1 to i32
      %cond3A_147 = arith.constant 0 : i32
      %cond3A_148 = arith.cmpi ne, %convert_element_type3A_146, %cond3A_147 : i32
      scf.if %cond3A_148 {
        %ge3A = arith.constant 2 : i32
        %ge3A_217 = arith.cmpi sge, %add3A_141, %ge3A : i32
        %convert_element_type3A_218 = arith.extui %ge3A_217 : i1 to i32
        %cond3A_219 = arith.constant 0 : i32
        %cond3A_220 = arith.cmpi ne, %convert_element_type3A_218, %cond3A_219 : i32
        scf.if %cond3A_220 {
          %dma_wait3A_233 = arith.constant 0 : i32
          %dma_wait3A_234 = arith.constant 0 : i32
          %dma_wait3A_235 = tpu.memref_slice %arg20[%dma_wait3A_233, %dma_wait3A_234] : memref<10240x128xf32, #tpu.memory_space<vmem_shared>> -> memref<10240x128xf32, #tpu.memory_space<vmem_shared>>
          tpu.wait_indirect_dma semaphore(%arg36 : memref<!tpu.dma_semaphore, #tpu.memory_space<semaphore_mem>>) src(%arg16 : memref<64x128xf32, #tpu.memory_space<vmem>>) dst(%dma_wait3A_235 : memref<10240x128xf32, #tpu.memory_space<vmem_shared>>)
        } else {
        }
        %add3A_221 = arith.constant 2 : i32
        %add3A_222 = arith.addi %add3A_141, %add3A_221 : i32
        %mul3A_223 = arith.constant 64 : i32
        %mul3A_224 = arith.muli %add3A_222, %mul3A_223 : i32
        %add3A_225 = arith.addi %add3A_6, %mul3A_224 : i32
        %dma_start3A_226 = tpu.memref_slice %arg3[%add3A_225] : memref<640000xi32, #tpu.memory_space<hbm>> -> memref<64xi32, #tpu.memory_space<hbm>>
        %dma_start3A_227 = tpu.memref_slice %arg3[%add3A_225] : memref<640000xi32, #tpu.memory_space<hbm>> -> memref<64xi32, #tpu.memory_space<hbm>>
        tpu.enqueue_dma source(%dma_start3A_227 : memref<64xi32, #tpu.memory_space<hbm>>) target(%arg12 : memref<64xi32, #tpu.memory_space<vmem>>) target_semaphore(%arg28 : memref<!tpu.dma_semaphore, #tpu.memory_space<semaphore_mem>>)
        %dma_wait3A_228 = tpu.memref_slice %arg3[%mul3A_2] : memref<640000xi32, #tpu.memory_space<hbm>> -> memref<64xi32, #tpu.memory_space<hbm>>
        %dma_wait3A_229 = tpu.memref_slice %arg3[%mul3A_2] : memref<640000xi32, #tpu.memory_space<hbm>> -> memref<64xi32, #tpu.memory_space<hbm>>
        tpu.wait_dma2 semaphore(%arg24 : memref<!tpu.dma_semaphore, #tpu.memory_space<semaphore_mem>>) src(%dma_wait3A_229 : memref<64xi32, #tpu.memory_space<hbm>>) dst(%arg8 : memref<64xi32, #tpu.memory_space<vmem>>)
        %dma_start3A_230 = arith.constant 0 : i32
        %dma_start3A_231 = arith.constant 0 : i32
        %dma_start3A_232 = tpu.memref_slice %arg2[%dma_start3A_230, %dma_start3A_231] : memref<10000x128xf32, #tpu.memory_space<hbm>> -> memref<10000x128xf32, #tpu.memory_space<hbm>>
        tpu.enqueue_indirect_dma source(%dma_start3A_232 : memref<10000x128xf32, #tpu.memory_space<hbm>>) target(%arg16 : memref<64x128xf32, #tpu.memory_space<vmem>>) offsets(%arg8 : memref<64xi32, #tpu.memory_space<vmem>>) semaphore(%arg32 : memref<!tpu.dma_semaphore, #tpu.memory_space<semaphore_mem>>)
      } else {
      }
      %dma_wait3A_149 = arith.constant 0 : i32
      %dma_wait3A_150 = arith.constant 0 : i32
      %dma_wait3A_151 = tpu.memref_slice %arg2[%dma_wait3A_149, %dma_wait3A_150] : memref<10000x128xf32, #tpu.memory_space<hbm>> -> memref<10000x128xf32, #tpu.memory_space<hbm>>
      tpu.wait_indirect_dma semaphore(%arg30 : memref<!tpu.dma_semaphore, #tpu.memory_space<semaphore_mem>>) src(%dma_wait3A_151 : memref<10000x128xf32, #tpu.memory_space<hbm>>) dst(%arg14 : memref<64x128xf32, #tpu.memory_space<vmem>>)
      %dma_wait3A_152 = tpu.memref_slice %arg3[%add3A_6] : memref<640000xi32, #tpu.memory_space<hbm>> -> memref<64xi32, #tpu.memory_space<hbm>>
      %dma_wait3A_153 = tpu.memref_slice %arg3[%add3A_6] : memref<640000xi32, #tpu.memory_space<hbm>> -> memref<64xi32, #tpu.memory_space<hbm>>
      tpu.wait_dma2 semaphore(%arg26 : memref<!tpu.dma_semaphore, #tpu.memory_space<semaphore_mem>>) src(%dma_wait3A_153 : memref<64xi32, #tpu.memory_space<hbm>>) dst(%arg10 : memref<64xi32, #tpu.memory_space<vmem>>)
      %dma_start3A_154 = arith.constant 0 : i32
      %dma_start3A_155 = arith.constant 0 : i32
      %dma_start3A_156 = tpu.memref_slice %arg20[%dma_start3A_154, %dma_start3A_155] : memref<10240x128xf32, #tpu.memory_space<vmem_shared>> -> memref<10240x128xf32, #tpu.memory_space<vmem_shared>>
      tpu.enqueue_indirect_dma source(%arg14 : memref<64x128xf32, #tpu.memory_space<vmem>>) target(%dma_start3A_156 : memref<10240x128xf32, #tpu.memory_space<vmem_shared>>) offsets(%arg10 : memref<64xi32, #tpu.memory_space<vmem>>) semaphore(%arg34 : memref<!tpu.dma_semaphore, #tpu.memory_space<semaphore_mem>>) {add = true}
      %add3A_157 = arith.constant 4 : i32
      %add3A_158 = arith.addi %add3A_141, %add3A_157 : i32
      %lt3A_159 = arith.constant 156 : i32
      %lt3A_160 = arith.cmpi slt, %add3A_158, %lt3A_159 : i32
      %convert_element_type3A_161 = arith.extui %lt3A_160 : i1 to i32
      %cond3A_162 = arith.constant 0 : i32
      %cond3A_163 = arith.cmpi ne, %convert_element_type3A_161, %cond3A_162 : i32
      scf.if %cond3A_163 {
        %add3A_217 = arith.constant 4 : i32
        %add3A_218 = arith.addi %add3A_141, %add3A_217 : i32
        %mul3A_219 = arith.constant 64 : i32
        %mul3A_220 = arith.muli %add3A_218, %mul3A_219 : i32
        %add3A_221 = arith.addi %mul3A_2, %mul3A_220 : i32
        %dma_start3A_222 = tpu.memref_slice %arg3[%add3A_221] : memref<640000xi32, #tpu.memory_space<hbm>> -> memref<64xi32, #tpu.memory_space<hbm>>
        %dma_start3A_223 = tpu.memref_slice %arg3[%add3A_221] : memref<640000xi32, #tpu.memory_space<hbm>> -> memref<64xi32, #tpu.memory_space<hbm>>
        tpu.enqueue_dma source(%dma_start3A_223 : memref<64xi32, #tpu.memory_space<hbm>>) target(%arg6 : memref<64xi32, #tpu.memory_space<vmem>>) target_semaphore(%arg22 : memref<!tpu.dma_semaphore, #tpu.memory_space<semaphore_mem>>)
      } else {
      }
      %mul3A_164 = arith.constant 4 : i32
      %mul3A_165 = arith.muli %mul3A_164, %scan3A_113 : i32
      %add3A_166 = arith.constant 2 : i32
      %add3A_167 = arith.addi %mul3A_165, %add3A_166 : i32
      %add3A_168 = arith.constant 2 : i32
      %add3A_169 = arith.addi %add3A_167, %add3A_168 : i32
      %lt3A_170 = arith.constant 156 : i32
      %lt3A_171 = arith.cmpi slt, %add3A_169, %lt3A_170 : i32
      %convert_element_type3A_172 = arith.extui %lt3A_171 : i1 to i32
      %cond3A_173 = arith.constant 0 : i32
      %cond3A_174 = arith.cmpi ne, %convert_element_type3A_172, %cond3A_173 : i32
      scf.if %cond3A_174 {
        %ge3A = arith.constant 2 : i32
        %ge3A_217 = arith.cmpi sge, %add3A_167, %ge3A : i32
        %convert_element_type3A_218 = arith.extui %ge3A_217 : i1 to i32
        %cond3A_219 = arith.constant 0 : i32
        %cond3A_220 = arith.cmpi ne, %convert_element_type3A_218, %cond3A_219 : i32
        scf.if %cond3A_220 {
          %dma_wait3A_233 = arith.constant 0 : i32
          %dma_wait3A_234 = arith.constant 0 : i32
          %dma_wait3A_235 = tpu.memref_slice %arg20[%dma_wait3A_233, %dma_wait3A_234] : memref<10240x128xf32, #tpu.memory_space<vmem_shared>> -> memref<10240x128xf32, #tpu.memory_space<vmem_shared>>
          tpu.wait_indirect_dma semaphore(%arg33 : memref<!tpu.dma_semaphore, #tpu.memory_space<semaphore_mem>>) src(%arg13 : memref<64x128xf32, #tpu.memory_space<vmem>>) dst(%dma_wait3A_235 : memref<10240x128xf32, #tpu.memory_space<vmem_shared>>)
        } else {
        }
        %add3A_221 = arith.constant 2 : i32
        %add3A_222 = arith.addi %add3A_167, %add3A_221 : i32
        %mul3A_223 = arith.constant 64 : i32
        %mul3A_224 = arith.muli %add3A_222, %mul3A_223 : i32
        %add3A_225 = arith.addi %add3A_6, %mul3A_224 : i32
        %dma_start3A_226 = tpu.memref_slice %arg3[%add3A_225] : memref<640000xi32, #tpu.memory_space<hbm>> -> memref<64xi32, #tpu.memory_space<hbm>>
        %dma_start3A_227 = tpu.memref_slice %arg3[%add3A_225] : memref<640000xi32, #tpu.memory_space<hbm>> -> memref<64xi32, #tpu.memory_space<hbm>>
        tpu.enqueue_dma source(%dma_start3A_227 : memref<64xi32, #tpu.memory_space<hbm>>) target(%arg9 : memref<64xi32, #tpu.memory_space<vmem>>) target_semaphore(%arg25 : memref<!tpu.dma_semaphore, #tpu.memory_space<semaphore_mem>>)
        %dma_wait3A_228 = tpu.memref_slice %arg3[%mul3A_2] : memref<640000xi32, #tpu.memory_space<hbm>> -> memref<64xi32, #tpu.memory_space<hbm>>
        %dma_wait3A_229 = tpu.memref_slice %arg3[%mul3A_2] : memref<640000xi32, #tpu.memory_space<hbm>> -> memref<64xi32, #tpu.memory_space<hbm>>
        tpu.wait_dma2 semaphore(%arg21 : memref<!tpu.dma_semaphore, #tpu.memory_space<semaphore_mem>>) src(%dma_wait3A_229 : memref<64xi32, #tpu.memory_space<hbm>>) dst(%arg5 : memref<64xi32, #tpu.memory_space<vmem>>)
        %dma_start3A_230 = arith.constant 0 : i32
        %dma_start3A_231 = arith.constant 0 : i32
        %dma_start3A_232 = tpu.memref_slice %arg2[%dma_start3A_230, %dma_start3A_231] : memref<10000x128xf32, #tpu.memory_space<hbm>> -> memref<10000x128xf32, #tpu.memory_space<hbm>>
        tpu.enqueue_indirect_dma source(%dma_start3A_232 : memref<10000x128xf32, #tpu.memory_space<hbm>>) target(%arg13 : memref<64x128xf32, #tpu.memory_space<vmem>>) offsets(%arg5 : memref<64xi32, #tpu.memory_space<vmem>>) semaphore(%arg29 : memref<!tpu.dma_semaphore, #tpu.memory_space<semaphore_mem>>)
      } else {
      }
      %dma_wait3A_175 = arith.constant 0 : i32
      %dma_wait3A_176 = arith.constant 0 : i32
      %dma_wait3A_177 = tpu.memref_slice %arg2[%dma_wait3A_175, %dma_wait3A_176] : memref<10000x128xf32, #tpu.memory_space<hbm>> -> memref<10000x128xf32, #tpu.memory_space<hbm>>
      tpu.wait_indirect_dma semaphore(%arg31 : memref<!tpu.dma_semaphore, #tpu.memory_space<semaphore_mem>>) src(%dma_wait3A_177 : memref<10000x128xf32, #tpu.memory_space<hbm>>) dst(%arg15 : memref<64x128xf32, #tpu.memory_space<vmem>>)
      %dma_wait3A_178 = tpu.memref_slice %arg3[%add3A_6] : memref<640000xi32, #tpu.memory_space<hbm>> -> memref<64xi32, #tpu.memory_space<hbm>>
      %dma_wait3A_179 = tpu.memref_slice %arg3[%add3A_6] : memref<640000xi32, #tpu.memory_space<hbm>> -> memref<64xi32, #tpu.memory_space<hbm>>
      tpu.wait_dma2 semaphore(%arg27 : memref<!tpu.dma_semaphore, #tpu.memory_space<semaphore_mem>>) src(%dma_wait3A_179 : memref<64xi32, #tpu.memory_space<hbm>>) dst(%arg11 : memref<64xi32, #tpu.memory_space<vmem>>)
      %dma_start3A_180 = arith.constant 0 : i32
      %dma_start3A_181 = arith.constant 0 : i32
      %dma_start3A_182 = tpu.memref_slice %arg20[%dma_start3A_180, %dma_start3A_181] : memref<10240x128xf32, #tpu.memory_space<vmem_shared>> -> memref<10240x128xf32, #tpu.memory_space<vmem_shared>>
      tpu.enqueue_indirect_dma source(%arg15 : memref<64x128xf32, #tpu.memory_space<vmem>>) target(%dma_start3A_182 : memref<10240x128xf32, #tpu.memory_space<vmem_shared>>) offsets(%arg11 : memref<64xi32, #tpu.memory_space<vmem>>) semaphore(%arg35 : memref<!tpu.dma_semaphore, #tpu.memory_space<semaphore_mem>>) {add = true}
      %add3A_183 = arith.constant 4 : i32
      %add3A_184 = arith.addi %add3A_167, %add3A_183 : i32
      %lt3A_185 = arith.constant 156 : i32
      %lt3A_186 = arith.cmpi slt, %add3A_184, %lt3A_185 : i32
      %convert_element_type3A_187 = arith.extui %lt3A_186 : i1 to i32
      %cond3A_188 = arith.constant 0 : i32
      %cond3A_189 = arith.cmpi ne, %convert_element_type3A_187, %cond3A_188 : i32
      scf.if %cond3A_189 {
        %add3A_217 = arith.constant 4 : i32
        %add3A_218 = arith.addi %add3A_167, %add3A_217 : i32
        %mul3A_219 = arith.constant 64 : i32
        %mul3A_220 = arith.muli %add3A_218, %mul3A_219 : i32
        %add3A_221 = arith.addi %mul3A_2, %mul3A_220 : i32
        %dma_start3A_222 = tpu.memref_slice %arg3[%add3A_221] : memref<640000xi32, #tpu.memory_space<hbm>> -> memref<64xi32, #tpu.memory_space<hbm>>
        %dma_start3A_223 = tpu.memref_slice %arg3[%add3A_221] : memref<640000xi32, #tpu.memory_space<hbm>> -> memref<64xi32, #tpu.memory_space<hbm>>
        tpu.enqueue_dma source(%dma_start3A_223 : memref<64xi32, #tpu.memory_space<hbm>>) target(%arg7 : memref<64xi32, #tpu.memory_space<vmem>>) target_semaphore(%arg23 : memref<!tpu.dma_semaphore, #tpu.memory_space<semaphore_mem>>)
      } else {
      }
      %mul3A_190 = arith.constant 4 : i32
      %mul3A_191 = arith.muli %mul3A_190, %scan3A_113 : i32
      %add3A_192 = arith.constant 3 : i32
      %add3A_193 = arith.addi %mul3A_191, %add3A_192 : i32
      %add3A_194 = arith.constant 2 : i32
      %add3A_195 = arith.addi %add3A_193, %add3A_194 : i32
      %lt3A_196 = arith.constant 156 : i32
      %lt3A_197 = arith.cmpi slt, %add3A_195, %lt3A_196 : i32
      %convert_element_type3A_198 = arith.extui %lt3A_197 : i1 to i32
      %cond3A_199 = arith.constant 0 : i32
      %cond3A_200 = arith.cmpi ne, %convert_element_type3A_198, %cond3A_199 : i32
      scf.if %cond3A_200 {
        %ge3A = arith.constant 2 : i32
        %ge3A_217 = arith.cmpi sge, %add3A_193, %ge3A : i32
        %convert_element_type3A_218 = arith.extui %ge3A_217 : i1 to i32
        %cond3A_219 = arith.constant 0 : i32
        %cond3A_220 = arith.cmpi ne, %convert_element_type3A_218, %cond3A_219 : i32
        scf.if %cond3A_220 {
          %dma_wait3A_233 = arith.constant 0 : i32
          %dma_wait3A_234 = arith.constant 0 : i32
          %dma_wait3A_235 = tpu.memref_slice %arg20[%dma_wait3A_233, %dma_wait3A_234] : memref<10240x128xf32, #tpu.memory_space<vmem_shared>> -> memref<10240x128xf32, #tpu.memory_space<vmem_shared>>
          tpu.wait_indirect_dma semaphore(%arg34 : memref<!tpu.dma_semaphore, #tpu.memory_space<semaphore_mem>>) src(%arg14 : memref<64x128xf32, #tpu.memory_space<vmem>>) dst(%dma_wait3A_235 : memref<10240x128xf32, #tpu.memory_space<vmem_shared>>)
        } else {
        }
        %add3A_221 = arith.constant 2 : i32
        %add3A_222 = arith.addi %add3A_193, %add3A_221 : i32
        %mul3A_223 = arith.constant 64 : i32
        %mul3A_224 = arith.muli %add3A_222, %mul3A_223 : i32
        %add3A_225 = arith.addi %add3A_6, %mul3A_224 : i32
        %dma_start3A_226 = tpu.memref_slice %arg3[%add3A_225] : memref<640000xi32, #tpu.memory_space<hbm>> -> memref<64xi32, #tpu.memory_space<hbm>>
        %dma_start3A_227 = tpu.memref_slice %arg3[%add3A_225] : memref<640000xi32, #tpu.memory_space<hbm>> -> memref<64xi32, #tpu.memory_space<hbm>>
        tpu.enqueue_dma source(%dma_start3A_227 : memref<64xi32, #tpu.memory_space<hbm>>) target(%arg10 : memref<64xi32, #tpu.memory_space<vmem>>) target_semaphore(%arg26 : memref<!tpu.dma_semaphore, #tpu.memory_space<semaphore_mem>>)
        %dma_wait3A_228 = tpu.memref_slice %arg3[%mul3A_2] : memref<640000xi32, #tpu.memory_space<hbm>> -> memref<64xi32, #tpu.memory_space<hbm>>
        %dma_wait3A_229 = tpu.memref_slice %arg3[%mul3A_2] : memref<640000xi32, #tpu.memory_space<hbm>> -> memref<64xi32, #tpu.memory_space<hbm>>
        tpu.wait_dma2 semaphore(%arg22 : memref<!tpu.dma_semaphore, #tpu.memory_space<semaphore_mem>>) src(%dma_wait3A_229 : memref<64xi32, #tpu.memory_space<hbm>>) dst(%arg6 : memref<64xi32, #tpu.memory_space<vmem>>)
        %dma_start3A_230 = arith.constant 0 : i32
        %dma_start3A_231 = arith.constant 0 : i32
        %dma_start3A_232 = tpu.memref_slice %arg2[%dma_start3A_230, %dma_start3A_231] : memref<10000x128xf32, #tpu.memory_space<hbm>> -> memref<10000x128xf32, #tpu.memory_space<hbm>>
        tpu.enqueue_indirect_dma source(%dma_start3A_232 : memref<10000x128xf32, #tpu.memory_space<hbm>>) target(%arg14 : memref<64x128xf32, #tpu.memory_space<vmem>>) offsets(%arg6 : memref<64xi32, #tpu.memory_space<vmem>>) semaphore(%arg30 : memref<!tpu.dma_semaphore, #tpu.memory_space<semaphore_mem>>)
      } else {
      }
      %dma_wait3A_201 = arith.constant 0 : i32
      %dma_wait3A_202 = arith.constant 0 : i32
      %dma_wait3A_203 = tpu.memref_slice %arg2[%dma_wait3A_201, %dma_wait3A_202] : memref<10000x128xf32, #tpu.memory_space<hbm>> -> memref<10000x128xf32, #tpu.memory_space<hbm>>
      tpu.wait_indirect_dma semaphore(%arg32 : memref<!tpu.dma_semaphore, #tpu.memory_space<semaphore_mem>>) src(%dma_wait3A_203 : memref<10000x128xf32, #tpu.memory_space<hbm>>) dst(%arg16 : memref<64x128xf32, #tpu.memory_space<vmem>>)
      %dma_wait3A_204 = tpu.memref_slice %arg3[%add3A_6] : memref<640000xi32, #tpu.memory_space<hbm>> -> memref<64xi32, #tpu.memory_space<hbm>>
      %dma_wait3A_205 = tpu.memref_slice %arg3[%add3A_6] : memref<640000xi32, #tpu.memory_space<hbm>> -> memref<64xi32, #tpu.memory_space<hbm>>
      tpu.wait_dma2 semaphore(%arg28 : memref<!tpu.dma_semaphore, #tpu.memory_space<semaphore_mem>>) src(%dma_wait3A_205 : memref<64xi32, #tpu.memory_space<hbm>>) dst(%arg12 : memref<64xi32, #tpu.memory_space<vmem>>)
      %dma_start3A_206 = arith.constant 0 : i32
      %dma_start3A_207 = arith.constant 0 : i32
      %dma_start3A_208 = tpu.memref_slice %arg20[%dma_start3A_206, %dma_start3A_207] : memref<10240x128xf32, #tpu.memory_space<vmem_shared>> -> memref<10240x128xf32, #tpu.memory_space<vmem_shared>>
      tpu.enqueue_indirect_dma source(%arg16 : memref<64x128xf32, #tpu.memory_space<vmem>>) target(%dma_start3A_208 : memref<10240x128xf32, #tpu.memory_space<vmem_shared>>) offsets(%arg12 : memref<64xi32, #tpu.memory_space<vmem>>) semaphore(%arg36 : memref<!tpu.dma_semaphore, #tpu.memory_space<semaphore_mem>>) {add = true}
      %add3A_209 = arith.constant 4 : i32
      %add3A_210 = arith.addi %add3A_193, %add3A_209 : i32
      %lt3A_211 = arith.constant 156 : i32
      %lt3A_212 = arith.cmpi slt, %add3A_210, %lt3A_211 : i32
      %convert_element_type3A_213 = arith.extui %lt3A_212 : i1 to i32
      %cond3A_214 = arith.constant 0 : i32
      %cond3A_215 = arith.cmpi ne, %convert_element_type3A_213, %cond3A_214 : i32
      scf.if %cond3A_215 {
        %add3A_217 = arith.constant 4 : i32
        %add3A_218 = arith.addi %add3A_193, %add3A_217 : i32
        %mul3A_219 = arith.constant 64 : i32
        %mul3A_220 = arith.muli %add3A_218, %mul3A_219 : i32
        %add3A_221 = arith.addi %mul3A_2, %mul3A_220 : i32
        %dma_start3A_222 = tpu.memref_slice %arg3[%add3A_221] : memref<640000xi32, #tpu.memory_space<hbm>> -> memref<64xi32, #tpu.memory_space<hbm>>
        %dma_start3A_223 = tpu.memref_slice %arg3[%add3A_221] : memref<640000xi32, #tpu.memory_space<hbm>> -> memref<64xi32, #tpu.memory_space<hbm>>
        tpu.enqueue_dma source(%dma_start3A_223 : memref<64xi32, #tpu.memory_space<hbm>>) target(%arg8 : memref<64xi32, #tpu.memory_space<vmem>>) target_semaphore(%arg24 : memref<!tpu.dma_semaphore, #tpu.memory_space<semaphore_mem>>)
      } else {
      }
      %scan3A_216 = arith.constant 0 : i32
      scf.yield %scan3A_216 : i32
    }
    %scan3A_87 = arith.constant 39 : i32
    %dma_wait3A_88 = arith.constant 0 : i32
    %dma_wait3A_89 = arith.constant 0 : i32
    %dma_wait3A_90 = tpu.memref_slice %arg20[%dma_wait3A_88, %dma_wait3A_89] : memref<10240x128xf32, #tpu.memory_space<vmem_shared>> -> memref<10240x128xf32, #tpu.memory_space<vmem_shared>>
    tpu.wait_indirect_dma semaphore(%arg33 : memref<!tpu.dma_semaphore, #tpu.memory_space<semaphore_mem>>) src(%arg13 : memref<64x128xf32, #tpu.memory_space<vmem>>) dst(%dma_wait3A_90 : memref<10240x128xf32, #tpu.memory_space<vmem_shared>>)
    %dma_wait3A_91 = arith.constant 0 : i32
    %dma_wait3A_92 = arith.constant 0 : i32
    %dma_wait3A_93 = tpu.memref_slice %arg20[%dma_wait3A_91, %dma_wait3A_92] : memref<10240x128xf32, #tpu.memory_space<vmem_shared>> -> memref<10240x128xf32, #tpu.memory_space<vmem_shared>>
    tpu.wait_indirect_dma semaphore(%arg34 : memref<!tpu.dma_semaphore, #tpu.memory_space<semaphore_mem>>) src(%arg14 : memref<64x128xf32, #tpu.memory_space<vmem>>) dst(%dma_wait3A_93 : memref<10240x128xf32, #tpu.memory_space<vmem_shared>>)
    %dma_wait3A_94 = arith.constant 0 : i32
    %dma_wait3A_95 = arith.constant 0 : i32
    %dma_wait3A_96 = tpu.memref_slice %arg20[%dma_wait3A_94, %dma_wait3A_95] : memref<10240x128xf32, #tpu.memory_space<vmem_shared>> -> memref<10240x128xf32, #tpu.memory_space<vmem_shared>>
    tpu.wait_indirect_dma semaphore(%arg35 : memref<!tpu.dma_semaphore, #tpu.memory_space<semaphore_mem>>) src(%arg15 : memref<64x128xf32, #tpu.memory_space<vmem>>) dst(%dma_wait3A_96 : memref<10240x128xf32, #tpu.memory_space<vmem_shared>>)
    %dma_wait3A_97 = arith.constant 0 : i32
    %dma_wait3A_98 = arith.constant 0 : i32
    %dma_wait3A_99 = tpu.memref_slice %arg20[%dma_wait3A_97, %dma_wait3A_98] : memref<10240x128xf32, #tpu.memory_space<vmem_shared>> -> memref<10240x128xf32, #tpu.memory_space<vmem_shared>>
    tpu.wait_indirect_dma semaphore(%arg36 : memref<!tpu.dma_semaphore, #tpu.memory_space<semaphore_mem>>) src(%arg16 : memref<64x128xf32, #tpu.memory_space<vmem>>) dst(%dma_wait3A_99 : memref<10240x128xf32, #tpu.memory_space<vmem_shared>>)
    %add3A_100 = arith.constant 9984 : i32
    %add3A_101 = arith.addi %mul3A_2, %add3A_100 : i32
    "tpu.region"() ({
      %run_scoped3A = tpu.sem_alloc : memref<!tpu.dma_semaphore, #tpu.memory_space<semaphore_mem>>
      %dma_start3A_113 = tpu.memref_slice %arg3[%add3A_101] : memref<640000xi32, #tpu.memory_space<hbm>> -> memref<16xi32, #tpu.memory_space<hbm>>
      %dma_start3A_114 = tpu.memref_slice %arg3[%add3A_101] : memref<640000xi32, #tpu.memory_space<hbm>> -> memref<16xi32, #tpu.memory_space<hbm>>
      tpu.enqueue_dma source(%dma_start3A_114 : memref<16xi32, #tpu.memory_space<hbm>>) target(%arg17 : memref<16xi32, #tpu.memory_space<vmem>>) target_semaphore(%run_scoped3A : memref<!tpu.dma_semaphore, #tpu.memory_space<semaphore_mem>>)
      %dma_wait3A_115 = tpu.memref_slice %arg3[%add3A_101] : memref<640000xi32, #tpu.memory_space<hbm>> -> memref<16xi32, #tpu.memory_space<hbm>>
      %dma_wait3A_116 = tpu.memref_slice %arg3[%add3A_101] : memref<640000xi32, #tpu.memory_space<hbm>> -> memref<16xi32, #tpu.memory_space<hbm>>
      tpu.wait_dma2 semaphore(%run_scoped3A : memref<!tpu.dma_semaphore, #tpu.memory_space<semaphore_mem>>) src(%dma_wait3A_116 : memref<16xi32, #tpu.memory_space<hbm>>) dst(%arg17 : memref<16xi32, #tpu.memory_space<vmem>>)
      tpu.yield
    }) : () -> ()
    %add3A_102 = arith.constant 9984 : i32
    %add3A_103 = arith.addi %add3A_6, %add3A_102 : i32
    "tpu.region"() ({
      %run_scoped3A = tpu.sem_alloc : memref<!tpu.dma_semaphore, #tpu.memory_space<semaphore_mem>>
      %dma_start3A_113 = tpu.memref_slice %arg3[%add3A_103] : memref<640000xi32, #tpu.memory_space<hbm>> -> memref<16xi32, #tpu.memory_space<hbm>>
      %dma_start3A_114 = tpu.memref_slice %arg3[%add3A_103] : memref<640000xi32, #tpu.memory_space<hbm>> -> memref<16xi32, #tpu.memory_space<hbm>>
      tpu.enqueue_dma source(%dma_start3A_114 : memref<16xi32, #tpu.memory_space<hbm>>) target(%arg18 : memref<16xi32, #tpu.memory_space<vmem>>) target_semaphore(%run_scoped3A : memref<!tpu.dma_semaphore, #tpu.memory_space<semaphore_mem>>)
      %dma_wait3A_115 = tpu.memref_slice %arg3[%add3A_103] : memref<640000xi32, #tpu.memory_space<hbm>> -> memref<16xi32, #tpu.memory_space<hbm>>
      %dma_wait3A_116 = tpu.memref_slice %arg3[%add3A_103] : memref<640000xi32, #tpu.memory_space<hbm>> -> memref<16xi32, #tpu.memory_space<hbm>>
      tpu.wait_dma2 semaphore(%run_scoped3A : memref<!tpu.dma_semaphore, #tpu.memory_space<semaphore_mem>>) src(%dma_wait3A_116 : memref<16xi32, #tpu.memory_space<hbm>>) dst(%arg18 : memref<16xi32, #tpu.memory_space<vmem>>)
      tpu.yield
    }) : () -> ()
    %dma_start3A_104 = arith.constant 0 : i32
    %dma_start3A_105 = arith.constant 0 : i32
    %dma_start3A_106 = tpu.memref_slice %arg2[%dma_start3A_104, %dma_start3A_105] : memref<10000x128xf32, #tpu.memory_space<hbm>> -> memref<10000x128xf32, #tpu.memory_space<hbm>>
    tpu.enqueue_indirect_dma source(%dma_start3A_106 : memref<10000x128xf32, #tpu.memory_space<hbm>>) target(%arg19 : memref<16x128xf32, #tpu.memory_space<vmem>>) offsets(%arg17 : memref<16xi32, #tpu.memory_space<vmem>>) semaphore(%arg29 : memref<!tpu.dma_semaphore, #tpu.memory_space<semaphore_mem>>)
    %dma_wait3A_107 = arith.constant 0 : i32
    %dma_wait3A_108 = arith.constant 0 : i32
    %dma_wait3A_109 = tpu.memref_slice %arg2[%dma_wait3A_107, %dma_wait3A_108] : memref<10000x128xf32, #tpu.memory_space<hbm>> -> memref<10000x128xf32, #tpu.memory_space<hbm>>
    tpu.wait_indirect_dma semaphore(%arg29 : memref<!tpu.dma_semaphore, #tpu.memory_space<semaphore_mem>>) src(%dma_wait3A_109 : memref<10000x128xf32, #tpu.memory_space<hbm>>) dst(%arg19 : memref<16x128xf32, #tpu.memory_space<vmem>>)
    "tpu.region"() ({
      %run_scoped3A = tpu.sem_alloc : memref<!tpu.dma_semaphore, #tpu.memory_space<semaphore_mem>>
      %dma_start3A_113 = arith.constant 0 : i32
      %dma_start3A_114 = arith.constant 0 : i32
      %dma_start3A_115 = tpu.memref_slice %arg20[%dma_start3A_113, %dma_start3A_114] : memref<10240x128xf32, #tpu.memory_space<vmem_shared>> -> memref<10240x128xf32, #tpu.memory_space<vmem_shared>>
      tpu.enqueue_indirect_dma source(%arg19 : memref<16x128xf32, #tpu.memory_space<vmem>>) target(%dma_start3A_115 : memref<10240x128xf32, #tpu.memory_space<vmem_shared>>) offsets(%arg18 : memref<16xi32, #tpu.memory_space<vmem>>) semaphore(%run_scoped3A : memref<!tpu.dma_semaphore, #tpu.memory_space<semaphore_mem>>) {add = true}
      %dma_wait3A_116 = arith.constant 0 : i32
      %dma_wait3A_117 = arith.constant 0 : i32
      %dma_wait3A_118 = tpu.memref_slice %arg20[%dma_wait3A_116, %dma_wait3A_117] : memref<10240x128xf32, #tpu.memory_space<vmem_shared>> -> memref<10240x128xf32, #tpu.memory_space<vmem_shared>>
      tpu.wait_indirect_dma semaphore(%run_scoped3A : memref<!tpu.dma_semaphore, #tpu.memory_space<semaphore_mem>>) src(%arg19 : memref<16x128xf32, #tpu.memory_space<vmem>>) dst(%dma_wait3A_118 : memref<10240x128xf32, #tpu.memory_space<vmem_shared>>)
      tpu.yield
    }) : () -> ()
    %barrier3A_110 = arith.constant 0 : index
    tpu.barrier barrier_id(%barrier3A_110)
    %mul3A_111 = arith.constant 640 : i32
    %mul3A_112 = arith.muli %arg1, %mul3A_111 : i32
    "tpu.region"() ({
      %run_scoped3A = tpu.sem_alloc : memref<!tpu.dma_semaphore, #tpu.memory_space<semaphore_mem>>
      %dma_start3A_113 = arith.constant 0 : i32
      %dma_start3A_114 = arith.constant 0 : i32
      %dma_start3A_115 = tpu.memref_slice %arg4[%arg0, %dma_start3A_113, %dma_start3A_114] : memref<2x10240x128xf32, #tpu.memory_space<hbm>> -> memref<1x10240x128xf32, #tpu.memory_space<hbm>>
      %dma_start3A_116 = tpu.memref_squeeze %dma_start3A_115 : memref<1x10240x128xf32, #tpu.memory_space<hbm>> -> memref<10240x128xf32, #tpu.memory_space<hbm>>
      %dma_start3A_117 = arith.constant 0 : i32
      %dma_start3A_118 = tpu.memref_slice %dma_start3A_116[%mul3A_112, %dma_start3A_117] : memref<10240x128xf32, #tpu.memory_space<hbm>> -> memref<640x128xf32, #tpu.memory_space<hbm>>
      %dma_start3A_119 = arith.constant 0 : i32
      %dma_start3A_120 = tpu.memref_slice %arg20[%mul3A_112, %dma_start3A_119] : memref<10240x128xf32, #tpu.memory_space<vmem_shared>> -> memref<640x128xf32, #tpu.memory_space<vmem_shared>>
      tpu.enqueue_dma source(%dma_start3A_120 : memref<640x128xf32, #tpu.memory_space<vmem_shared>>) target(%dma_start3A_118 : memref<640x128xf32, #tpu.memory_space<hbm>>) target_semaphore(%run_scoped3A : memref<!tpu.dma_semaphore, #tpu.memory_space<semaphore_mem>>)
      %dma_wait3A_121 = arith.constant 0 : i32
      %dma_wait3A_122 = arith.constant 0 : i32
      %dma_wait3A_123 = tpu.memref_slice %arg4[%arg0, %dma_wait3A_121, %dma_wait3A_122] : memref<2x10240x128xf32, #tpu.memory_space<hbm>> -> memref<1x10240x128xf32, #tpu.memory_space<hbm>>
      %dma_wait3A_124 = tpu.memref_squeeze %dma_wait3A_123 : memref<1x10240x128xf32, #tpu.memory_space<hbm>> -> memref<10240x128xf32, #tpu.memory_space<hbm>>
      %dma_wait3A_125 = arith.constant 0 : i32
      %dma_wait3A_126 = tpu.memref_slice %dma_wait3A_124[%mul3A_112, %dma_wait3A_125] : memref<10240x128xf32, #tpu.memory_space<hbm>> -> memref<640x128xf32, #tpu.memory_space<hbm>>
      %dma_wait3A_127 = arith.constant 0 : i32
      %dma_wait3A_128 = tpu.memref_slice %arg20[%mul3A_112, %dma_wait3A_127] : memref<10240x128xf32, #tpu.memory_space<vmem_shared>> -> memref<640x128xf32, #tpu.memory_space<vmem_shared>>
      tpu.wait_dma2 semaphore(%run_scoped3A : memref<!tpu.dma_semaphore, #tpu.memory_space<semaphore_mem>>) src(%dma_wait3A_128 : memref<640x128xf32, #tpu.memory_space<vmem_shared>>) dst(%dma_wait3A_126 : memref<640x128xf32, #tpu.memory_space<hbm>>)
      tpu.yield
    }) : () -> ()
    return
  }
}

module attributes {stable_mosaic.version = 14 : i64} {
  func.func @_scale_body(%arg0: i32, %arg1: memref<1000x128xf32, #tpu.memory_space<vmem>>, %arg2: memref<1000x1xf32, #tpu.memory_space<vmem>>, %arg3: memref<1000x1xf32, #tpu.memory_space<vmem>>, %arg4: memref<1000x128xf32, #tpu.memory_space<vmem>>) attributes {dimension_semantics = [#tpu.dimension_semantics<arbitrary>], iteration_bounds = array<i64: 10>, scalar_prefetch = 0 : i64, scratch_operands = 0 : i64, tpu.core_type = #tpu.core_type<tc>, window_params = [{transform_indices = @transform_0, window_bounds = array<i64: 1000, 128>}, {transform_indices = @transform_1, window_bounds = array<i64: 1000, 1>}, {transform_indices = @transform_2, window_bounds = array<i64: 1000, 1>}, {transform_indices = @transform_3, window_bounds = array<i64: 1000, 128>}]} {
    %get3A = arith.constant 0 : index
    %get3A_0 = arith.constant 0 : index
    %get3A_1 = vector.load %arg2[%get3A, %get3A_0] : memref<1000x1xf32, #tpu.memory_space<vmem>>, vector<1000x1xf32>
    %get3A_2 = arith.constant 0 : index
    %get3A_3 = arith.constant 0 : index
    %get3A_4 = vector.load %arg3[%get3A_2, %get3A_3] : memref<1000x1xf32, #tpu.memory_space<vmem>>, vector<1000x1xf32>
    %add3A = arith.addf %get3A_1, %get3A_4 : vector<1000x1xf32>
    %add3A_5 = arith.constant 1.000000e+00 : f32
    %add3A_6 = vector.broadcast %add3A_5 : f32 to vector<1000x1xf32>
    %add3A_7 = arith.addf %add3A, %add3A_6 : vector<1000x1xf32>
    %rsqrt3A = math.rsqrt %add3A_7 : vector<1000x1xf32>
    %get3A_8 = arith.constant 0 : index
    %get3A_9 = arith.constant 0 : index
    %get3A_10 = vector.load %arg1[%get3A_8, %get3A_9] : memref<1000x128xf32, #tpu.memory_space<vmem>>, vector<1000x128xf32>
    %mul3A = vector.broadcast %rsqrt3A : vector<1000x1xf32> to vector<1000x128xf32>
    %mul3A_11 = arith.mulf %get3A_10, %mul3A : vector<1000x128xf32>
    %swap3A = arith.constant 0 : index
    %swap3A_12 = arith.constant 0 : index
    %swap3A_13 = vector.load %arg4[%swap3A, %swap3A_12] : memref<1000x128xf32, #tpu.memory_space<vmem>>, vector<1000x128xf32>
    tpu.vector_store %arg4[%swap3A, %swap3A_12], %mul3A_11 {strides = array<i32>} : memref<1000x128xf32, #tpu.memory_space<vmem>>, vector<1000x128xf32>,
    return
  }
  func.func @transform_0(%arg0: i32) -> (i32, i32) {
    %c0_i32 = arith.constant 0 : i32
    %c0_i32_0 = arith.constant 0 : i32
    return %arg0, %c0_i32 : i32, i32
  }
  func.func @transform_1(%arg0: i32) -> (i32, i32) {
    %c0_i32 = arith.constant 0 : i32
    %c0_i32_0 = arith.constant 0 : i32
    return %arg0, %c0_i32 : i32, i32
  }
  func.func @transform_2(%arg0: i32) -> (i32, i32) {
    %c0_i32 = arith.constant 0 : i32
    %c0_i32_0 = arith.constant 0 : i32
    return %arg0, %c0_i32 : i32, i32
  }
  func.func @transform_3(%arg0: i32) -> (i32, i32) {
    %c0_i32 = arith.constant 0 : i32
    %c0_i32_0 = arith.constant 0 : i32
    return %arg0, %c0_i32 : i32, i32
  }
}

module attributes {stable_mosaic.version = 14 : i64} {
  func.func @_mm_body(%arg0: i32, %arg1: memref<1000x128xf32, #tpu.memory_space<vmem>>, %arg2: memref<128x128xf32, #tpu.memory_space<vmem>>, %arg3: memref<1000x128xf32, #tpu.memory_space<vmem>>) attributes {dimension_semantics = [#tpu.dimension_semantics<arbitrary>], iteration_bounds = array<i64: 10>, scalar_prefetch = 0 : i64, scratch_operands = 0 : i64, tpu.core_type = #tpu.core_type<tc>, window_params = [{transform_indices = @transform_0, window_bounds = array<i64: 1000, 128>}, {pipeline_mode = #tpu.pipeline_mode<synchronous>, transform_indices = @transform_1, window_bounds = array<i64: 128, 128>}, {transform_indices = @transform_2, window_bounds = array<i64: 1000, 128>}]} {
    %get3A = arith.constant 0 : index
    %get3A_0 = arith.constant 0 : index
    %get3A_1 = vector.load %arg1[%get3A, %get3A_0] : memref<1000x128xf32, #tpu.memory_space<vmem>>, vector<1000x128xf32>
    %get3A_2 = arith.constant 0 : index
    %get3A_3 = arith.constant 0 : index
    %get3A_4 = vector.load %arg2[%get3A_2, %get3A_3] : memref<128x128xf32, #tpu.memory_space<vmem>>, vector<128x128xf32>
    %dot_general3A = arith.constant dense<0.000000e+00> : vector<1000x128xf32>
    %dot_general3A_5 = tpu.matmul %get3A_1, %get3A_4, %dot_general3A {dimension_numbers = #tpu.dot_dimension_numbers<[1], [0], [0], [1], [0, 0, 1, 1], [], []>, transpose_lhs_hint = false} : vector<1000x128xf32>, vector<128x128xf32>, vector<1000x128xf32> -> vector<1000x128xf32>
    %swap3A = arith.constant 0 : index
    %swap3A_6 = arith.constant 0 : index
    %swap3A_7 = vector.load %arg3[%swap3A, %swap3A_6] : memref<1000x128xf32, #tpu.memory_space<vmem>>, vector<1000x128xf32>
    tpu.vector_store %arg3[%swap3A, %swap3A_6], %dot_general3A_5 {strides = array<i32>} : memref<1000x128xf32, #tpu.memory_space<vmem>>, vector<1000x128xf32>,
    return
  }
  func.func @transform_0(%arg0: i32) -> (i32, i32) {
    %c0_i32 = arith.constant 0 : i32
    %c0_i32_0 = arith.constant 0 : i32
    return %arg0, %c0_i32 : i32, i32
  }
  func.func @transform_1(%arg0: i32) -> (i32, i32) {
    %c0_i32 = arith.constant 0 : i32
    %c0_i32_0 = arith.constant 0 : i32
    %c0_i32_1 = arith.constant 0 : i32
    return %c0_i32, %c0_i32_0 : i32, i32
  }
  func.func @transform_2(%arg0: i32) -> (i32, i32) {
    %c0_i32 = arith.constant 0 : i32
    %c0_i32_0 = arith.constant 0 : i32
    return %arg0, %c0_i32 : i32, i32
  }
}

module attributes {stable_mosaic.version = 14 : i64} {
  func.func @_mid_body(%arg0: i32, %arg1: memref<2x1000x128xf32, #tpu.memory_space<vmem>>, %arg2: memref<1000x128xf32, #tpu.memory_space<vmem>>, %arg3: memref<1000x1xf32, #tpu.memory_space<vmem>>, %arg4: memref<1000x1xf32, #tpu.memory_space<vmem>>, %arg5: memref<1x128xf32, #tpu.memory_space<vmem>>, %arg6: memref<128x128xf32, #tpu.memory_space<vmem>>, %arg7: memref<1000x128xf32, #tpu.memory_space<vmem>>) attributes {dimension_semantics = [#tpu.dimension_semantics<arbitrary>], iteration_bounds = array<i64: 10>, scalar_prefetch = 0 : i64, scratch_operands = 0 : i64, tpu.core_type = #tpu.core_type<tc>, window_params = [{transform_indices = @transform_0, window_bounds = array<i64: 2, 1000, 128>}, {transform_indices = @transform_1, window_bounds = array<i64: 1000, 128>}, {transform_indices = @transform_2, window_bounds = array<i64: 1000, 1>}, {transform_indices = @transform_3, window_bounds = array<i64: 1000, 1>}, {pipeline_mode = #tpu.pipeline_mode<synchronous>, transform_indices = @transform_4, window_bounds = array<i64: 1, 128>}, {pipeline_mode = #tpu.pipeline_mode<synchronous>, transform_indices = @transform_5, window_bounds = array<i64: 128, 128>}, {transform_indices = @transform_6, window_bounds = array<i64: 1000, 128>}]} {
    %get3A = arith.constant 0 : index
    %get3A_0 = arith.constant 0 : index
    %get3A_1 = vector.load %arg3[%get3A, %get3A_0] : memref<1000x1xf32, #tpu.memory_space<vmem>>, vector<1000x1xf32>
    %get3A_2 = arith.constant 0 : index
    %get3A_3 = arith.constant 0 : index
    %get3A_4 = vector.load %arg4[%get3A_2, %get3A_3] : memref<1000x1xf32, #tpu.memory_space<vmem>>, vector<1000x1xf32>
    %add3A = arith.addf %get3A_1, %get3A_4 : vector<1000x1xf32>
    %add3A_5 = arith.constant 1.000000e+00 : f32
    %add3A_6 = vector.broadcast %add3A_5 : f32 to vector<1000x1xf32>
    %add3A_7 = arith.addf %add3A, %add3A_6 : vector<1000x1xf32>
    %rsqrt3A = math.rsqrt %add3A_7 : vector<1000x1xf32>
    %get3A_8 = arith.constant 0 : index
    %get3A_9 = arith.constant 0 : index
    %get3A_10 = arith.constant 0 : index
    %get3A_11 = vector.load %arg1[%get3A_8, %get3A_9, %get3A_10] : memref<2x1000x128xf32, #tpu.memory_space<vmem>>, vector<1x1000x128xf32>
    %get3A_12 = vector.shape_cast %get3A_11 : vector<1x1000x128xf32> to vector<1000x128xf32>
    %get3A_13 = arith.constant 1 : index
    %get3A_14 = arith.constant 0 : index
    %get3A_15 = arith.constant 0 : index
    %get3A_16 = vector.load %arg1[%get3A_13, %get3A_14, %get3A_15] : memref<2x1000x128xf32, #tpu.memory_space<vmem>>, vector<1x1000x128xf32>
    %get3A_17 = vector.shape_cast %get3A_16 : vector<1x1000x128xf32> to vector<1000x128xf32>
    %add3A_18 = arith.addf %get3A_12, %get3A_17 : vector<1000x128xf32>
    %get3A_19 = arith.constant 0 : index
    %get3A_20 = arith.constant 0 : index
    %get3A_21 = vector.load %arg2[%get3A_19, %get3A_20] : memref<1000x128xf32, #tpu.memory_space<vmem>>, vector<1000x128xf32>
    %add3A_22 = arith.addf %add3A_18, %get3A_21 : vector<1000x128xf32>
    %mul3A = vector.broadcast %rsqrt3A : vector<1000x1xf32> to vector<1000x128xf32>
    %mul3A_23 = arith.mulf %add3A_22, %mul3A : vector<1000x128xf32>
    %get3A_24 = arith.constant 0 : index
    %get3A_25 = arith.constant 0 : index
    %get3A_26 = vector.load %arg5[%get3A_24, %get3A_25] : memref<1x128xf32, #tpu.memory_space<vmem>>, vector<1x128xf32>
    %add3A_27 = vector.broadcast %get3A_26 : vector<1x128xf32> to vector<1000x128xf32>
    %add3A_28 = arith.addf %mul3A_23, %add3A_27 : vector<1000x128xf32>
    %max3A = arith.constant 0.000000e+00 : f32
    %max3A_29 = vector.broadcast %max3A : f32 to vector<1000x128xf32>
    %max3A_30 = arith.maximumf %add3A_28, %max3A_29 : vector<1000x128xf32>
    %get3A_31 = arith.constant 0 : index
    %get3A_32 = arith.constant 0 : index
    %get3A_33 = vector.load %arg6[%get3A_31, %get3A_32] : memref<128x128xf32, #tpu.memory_space<vmem>>, vector<128x128xf32>
    %dot_general3A = arith.constant dense<0.000000e+00> : vector<1000x128xf32>
    %dot_general3A_34 = tpu.matmul %max3A_30, %get3A_33, %dot_general3A {dimension_numbers = #tpu.dot_dimension_numbers<[1], [0], [0], [1], [0, 0, 1, 1], [], []>, transpose_lhs_hint = false} : vector<1000x128xf32>, vector<128x128xf32>, vector<1000x128xf32> -> vector<1000x128xf32>
    %mul3A_35 = vector.broadcast %rsqrt3A : vector<1000x1xf32> to vector<1000x128xf32>
    %mul3A_36 = arith.mulf %dot_general3A_34, %mul3A_35 : vector<1000x128xf32>
    %swap3A = arith.constant 0 : index
    %swap3A_37 = arith.constant 0 : index
    %swap3A_38 = vector.load %arg7[%swap3A, %swap3A_37] : memref<1000x128xf32, #tpu.memory_space<vmem>>, vector<1000x128xf32>
    tpu.vector_store %arg7[%swap3A, %swap3A_37], %mul3A_36 {strides = array<i32>} : memref<1000x128xf32, #tpu.memory_space<vmem>>, vector<1000x128xf32>,
    return
  }
  func.func @transform_0(%arg0: i32) -> (i32, i32, i32) {
    %c0_i32 = arith.constant 0 : i32
    %c0_i32_0 = arith.constant 0 : i32
    %c0_i32_1 = arith.constant 0 : i32
    return %c0_i32, %arg0, %c0_i32_0 : i32, i32, i32
  }
  func.func @transform_1(%arg0: i32) -> (i32, i32) {
    %c0_i32 = arith.constant 0 : i32
    %c0_i32_0 = arith.constant 0 : i32
    return %arg0, %c0_i32 : i32, i32
  }
  func.func @transform_2(%arg0: i32) -> (i32, i32) {
    %c0_i32 = arith.constant 0 : i32
    %c0_i32_0 = arith.constant 0 : i32
    return %arg0, %c0_i32 : i32, i32
  }
  func.func @transform_3(%arg0: i32) -> (i32, i32) {
    %c0_i32 = arith.constant 0 : i32
    %c0_i32_0 = arith.constant 0 : i32
    return %arg0, %c0_i32 : i32, i32
  }
  func.func @transform_4(%arg0: i32) -> (i32, i32) {
    %c0_i32 = arith.constant 0 : i32
    %c0_i32_0 = arith.constant 0 : i32
    %c0_i32_1 = arith.constant 0 : i32
    return %c0_i32, %c0_i32_0 : i32, i32
  }
  func.func @transform_5(%arg0: i32) -> (i32, i32) {
    %c0_i32 = arith.constant 0 : i32
    %c0_i32_0 = arith.constant 0 : i32
    %c0_i32_1 = arith.constant 0 : i32
    return %c0_i32, %c0_i32_0 : i32, i32
  }
  func.func @transform_6(%arg0: i32) -> (i32, i32) {
    %c0_i32 = arith.constant 0 : i32
    %c0_i32_0 = arith.constant 0 : i32
    return %arg0, %c0_i32 : i32, i32
  }
}

module attributes {stable_mosaic.version = 14 : i64} {
  func.func @_final_body(%arg0: i32, %arg1: memref<2x1000x128xf32, #tpu.memory_space<vmem>>, %arg2: memref<1000x128xf32, #tpu.memory_space<vmem>>, %arg3: memref<1000x1xf32, #tpu.memory_space<vmem>>, %arg4: memref<1000x1xf32, #tpu.memory_space<vmem>>, %arg5: memref<1x128xf32, #tpu.memory_space<vmem>>, %arg6: memref<1000x128xf32, #tpu.memory_space<vmem>>) attributes {dimension_semantics = [#tpu.dimension_semantics<arbitrary>], iteration_bounds = array<i64: 10>, scalar_prefetch = 0 : i64, scratch_operands = 0 : i64, tpu.core_type = #tpu.core_type<tc>, window_params = [{transform_indices = @transform_0, window_bounds = array<i64: 2, 1000, 128>}, {transform_indices = @transform_1, window_bounds = array<i64: 1000, 128>}, {transform_indices = @transform_2, window_bounds = array<i64: 1000, 1>}, {transform_indices = @transform_3, window_bounds = array<i64: 1000, 1>}, {pipeline_mode = #tpu.pipeline_mode<synchronous>, transform_indices = @transform_4, window_bounds = array<i64: 1, 128>}, {transform_indices = @transform_5, window_bounds = array<i64: 1000, 128>}]} {
    %get3A = arith.constant 0 : index
    %get3A_0 = arith.constant 0 : index
    %get3A_1 = vector.load %arg3[%get3A, %get3A_0] : memref<1000x1xf32, #tpu.memory_space<vmem>>, vector<1000x1xf32>
    %get3A_2 = arith.constant 0 : index
    %get3A_3 = arith.constant 0 : index
    %get3A_4 = vector.load %arg4[%get3A_2, %get3A_3] : memref<1000x1xf32, #tpu.memory_space<vmem>>, vector<1000x1xf32>
    %add3A = arith.addf %get3A_1, %get3A_4 : vector<1000x1xf32>
    %add3A_5 = arith.constant 1.000000e+00 : f32
    %add3A_6 = vector.broadcast %add3A_5 : f32 to vector<1000x1xf32>
    %add3A_7 = arith.addf %add3A, %add3A_6 : vector<1000x1xf32>
    %rsqrt3A = math.rsqrt %add3A_7 : vector<1000x1xf32>
    %get3A_8 = arith.constant 0 : index
    %get3A_9 = arith.constant 0 : index
    %get3A_10 = arith.constant 0 : index
    %get3A_11 = vector.load %arg1[%get3A_8, %get3A_9, %get3A_10] : memref<2x1000x128xf32, #tpu.memory_space<vmem>>, vector<1x1000x128xf32>
    %get3A_12 = vector.shape_cast %get3A_11 : vector<1x1000x128xf32> to vector<1000x128xf32>
    %get3A_13 = arith.constant 1 : index
    %get3A_14 = arith.constant 0 : index
    %get3A_15 = arith.constant 0 : index
    %get3A_16 = vector.load %arg1[%get3A_13, %get3A_14, %get3A_15] : memref<2x1000x128xf32, #tpu.memory_space<vmem>>, vector<1x1000x128xf32>
    %get3A_17 = vector.shape_cast %get3A_16 : vector<1x1000x128xf32> to vector<1000x128xf32>
    %add3A_18 = arith.addf %get3A_12, %get3A_17 : vector<1000x128xf32>
    %get3A_19 = arith.constant 0 : index
    %get3A_20 = arith.constant 0 : index
    %get3A_21 = vector.load %arg2[%get3A_19, %get3A_20] : memref<1000x128xf32, #tpu.memory_space<vmem>>, vector<1000x128xf32>
    %add3A_22 = arith.addf %add3A_18, %get3A_21 : vector<1000x128xf32>
    %mul3A = vector.broadcast %rsqrt3A : vector<1000x1xf32> to vector<1000x128xf32>
    %mul3A_23 = arith.mulf %add3A_22, %mul3A : vector<1000x128xf32>
    %get3A_24 = arith.constant 0 : index
    %get3A_25 = arith.constant 0 : index
    %get3A_26 = vector.load %arg5[%get3A_24, %get3A_25] : memref<1x128xf32, #tpu.memory_space<vmem>>, vector<1x128xf32>
    %add3A_27 = vector.broadcast %get3A_26 : vector<1x128xf32> to vector<1000x128xf32>
    %add3A_28 = arith.addf %mul3A_23, %add3A_27 : vector<1000x128xf32>
    %swap3A = arith.constant 0 : index
    %swap3A_29 = arith.constant 0 : index
    %swap3A_30 = vector.load %arg6[%swap3A, %swap3A_29] : memref<1000x128xf32, #tpu.memory_space<vmem>>, vector<1000x128xf32>
    tpu.vector_store %arg6[%swap3A, %swap3A_29], %add3A_28 {strides = array<i32>} : memref<1000x128xf32, #tpu.memory_space<vmem>>, vector<1000x128xf32>,
    return
  }
  func.func @transform_0(%arg0: i32) -> (i32, i32, i32) {
    %c0_i32 = arith.constant 0 : i32
    %c0_i32_0 = arith.constant 0 : i32
    %c0_i32_1 = arith.constant 0 : i32
    return %c0_i32, %arg0, %c0_i32_0 : i32, i32, i32
  }
  func.func @transform_1(%arg0: i32) -> (i32, i32) {
    %c0_i32 = arith.constant 0 : i32
    %c0_i32_0 = arith.constant 0 : i32
    return %arg0, %c0_i32 : i32, i32
  }
  func.func @transform_2(%arg0: i32) -> (i32, i32) {
    %c0_i32 = arith.constant 0 : i32
    %c0_i32_0 = arith.constant 0 : i32
    return %arg0, %c0_i32 : i32, i32
  }
  func.func @transform_3(%arg0: i32) -> (i32, i32) {
    %c0_i32 = arith.constant 0 : i32
    %c0_i32_0 = arith.constant 0 : i32
    return %arg0, %c0_i32 : i32, i32
  }
  func.func @transform_4(%arg0: i32) -> (i32, i32) {
    %c0_i32 = arith.constant 0 : i32
    %c0_i32_0 = arith.constant 0 : i32
    %c0_i32_1 = arith.constant 0 : i32
    return %c0_i32, %c0_i32_0 : i32, i32
  }
  func.func @transform_5(%arg0: i32) -> (i32, i32) {
    %c0_i32 = arith.constant 0 : i32
    %c0_i32_0 = arith.constant 0 : i32
    return %arg0, %c0_i32 : i32, i32
  }
}

</mosaic_0001>

<sc_bundles>
// kernel: kernel.12.cloned.1.call-start
scs
__scs_entry_jumppad:
0x0: {  	(pc) =	sbr.rel $0x88, $3  }
0x1: {  	(tag) =	ssettag $0x0;
	lr =	simm.s32 $0x1  }
0x2: {  	[smem:$0x3F9B] =	sst lr;
	_ =	strace $0xD0000000  }
0x3: {  	_ = 	snop  }
0x4: {  	_ = 	snop  }
0x5: {  	_ = 	snop  }
0x6: {  	_ = 	snop  }
0x7: {  	_ = 	snop  }
__scs_overlays_trampoline_lowered:
0x8: {  	[smem:$0x3FAA] =	sst s0  }
0x9: {  	[smem:$0x3FAB] =	sst s1  }
0xa: {  	[smem:$0x3FAC] =	sst s2  }
0xb: {  	[smem:$0x3FAD] =	sst s3  }
0xc: {  	[smem:$0x3FAE] =	sst s4  }
0xd: {  	[smem:$0x3FAF] =	sst s5  }
0xe: {  	[smem:$0x3FB0] =	sst s6  }
0xf: {  	[smem:$0x3FB1] =	sst s7  }
0x10: {  	[smem:$0x3FB2] =	sst s8  }
0x11: {  	[smem:$0x3FB3] =	sst s9;
	s0 =	simm.s32 @!p0 $0x0  }
0x12: {  	s1 =	sld [smem:$0x3F99];
	s0 =	simm.s32 @p0 $0x1  }
0x13: {  	[smem:$0x3FB4] =	sst s0;
	s0 =	simm.s32 @!p1 $0x0  }
0x14: {  	s2 =	sld [smem:$0x3F98];
	s0 =	simm.s32 @p1 $0x1  }
0x15: {  	[smem:$0x3FB5] =	sst s0;
	s0 =	simm.s32 @!p2 $0x0  }
0x16: {  	s3 =	sld [smem:$0x3FDB];
	s0 =	simm.s32 @p2 $0x1  }
0x17: {  	s4 =	simm.s32 $0x1BF5;
	[smem:$0x3FB7] =	sst s0  }
0x18: {  	s0 =	sld [smem:$0x3F9A];
	_ =	swait.ge [sflag:s4], $0x0  }
0x19: {  	s7 =	sld [smem:$0x3F9B]  }
0x1a: {  	s8 =	sadd.s32 $0xFFFFE003, lr  }
0x1b: {  	s9 =	sadd.s32 $0xFFFFFEF7, lr;
	s5 =	simm.s32 $0xFFFFFFFF;
	p2 =	slt.u32 s8, $0xFFFFF086  }
0x1c: {  	p1 =	slt.u32 s9, $0xF7A;
	s5 =	simm.s32 @!p2 $0x0  }
0x1d: {  	s5 =	simm.s32 @p1 $0x1;
	p0 =	seq.s32 s7, s2  }
0x1e: {  	s7 =	smul.u32 @!p0 $0xF7A, s2;
	p2 =	seq.s32 @!p0 s5, $0x0  }
0x1f: {  	s9 =	smul.u32 $0xF7A, s1;
	s8 =	simm.s32 @!p0 $0x1BF5;
	p2 =	por !p2, p0  }
0x20: {  	[sflag:s8] =	ssyncset.s32 @!p0 $0xFFFFF086;
	s6 =	sadd.s32 @!p0 s3, s7;
	s7 =	simm.s32 @!p0 $0x108  }
0x21: {  	s3 =	sadd.s32 s3, s9;
	s6 =	sadd.s32 @!p0 $0x88, s6;
	s7 =	simm.s32 @p2 $0x1082  }
0x22: {  	[simem:s7], [sflag:s8] =	dma.local @!p0 [hbm:s6], $0xF7A  }
0x23: {  	s9 =	sor.u32 $0xD0000000, s2;
	s6 =	simm.s32 $0x108;
	_ =	swait.ge @!p0 [sflag:s8], $0x0  }
0x24: {  	s3 =	sadd.s32 $0x88, s3;
	s6 =	simm.s32 @!p1 $0x1082;
	[sflag:s4] =	ssyncset.s32 $0xFFFFF086  }
0x25: {  	[simem:s6], [sflag:s4] =	dma.local [hbm:s3], $0xF7A  }
0x26: {  	[smem:$0x3F9B] =	sst s1;
	(tag) =	ssettag s2;
	_ =	strace s9  }
0x27: {  	s1 =	sld [smem:$0x3FAB]  }
0x28: {  	s2 =	sld [smem:$0x3FAC]  }
0x29: {  	s4 =	sld [smem:$0x3FAE]  }
0x2a: {  	p0 =	seq.s32 s5, $0x0;
	s5 =	sld [smem:$0x3FAF]  }
0x2b: {  	s6 =	sld [smem:$0x3FB0]  }
0x2c: {  	s7 =	sld [smem:$0x3FB1]  }
0x2d: {  	s3 =	simm.s32 $0x108;
	s8 =	sld [smem:$0x3FB2]  }
0x2e: {  	s3 =	simm.s32 @!p0 $0x1082;
	s9 =	sld [smem:$0x3FB3]  }
0x2f: {  	lr =	sadd.s32 s0, s3;
	s0 =	sld [smem:$0x3FAA]  }
0x30: {  	s3 =	sld [smem:$0x3FAD]  }
0x31: {  	[smem:$0x3FB6] =	sst s10  }
0x32: {  	s10 =	sld [smem:$0x3FB4];
	_ =	sdelay $0x3  }
0x33: {  	p0 =	seq.s32 s10, $0x1;
	s10 =	sld [smem:$0x3FB6];
	_ =	sdelay $0x3  }
0x34: {  	[smem:$0x3FB6] =	sst s10  }
0x35: {  	s10 =	sld [smem:$0x3FB5];
	_ =	sdelay $0x3  }
0x36: {  	p1 =	seq.s32 s10, $0x1;
	s10 =	sld [smem:$0x3FB6];
	_ =	sdelay $0x3  }
0x37: {  	[smem:$0x3FB6] =	sst s10  }
0x38: {  	s10 =	sld [smem:$0x3FB7]  }
0x39: {  	_ = 	snop;
	(pc) =	sbr.ind lr, $3  }
0x3a: {  	_ = 	snop  }
0x3b: {  	_ = 	snop  }
0x3c: {  	p2 =	seq.s32 s10, $0x1;
	s10 =	sld [smem:$0x3FB6]  }
0x3d: {  	_ =	shalt  }
0x3e: {  	_ =	shalt  }
0x3f: {  	_ =	shalt  }
0x40: {  	_ =	shalt  }
0x41: {  	_ =	shalt  }
0x42: {  	_ =	shalt  }
0x43: {  	_ =	shalt  }
0x44: {  	_ =	shalt  }
0x45: {  	_ =	shalt  }
0x46: {  	_ =	shalt  }
0x47: {  	_ =	shalt  }
0x48: {  	_ =	shalt  }
0x49: {  	_ =	shalt  }
0x4a: {  	_ =	shalt  }
0x4b: {  	_ =	shalt  }
0x4c: {  	_ =	shalt  }
0x4d: {  	_ =	shalt  }
0x4e: {  	_ =	shalt  }
0x4f: {  	_ =	shalt  }
0x50: {  	_ =	shalt  }
0x51: {  	_ =	shalt  }
0x52: {  	_ =	shalt  }
0x53: {  	_ =	shalt  }
0x54: {  	_ =	shalt  }
0x55: {  	_ =	shalt  }
0x56: {  	_ =	shalt  }
0x57: {  	_ =	shalt  }
0x58: {  	_ =	shalt  }
0x59: {  	_ =	shalt  }
0x5a: {  	_ =	shalt  }
0x5b: {  	_ =	shalt  }
0x5c: {  	_ =	shalt  }
0x5d: {  	_ =	shalt  }
0x5e: {  	_ =	shalt  }
0x5f: {  	_ =	shalt  }
0x60: {  	_ =	shalt  }
0x61: {  	_ =	shalt  }
0x62: {  	_ =	shalt  }
0x63: {  	_ =	shalt  }
0x64: {  	_ =	shalt  }
0x65: {  	_ =	shalt  }
0x66: {  	_ =	shalt  }
0x67: {  	_ =	shalt  }
0x68: {  	_ =	shalt  }
0x69: {  	_ =	shalt  }
0x6a: {  	_ =	shalt  }
0x6b: {  	_ =	shalt  }
0x6c: {  	_ =	shalt  }
0x6d: {  	_ =	shalt  }
0x6e: {  	_ =	shalt  }
0x6f: {  	_ =	shalt  }
0x70: {  	_ =	shalt  }
0x71: {  	_ =	shalt  }
0x72: {  	_ =	shalt  }
0x73: {  	_ =	shalt  }
0x74: {  	_ =	shalt  }
0x75: {  	_ =	shalt  }
0x76: {  	_ =	shalt  }
0x77: {  	_ =	shalt  }
0x78: {  	_ =	shalt  }
0x79: {  	_ =	shalt  }
0x7a: {  	_ =	shalt  }
0x7b: {  	_ =	shalt  }
0x7c: {  	_ =	shalt  }
0x7d: {  	_ =	shalt  }
0x7e: {  	_ =	shalt  }
0x7f: {  	_ =	shalt  }
0x80: {  	_ =	shalt  }
0x81: {  	_ =	shalt  }
0x82: {  	_ =	shalt  }
0x83: {  	_ =	shalt  }
0x84: {  	_ =	shalt  }
0x85: {  	_ =	shalt  }
0x86: {  	_ =	shalt  }
0x87: {  	_ =	shalt  }
.Lfunc_end0:
.L_simem_size_0:
called_computation.1_lowered:
.L_overlay_start_0:
0x88: {  	s2 =	sld [smem:$0x3FD9]  }
0x89: {  	s3 =	sld [smem:$0x3FFE];
	_ =	sdelay $0x1  }
0x8a: {  	s1 =	srdreg.scid  }
0x8b: {  	s0 =	sand.u32 $0x1, s1  }
0x8c: {  	s17 =	sshll.u32 s0, $0xA;
	s2 =	sadd.s32 s3, s2  }
0x8d: {  	s2 =	sadd.s32 s2, s17  }
0x8e: {  	[smem:$0x3FC2] =	sst s2  }
0x8f: {  	_ = 	snop  }
0x90: {  	s2 =	sld [smem:$0x3FD0];
	(tm) =	ssettm $0x1  }
0x91: {  	s18 =	sld [smem:$0x3FFB];
	_ =	sdelay $0x3  }
0x92: {  	_ =	strace s18  }
0x93: {  	s3 =	sld [smem:$0x3FFC];
	_ =	sdelay $0x3  }
0x94: {  	_ =	strace s3  }
0x95: {  	s3 =	sld [smem:$0x3FFD];
	_ =	sdelay $0x3  }
0x96: {  	_ =	strace s3  }
0x97: {  	_ =	strace $0x8FFFFFFF  }
0x98: {  	s19 =	sld [smem:$0x3FDB];
	_ =	sdelay $0x1  }
0x99: {  	s4 =	simm.s32 $_scs_section_size  }
0x9a: {  	s5 =	simm.s32 $_size__tile_overlayer_lowered;
	s6 =	simm.s32 $_tile_overlayer_lowered  }
0x9b: {  	s22 =	simm.s32 $0x1BFF;
	s21 =	sshll.u32 s6, $0x1;
	s3 =	sadd.s32 s4, s19  }
0x9c: {  	s7 =	simm.s32 $0x0;
	s20 =	sshll.u32 s5, $0x1;
	s5 =	sadd.s32 s21, s3  }
0x9d: {  	[timem:s7], [sflag:s22] =	dma.local [hbm:s5], s20  }
0x9e: {  	_ =	swait.ge [sflag:s22], s20  }
0x9f: {  	s4 =	ssub.s32 $0x0, s20;
	[sflag:s22] =	ssyncset.done $0x0  }
0xa0: {  	[sflag:s22] =	ssyncadd.s32 s4;
	_ =	sdelay $0x1  }
0xa1: {  	s23 =	simm.s32 $0x1B8B  }
0xa2: {  	_ =	swait.ge [sflag:s23], $0x1  }
0xa3: {  	[sflag:s23] =	ssyncset.done $0x0  }
0xa4: {  	s25 =	simm.s32 $0x1B8E;
	s24 =	sld [smem:$0x3FFE];
	[sflag:s23] =	ssyncadd.s32 $0xFFFFFFFF  }
0xa5: {  	s26 =	simm.s32 $execute0_lowered;
	[smem:$0x3FD2] =	sst s25  }
0xa6: {  	s5 =	sshll.u32 s26, $0x1;
	_ =	strace $0x80000049;
	[dreg:$0x1] =	wrdreg $0xFFFFFFFF  }
0xa7: {  	s28 =	simm.s32 $_size_execute0_lowered;
	s3 =	sadd.s32 s3, s5;
	[dreg:$0x0] =	wrdreg $0x0  }
0xa8: {  	s5 =	sshll.u32 s28, $0x1;
	[dreg:$0x2] =	wrdreg s3  }
0xa9: {  	[dreg:$0x3] =	wrdreg s5  }
0xaa: {  	[dreg:$0x4] =	wrdreg $0xC0  }
0xab: {  	_ =	task [dreg:s7], $0x5FFFF  }
0xac: {  	[dreg:$0x1] =	wrdreg $0xFFFFFFFF  }
0xad: {  	[dreg:$0x0] =	wrdreg $0x60  }
0xae: {  	[dreg:$0x2] =	wrdreg s2  }
0xaf: {  	[dreg:$0x3] =	wrdreg s24  }
0xb0: {  	[dreg:$0x4] =	wrdreg $0x8D000  }
0xb1: {  	[dreg:$0x5] =	wrdreg $0x9  }
0xb2: {  	_ =	task.clear_ibuf [dreg:s7], $0x6FFFF;
	_ =	strace $0x90000049  }
0xb3: {  	s29 =	simm.s32 $0x9;
	_ =	strace $0x8000004B  }
0xb4: {  	_ =	swait.ge [sflag:s29], $0x1  }
0xb5: {  	[sflag:s29] =	ssyncadd.s32 $0xFFFFFFFF  }
0xb6: {  	_ =	strace $0x9000004B  }
0xb7: {  	_ =	sfence  }
0xb8: {  	s30 =	sld [smem:$0x0];
	_ =	sdelay $0x2  }
0xb9: {  	s31 =	sshll.u32 s1, $0xD;
	s1 =	sshrl.u32 s1, $0x2  }
0xba: {  	s3 =	sand.u32 $0x4000, s31;
	s1 =	sadd.s32 s1, s30  }
0xbb: {  	s0 =	sor.u32 s3, s0;
	s1 =	sshll.u32 s1, $0x11  }
0xbc: {  	s0 =	sor.u32 s1, s0  }
0xbd: {  	s0 =	sadd.s32 $0x8F2B, s0  }
0xbe: {  	[sflag:s0] =	ssyncadd.remote.s32 $0x1  }
0xbf: {  	_ =	sfence.sel $0xFFFF  }
0xc0: {  	[dreg:$0x0] =	wrdreg $0xFFFFFFFF;
	(pc) =	sbr.abs _section_cstart, $3  }
0xc1: {  	[dreg:$0x1] =	wrdreg $0xFFFFFFFF  }
0xc2: {  	_ =	task.clear_ibuf [dreg:s7], $0x2FFFF;
	_ =	strace $0x9FFFFFFF  }
0xc3: {  	(tm) =	ssettm $0x7FFFFFFF  }
tec
execute0_lowered:
.L_overlay_start_1:
0x0: {  	(tag) =	ssettag $0x1  }
0x1: {  	s1 =	rddreg [dreg:$0x0]  }
0x2: {  	s0 =	rddreg [dreg:$0x1];
	s2 =	srdreg.scid  }
0x3: {  	s3 =	rddreg [dreg:$0x2];
	s9 =	stileid.u32  }
0x4: {  	s4 =	simm.s32 $0x0;
	s29 =	simm.s32 $0x3;
	s25 =	smul.u32 $0x50000, s9  }
0x5: {  	s30 =	simm.s32 $0x9;
	s31 =	simm.s32 $0x5;
	s13 =	smul.u32 $0x2710, s9  }
0x6: {  	s28 =	simm.s32 $0x10;
	s2 =	sand.u32 $0x1, s2;
	s18 =	smul.u32 $0x2800, s9  }
0x7: {  	[smem:$0x7FF] =	sst s4;
	s5 =	sshll.u32 s2, $0x4;
	s6 =	smul.u32 $0x28000, s2  }
0x8: {  	s8 =	ssub.s32 $0x2, s2;
	s2 =	smul.u32 $0x27100, s2;
	s5 =	sor.u32 s9, s5  }
0x9: {  	_ =	strace $0x8000004A;
	s24 =	sshrl.u32 s8, $0x1;
	s7 =	smul.u32 $0x2710, s5  }
0xa: {  	s5 =	sadd.s32 $0x2600, s0;
	s0 =	sadd.s32 s6, s0;
	s2 =	sadd.s32 s13, s2  }
0xb: {  	s6 =	ssub.s32 s8, s24;
	s0 =	sadd.s32 $0x16000, s0;
	s17 =	sadd.s32 $0x4E300, s2  }
0xc: {  	s6 =	smax.u32 s6, $0x1;
	s21 =	sadd.s32 $0x100, s2;
	s22 =	sadd.s32 $0x140, s2  }
0xd: {  	s23 =	sadd.s32 $0x4E340, s2;
	s24 =	sadd.s32 $0x1C0, s2;
	s9 =	sadd.s32 $0x180, s2  }
0xe: {  	s7 =	sshrl.u32 s7, $0x3;
	[dreg:$0xe] =	wrdreg s6;
	s20 =	sshrl.u32 s17, $0x3  }
0xf: {  	[dreg:$0xf] =	wrdreg s21;
	s0 =	sadd.s32 s18, s0;
	s21 =	smov.u32 s5  }
0x10: {  	s10 =	sadd.s32 s5, s7;
	s6 =	sadd.s32 s20, s5;
	[dreg:$0x10] =	wrdreg s0  }
0x11: {  	s7 =	sshrl.u32 s25, $0x2;
	s25 =	sshrl.u32 s23, $0x3;
	[dreg:$0x1a] =	wrdreg s6  }
0x12: {  	s26 =	sadd.s32 $0x8, s10;
	s11 =	sadd.s32 $0x10, s10;
	[dreg:$0x4] =	wrdreg s10  }
0x13: {  	s12 =	sadd.s32 $0x18, s10;
	s14 =	sadd.s32 $0x9C48, s10;
	[dreg:$0x5] =	wrdreg s26  }
0x14: {  	s6 =	sshrl.u32 s22, $0x3;
	s20 =	sadd.s32 s25, s5;
	[dreg:$0x6] =	wrdreg s11  }
0x15: {  	s22 =	sadd.s32 $0x4E0, s10;
	[dreg:$0x7] =	wrdreg s12;
	s11 =	sadd.s32 $0x9C40, s10  }
0x16: {  	[dreg:$0x9] =	wrdreg s14;
	s19 =	sadd.s32 s6, s5;
	s26 =	sshrl.u32 s24, $0x3  }
0x17: {  	s12 =	sadd.s32 $0x4E2C0, s2;
	s2 =	sadd.s32 $0x4E280, s2;
	s6 =	sshrl.u32 s9, $0x3  }
0x18: {  	[dreg:$0x17] =	wrdreg s22;
	s22 =	simm.s32 $0x40;
	s9 =	simm.s32 $0x0  }
0x19: {  	[dreg:$0x8] =	wrdreg s11;
	s11 =	sadd.s32 s7, s3;
	s0 =	sshrl.u32 s12, $0x3  }
0x1a: {  	s2 =	sshrl.u32 s2, $0x3;
	s23 =	sadd.s32 s6, s5;
	s6 =	simm.s32 $0xA  }
0x1b: {  	s12 =	simm.s32 $0x8;
	s7 =	sadd.s32 $0x2000, s11;
	[dreg:$0xa] =	wrdreg s11  }
0x1c: {  	s15 =	sadd.s32 $0x4000, s11;
	s16 =	sadd.s32 $0x6000, s11;
	[dreg:$0xb] =	wrdreg s7  }
0x1d: {  	s24 =	sadd.s32 s0, s5;
	s25 =	sadd.s32 s2, s5;
	[dreg:$0xc] =	wrdreg s15  }
0x1e: {  	s13 =	sadd.s32 $0x8000, s11;
	s14 =	sadd.s32 $0xA000, s11;
	[dreg:$0xd] =	wrdreg s16  }
0x1f: {  	s17 =	sadd.s32 $0x10000, s11;
	s18 =	sadd.s32 $0x12000, s11;
	[dreg:$0x11] =	wrdreg s13  }
0x20: {  	s0 =	simm.s32 $0x380;
	s2 =	simm.s32 $0x4;
	[dreg:$0x12] =	wrdreg s14  }
0x21: {  	s7 =	sadd.s32 s26, s5;
	s15 =	sadd.s32 $0xC000, s11;
	[dreg:$0x15] =	wrdreg s17  }
.Ltmp0:
0x22: {  	s16 =	sadd.s32 $0xE000, s11;
	[dreg:$0x16] =	wrdreg s18;
	(pc) =	sbr.rel .LBB2_1-.Ltmp0, $4  }
0x23: {  	s26 =	sadd.s32 $0xA120, s10;
	s13 =	simm.s32 $0x80;
	[dreg:$0x19] =	wrdreg s7  }
0x24: {  	s10 =	simm.s32 $0x180;
	s5 =	simm.s32 $0x11;
	[dreg:$0x13] =	wrdreg s15  }
0x25: {  	s18 =	simm.s32 $0x6;
	s17 =	simm.s32 $0x2400;
	[dreg:$0x14] =	wrdreg s16  }
0x26: {  	v0 =	vimm.f32 $0.0e+00;
	[dreg:$0x18] =	wrdreg s26;
	s7 =	simm.s32 $0x6400;
	s26 =	simm.s32 $0xC  }
.LBB2_8:
0x27: {  	s5 =	simm.s32 $0xD  }
0x28: {  	_ =	swait.ge [sflag:s5], $0x2000  }
0x29: {  	[sflag:s5] =	ssyncset.done $0x0  }
0x2a: {  	s13 =	simm.s32 $0xE;
	[sflag:s5] =	ssyncadd.s32 $0xFFFFE000  }
0x2b: {  	_ =	swait.ge [sflag:s13], $0x2000  }
0x2c: {  	[sflag:s13] =	ssyncset.done $0x0  }
0x2d: {  	s14 =	simm.s32 $0xF;
	[sflag:s13] =	ssyncadd.s32 $0xFFFFE000  }
0x2e: {  	_ =	swait.ge [sflag:s14], $0x2000  }
0x2f: {  	[sflag:s14] =	ssyncset.done $0x0  }
0x30: {  	[sflag:s14] =	ssyncadd.s32 $0xFFFFE000  }
0x31: {  	_ =	swait.ge [sflag:s28], $0x2000  }
0x32: {  	s9 =	simm.s32 $0x8400;
	[sflag:s28] =	ssyncset.done $0x0  }
0x33: {  	s5 =	simm.s32 $0x11;
	s8 =	rddreg [dreg:$0x17];
	[sflag:s28] =	ssyncadd.s32 $0xFFFFE000  }
0x34: {  	[tilespmem:s9], [sflag:$0x11] =	stream.linear.gather [hbm4b:s8+s4], $0x10, $0x38;
	[tilespmem:$0x1CD00] =	vst v63  }
0x35: {  	_ =	swait.ge [sflag:s5], $0x10  }
0x36: {  	[sflag:s5] =	ssyncset.done $0x0  }
0x37: {  	s11 =	simm.s32 $0x8480;
	s15 =	rddreg [dreg:$0x18];
	[sflag:s5] =	ssyncadd.s32 $0xFFFFFFF0  }
0x38: {  	[tilespmem:s11], [sflag:$0x11] =	stream.linear.gather [hbm4b:s15+s4], $0x10, $0x38;
	[tilespmem:$0x1CD00] =	vst v63  }
0x39: {  	_ =	swait.ge [sflag:s5], $0x10  }
0x3a: {  	[sflag:s5] =	ssyncset.done $0x0  }
0x3b: {  	s16 =	simm.s32 $0x8500;
	[sflag:s5] =	ssyncadd.s32 $0xFFFFFFF0  }
0x3c: {  	[tilespmem:s16], [sflag:$0x9] =	stream.indirect.gather [hbm4b:s1+s28], $0x80, s9, s28, $0xb8;
	[tilespmem:$0x1CD00] =	vst v63  }
0x3d: {  	_ =	swait.ge [sflag:s30], $0x800  }
0x3e: {  	[sflag:s30] =	ssyncset.done $0x0  }
0x3f: {  	[sflag:s30] =	ssyncadd.s32 $0xFFFFF800  }
0x40: {  	[spmem:s3] =	stream.indirect.scatter.add.f32 [tilespmem:s16], [sflag:$0x11], $0x80, s11, s28, $0xb8;
	[tilespmem:$0x1CD00] =	vst v63  }
0x41: {  	_ =	swait.ge [sflag:s5], $0x800  }
0x42: {  	[sflag:s5] =	ssyncset.done $0x0  }
0x43: {  	[sflag:s5] =	ssyncadd.s32 $0xFFFFF800  }
0x44: {  	s13 =	stileid.u32;
	[bflag:$0x0] =	sbarrier.arrive $0xFFFF  }
0x45: {  	s8 =	sshll.u32 s13, $0x6;
	s11 =	rddreg [dreg:$0xa]  }
0x46: {  	s8 =	sor.u32 $0x1C11, s8;
	s13 =	rddreg [dreg:$0x10];
	s14 =	sshrl.u32 s11, $0x3  }
0x47: {  	[hbm:s13], [sflag:s8] =	dma.local [spmem:s14], $0x2800  }
0x48: {  	_ =	swait.ge [sflag:s5], $0x2800  }
0x49: {  	s15 =	rddreg [dreg:$0x1b]  }
0x4a: {  	s16 =	rddreg [dreg:$0xe];
	s9 =	sadd.s32 $0x1, s15  }
0x4b: {  	p0 =	sne.s32 s9, s16  }
.Ltmp1:
0x4c: {  	_ = 	snop;
	(pc) =	sbr.rel @!p0 .LBB2_9-.Ltmp1, $3  }
0x4d: {  	_ =	sdelay $0x1  }
0x4e: {  	[sflag:s5] =	ssyncset.done $0x0  }
0x4f: {  	s13 =	simm.s32 $0x80;
	[sflag:s5] =	ssyncadd.s32 $0xFFFFD800  }
.LBB2_1:
0x50: {  	[dreg:$0x1b] =	wrdreg s9  }
0x51: {  	s8 =	rddreg [dreg:$0x4]  }
0x52: {  	[tilespmem:s4], [sflag:$0x1] =	stream.linear.gather [hbm4b:s8+s4], $0x40, $0x38;
	[tilespmem:$0x1CD00] =	vst v63  }
0x53: {  	s9 =	rddreg [dreg:$0x5]  }
0x54: {  	[tilespmem:s13], [sflag:$0x2] =	stream.linear.gather [hbm4b:s9+s4], $0x40, $0x38;
	[tilespmem:$0x1CD00] =	vst v63  }
0x55: {  	s14 =	rddreg [dreg:$0x6];
	s15 =	simm.s32 $0x100  }
0x56: {  	[tilespmem:s15], [sflag:$0x3] =	stream.linear.gather [hbm4b:s14+s4], $0x40, $0x38;
	[tilespmem:$0x1CD00] =	vst v63  }
0x57: {  	s16 =	rddreg [dreg:$0x7]  }
0x58: {  	[tilespmem:s10], [sflag:$0x4] =	stream.linear.gather [hbm4b:s16+s4], $0x40, $0x38;
	[tilespmem:$0x1CD00] =	vst v63  }
0x59: {  	s8 =	simm.s32 $0x0;
	s9 =	rddreg [dreg:$0x8];
	s14 =	simm.s32 $0x200  }
0x5a: {  	[tilespmem:s14], [sflag:$0x5] =	stream.linear.gather [hbm4b:s9+s4], $0x40, $0x38;
	[tilespmem:$0x1CD00] =	vst v63  }
0x5b: {  	s15 =	rddreg [dreg:$0x9];
	s16 =	simm.s32 $0x280;
	s9 =	simm.s32 $0x200  }
0x5c: {  	[tilespmem:s16], [sflag:$0x6] =	stream.linear.gather [hbm4b:s15+s4], $0x40, $0x38;
	[tilespmem:$0x1CD00] =	vst v63  }
.LBB2_2:
0x5d: {  	p0 =	sne.s32 s9, $0x7E00;
	[tilespmem:s8+$0x470] =	vst v0  }
0x5e: {  	[tilespmem:s8+$0x400] =	vst v0  }
0x5f: {  	[tilespmem:s8+$0x410] =	vst v0  }
.Ltmp2:
0x60: {  	[tilespmem:s8+$0x420] =	vst v0;
	(pc) =	sbr.rel @p0 .LBB2_2-.Ltmp2, $4  }
0x61: {  	[tilespmem:s8+$0x430] =	vst v0  }
0x62: {  	[tilespmem:s8+$0x440] =	vst v0  }
0x63: {  	[tilespmem:s8+$0x450] =	vst v0  }
0x64: {  	[tilespmem:s8+$0x460] =	vst v0;
	s8 =	sshra.s32 s9, $0x2;
	s9 =	sadd.s32 $0x200, s9  }
0x65: {  	[tilespmem:s8+$0x470] =	vst v0  }
0x66: {  	[tilespmem:s8+$0x400] =	vst v0  }
0x67: {  	[tilespmem:s8+$0x410] =	vst v0  }
0x68: {  	[tilespmem:s8+$0x420] =	vst v0  }
0x69: {  	[tilespmem:s8+$0x430] =	vst v0  }
0x6a: {  	[tilespmem:s8+$0x440] =	vst v0  }
0x6b: {  	[tilespmem:s8+$0x450] =	vst v0  }
0x6c: {  	[tilespmem:s8+$0x460] =	vst v0;
	s8 =	simm.s32 $0x0;
	s9 =	simm.s32 $0x200  }
.LBB2_4:
0x6d: {  	p0 =	sne.s32 s9, $0x7E00;
	[tilespmem:s8+$0x2470] =	vst v0  }
0x6e: {  	[tilespmem:s8+$0x2400] =	vst v0  }
0x6f: {  	[tilespmem:s8+$0x2410] =	vst v0  }
.Ltmp3:
0x70: {  	[tilespmem:s8+$0x2420] =	vst v0;
	(pc) =	sbr.rel @p0 .LBB2_4-.Ltmp3, $4  }
0x71: {  	[tilespmem:s8+$0x2430] =	vst v0  }
0x72: {  	[tilespmem:s8+$0x2440] =	vst v0  }
0x73: {  	[tilespmem:s8+$0x2450] =	vst v0  }
0x74: {  	[tilespmem:s8+$0x2460] =	vst v0;
	s8 =	sshra.s32 s9, $0x2;
	s9 =	sadd.s32 $0x200, s9  }
0x75: {  	[tilespmem:s8+$0x2470] =	vst v0  }
0x76: {  	[tilespmem:s8+$0x2400] =	vst v0  }
0x77: {  	[tilespmem:s8+$0x2410] =	vst v0  }
0x78: {  	[tilespmem:s8+$0x2420] =	vst v0  }
0x79: {  	[tilespmem:s8+$0x2430] =	vst v0  }
0x7a: {  	[tilespmem:s8+$0x2440] =	vst v0  }
0x7b: {  	[tilespmem:s8+$0x2450] =	vst v0  }
0x7c: {  	[tilespmem:s8+$0x2460] =	vst v0;
	s14 =	simm.s32 $0x400  }
0x7d: {  	[spmem:s11] =	stream.linear.scatter [tilespmem:s14], [sflag:$0x11], $0x2000, $0x38;
	[tilespmem:$0x1CD00] =	vst v63  }
0x7e: {  	_ =	swait.ge [sflag:s5], $0x2000  }
0x7f: {  	[sflag:s5] =	ssyncset.done $0x0  }
0x80: {  	s16 =	rddreg [dreg:$0xb];
	[sflag:s5] =	ssyncadd.s32 $0xFFFFE000  }
0x81: {  	[spmem:s16] =	stream.linear.scatter [tilespmem:s14], [sflag:$0x11], $0x2000, $0x38;
	[tilespmem:$0x1CD00] =	vst v63  }
0x82: {  	_ =	swait.ge [sflag:s5], $0x2000  }
0x83: {  	[sflag:s5] =	ssyncset.done $0x0  }
0x84: {  	s9 =	rddreg [dreg:$0xc];
	[sflag:s5] =	ssyncadd.s32 $0xFFFFE000  }
0x85: {  	[spmem:s9] =	stream.linear.scatter [tilespmem:s14], [sflag:$0x11], $0x2000, $0x38;
	[tilespmem:$0x1CD00] =	vst v63  }
0x86: {  	_ =	swait.ge [sflag:s5], $0x2000  }
0x87: {  	[sflag:s5] =	ssyncset.done $0x0  }
0x88: {  	s11 =	rddreg [dreg:$0xd];
	[sflag:s5] =	ssyncadd.s32 $0xFFFFE000  }
0x89: {  	[spmem:s11] =	stream.linear.scatter [tilespmem:s14], [sflag:$0x11], $0x2000, $0x38;
	[tilespmem:$0x1CD00] =	vst v63  }
0x8a: {  	_ =	swait.ge [sflag:s5], $0x2000  }
0x8b: {  	[sflag:s5] =	ssyncset.done $0x0  }
0x8c: {  	s15 =	rddreg [dreg:$0x11];
	[sflag:s5] =	ssyncadd.s32 $0xFFFFE000  }
0x8d: {  	[spmem:s15] =	stream.linear.scatter [tilespmem:s14], [sflag:$0x11], $0x2000, $0x38;
	[tilespmem:$0x1CD00] =	vst v63  }
0x8e: {  	_ =	swait.ge [sflag:s5], $0x2000  }
0x8f: {  	[sflag:s5] =	ssyncset.done $0x0  }
0x90: {  	s11 =	simm.s32 $0x2400;
	s16 =	rddreg [dreg:$0x12];
	[sflag:s5] =	ssyncadd.s32 $0xFFFFE000  }
0x91: {  	[spmem:s16] =	stream.linear.scatter [tilespmem:s11], [sflag:$0x11], $0x2000, $0x38;
	[tilespmem:$0x1CD00] =	vst v63  }
0x92: {  	_ =	swait.ge [sflag:s5], $0x2000  }
0x93: {  	[sflag:s5] =	ssyncset.done $0x0  }
0x94: {  	s9 =	rddreg [dreg:$0x13];
	[sflag:s5] =	ssyncadd.s32 $0xFFFFE000  }
0x95: {  	[spmem:s9] =	stream.linear.scatter [tilespmem:s11], [sflag:$0x11], $0x2000, $0x38;
	[tilespmem:$0x1CD00] =	vst v63  }
0x96: {  	_ =	swait.ge [sflag:s5], $0x2000  }
0x97: {  	[sflag:s5] =	ssyncset.done $0x0  }
0x98: {  	s15 =	rddreg [dreg:$0x14];
	[sflag:s5] =	ssyncadd.s32 $0xFFFFE000  }
0x99: {  	[spmem:s15] =	stream.linear.scatter [tilespmem:s11], [sflag:$0x11], $0x2000, $0x38;
	[tilespmem:$0x1CD00] =	vst v63  }
0x9a: {  	_ =	swait.ge [sflag:s5], $0x2000  }
0x9b: {  	[sflag:s5] =	ssyncset.done $0x0  }
0x9c: {  	s16 =	rddreg [dreg:$0x15];
	[sflag:s5] =	ssyncadd.s32 $0xFFFFE000  }
0x9d: {  	[spmem:s16] =	stream.linear.scatter [tilespmem:s11], [sflag:$0x11], $0x2000, $0x38;
	[tilespmem:$0x1CD00] =	vst v63  }
0x9e: {  	_ =	swait.ge [sflag:s5], $0x2000  }
0x9f: {  	[sflag:s5] =	ssyncset.done $0x0  }
0xa0: {  	s9 =	rddreg [dreg:$0x16];
	[sflag:s5] =	ssyncadd.s32 $0xFFFFE000  }
0xa1: {  	[spmem:s9] =	stream.linear.scatter [tilespmem:s11], [sflag:$0x11], $0x2000, $0x38;
	[tilespmem:$0x1CD00] =	vst v63  }
0xa2: {  	_ =	swait.ge [sflag:s5], $0x2000  }
0xa3: {  	[sflag:s5] =	ssyncset.done $0x0  }
0xa4: {  	[sflag:s5] =	ssyncadd.s32 $0xFFFFE000  }
0xa5: {  	s15 =	simm.s32 $0x1;
	[bflag:$0x0] =	sbarrier.arrive $0xFFFF  }
0xa6: {  	_ =	swait.ge [sflag:s15], $0x40  }
0xa7: {  	[sflag:s15] =	ssyncset.done $0x0  }
0xa8: {  	s16 =	simm.s32 $0x2;
	s9 =	simm.s32 $0x0;
	[sflag:s15] =	ssyncadd.s32 $0xFFFFFFC0  }
0xa9: {  	[tilespmem:s14], [sflag:$0x9] =	stream.indirect.gather [hbm4b:s1+s22], $0x80, s9, s22, $0xb8;
	[tilespmem:$0x1CD00] =	vst v63  }
0xaa: {  	_ =	swait.ge [sflag:s16], $0x40  }
0xab: {  	[sflag:s16] =	ssyncset.done $0x0  }
0xac: {  	s5 =	simm.s32 $0x400;
	s8 =	rddreg [dreg:$0xf];
	[sflag:s16] =	ssyncadd.s32 $0xFFFFFFC0  }
0xad: {  	[tilespmem:s11], [sflag:$0xA] =	stream.indirect.gather [hbm4b:s1+s22], $0x80, s13, s22, $0xb8;
	[tilespmem:$0x1CD00] =	vst v63  }
.LBB2_6:
0xae: {  	p0 =	seq.s32 s9, $0x0  }
0xaf: {  	s11 =	simm.s32 @!p0 $0xF  }
0xb0: {  	_ =	swait.ge @!p0 [sflag:s11], $0x2000  }
0xb1: {  	[sflag:s11] =	ssyncset.done @!p0 $0x0  }
0xb2: {  	s14 =	sadd.s32 s9, s25;
	s13 =	simm.s32 $0x300;
	[sflag:s11] =	ssyncadd.s32 @!p0 $0xFFFFE000  }
0xb3: {  	[tilespmem:s13], [sflag:$0x7] =	stream.linear.gather [hbm4b:s14+s4], $0x40, $0x38;
	[tilespmem:$0x1CD00] =	vst v63  }
0xb4: {  	_ =	swait.ge [sflag:s29], $0x40  }
0xb5: {  	[sflag:s29] =	ssyncset.done $0x0  }
0xb6: {  	s15 =	simm.s32 $0x100;
	s16 =	simm.s32 $0x4400;
	[sflag:s29] =	ssyncadd.s32 $0xFFFFFFC0  }
0xb7: {  	[tilespmem:s16], [sflag:$0xB] =	stream.indirect.gather [hbm4b:s1+s22], $0x80, s15, s22, $0xb8;
	[tilespmem:$0x1CD00] =	vst v63  }
0xb8: {  	_ =	swait.ge [sflag:s30], $0x2000  }
0xb9: {  	[sflag:s30] =	ssyncset.done $0x0  }
0xba: {  	[sflag:s30] =	ssyncadd.s32 $0xFFFFE000  }
0xbb: {  	_ =	swait.ge [sflag:s31], $0x40  }
0xbc: {  	p0 =	seq.s32 s9, $0x4C0;
	s14 =	simm.s32 $0x200;
	[sflag:s31] =	ssyncset.done $0x0  }
0xbd: {  	s11 =	sshrl.u32 @!p0 s8, $0x3;
	p1 =	seq.s32 @!p0 s9, $0x0;
	[sflag:s31] =	ssyncadd.s32 $0xFFFFFFC0  }
0xbe: {  	[spmem:s3] =	stream.indirect.scatter.add.f32 [tilespmem:s5], [sflag:$0xD], $0x80, s14, s22, $0xb8;
	[tilespmem:$0x1CD00] =	vst v63  }
0xbf: {  	s13 =	sadd.s32 @!p0 s21, s11;
	s11 =	simm.s32 @!p0 $0x0;
	p1 =	por p0, !p1  }
0xc0: {  	[tilespmem:s11], [sflag:$0x1] =	stream.linear.gather @!p0 [hbm4b:s13+s11], $0x40, $0x38;
	[tilespmem:$0x1CD00] =	vst v63  }
0xc1: {  	_ =	swait.ge @p1 [sflag:s28], $0x2000  }
0xc2: {  	[sflag:s28] =	ssyncset.done @p1 $0x0  }
0xc3: {  	s15 =	sadd.s32 s9, s24;
	[sflag:s28] =	ssyncadd.s32 @p1 $0xFFFFE000  }
0xc4: {  	[tilespmem:s0], [sflag:$0x8] =	stream.linear.gather [hbm4b:s15+s4], $0x40, $0x38;
	[tilespmem:$0x1CD00] =	vst v63  }
0xc5: {  	_ =	swait.ge [sflag:s2], $0x40  }
0xc6: {  	[sflag:s2] =	ssyncset.done $0x0  }
0xc7: {  	[sflag:s2] =	ssyncadd.s32 $0xFFFFFFC0  }
0xc8: {  	[tilespmem:s7], [sflag:$0xC] =	stream.indirect.gather [hbm4b:s1+s22], $0x80, s10, s22, $0xb8;
	[tilespmem:$0x1CD00] =	vst v63  }
0xc9: {  	_ =	swait.ge [sflag:s6], $0x2000  }
0xca: {  	[sflag:s6] =	ssyncset.done $0x0  }
0xcb: {  	[sflag:s6] =	ssyncadd.s32 $0xFFFFE000  }
0xcc: {  	_ =	swait.ge [sflag:s18], $0x40  }
0xcd: {  	[sflag:s18] =	ssyncset.done $0x0  }
0xce: {  	s16 =	simm.s32 $0x280;
	s13 =	simm.s32 @p0 $0xB;
	[sflag:s18] =	ssyncadd.s32 $0xFFFFFFC0  }
0xcf: {  	[spmem:s3] =	stream.indirect.scatter.add.f32 [tilespmem:s17], [sflag:$0xE], $0x80, s16, s22, $0xb8;
	[tilespmem:$0x1CD00] =	vst v63  }
0xd0: {  	_ =	swait.ge @p0 [sflag:s13], $0x2000  }
0xd1: {  	[sflag:s13] =	ssyncset.done @p0 $0x0  }
0xd2: {  	[sflag:s13] =	ssyncadd.s32 @p0 $0xFFFFE000;
	s13 =	simm.s32 @p0 $0x7  }
0xd3: {  	_ =	swait.ge @p0 [sflag:s13], $0x40  }
0xd4: {  	s14 =	simm.s32 @p0 $0x300;
	[sflag:s13] =	ssyncset.done @p0 $0x0  }
0xd5: {  	s16 =	simm.s32 @p0 $0x4400;
	[sflag:s13] =	ssyncadd.s32 @p0 $0xFFFFFFC0;
	s13 =	simm.s32 @p0 $0x40  }
0xd6: {  	[spmem:s3] =	stream.indirect.scatter.add.f32 @p0 [tilespmem:s16], [sflag:$0xF], $0x80, s14, s13, $0xb8;
	[tilespmem:$0x1CD00] =	vst v63  }
0xd7: {  	s13 =	sadd.s32 @!p0 s9, s19;
	s14 =	simm.s32 @!p0 $0x80  }
0xd8: {  	[tilespmem:s14], [sflag:$0x2] =	stream.linear.gather @!p0 [hbm4b:s13+s11], $0x40, $0x38;
	[tilespmem:$0x1CD00] =	vst v63  }
0xd9: {  	s13 =	simm.s32 @!p0 $0xD  }
0xda: {  	_ =	swait.ge @!p0 [sflag:s13], $0x2000  }
0xdb: {  	[sflag:s13] =	ssyncset.done @!p0 $0x0  }
0xdc: {  	[sflag:s13] =	ssyncadd.s32 @!p0 $0xFFFFE000;
	s13 =	rddreg [dreg:$0x1a]  }
0xdd: {  	s16 =	simm.s32 @!p0 $0x200;
	s13 =	sadd.s32 @!p0 s9, s13  }
0xde: {  	[tilespmem:s16], [sflag:$0x5] =	stream.linear.gather @!p0 [hbm4b:s13+s11], $0x40, $0x38;
	[tilespmem:$0x1CD00] =	vst v63  }
0xdf: {  	s13 =	simm.s32 @!p0 $0x1  }
0xe0: {  	_ =	swait.ge @!p0 [sflag:s13], $0x40  }
0xe1: {  	[sflag:s13] =	ssyncset.done @!p0 $0x0  }
0xe2: {  	s16 =	simm.s32 @!p0 $0x400;
	[sflag:s13] =	ssyncadd.s32 @!p0 $0xFFFFFFC0;
	s13 =	simm.s32 @!p0 $0x40  }
0xe3: {  	[tilespmem:s16], [sflag:$0x9] =	stream.indirect.gather @!p0 [hbm4b:s1+s13], $0x80, s11, s13, $0xb8;
	[tilespmem:$0x1CD00] =	vst v63  }
0xe4: {  	s16 =	simm.s32 @!p0 $0xB  }
0xe5: {  	_ =	swait.ge @!p0 [sflag:s16], $0x2000  }
0xe6: {  	[sflag:s16] =	ssyncset.done @!p0 $0x0  }
0xe7: {  	[sflag:s16] =	ssyncadd.s32 @!p0 $0xFFFFE000;
	s16 =	simm.s32 @!p0 $0x7  }
0xe8: {  	_ =	swait.ge @!p0 [sflag:s16], $0x40  }
0xe9: {  	[sflag:s16] =	ssyncset.done @!p0 $0x0  }
0xea: {  	s15 =	simm.s32 @!p0 $0x4400;
	[sflag:s16] =	ssyncadd.s32 @!p0 $0xFFFFFFC0;
	s16 =	simm.s32 @!p0 $0x300  }
0xeb: {  	[spmem:s3] =	stream.indirect.scatter.add.f32 @!p0 [tilespmem:s15], [sflag:$0xF], $0x80, s16, s13, $0xb8;
	[tilespmem:$0x1CD00] =	vst v63  }
0xec: {  	s15 =	sadd.s32 @!p0 s9, s23;
	s16 =	simm.s32 @!p0 $0x100  }
0xed: {  	[tilespmem:s16], [sflag:$0x3] =	stream.linear.gather @!p0 [hbm4b:s15+s11], $0x40, $0x38;
	[tilespmem:$0x1CD00] =	vst v63  }
0xee: {  	s15 =	simm.s32 @!p0 $0xE  }
0xef: {  	_ =	swait.ge @!p0 [sflag:s15], $0x2000  }
0xf0: {  	[sflag:s15] =	ssyncset.done @!p0 $0x0  }
0xf1: {  	s16 =	simm.s32 @!p0 $0x280;
	[sflag:s15] =	ssyncadd.s32 @!p0 $0xFFFFE000;
	s15 =	sadd.s32 @!p0 s9, s20  }
0xf2: {  	[tilespmem:s16], [sflag:$0x6] =	stream.linear.gather @!p0 [hbm4b:s15+s11], $0x40, $0x38;
	[tilespmem:$0x1CD00] =	vst v63  }
0xf3: {  	s11 =	simm.s32 @!p0 $0x2  }
0xf4: {  	_ =	swait.ge @!p0 [sflag:s11], $0x40  }
0xf5: {  	[sflag:s11] =	ssyncset.done @!p0 $0x0  }
0xf6: {  	[sflag:s11] =	ssyncadd.s32 @!p0 $0xFFFFFFC0;
	s11 =	simm.s32 @!p0 $0x2400  }
0xf7: {  	[tilespmem:s11], [sflag:$0xA] =	stream.indirect.gather @!p0 [hbm4b:s1+s13], $0x80, s14, s13, $0xb8;
	[tilespmem:$0x1CD00] =	vst v63  }
0xf8: {  	_ =	swait.ge [sflag:s26], $0x2000  }
0xf9: {  	[sflag:s26] =	ssyncset.done $0x0  }
.Ltmp4:
0xfa: {  	[sflag:s26] =	ssyncadd.s32 $0xFFFFE000;
	(pc) =	sbr.rel @p0 .LBB2_8-.Ltmp4, $4  }
0xfb: {  	_ =	swait.ge [sflag:s12], $0x40  }
0xfc: {  	[sflag:s12] =	ssyncset.done $0x0  }
0xfd: {  	[sflag:s12] =	ssyncadd.s32 $0xFFFFFFC0  }
0xfe: {  	[spmem:s3] =	stream.indirect.scatter.add.f32 [tilespmem:s7], [sflag:$0x10], $0x80, s0, s22, $0xb8;
	[tilespmem:$0x1CD00] =	vst v63  }
.Ltmp5:
0xff: {  	(pc) =	sbr.rel .LBB2_6-.Ltmp5, $4  }
0x100: {  	_ = 	snop  }
0x101: {  	s11 =	rddreg [dreg:$0x19]  }
0x102: {  	s8 =	sadd.s32 $0x100, s8;
	s11 =	sadd.s32 s9, s11;
	s9 =	sadd.s32 $0x20, s9  }
0x103: {  	[tilespmem:s10], [sflag:$0x4] =	stream.linear.gather [hbm4b:s11+s4], $0x40, $0x38;
	[tilespmem:$0x1CD00] =	vst v63  }
.LBB2_9:
0x104: {  	_ =	sfence.sel $0x180000  }
0x105: {  	[bflag:$0x0] =	sbarrier.arrive $0xFFFF  }
0x106: {  	_ =	strace $0x9000004A  }
0x107: {  	s0 =	stileid.u32;
	[bflag:$0x2] =	sbarrier.arrive $0xFFFF  }
0x108: {  	p0 =	sne.s32 s0, $0x0;
	s0 =	rddreg [dreg:$0x3]  }
0x109: {  	s0 =	sadd.s32 @!p0 $0x100000, s0  }
0x10a: {  	[sflag:s0] =	ssyncadd.tile.s32 @!p0 $0x1;
	_ =	shalt  }
.Lfunc_end2:
_tile_overlayer_lowered:
.L_overlay_start_2:
0x10b: {  	(tag) =	ssettag $0x2  }
0x10c: {  	s0 =	rddreg [dreg:$0x0];
	s2 =	stileid.u32  }
0x10d: {  	s1 =	rddreg [dreg:$0x1];
	p0 =	sne.s32 s2, $0x0  }
0x10e: {  	s3 =	rddreg [dreg:$0x2];
	[bflag:$0x3] =	sbarrier.arrive $0xFFFF;
	s2 =	simm.s32 @!p0 $0x1C11  }
0x10f: {  	[timem:s3], [sflag:s2] =	dma.local @!p0 [hbm:s0], s1  }
0x110: {  	s0 =	simm.s32 @!p0 $0x11  }
0x111: {  	_ =	swait.ge @!p0 [sflag:s0], s1  }
0x112: {  	s1 =	ssub.s32 @!p0 $0x0, s1;
	[sflag:s0] =	ssyncset.done @!p0 $0x0  }
0x113: {  	[sflag:s0] =	ssyncadd.s32 @!p0 s1  }
0x114: {  	[bflag:$0x3] =	sbarrier.arrive $0xFFFF  }
0x115: {  	_ =	shalt  }

// kernel: kernel.15.cloned.1.call-start
scs
__scs_entry_jumppad:
0x0: {  	(pc) =	sbr.rel $0x88, $3  }
0x1: {  	(tag) =	ssettag $0x0;
	lr =	simm.s32 $0x1  }
0x2: {  	[smem:$0x3F9B] =	sst lr;
	_ =	strace $0xD0000000  }
0x3: {  	_ = 	snop  }
0x4: {  	_ = 	snop  }
0x5: {  	_ = 	snop  }
0x6: {  	_ = 	snop  }
0x7: {  	_ = 	snop  }
__scs_overlays_trampoline_lowered:
0x8: {  	[smem:$0x3FAA] =	sst s0  }
0x9: {  	[smem:$0x3FAB] =	sst s1  }
0xa: {  	[smem:$0x3FAC] =	sst s2  }
0xb: {  	[smem:$0x3FAD] =	sst s3  }
0xc: {  	[smem:$0x3FAE] =	sst s4  }
0xd: {  	[smem:$0x3FAF] =	sst s5  }
0xe: {  	[smem:$0x3FB0] =	sst s6  }
0xf: {  	[smem:$0x3FB1] =	sst s7  }
0x10: {  	[smem:$0x3FB2] =	sst s8  }
0x11: {  	[smem:$0x3FB3] =	sst s9;
	s0 =	simm.s32 @!p0 $0x0  }
0x12: {  	s1 =	sld [smem:$0x3F99];
	s0 =	simm.s32 @p0 $0x1  }
0x13: {  	[smem:$0x3FB4] =	sst s0;
	s0 =	simm.s32 @!p1 $0x0  }
0x14: {  	s2 =	sld [smem:$0x3F98];
	s0 =	simm.s32 @p1 $0x1  }
0x15: {  	[smem:$0x3FB5] =	sst s0;
	s0 =	simm.s32 @!p2 $0x0  }
0x16: {  	s3 =	sld [smem:$0x3FDB];
	s0 =	simm.s32 @p2 $0x1  }
0x17: {  	s4 =	simm.s32 $0x1BF5;
	[smem:$0x3FB7] =	sst s0  }
0x18: {  	s0 =	sld [smem:$0x3F9A];
	_ =	swait.ge [sflag:s4], $0x0  }
0x19: {  	s7 =	sld [smem:$0x3F9B]  }
0x1a: {  	s8 =	sadd.s32 $0xFFFFE003, lr  }
0x1b: {  	s9 =	sadd.s32 $0xFFFFFEF7, lr;
	s5 =	simm.s32 $0xFFFFFFFF;
	p2 =	slt.u32 s8, $0xFFFFF086  }
0x1c: {  	p1 =	slt.u32 s9, $0xF7A;
	s5 =	simm.s32 @!p2 $0x0  }
0x1d: {  	s5 =	simm.s32 @p1 $0x1;
	p0 =	seq.s32 s7, s2  }
0x1e: {  	s7 =	smul.u32 @!p0 $0xF7A, s2;
	p2 =	seq.s32 @!p0 s5, $0x0  }
0x1f: {  	s9 =	smul.u32 $0xF7A, s1;
	s8 =	simm.s32 @!p0 $0x1BF5;
	p2 =	por !p2, p0  }
0x20: {  	[sflag:s8] =	ssyncset.s32 @!p0 $0xFFFFF086;
	s6 =	sadd.s32 @!p0 s3, s7;
	s7 =	simm.s32 @!p0 $0x108  }
0x21: {  	s3 =	sadd.s32 s3, s9;
	s6 =	sadd.s32 @!p0 $0x88, s6;
	s7 =	simm.s32 @p2 $0x1082  }
0x22: {  	[simem:s7], [sflag:s8] =	dma.local @!p0 [hbm:s6], $0xF7A  }
0x23: {  	s9 =	sor.u32 $0xD0000000, s2;
	s6 =	simm.s32 $0x108;
	_ =	swait.ge @!p0 [sflag:s8], $0x0  }
0x24: {  	s3 =	sadd.s32 $0x88, s3;
	s6 =	simm.s32 @!p1 $0x1082;
	[sflag:s4] =	ssyncset.s32 $0xFFFFF086  }
0x25: {  	[simem:s6], [sflag:s4] =	dma.local [hbm:s3], $0xF7A  }
0x26: {  	[smem:$0x3F9B] =	sst s1;
	(tag) =	ssettag s2;
	_ =	strace s9  }
0x27: {  	s1 =	sld [smem:$0x3FAB]  }
0x28: {  	s2 =	sld [smem:$0x3FAC]  }
0x29: {  	s4 =	sld [smem:$0x3FAE]  }
0x2a: {  	p0 =	seq.s32 s5, $0x0;
	s5 =	sld [smem:$0x3FAF]  }
0x2b: {  	s6 =	sld [smem:$0x3FB0]  }
0x2c: {  	s7 =	sld [smem:$0x3FB1]  }
0x2d: {  	s3 =	simm.s32 $0x108;
	s8 =	sld [smem:$0x3FB2]  }
0x2e: {  	s3 =	simm.s32 @!p0 $0x1082;
	s9 =	sld [smem:$0x3FB3]  }
0x2f: {  	lr =	sadd.s32 s0, s3;
	s0 =	sld [smem:$0x3FAA]  }
0x30: {  	s3 =	sld [smem:$0x3FAD]  }
0x31: {  	[smem:$0x3FB6] =	sst s10  }
0x32: {  	s10 =	sld [smem:$0x3FB4];
	_ =	sdelay $0x3  }
0x33: {  	p0 =	seq.s32 s10, $0x1;
	s10 =	sld [smem:$0x3FB6];
	_ =	sdelay $0x3  }
0x34: {  	[smem:$0x3FB6] =	sst s10  }
0x35: {  	s10 =	sld [smem:$0x3FB5];
	_ =	sdelay $0x3  }
0x36: {  	p1 =	seq.s32 s10, $0x1;
	s10 =	sld [smem:$0x3FB6];
	_ =	sdelay $0x3  }
0x37: {  	[smem:$0x3FB6] =	sst s10  }
0x38: {  	s10 =	sld [smem:$0x3FB7]  }
0x39: {  	_ = 	snop;
	(pc) =	sbr.ind lr, $3  }
0x3a: {  	_ = 	snop  }
0x3b: {  	_ = 	snop  }
0x3c: {  	p2 =	seq.s32 s10, $0x1;
	s10 =	sld [smem:$0x3FB6]  }
0x3d: {  	_ =	shalt  }
0x3e: {  	_ =	shalt  }
0x3f: {  	_ =	shalt  }
0x40: {  	_ =	shalt  }
0x41: {  	_ =	shalt  }
0x42: {  	_ =	shalt  }
0x43: {  	_ =	shalt  }
0x44: {  	_ =	shalt  }
0x45: {  	_ =	shalt  }
0x46: {  	_ =	shalt  }
0x47: {  	_ =	shalt  }
0x48: {  	_ =	shalt  }
0x49: {  	_ =	shalt  }
0x4a: {  	_ =	shalt  }
0x4b: {  	_ =	shalt  }
0x4c: {  	_ =	shalt  }
0x4d: {  	_ =	shalt  }
0x4e: {  	_ =	shalt  }
0x4f: {  	_ =	shalt  }
0x50: {  	_ =	shalt  }
0x51: {  	_ =	shalt  }
0x52: {  	_ =	shalt  }
0x53: {  	_ =	shalt  }
0x54: {  	_ =	shalt  }
0x55: {  	_ =	shalt  }
0x56: {  	_ =	shalt  }
0x57: {  	_ =	shalt  }
0x58: {  	_ =	shalt  }
0x59: {  	_ =	shalt  }
0x5a: {  	_ =	shalt  }
0x5b: {  	_ =	shalt  }
0x5c: {  	_ =	shalt  }
0x5d: {  	_ =	shalt  }
0x5e: {  	_ =	shalt  }
0x5f: {  	_ =	shalt  }
0x60: {  	_ =	shalt  }
0x61: {  	_ =	shalt  }
0x62: {  	_ =	shalt  }
0x63: {  	_ =	shalt  }
0x64: {  	_ =	shalt  }
0x65: {  	_ =	shalt  }
0x66: {  	_ =	shalt  }
0x67: {  	_ =	shalt  }
0x68: {  	_ =	shalt  }
0x69: {  	_ =	shalt  }
0x6a: {  	_ =	shalt  }
0x6b: {  	_ =	shalt  }
0x6c: {  	_ =	shalt  }
0x6d: {  	_ =	shalt  }
0x6e: {  	_ =	shalt  }
0x6f: {  	_ =	shalt  }
0x70: {  	_ =	shalt  }
0x71: {  	_ =	shalt  }
0x72: {  	_ =	shalt  }
0x73: {  	_ =	shalt  }
0x74: {  	_ =	shalt  }
0x75: {  	_ =	shalt  }
0x76: {  	_ =	shalt  }
0x77: {  	_ =	shalt  }
0x78: {  	_ =	shalt  }
0x79: {  	_ =	shalt  }
0x7a: {  	_ =	shalt  }
0x7b: {  	_ =	shalt  }
0x7c: {  	_ =	shalt  }
0x7d: {  	_ =	shalt  }
0x7e: {  	_ =	shalt  }
0x7f: {  	_ =	shalt  }
0x80: {  	_ =	shalt  }
0x81: {  	_ =	shalt  }
0x82: {  	_ =	shalt  }
0x83: {  	_ =	shalt  }
0x84: {  	_ =	shalt  }
0x85: {  	_ =	shalt  }
0x86: {  	_ =	shalt  }
0x87: {  	_ =	shalt  }
.Lfunc_end0:
.L_simem_size_0:
called_computation.2_lowered:
.L_overlay_start_0:
0x88: {  	s2 =	sld [smem:$0x3FD9]  }
0x89: {  	s3 =	sld [smem:$0x3FFE];
	_ =	sdelay $0x1  }
0x8a: {  	s1 =	srdreg.scid  }
0x8b: {  	s0 =	sand.u32 $0x1, s1  }
0x8c: {  	s17 =	sshll.u32 s0, $0xA;
	s2 =	sadd.s32 s3, s2  }
0x8d: {  	s2 =	sadd.s32 s2, s17  }
0x8e: {  	[smem:$0x3FC2] =	sst s2  }
0x8f: {  	_ = 	snop  }
0x90: {  	s2 =	sld [smem:$0x3FD0];
	(tm) =	ssettm $0x1  }
0x91: {  	s18 =	sld [smem:$0x3FFB];
	_ =	sdelay $0x3  }
0x92: {  	_ =	strace s18  }
0x93: {  	s3 =	sld [smem:$0x3FFC];
	_ =	sdelay $0x3  }
0x94: {  	_ =	strace s3  }
0x95: {  	s3 =	sld [smem:$0x3FFD];
	_ =	sdelay $0x3  }
0x96: {  	_ =	strace s3  }
0x97: {  	_ =	strace $0x8FFFFFFF  }
0x98: {  	s19 =	sld [smem:$0x3FDB];
	_ =	sdelay $0x1  }
0x99: {  	s4 =	simm.s32 $_scs_section_size  }
0x9a: {  	s5 =	simm.s32 $_size__tile_overlayer_lowered;
	s6 =	simm.s32 $_tile_overlayer_lowered  }
0x9b: {  	s22 =	simm.s32 $0x1BFF;
	s21 =	sshll.u32 s6, $0x1;
	s3 =	sadd.s32 s4, s19  }
0x9c: {  	s7 =	simm.s32 $0x0;
	s20 =	sshll.u32 s5, $0x1;
	s5 =	sadd.s32 s21, s3  }
0x9d: {  	[timem:s7], [sflag:s22] =	dma.local [hbm:s5], s20  }
0x9e: {  	_ =	swait.ge [sflag:s22], s20  }
0x9f: {  	s4 =	ssub.s32 $0x0, s20;
	[sflag:s22] =	ssyncset.done $0x0  }
0xa0: {  	[sflag:s22] =	ssyncadd.s32 s4;
	_ =	sdelay $0x1  }
0xa1: {  	s23 =	simm.s32 $0x1B8B  }
0xa2: {  	_ =	swait.ge [sflag:s23], $0x1  }
0xa3: {  	[sflag:s23] =	ssyncset.done $0x0  }
0xa4: {  	s25 =	simm.s32 $0x1B8E;
	s24 =	sld [smem:$0x3FFE];
	[sflag:s23] =	ssyncadd.s32 $0xFFFFFFFF  }
0xa5: {  	s26 =	simm.s32 $execute0_lowered;
	[smem:$0x3FD2] =	sst s25  }
0xa6: {  	s5 =	sshll.u32 s26, $0x1;
	_ =	strace $0x8000004C;
	[dreg:$0x1] =	wrdreg $0xFFFFFFFF  }
0xa7: {  	s28 =	simm.s32 $_size_execute0_lowered;
	s3 =	sadd.s32 s3, s5;
	[dreg:$0x0] =	wrdreg $0x0  }
0xa8: {  	s5 =	sshll.u32 s28, $0x1;
	[dreg:$0x2] =	wrdreg s3  }
0xa9: {  	[dreg:$0x3] =	wrdreg s5  }
0xaa: {  	[dreg:$0x4] =	wrdreg $0xC0  }
0xab: {  	_ =	task [dreg:s7], $0x5FFFF  }
0xac: {  	[dreg:$0x1] =	wrdreg $0xFFFFFFFF  }
0xad: {  	[dreg:$0x0] =	wrdreg $0x60  }
0xae: {  	[dreg:$0x2] =	wrdreg s2  }
0xaf: {  	[dreg:$0x3] =	wrdreg s24  }
0xb0: {  	[dreg:$0x4] =	wrdreg $0x8D000  }
0xb1: {  	[dreg:$0x5] =	wrdreg $0x9  }
0xb2: {  	_ =	task.clear_ibuf [dreg:s7], $0x6FFFF;
	_ =	strace $0x9000004C  }
0xb3: {  	s29 =	simm.s32 $0x9;
	_ =	strace $0x8000004E  }
0xb4: {  	_ =	swait.ge [sflag:s29], $0x1  }
0xb5: {  	[sflag:s29] =	ssyncadd.s32 $0xFFFFFFFF  }
0xb6: {  	_ =	strace $0x9000004E  }
0xb7: {  	_ =	sfence  }
0xb8: {  	s30 =	sld [smem:$0x0];
	_ =	sdelay $0x2  }
0xb9: {  	s31 =	sshll.u32 s1, $0xD;
	s1 =	sshrl.u32 s1, $0x2  }
0xba: {  	s3 =	sand.u32 $0x4000, s31;
	s1 =	sadd.s32 s1, s30  }
0xbb: {  	s0 =	sor.u32 s3, s0;
	s1 =	sshll.u32 s1, $0x11  }
0xbc: {  	s0 =	sor.u32 s1, s0  }
0xbd: {  	s0 =	sadd.s32 $0x8F2B, s0  }
0xbe: {  	[sflag:s0] =	ssyncadd.remote.s32 $0x1  }
0xbf: {  	_ =	sfence.sel $0xFFFF  }
0xc0: {  	[dreg:$0x0] =	wrdreg $0xFFFFFFFF;
	(pc) =	sbr.abs _section_cstart, $3  }
0xc1: {  	[dreg:$0x1] =	wrdreg $0xFFFFFFFF  }
0xc2: {  	_ =	task.clear_ibuf [dreg:s7], $0x2FFFF;
	_ =	strace $0x9FFFFFFF  }
0xc3: {  	(tm) =	ssettm $0x7FFFFFFF  }
tec
execute0_lowered:
.L_overlay_start_1:
0x0: {  	(tag) =	ssettag $0x1  }
0x1: {  	s1 =	rddreg [dreg:$0x0]  }
0x2: {  	s0 =	rddreg [dreg:$0x1];
	s2 =	srdreg.scid  }
0x3: {  	s3 =	rddreg [dreg:$0x2];
	s9 =	stileid.u32  }
0x4: {  	s4 =	simm.s32 $0x0;
	s29 =	simm.s32 $0x3;
	s25 =	smul.u32 $0x50000, s9  }
0x5: {  	s30 =	simm.s32 $0x9;
	s31 =	simm.s32 $0x5;
	s13 =	smul.u32 $0x2710, s9  }
0x6: {  	s28 =	simm.s32 $0x10;
	s2 =	sand.u32 $0x1, s2;
	s18 =	smul.u32 $0x2800, s9  }
0x7: {  	[smem:$0x7FF] =	sst s4;
	s5 =	sshll.u32 s2, $0x4;
	s6 =	smul.u32 $0x28000, s2  }
0x8: {  	s8 =	ssub.s32 $0x2, s2;
	s2 =	smul.u32 $0x27100, s2;
	s5 =	sor.u32 s9, s5  }
0x9: {  	_ =	strace $0x8000004D;
	s24 =	sshrl.u32 s8, $0x1;
	s7 =	smul.u32 $0x2710, s5  }
0xa: {  	s5 =	sadd.s32 $0x2600, s0;
	s0 =	sadd.s32 s6, s0;
	s2 =	sadd.s32 s13, s2  }
0xb: {  	s6 =	ssub.s32 s8, s24;
	s0 =	sadd.s32 $0x16000, s0;
	s17 =	sadd.s32 $0x4E300, s2  }
0xc: {  	s6 =	smax.u32 s6, $0x1;
	s21 =	sadd.s32 $0x100, s2;
	s22 =	sadd.s32 $0x140, s2  }
0xd: {  	s23 =	sadd.s32 $0x4E340, s2;
	s24 =	sadd.s32 $0x1C0, s2;
	s9 =	sadd.s32 $0x180, s2  }
0xe: {  	s7 =	sshrl.u32 s7, $0x3;
	[dreg:$0xe] =	wrdreg s6;
	s20 =	sshrl.u32 s17, $0x3  }
0xf: {  	[dreg:$0xf] =	wrdreg s21;
	s0 =	sadd.s32 s18, s0;
	s21 =	smov.u32 s5  }
0x10: {  	s10 =	sadd.s32 s5, s7;
	s6 =	sadd.s32 s20, s5;
	[dreg:$0x10] =	wrdreg s0  }
0x11: {  	s7 =	sshrl.u32 s25, $0x2;
	s25 =	sshrl.u32 s23, $0x3;
	[dreg:$0x1a] =	wrdreg s6  }
0x12: {  	s26 =	sadd.s32 $0x8, s10;
	s11 =	sadd.s32 $0x10, s10;
	[dreg:$0x4] =	wrdreg s10  }
0x13: {  	s12 =	sadd.s32 $0x18, s10;
	s14 =	sadd.s32 $0x9C48, s10;
	[dreg:$0x5] =	wrdreg s26  }
0x14: {  	s6 =	sshrl.u32 s22, $0x3;
	s20 =	sadd.s32 s25, s5;
	[dreg:$0x6] =	wrdreg s11  }
0x15: {  	s22 =	sadd.s32 $0x4E0, s10;
	[dreg:$0x7] =	wrdreg s12;
	s11 =	sadd.s32 $0x9C40, s10  }
0x16: {  	[dreg:$0x9] =	wrdreg s14;
	s19 =	sadd.s32 s6, s5;
	s26 =	sshrl.u32 s24, $0x3  }
0x17: {  	s12 =	sadd.s32 $0x4E2C0, s2;
	s2 =	sadd.s32 $0x4E280, s2;
	s6 =	sshrl.u32 s9, $0x3  }
0x18: {  	[dreg:$0x17] =	wrdreg s22;
	s22 =	simm.s32 $0x40;
	s9 =	simm.s32 $0x0  }
0x19: {  	[dreg:$0x8] =	wrdreg s11;
	s11 =	sadd.s32 s7, s3;
	s0 =	sshrl.u32 s12, $0x3  }
0x1a: {  	s2 =	sshrl.u32 s2, $0x3;
	s23 =	sadd.s32 s6, s5;
	s6 =	simm.s32 $0xA  }
0x1b: {  	s12 =	simm.s32 $0x8;
	s7 =	sadd.s32 $0x2000, s11;
	[dreg:$0xa] =	wrdreg s11  }
0x1c: {  	s15 =	sadd.s32 $0x4000, s11;
	s16 =	sadd.s32 $0x6000, s11;
	[dreg:$0xb] =	wrdreg s7  }
0x1d: {  	s24 =	sadd.s32 s0, s5;
	s25 =	sadd.s32 s2, s5;
	[dreg:$0xc] =	wrdreg s15  }
0x1e: {  	s13 =	sadd.s32 $0x8000, s11;
	s14 =	sadd.s32 $0xA000, s11;
	[dreg:$0xd] =	wrdreg s16  }
0x1f: {  	s17 =	sadd.s32 $0x10000, s11;
	s18 =	sadd.s32 $0x12000, s11;
	[dreg:$0x11] =	wrdreg s13  }
0x20: {  	s0 =	simm.s32 $0x380;
	s2 =	simm.s32 $0x4;
	[dreg:$0x12] =	wrdreg s14  }
0x21: {  	s7 =	sadd.s32 s26, s5;
	s15 =	sadd.s32 $0xC000, s11;
	[dreg:$0x15] =	wrdreg s17  }
.Ltmp0:
0x22: {  	s16 =	sadd.s32 $0xE000, s11;
	[dreg:$0x16] =	wrdreg s18;
	(pc) =	sbr.rel .LBB2_1-.Ltmp0, $4  }
0x23: {  	s26 =	sadd.s32 $0xA120, s10;
	s13 =	simm.s32 $0x80;
	[dreg:$0x19] =	wrdreg s7  }
0x24: {  	s10 =	simm.s32 $0x180;
	s5 =	simm.s32 $0x11;
	[dreg:$0x13] =	wrdreg s15  }
0x25: {  	s18 =	simm.s32 $0x6;
	s17 =	simm.s32 $0x2400;
	[dreg:$0x14] =	wrdreg s16  }
0x26: {  	v0 =	vimm.f32 $0.0e+00;
	[dreg:$0x18] =	wrdreg s26;
	s7 =	simm.s32 $0x6400;
	s26 =	simm.s32 $0xC  }
.LBB2_8:
0x27: {  	s5 =	simm.s32 $0xD  }
0x28: {  	_ =	swait.ge [sflag:s5], $0x2000  }
0x29: {  	[sflag:s5] =	ssyncset.done $0x0  }
0x2a: {  	s13 =	simm.s32 $0xE;
	[sflag:s5] =	ssyncadd.s32 $0xFFFFE000  }
0x2b: {  	_ =	swait.ge [sflag:s13], $0x2000  }
0x2c: {  	[sflag:s13] =	ssyncset.done $0x0  }
0x2d: {  	s14 =	simm.s32 $0xF;
	[sflag:s13] =	ssyncadd.s32 $0xFFFFE000  }
0x2e: {  	_ =	swait.ge [sflag:s14], $0x2000  }
0x2f: {  	[sflag:s14] =	ssyncset.done $0x0  }
0x30: {  	[sflag:s14] =	ssyncadd.s32 $0xFFFFE000  }
0x31: {  	_ =	swait.ge [sflag:s28], $0x2000  }
0x32: {  	s9 =	simm.s32 $0x8400;
	[sflag:s28] =	ssyncset.done $0x0  }
0x33: {  	s5 =	simm.s32 $0x11;
	s8 =	rddreg [dreg:$0x17];
	[sflag:s28] =	ssyncadd.s32 $0xFFFFE000  }
0x34: {  	[tilespmem:s9], [sflag:$0x11] =	stream.linear.gather [hbm4b:s8+s4], $0x10, $0x38;
	[tilespmem:$0x1CD00] =	vst v63  }
0x35: {  	_ =	swait.ge [sflag:s5], $0x10  }
0x36: {  	[sflag:s5] =	ssyncset.done $0x0  }
0x37: {  	s11 =	simm.s32 $0x8480;
	s15 =	rddreg [dreg:$0x18];
	[sflag:s5] =	ssyncadd.s32 $0xFFFFFFF0  }
0x38: {  	[tilespmem:s11], [sflag:$0x11] =	stream.linear.gather [hbm4b:s15+s4], $0x10, $0x38;
	[tilespmem:$0x1CD00] =	vst v63  }
0x39: {  	_ =	swait.ge [sflag:s5], $0x10  }
0x3a: {  	[sflag:s5] =	ssyncset.done $0x0  }
0x3b: {  	s16 =	simm.s32 $0x8500;
	[sflag:s5] =	ssyncadd.s32 $0xFFFFFFF0  }
0x3c: {  	[tilespmem:s16], [sflag:$0x9] =	stream.indirect.gather [hbm4b:s1+s28], $0x80, s9, s28, $0xb8;
	[tilespmem:$0x1CD00] =	vst v63  }
0x3d: {  	_ =	swait.ge [sflag:s30], $0x800  }
0x3e: {  	[sflag:s30] =	ssyncset.done $0x0  }
0x3f: {  	[sflag:s30] =	ssyncadd.s32 $0xFFFFF800  }
0x40: {  	[spmem:s3] =	stream.indirect.scatter.add.f32 [tilespmem:s16], [sflag:$0x11], $0x80, s11, s28, $0xb8;
	[tilespmem:$0x1CD00] =	vst v63  }
0x41: {  	_ =	swait.ge [sflag:s5], $0x800  }
0x42: {  	[sflag:s5] =	ssyncset.done $0x0  }
0x43: {  	[sflag:s5] =	ssyncadd.s32 $0xFFFFF800  }
0x44: {  	s13 =	stileid.u32;
	[bflag:$0x0] =	sbarrier.arrive $0xFFFF  }
0x45: {  	s8 =	sshll.u32 s13, $0x6;
	s11 =	rddreg [dreg:$0xa]  }
0x46: {  	s8 =	sor.u32 $0x1C11, s8;
	s13 =	rddreg [dreg:$0x10];
	s14 =	sshrl.u32 s11, $0x3  }
0x47: {  	[hbm:s13], [sflag:s8] =	dma.local [spmem:s14], $0x2800  }
0x48: {  	_ =	swait.ge [sflag:s5], $0x2800  }
0x49: {  	s15 =	rddreg [dreg:$0x1b]  }
0x4a: {  	s16 =	rddreg [dreg:$0xe];
	s9 =	sadd.s32 $0x1, s15  }
0x4b: {  	p0 =	sne.s32 s9, s16  }
.Ltmp1:
0x4c: {  	_ = 	snop;
	(pc) =	sbr.rel @!p0 .LBB2_9-.Ltmp1, $3  }
0x4d: {  	_ =	sdelay $0x1  }
0x4e: {  	[sflag:s5] =	ssyncset.done $0x0  }
0x4f: {  	s13 =	simm.s32 $0x80;
	[sflag:s5] =	ssyncadd.s32 $0xFFFFD800  }
.LBB2_1:
0x50: {  	[dreg:$0x1b] =	wrdreg s9  }
0x51: {  	s8 =	rddreg [dreg:$0x4]  }
0x52: {  	[tilespmem:s4], [sflag:$0x1] =	stream.linear.gather [hbm4b:s8+s4], $0x40, $0x38;
	[tilespmem:$0x1CD00] =	vst v63  }
0x53: {  	s9 =	rddreg [dreg:$0x5]  }
0x54: {  	[tilespmem:s13], [sflag:$0x2] =	stream.linear.gather [hbm4b:s9+s4], $0x40, $0x38;
	[tilespmem:$0x1CD00] =	vst v63  }
0x55: {  	s14 =	rddreg [dreg:$0x6];
	s15 =	simm.s32 $0x100  }
0x56: {  	[tilespmem:s15], [sflag:$0x3] =	stream.linear.gather [hbm4b:s14+s4], $0x40, $0x38;
	[tilespmem:$0x1CD00] =	vst v63  }
0x57: {  	s16 =	rddreg [dreg:$0x7]  }
0x58: {  	[tilespmem:s10], [sflag:$0x4] =	stream.linear.gather [hbm4b:s16+s4], $0x40, $0x38;
	[tilespmem:$0x1CD00] =	vst v63  }
0x59: {  	s8 =	simm.s32 $0x0;
	s9 =	rddreg [dreg:$0x8];
	s14 =	simm.s32 $0x200  }
0x5a: {  	[tilespmem:s14], [sflag:$0x5] =	stream.linear.gather [hbm4b:s9+s4], $0x40, $0x38;
	[tilespmem:$0x1CD00] =	vst v63  }
0x5b: {  	s15 =	rddreg [dreg:$0x9];
	s16 =	simm.s32 $0x280;
	s9 =	simm.s32 $0x200  }
0x5c: {  	[tilespmem:s16], [sflag:$0x6] =	stream.linear.gather [hbm4b:s15+s4], $0x40, $0x38;
	[tilespmem:$0x1CD00] =	vst v63  }
.LBB2_2:
0x5d: {  	p0 =	sne.s32 s9, $0x7E00;
	[tilespmem:s8+$0x470] =	vst v0  }
0x5e: {  	[tilespmem:s8+$0x400] =	vst v0  }
0x5f: {  	[tilespmem:s8+$0x410] =	vst v0  }
.Ltmp2:
0x60: {  	[tilespmem:s8+$0x420] =	vst v0;
	(pc) =	sbr.rel @p0 .LBB2_2-.Ltmp2, $4  }
0x61: {  	[tilespmem:s8+$0x430] =	vst v0  }
0x62: {  	[tilespmem:s8+$0x440] =	vst v0  }
0x63: {  	[tilespmem:s8+$0x450] =	vst v0  }
0x64: {  	[tilespmem:s8+$0x460] =	vst v0;
	s8 =	sshra.s32 s9, $0x2;
	s9 =	sadd.s32 $0x200, s9  }
0x65: {  	[tilespmem:s8+$0x470] =	vst v0  }
0x66: {  	[tilespmem:s8+$0x400] =	vst v0  }
0x67: {  	[tilespmem:s8+$0x410] =	vst v0  }
0x68: {  	[tilespmem:s8+$0x420] =	vst v0  }
0x69: {  	[tilespmem:s8+$0x430] =	vst v0  }
0x6a: {  	[tilespmem:s8+$0x440] =	vst v0  }
0x6b: {  	[tilespmem:s8+$0x450] =	vst v0  }
0x6c: {  	[tilespmem:s8+$0x460] =	vst v0;
	s8 =	simm.s32 $0x0;
	s9 =	simm.s32 $0x200  }
.LBB2_4:
0x6d: {  	p0 =	sne.s32 s9, $0x7E00;
	[tilespmem:s8+$0x2470] =	vst v0  }
0x6e: {  	[tilespmem:s8+$0x2400] =	vst v0  }
0x6f: {  	[tilespmem:s8+$0x2410] =	vst v0  }
.Ltmp3:
0x70: {  	[tilespmem:s8+$0x2420] =	vst v0;
	(pc) =	sbr.rel @p0 .LBB2_4-.Ltmp3, $4  }
0x71: {  	[tilespmem:s8+$0x2430] =	vst v0  }
0x72: {  	[tilespmem:s8+$0x2440] =	vst v0  }
0x73: {  	[tilespmem:s8+$0x2450] =	vst v0  }
0x74: {  	[tilespmem:s8+$0x2460] =	vst v0;
	s8 =	sshra.s32 s9, $0x2;
	s9 =	sadd.s32 $0x200, s9  }
0x75: {  	[tilespmem:s8+$0x2470] =	vst v0  }
0x76: {  	[tilespmem:s8+$0x2400] =	vst v0  }
0x77: {  	[tilespmem:s8+$0x2410] =	vst v0  }
0x78: {  	[tilespmem:s8+$0x2420] =	vst v0  }
0x79: {  	[tilespmem:s8+$0x2430] =	vst v0  }
0x7a: {  	[tilespmem:s8+$0x2440] =	vst v0  }
0x7b: {  	[tilespmem:s8+$0x2450] =	vst v0  }
0x7c: {  	[tilespmem:s8+$0x2460] =	vst v0;
	s14 =	simm.s32 $0x400  }
0x7d: {  	[spmem:s11] =	stream.linear.scatter [tilespmem:s14], [sflag:$0x11], $0x2000, $0x38;
	[tilespmem:$0x1CD00] =	vst v63  }
0x7e: {  	_ =	swait.ge [sflag:s5], $0x2000  }
0x7f: {  	[sflag:s5] =	ssyncset.done $0x0  }
0x80: {  	s16 =	rddreg [dreg:$0xb];
	[sflag:s5] =	ssyncadd.s32 $0xFFFFE000  }
0x81: {  	[spmem:s16] =	stream.linear.scatter [tilespmem:s14], [sflag:$0x11], $0x2000, $0x38;
	[tilespmem:$0x1CD00] =	vst v63  }
0x82: {  	_ =	swait.ge [sflag:s5], $0x2000  }
0x83: {  	[sflag:s5] =	ssyncset.done $0x0  }
0x84: {  	s9 =	rddreg [dreg:$0xc];
	[sflag:s5] =	ssyncadd.s32 $0xFFFFE000  }
0x85: {  	[spmem:s9] =	stream.linear.scatter [tilespmem:s14], [sflag:$0x11], $0x2000, $0x38;
	[tilespmem:$0x1CD00] =	vst v63  }
0x86: {  	_ =	swait.ge [sflag:s5], $0x2000  }
0x87: {  	[sflag:s5] =	ssyncset.done $0x0  }
0x88: {  	s11 =	rddreg [dreg:$0xd];
	[sflag:s5] =	ssyncadd.s32 $0xFFFFE000  }
0x89: {  	[spmem:s11] =	stream.linear.scatter [tilespmem:s14], [sflag:$0x11], $0x2000, $0x38;
	[tilespmem:$0x1CD00] =	vst v63  }
0x8a: {  	_ =	swait.ge [sflag:s5], $0x2000  }
0x8b: {  	[sflag:s5] =	ssyncset.done $0x0  }
0x8c: {  	s15 =	rddreg [dreg:$0x11];
	[sflag:s5] =	ssyncadd.s32 $0xFFFFE000  }
0x8d: {  	[spmem:s15] =	stream.linear.scatter [tilespmem:s14], [sflag:$0x11], $0x2000, $0x38;
	[tilespmem:$0x1CD00] =	vst v63  }
0x8e: {  	_ =	swait.ge [sflag:s5], $0x2000  }
0x8f: {  	[sflag:s5] =	ssyncset.done $0x0  }
0x90: {  	s11 =	simm.s32 $0x2400;
	s16 =	rddreg [dreg:$0x12];
	[sflag:s5] =	ssyncadd.s32 $0xFFFFE000  }
0x91: {  	[spmem:s16] =	stream.linear.scatter [tilespmem:s11], [sflag:$0x11], $0x2000, $0x38;
	[tilespmem:$0x1CD00] =	vst v63  }
0x92: {  	_ =	swait.ge [sflag:s5], $0x2000  }
0x93: {  	[sflag:s5] =	ssyncset.done $0x0  }
0x94: {  	s9 =	rddreg [dreg:$0x13];
	[sflag:s5] =	ssyncadd.s32 $0xFFFFE000  }
0x95: {  	[spmem:s9] =	stream.linear.scatter [tilespmem:s11], [sflag:$0x11], $0x2000, $0x38;
	[tilespmem:$0x1CD00] =	vst v63  }
0x96: {  	_ =	swait.ge [sflag:s5], $0x2000  }
0x97: {  	[sflag:s5] =	ssyncset.done $0x0  }
0x98: {  	s15 =	rddreg [dreg:$0x14];
	[sflag:s5] =	ssyncadd.s32 $0xFFFFE000  }
0x99: {  	[spmem:s15] =	stream.linear.scatter [tilespmem:s11], [sflag:$0x11], $0x2000, $0x38;
	[tilespmem:$0x1CD00] =	vst v63  }
0x9a: {  	_ =	swait.ge [sflag:s5], $0x2000  }
0x9b: {  	[sflag:s5] =	ssyncset.done $0x0  }
0x9c: {  	s16 =	rddreg [dreg:$0x15];
	[sflag:s5] =	ssyncadd.s32 $0xFFFFE000  }
0x9d: {  	[spmem:s16] =	stream.linear.scatter [tilespmem:s11], [sflag:$0x11], $0x2000, $0x38;
	[tilespmem:$0x1CD00] =	vst v63  }
0x9e: {  	_ =	swait.ge [sflag:s5], $0x2000  }
0x9f: {  	[sflag:s5] =	ssyncset.done $0x0  }
0xa0: {  	s9 =	rddreg [dreg:$0x16];
	[sflag:s5] =	ssyncadd.s32 $0xFFFFE000  }
0xa1: {  	[spmem:s9] =	stream.linear.scatter [tilespmem:s11], [sflag:$0x11], $0x2000, $0x38;
	[tilespmem:$0x1CD00] =	vst v63  }
0xa2: {  	_ =	swait.ge [sflag:s5], $0x2000  }
0xa3: {  	[sflag:s5] =	ssyncset.done $0x0  }
0xa4: {  	[sflag:s5] =	ssyncadd.s32 $0xFFFFE000  }
0xa5: {  	s15 =	simm.s32 $0x1;
	[bflag:$0x0] =	sbarrier.arrive $0xFFFF  }
0xa6: {  	_ =	swait.ge [sflag:s15], $0x40  }
0xa7: {  	[sflag:s15] =	ssyncset.done $0x0  }
0xa8: {  	s16 =	simm.s32 $0x2;
	s9 =	simm.s32 $0x0;
	[sflag:s15] =	ssyncadd.s32 $0xFFFFFFC0  }
0xa9: {  	[tilespmem:s14], [sflag:$0x9] =	stream.indirect.gather [hbm4b:s1+s22], $0x80, s9, s22, $0xb8;
	[tilespmem:$0x1CD00] =	vst v63  }
0xaa: {  	_ =	swait.ge [sflag:s16], $0x40  }
0xab: {  	[sflag:s16] =	ssyncset.done $0x0  }
0xac: {  	s5 =	simm.s32 $0x400;
	s8 =	rddreg [dreg:$0xf];
	[sflag:s16] =	ssyncadd.s32 $0xFFFFFFC0  }
0xad: {  	[tilespmem:s11], [sflag:$0xA] =	stream.indirect.gather [hbm4b:s1+s22], $0x80, s13, s22, $0xb8;
	[tilespmem:$0x1CD00] =	vst v63  }
.LBB2_6:
0xae: {  	p0 =	seq.s32 s9, $0x0  }
0xaf: {  	s11 =	simm.s32 @!p0 $0xF  }
0xb0: {  	_ =	swait.ge @!p0 [sflag:s11], $0x2000  }
0xb1: {  	[sflag:s11] =	ssyncset.done @!p0 $0x0  }
0xb2: {  	s14 =	sadd.s32 s9, s25;
	s13 =	simm.s32 $0x300;
	[sflag:s11] =	ssyncadd.s32 @!p0 $0xFFFFE000  }
0xb3: {  	[tilespmem:s13], [sflag:$0x7] =	stream.linear.gather [hbm4b:s14+s4], $0x40, $0x38;
	[tilespmem:$0x1CD00] =	vst v63  }
0xb4: {  	_ =	swait.ge [sflag:s29], $0x40  }
0xb5: {  	[sflag:s29] =	ssyncset.done $0x0  }
0xb6: {  	s15 =	simm.s32 $0x100;
	s16 =	simm.s32 $0x4400;
	[sflag:s29] =	ssyncadd.s32 $0xFFFFFFC0  }
0xb7: {  	[tilespmem:s16], [sflag:$0xB] =	stream.indirect.gather [hbm4b:s1+s22], $0x80, s15, s22, $0xb8;
	[tilespmem:$0x1CD00] =	vst v63  }
0xb8: {  	_ =	swait.ge [sflag:s30], $0x2000  }
0xb9: {  	[sflag:s30] =	ssyncset.done $0x0  }
0xba: {  	[sflag:s30] =	ssyncadd.s32 $0xFFFFE000  }
0xbb: {  	_ =	swait.ge [sflag:s31], $0x40  }
0xbc: {  	p0 =	seq.s32 s9, $0x4C0;
	s14 =	simm.s32 $0x200;
	[sflag:s31] =	ssyncset.done $0x0  }
0xbd: {  	s11 =	sshrl.u32 @!p0 s8, $0x3;
	p1 =	seq.s32 @!p0 s9, $0x0;
	[sflag:s31] =	ssyncadd.s32 $0xFFFFFFC0  }
0xbe: {  	[spmem:s3] =	stream.indirect.scatter.add.f32 [tilespmem:s5], [sflag:$0xD], $0x80, s14, s22, $0xb8;
	[tilespmem:$0x1CD00] =	vst v63  }
0xbf: {  	s13 =	sadd.s32 @!p0 s21, s11;
	s11 =	simm.s32 @!p0 $0x0;
	p1 =	por p0, !p1  }
0xc0: {  	[tilespmem:s11], [sflag:$0x1] =	stream.linear.gather @!p0 [hbm4b:s13+s11], $0x40, $0x38;
	[tilespmem:$0x1CD00] =	vst v63  }
0xc1: {  	_ =	swait.ge @p1 [sflag:s28], $0x2000  }
0xc2: {  	[sflag:s28] =	ssyncset.done @p1 $0x0  }
0xc3: {  	s15 =	sadd.s32 s9, s24;
	[sflag:s28] =	ssyncadd.s32 @p1 $0xFFFFE000  }
0xc4: {  	[tilespmem:s0], [sflag:$0x8] =	stream.linear.gather [hbm4b:s15+s4], $0x40, $0x38;
	[tilespmem:$0x1CD00] =	vst v63  }
0xc5: {  	_ =	swait.ge [sflag:s2], $0x40  }
0xc6: {  	[sflag:s2] =	ssyncset.done $0x0  }
0xc7: {  	[sflag:s2] =	ssyncadd.s32 $0xFFFFFFC0  }
0xc8: {  	[tilespmem:s7], [sflag:$0xC] =	stream.indirect.gather [hbm4b:s1+s22], $0x80, s10, s22, $0xb8;
	[tilespmem:$0x1CD00] =	vst v63  }
0xc9: {  	_ =	swait.ge [sflag:s6], $0x2000  }
0xca: {  	[sflag:s6] =	ssyncset.done $0x0  }
0xcb: {  	[sflag:s6] =	ssyncadd.s32 $0xFFFFE000  }
0xcc: {  	_ =	swait.ge [sflag:s18], $0x40  }
0xcd: {  	[sflag:s18] =	ssyncset.done $0x0  }
0xce: {  	s16 =	simm.s32 $0x280;
	s13 =	simm.s32 @p0 $0xB;
	[sflag:s18] =	ssyncadd.s32 $0xFFFFFFC0  }
0xcf: {  	[spmem:s3] =	stream.indirect.scatter.add.f32 [tilespmem:s17], [sflag:$0xE], $0x80, s16, s22, $0xb8;
	[tilespmem:$0x1CD00] =	vst v63  }
0xd0: {  	_ =	swait.ge @p0 [sflag:s13], $0x2000  }
0xd1: {  	[sflag:s13] =	ssyncset.done @p0 $0x0  }
0xd2: {  	[sflag:s13] =	ssyncadd.s32 @p0 $0xFFFFE000;
	s13 =	simm.s32 @p0 $0x7  }
0xd3: {  	_ =	swait.ge @p0 [sflag:s13], $0x40  }
0xd4: {  	s14 =	simm.s32 @p0 $0x300;
	[sflag:s13] =	ssyncset.done @p0 $0x0  }
0xd5: {  	s16 =	simm.s32 @p0 $0x4400;
	[sflag:s13] =	ssyncadd.s32 @p0 $0xFFFFFFC0;
	s13 =	simm.s32 @p0 $0x40  }
0xd6: {  	[spmem:s3] =	stream.indirect.scatter.add.f32 @p0 [tilespmem:s16], [sflag:$0xF], $0x80, s14, s13, $0xb8;
	[tilespmem:$0x1CD00] =	vst v63  }
0xd7: {  	s13 =	sadd.s32 @!p0 s9, s19;
	s14 =	simm.s32 @!p0 $0x80  }
0xd8: {  	[tilespmem:s14], [sflag:$0x2] =	stream.linear.gather @!p0 [hbm4b:s13+s11], $0x40, $0x38;
	[tilespmem:$0x1CD00] =	vst v63  }
0xd9: {  	s13 =	simm.s32 @!p0 $0xD  }
0xda: {  	_ =	swait.ge @!p0 [sflag:s13], $0x2000  }
0xdb: {  	[sflag:s13] =	ssyncset.done @!p0 $0x0  }
0xdc: {  	[sflag:s13] =	ssyncadd.s32 @!p0 $0xFFFFE000;
	s13 =	rddreg [dreg:$0x1a]  }
0xdd: {  	s16 =	simm.s32 @!p0 $0x200;
	s13 =	sadd.s32 @!p0 s9, s13  }
0xde: {  	[tilespmem:s16], [sflag:$0x5] =	stream.linear.gather @!p0 [hbm4b:s13+s11], $0x40, $0x38;
	[tilespmem:$0x1CD00] =	vst v63  }
0xdf: {  	s13 =	simm.s32 @!p0 $0x1  }
0xe0: {  	_ =	swait.ge @!p0 [sflag:s13], $0x40  }
0xe1: {  	[sflag:s13] =	ssyncset.done @!p0 $0x0  }
0xe2: {  	s16 =	simm.s32 @!p0 $0x400;
	[sflag:s13] =	ssyncadd.s32 @!p0 $0xFFFFFFC0;
	s13 =	simm.s32 @!p0 $0x40  }
0xe3: {  	[tilespmem:s16], [sflag:$0x9] =	stream.indirect.gather @!p0 [hbm4b:s1+s13], $0x80, s11, s13, $0xb8;
	[tilespmem:$0x1CD00] =	vst v63  }
0xe4: {  	s16 =	simm.s32 @!p0 $0xB  }
0xe5: {  	_ =	swait.ge @!p0 [sflag:s16], $0x2000  }
0xe6: {  	[sflag:s16] =	ssyncset.done @!p0 $0x0  }
0xe7: {  	[sflag:s16] =	ssyncadd.s32 @!p0 $0xFFFFE000;
	s16 =	simm.s32 @!p0 $0x7  }
0xe8: {  	_ =	swait.ge @!p0 [sflag:s16], $0x40  }
0xe9: {  	[sflag:s16] =	ssyncset.done @!p0 $0x0  }
0xea: {  	s15 =	simm.s32 @!p0 $0x4400;
	[sflag:s16] =	ssyncadd.s32 @!p0 $0xFFFFFFC0;
	s16 =	simm.s32 @!p0 $0x300  }
0xeb: {  	[spmem:s3] =	stream.indirect.scatter.add.f32 @!p0 [tilespmem:s15], [sflag:$0xF], $0x80, s16, s13, $0xb8;
	[tilespmem:$0x1CD00] =	vst v63  }
0xec: {  	s15 =	sadd.s32 @!p0 s9, s23;
	s16 =	simm.s32 @!p0 $0x100  }
0xed: {  	[tilespmem:s16], [sflag:$0x3] =	stream.linear.gather @!p0 [hbm4b:s15+s11], $0x40, $0x38;
	[tilespmem:$0x1CD00] =	vst v63  }
0xee: {  	s15 =	simm.s32 @!p0 $0xE  }
0xef: {  	_ =	swait.ge @!p0 [sflag:s15], $0x2000  }
0xf0: {  	[sflag:s15] =	ssyncset.done @!p0 $0x0  }
0xf1: {  	s16 =	simm.s32 @!p0 $0x280;
	[sflag:s15] =	ssyncadd.s32 @!p0 $0xFFFFE000;
	s15 =	sadd.s32 @!p0 s9, s20  }
0xf2: {  	[tilespmem:s16], [sflag:$0x6] =	stream.linear.gather @!p0 [hbm4b:s15+s11], $0x40, $0x38;
	[tilespmem:$0x1CD00] =	vst v63  }
0xf3: {  	s11 =	simm.s32 @!p0 $0x2  }
0xf4: {  	_ =	swait.ge @!p0 [sflag:s11], $0x40  }
0xf5: {  	[sflag:s11] =	ssyncset.done @!p0 $0x0  }
0xf6: {  	[sflag:s11] =	ssyncadd.s32 @!p0 $0xFFFFFFC0;
	s11 =	simm.s32 @!p0 $0x2400  }
0xf7: {  	[tilespmem:s11], [sflag:$0xA] =	stream.indirect.gather @!p0 [hbm4b:s1+s13], $0x80, s14, s13, $0xb8;
	[tilespmem:$0x1CD00] =	vst v63  }
0xf8: {  	_ =	swait.ge [sflag:s26], $0x2000  }
0xf9: {  	[sflag:s26] =	ssyncset.done $0x0  }
.Ltmp4:
0xfa: {  	[sflag:s26] =	ssyncadd.s32 $0xFFFFE000;
	(pc) =	sbr.rel @p0 .LBB2_8-.Ltmp4, $4  }
0xfb: {  	_ =	swait.ge [sflag:s12], $0x40  }
0xfc: {  	[sflag:s12] =	ssyncset.done $0x0  }
0xfd: {  	[sflag:s12] =	ssyncadd.s32 $0xFFFFFFC0  }
0xfe: {  	[spmem:s3] =	stream.indirect.scatter.add.f32 [tilespmem:s7], [sflag:$0x10], $0x80, s0, s22, $0xb8;
	[tilespmem:$0x1CD00] =	vst v63  }
.Ltmp5:
0xff: {  	(pc) =	sbr.rel .LBB2_6-.Ltmp5, $4  }
0x100: {  	_ = 	snop  }
0x101: {  	s11 =	rddreg [dreg:$0x19]  }
0x102: {  	s8 =	sadd.s32 $0x100, s8;
	s11 =	sadd.s32 s9, s11;
	s9 =	sadd.s32 $0x20, s9  }
0x103: {  	[tilespmem:s10], [sflag:$0x4] =	stream.linear.gather [hbm4b:s11+s4], $0x40, $0x38;
	[tilespmem:$0x1CD00] =	vst v63  }
.LBB2_9:
0x104: {  	_ =	sfence.sel $0x180000  }
0x105: {  	[bflag:$0x0] =	sbarrier.arrive $0xFFFF  }
0x106: {  	_ =	strace $0x9000004D  }
0x107: {  	s0 =	stileid.u32;
	[bflag:$0x2] =	sbarrier.arrive $0xFFFF  }
0x108: {  	p0 =	sne.s32 s0, $0x0;
	s0 =	rddreg [dreg:$0x3]  }
0x109: {  	s0 =	sadd.s32 @!p0 $0x100000, s0  }
0x10a: {  	[sflag:s0] =	ssyncadd.tile.s32 @!p0 $0x1;
	_ =	shalt  }
.Lfunc_end2:
_tile_overlayer_lowered:
.L_overlay_start_2:
0x10b: {  	(tag) =	ssettag $0x2  }
0x10c: {  	s0 =	rddreg [dreg:$0x0];
	s2 =	stileid.u32  }
0x10d: {  	s1 =	rddreg [dreg:$0x1];
	p0 =	sne.s32 s2, $0x0  }
0x10e: {  	s3 =	rddreg [dreg:$0x2];
	[bflag:$0x3] =	sbarrier.arrive $0xFFFF;
	s2 =	simm.s32 @!p0 $0x1C11  }
0x10f: {  	[timem:s3], [sflag:s2] =	dma.local @!p0 [hbm:s0], s1  }
0x110: {  	s0 =	simm.s32 @!p0 $0x11  }
0x111: {  	_ =	swait.ge @!p0 [sflag:s0], s1  }
0x112: {  	s1 =	ssub.s32 @!p0 $0x0, s1;
	[sflag:s0] =	ssyncset.done @!p0 $0x0  }
0x113: {  	[sflag:s0] =	ssyncadd.s32 @!p0 s1  }
0x114: {  	[bflag:$0x3] =	sbarrier.arrive $0xFFFF  }
0x115: {  	_ =	shalt  }

// kernel: kernel.9.cloned.1.call-start
scs
__scs_entry_jumppad:
0x0: {  	(pc) =	sbr.rel $0x88, $3  }
0x1: {  	(tag) =	ssettag $0x0;
	lr =	simm.s32 $0x1  }
0x2: {  	[smem:$0x3F9B] =	sst lr;
	_ =	strace $0xD0000000  }
0x3: {  	_ = 	snop  }
0x4: {  	_ = 	snop  }
0x5: {  	_ = 	snop  }
0x6: {  	_ = 	snop  }
0x7: {  	_ = 	snop  }
__scs_overlays_trampoline_lowered:
0x8: {  	[smem:$0x3FAA] =	sst s0  }
0x9: {  	[smem:$0x3FAB] =	sst s1  }
0xa: {  	[smem:$0x3FAC] =	sst s2  }
0xb: {  	[smem:$0x3FAD] =	sst s3  }
0xc: {  	[smem:$0x3FAE] =	sst s4  }
0xd: {  	[smem:$0x3FAF] =	sst s5  }
0xe: {  	[smem:$0x3FB0] =	sst s6  }
0xf: {  	[smem:$0x3FB1] =	sst s7  }
0x10: {  	[smem:$0x3FB2] =	sst s8  }
0x11: {  	[smem:$0x3FB3] =	sst s9;
	s0 =	simm.s32 @!p0 $0x0  }
0x12: {  	s1 =	sld [smem:$0x3F99];
	s0 =	simm.s32 @p0 $0x1  }
0x13: {  	[smem:$0x3FB4] =	sst s0;
	s0 =	simm.s32 @!p1 $0x0  }
0x14: {  	s2 =	sld [smem:$0x3F98];
	s0 =	simm.s32 @p1 $0x1  }
0x15: {  	[smem:$0x3FB5] =	sst s0;
	s0 =	simm.s32 @!p2 $0x0  }
0x16: {  	s3 =	sld [smem:$0x3FDB];
	s0 =	simm.s32 @p2 $0x1  }
0x17: {  	s4 =	simm.s32 $0x1BF5;
	[smem:$0x3FB7] =	sst s0  }
0x18: {  	s0 =	sld [smem:$0x3F9A];
	_ =	swait.ge [sflag:s4], $0x0  }
0x19: {  	s7 =	sld [smem:$0x3F9B]  }
0x1a: {  	s8 =	sadd.s32 $0xFFFFE003, lr  }
0x1b: {  	s9 =	sadd.s32 $0xFFFFFEF7, lr;
	s5 =	simm.s32 $0xFFFFFFFF;
	p2 =	slt.u32 s8, $0xFFFFF086  }
0x1c: {  	p1 =	slt.u32 s9, $0xF7A;
	s5 =	simm.s32 @!p2 $0x0  }
0x1d: {  	s5 =	simm.s32 @p1 $0x1;
	p0 =	seq.s32 s7, s2  }
0x1e: {  	s7 =	smul.u32 @!p0 $0xF7A, s2;
	p2 =	seq.s32 @!p0 s5, $0x0  }
0x1f: {  	s9 =	smul.u32 $0xF7A, s1;
	s8 =	simm.s32 @!p0 $0x1BF5;
	p2 =	por !p2, p0  }
0x20: {  	[sflag:s8] =	ssyncset.s32 @!p0 $0xFFFFF086;
	s6 =	sadd.s32 @!p0 s3, s7;
	s7 =	simm.s32 @!p0 $0x108  }
0x21: {  	s3 =	sadd.s32 s3, s9;
	s6 =	sadd.s32 @!p0 $0x88, s6;
	s7 =	simm.s32 @p2 $0x1082  }
0x22: {  	[simem:s7], [sflag:s8] =	dma.local @!p0 [hbm:s6], $0xF7A  }
0x23: {  	s9 =	sor.u32 $0xD0000000, s2;
	s6 =	simm.s32 $0x108;
	_ =	swait.ge @!p0 [sflag:s8], $0x0  }
0x24: {  	s3 =	sadd.s32 $0x88, s3;
	s6 =	simm.s32 @!p1 $0x1082;
	[sflag:s4] =	ssyncset.s32 $0xFFFFF086  }
0x25: {  	[simem:s6], [sflag:s4] =	dma.local [hbm:s3], $0xF7A  }
0x26: {  	[smem:$0x3F9B] =	sst s1;
	(tag) =	ssettag s2;
	_ =	strace s9  }
0x27: {  	s1 =	sld [smem:$0x3FAB]  }
0x28: {  	s2 =	sld [smem:$0x3FAC]  }
0x29: {  	s4 =	sld [smem:$0x3FAE]  }
0x2a: {  	p0 =	seq.s32 s5, $0x0;
	s5 =	sld [smem:$0x3FAF]  }
0x2b: {  	s6 =	sld [smem:$0x3FB0]  }
0x2c: {  	s7 =	sld [smem:$0x3FB1]  }
0x2d: {  	s3 =	simm.s32 $0x108;
	s8 =	sld [smem:$0x3FB2]  }
0x2e: {  	s3 =	simm.s32 @!p0 $0x1082;
	s9 =	sld [smem:$0x3FB3]  }
0x2f: {  	lr =	sadd.s32 s0, s3;
	s0 =	sld [smem:$0x3FAA]  }
0x30: {  	s3 =	sld [smem:$0x3FAD]  }
0x31: {  	[smem:$0x3FB6] =	sst s10  }
0x32: {  	s10 =	sld [smem:$0x3FB4];
	_ =	sdelay $0x3  }
0x33: {  	p0 =	seq.s32 s10, $0x1;
	s10 =	sld [smem:$0x3FB6];
	_ =	sdelay $0x3  }
0x34: {  	[smem:$0x3FB6] =	sst s10  }
0x35: {  	s10 =	sld [smem:$0x3FB5];
	_ =	sdelay $0x3  }
0x36: {  	p1 =	seq.s32 s10, $0x1;
	s10 =	sld [smem:$0x3FB6];
	_ =	sdelay $0x3  }
0x37: {  	[smem:$0x3FB6] =	sst s10  }
0x38: {  	s10 =	sld [smem:$0x3FB7]  }
0x39: {  	_ = 	snop;
	(pc) =	sbr.ind lr, $3  }
0x3a: {  	_ = 	snop  }
0x3b: {  	_ = 	snop  }
0x3c: {  	p2 =	seq.s32 s10, $0x1;
	s10 =	sld [smem:$0x3FB6]  }
0x3d: {  	_ =	shalt  }
0x3e: {  	_ =	shalt  }
0x3f: {  	_ =	shalt  }
0x40: {  	_ =	shalt  }
0x41: {  	_ =	shalt  }
0x42: {  	_ =	shalt  }
0x43: {  	_ =	shalt  }
0x44: {  	_ =	shalt  }
0x45: {  	_ =	shalt  }
0x46: {  	_ =	shalt  }
0x47: {  	_ =	shalt  }
0x48: {  	_ =	shalt  }
0x49: {  	_ =	shalt  }
0x4a: {  	_ =	shalt  }
0x4b: {  	_ =	shalt  }
0x4c: {  	_ =	shalt  }
0x4d: {  	_ =	shalt  }
0x4e: {  	_ =	shalt  }
0x4f: {  	_ =	shalt  }
0x50: {  	_ =	shalt  }
0x51: {  	_ =	shalt  }
0x52: {  	_ =	shalt  }
0x53: {  	_ =	shalt  }
0x54: {  	_ =	shalt  }
0x55: {  	_ =	shalt  }
0x56: {  	_ =	shalt  }
0x57: {  	_ =	shalt  }
0x58: {  	_ =	shalt  }
0x59: {  	_ =	shalt  }
0x5a: {  	_ =	shalt  }
0x5b: {  	_ =	shalt  }
0x5c: {  	_ =	shalt  }
0x5d: {  	_ =	shalt  }
0x5e: {  	_ =	shalt  }
0x5f: {  	_ =	shalt  }
0x60: {  	_ =	shalt  }
0x61: {  	_ =	shalt  }
0x62: {  	_ =	shalt  }
0x63: {  	_ =	shalt  }
0x64: {  	_ =	shalt  }
0x65: {  	_ =	shalt  }
0x66: {  	_ =	shalt  }
0x67: {  	_ =	shalt  }
0x68: {  	_ =	shalt  }
0x69: {  	_ =	shalt  }
0x6a: {  	_ =	shalt  }
0x6b: {  	_ =	shalt  }
0x6c: {  	_ =	shalt  }
0x6d: {  	_ =	shalt  }
0x6e: {  	_ =	shalt  }
0x6f: {  	_ =	shalt  }
0x70: {  	_ =	shalt  }
0x71: {  	_ =	shalt  }
0x72: {  	_ =	shalt  }
0x73: {  	_ =	shalt  }
0x74: {  	_ =	shalt  }
0x75: {  	_ =	shalt  }
0x76: {  	_ =	shalt  }
0x77: {  	_ =	shalt  }
0x78: {  	_ =	shalt  }
0x79: {  	_ =	shalt  }
0x7a: {  	_ =	shalt  }
0x7b: {  	_ =	shalt  }
0x7c: {  	_ =	shalt  }
0x7d: {  	_ =	shalt  }
0x7e: {  	_ =	shalt  }
0x7f: {  	_ =	shalt  }
0x80: {  	_ =	shalt  }
0x81: {  	_ =	shalt  }
0x82: {  	_ =	shalt  }
0x83: {  	_ =	shalt  }
0x84: {  	_ =	shalt  }
0x85: {  	_ =	shalt  }
0x86: {  	_ =	shalt  }
0x87: {  	_ =	shalt  }
.Lfunc_end0:
.L_simem_size_0:
called_computation_lowered:
.L_overlay_start_0:
0x88: {  	s2 =	sld [smem:$0x3FD9]  }
0x89: {  	s3 =	sld [smem:$0x3FFE];
	_ =	sdelay $0x1  }
0x8a: {  	s1 =	srdreg.scid  }
0x8b: {  	s0 =	sand.u32 $0x1, s1  }
0x8c: {  	s17 =	sshll.u32 s0, $0xA;
	s2 =	sadd.s32 s3, s2  }
0x8d: {  	s2 =	sadd.s32 s2, s17  }
0x8e: {  	[smem:$0x3FC2] =	sst s2  }
0x8f: {  	_ = 	snop  }
0x90: {  	s2 =	sld [smem:$0x3FD0];
	(tm) =	ssettm $0x1  }
0x91: {  	s18 =	sld [smem:$0x3FFB];
	_ =	sdelay $0x3  }
0x92: {  	_ =	strace s18  }
0x93: {  	s3 =	sld [smem:$0x3FFC];
	_ =	sdelay $0x3  }
0x94: {  	_ =	strace s3  }
0x95: {  	s3 =	sld [smem:$0x3FFD];
	_ =	sdelay $0x3  }
0x96: {  	_ =	strace s3  }
0x97: {  	_ =	strace $0x8FFFFFFF  }
0x98: {  	s19 =	sld [smem:$0x3FDB];
	_ =	sdelay $0x1  }
0x99: {  	s4 =	simm.s32 $_scs_section_size  }
0x9a: {  	s5 =	simm.s32 $_size__tile_overlayer_lowered;
	s6 =	simm.s32 $_tile_overlayer_lowered  }
0x9b: {  	s22 =	simm.s32 $0x1BFF;
	s21 =	sshll.u32 s6, $0x1;
	s3 =	sadd.s32 s4, s19  }
0x9c: {  	s7 =	simm.s32 $0x0;
	s20 =	sshll.u32 s5, $0x1;
	s5 =	sadd.s32 s21, s3  }
0x9d: {  	[timem:s7], [sflag:s22] =	dma.local [hbm:s5], s20  }
0x9e: {  	_ =	swait.ge [sflag:s22], s20  }
0x9f: {  	s4 =	ssub.s32 $0x0, s20;
	[sflag:s22] =	ssyncset.done $0x0  }
0xa0: {  	[sflag:s22] =	ssyncadd.s32 s4;
	_ =	sdelay $0x1  }
0xa1: {  	s23 =	simm.s32 $0x1B8B  }
0xa2: {  	_ =	swait.ge [sflag:s23], $0x1  }
0xa3: {  	[sflag:s23] =	ssyncset.done $0x0  }
0xa4: {  	s25 =	simm.s32 $0x1B8E;
	s24 =	sld [smem:$0x3FFE];
	[sflag:s23] =	ssyncadd.s32 $0xFFFFFFFF  }
0xa5: {  	s26 =	simm.s32 $execute0_lowered;
	[smem:$0x3FD2] =	sst s25  }
0xa6: {  	s5 =	sshll.u32 s26, $0x1;
	_ =	strace $0x80000046;
	[dreg:$0x1] =	wrdreg $0xFFFFFFFF  }
0xa7: {  	s28 =	simm.s32 $_size_execute0_lowered;
	s3 =	sadd.s32 s3, s5;
	[dreg:$0x0] =	wrdreg $0x0  }
0xa8: {  	s5 =	sshll.u32 s28, $0x1;
	[dreg:$0x2] =	wrdreg s3  }
0xa9: {  	[dreg:$0x3] =	wrdreg s5  }
0xaa: {  	[dreg:$0x4] =	wrdreg $0xC0  }
0xab: {  	_ =	task [dreg:s7], $0x5FFFF  }
0xac: {  	[dreg:$0x1] =	wrdreg $0xFFFFFFFF  }
0xad: {  	[dreg:$0x0] =	wrdreg $0x60  }
0xae: {  	[dreg:$0x2] =	wrdreg s24  }
0xaf: {  	[dreg:$0x3] =	wrdreg s2  }
0xb0: {  	[dreg:$0x4] =	wrdreg $0x77800  }
0xb1: {  	[dreg:$0x5] =	wrdreg $0x9  }
0xb2: {  	_ =	task.clear_ibuf [dreg:s7], $0x6FFFF;
	_ =	strace $0x90000046  }
0xb3: {  	s29 =	simm.s32 $0x9;
	_ =	strace $0x80000048  }
0xb4: {  	_ =	swait.ge [sflag:s29], $0x1  }
0xb5: {  	[sflag:s29] =	ssyncadd.s32 $0xFFFFFFFF  }
0xb6: {  	_ =	strace $0x90000048  }
0xb7: {  	_ =	sfence  }
0xb8: {  	s30 =	sld [smem:$0x0];
	_ =	sdelay $0x2  }
0xb9: {  	s31 =	sshll.u32 s1, $0xD;
	s1 =	sshrl.u32 s1, $0x2  }
0xba: {  	s3 =	sand.u32 $0x4000, s31;
	s1 =	sadd.s32 s1, s30  }
0xbb: {  	s0 =	sor.u32 s3, s0;
	s1 =	sshll.u32 s1, $0x11  }
0xbc: {  	s0 =	sor.u32 s1, s0  }
0xbd: {  	s0 =	sadd.s32 $0x8F2B, s0  }
0xbe: {  	[sflag:s0] =	ssyncadd.remote.s32 $0x1  }
0xbf: {  	_ =	sfence.sel $0xFFFF  }
0xc0: {  	[dreg:$0x0] =	wrdreg $0xFFFFFFFF;
	(pc) =	sbr.abs _section_cstart, $3  }
0xc1: {  	[dreg:$0x1] =	wrdreg $0xFFFFFFFF  }
0xc2: {  	_ =	task.clear_ibuf [dreg:s7], $0x2FFFF;
	_ =	strace $0x9FFFFFFF  }
0xc3: {  	(tm) =	ssettm $0x7FFFFFFF  }
tec
execute0_lowered:
.L_overlay_start_1:
0x0: {  	(tag) =	ssettag $0x1  }
0x1: {  	s0 =	rddreg [dreg:$0x0]  }
0x2: {  	s21 =	rddreg [dreg:$0x1]  }
0x3: {  	s1 =	srdreg.scid;
	s5 =	rddreg [dreg:$0x2]  }
0x4: {  	s8 =	stileid.u32;
	s2 =	simm.s32 $0x0;
	s23 =	simm.s32 $0x1  }
0x5: {  	s24 =	simm.s32 $0x2780;
	s25 =	simm.s32 $0x2;
	s26 =	simm.s32 $0x7500  }
0x6: {  	s28 =	simm.s32 $0x0;
	s1 =	sand.u32 $0x1, s1;
	s6 =	smul.u32 $0xA000, s8  }
0x7: {  	[smem:$0x7FF] =	sst s2;
	s19 =	smul.u32 $0x280, s8;
	s3 =	sshll.u32 s1, $0x4  }
0x8: {  	_ =	strace $0x80000047;
	s4 =	ssub.s32 $0x2, s1;
	s31 =	smul.u32 $0x2800, s1  }
0x9: {  	s3 =	sor.u32 s8, s3;
	s7 =	sshrl.u32 s4, $0x1;
	s30 =	sshrl.u32 s6, $0x2  }
0xa: {  	s22 =	ssub.s32 s4, s7;
	s4 =	sadd.s32 s30, s5;
	s5 =	sadd.s32 s19, s5  }
0xb: {  	s1 =	simm.s32 $0x7280;
	s3 =	smul.u32 $0x2710, s3;
	s6 =	sadd.s32 $0x2800, s5  }
0xc: {  	s7 =	sadd.s32 $0x5000, s5;
	s8 =	sadd.s32 $0x7800, s5;
	s9 =	sadd.s32 $0xA000, s5  }
0xd: {  	s10 =	sadd.s32 $0xC800, s5;
	s11 =	sadd.s32 $0xF000, s5;
	s12 =	sadd.s32 $0x11800, s5  }
0xe: {  	s13 =	sadd.s32 $0x14000, s5;
	s14 =	sadd.s32 $0x16800, s5;
	s3 =	sshrl.u32 s3, $0x3  }
0xf: {  	s15 =	sadd.s32 $0x19000, s5;
	s16 =	sadd.s32 $0x1B800, s5;
	s0 =	sadd.s32 s0, s3  }
0x10: {  	s17 =	sadd.s32 $0x1E000, s5;
	s3 =	sadd.s32 $0xC240, s0;
	s0 =	sadd.s32 s19, s31  }
0x11: {  	s18 =	sadd.s32 $0x20800, s5;
	s20 =	sadd.s32 $0x25800, s5;
	s0 =	sshrl.u32 s0, $0x3  }
0x12: {  	v0 =	vimm.f32 $0.0e+00;
	v1 =	vimm.f32 $1.000000000e+00;
	s22 =	smax.u32 s22, $0x1;
	s19 =	sadd.s32 $0x23000, s5;
	s21 =	sadd.s32 s21, s0  }
.LBB2_1:
0x13: {  	[tilespmem:s2], [sflag:$0x1] =	stream.linear.gather [hbm4b:s3+s2], $0x2710, $0x38;
	[tilespmem:$0x9F80] =	vst v63  }
0x14: {  	s0 =	simm.s32 $0x40;
	s29 =	simm.s32 $0x0  }
.LBB2_2:
0x15: {  	p0 =	sne.s32 s0, $0x9FC0;
	[tilespmem:s29+$0x2780] =	vst v0;
	s29 =	smov.u32 s0;
	s0 =	sadd.s32 $0x40, s0  }
.Ltmp0:
0x16: {  	(pc) =	sbr.rel @p0 .LBB2_2-.Ltmp0, $2  }
0x17: {  	_ =	sdelay $0x2  }
0x18: {  	s29 =	sshra.s32 s29, $0x2  }
0x19: {  	[tilespmem:s29+$0x2780] =	vst v0  }
0x1a: {  	_ =	swait.ge [sflag:s23], $0x2710  }
0x1b: {  	[sflag:s23] =	ssyncset.done $0x0  }
0x1c: {  	s29 =	simm.s32 $0x0;
	s0 =	simm.s32 $0x40;
	[sflag:s23] =	ssyncadd.s32 $0xFFFFD8F0  }
.LBB2_4:
0x1d: {  	p0 =	sne.s32 s0, $0x9C00;
	v2 =	vld [tilespmem:s29+$0x0];
	_ =	sdelay $0x3  }
.Ltmp1:
0x1e: {  	(pc) =	sbr.rel @p0 .LBB2_4-.Ltmp1, $2  }
0x1f: {  	_ =	sdelay $0x2  }
0x20: {  	s29 =	sshra.s32 s0, $0x2;
	s0 =	sadd.s32 $0x40, s0;
	[tilespmem:v2+s24+$0x0] =	vst.idx.add.f32.msk $0xffff, v1  }
0x21: {  	v2 =	vld [tilespmem:s29+$0x0];
	_ =	sdelay $0x7  }
0x22: {  	s29 =	simm.s32 $0x2780;
	[tilespmem:v2+s24+$0x0] =	vst.idx.add.f32.msk $0xffff, v1  }
0x23: {  	[spmem:s4] =	stream.linear.scatter [tilespmem:s29], [sflag:$0x2], $0x2800, $0x38;
	[tilespmem:$0x9F80] =	vst v63  }
0x24: {  	_ =	swait.ge [sflag:s25], $0x2800  }
0x25: {  	[sflag:s25] =	ssyncset.done $0x0  }
0x26: {  	[sflag:s25] =	ssyncadd.s32 $0xFFFFD800  }
0x27: {  	s0 =	simm.s32 $0x4F80;
	[bflag:$0x0] =	sbarrier.arrive $0xFFFF  }
0x28: {  	[tilespmem:s0], [sflag:$0x2] =	stream.linear.gather [spmem:s5], $0x280, $0x38;
	[tilespmem:$0x9F80] =	vst v63  }
0x29: {  	_ =	swait.ge [sflag:s25], $0x280  }
0x2a: {  	[sflag:s25] =	ssyncset.done $0x0  }
0x2b: {  	s30 =	simm.s32 $0x5200;
	[sflag:s25] =	ssyncadd.s32 $0xFFFFFD80  }
0x2c: {  	[tilespmem:s30], [sflag:$0x2] =	stream.linear.gather [spmem:s6], $0x280, $0x38;
	[tilespmem:$0x9F80] =	vst v63  }
0x2d: {  	_ =	swait.ge [sflag:s25], $0x280  }
0x2e: {  	[sflag:s25] =	ssyncset.done $0x0  }
0x2f: {  	s30 =	simm.s32 $0x5480;
	[sflag:s25] =	ssyncadd.s32 $0xFFFFFD80  }
0x30: {  	[tilespmem:s30], [sflag:$0x2] =	stream.linear.gather [spmem:s7], $0x280, $0x38;
	[tilespmem:$0x9F80] =	vst v63  }
0x31: {  	_ =	swait.ge [sflag:s25], $0x280  }
0x32: {  	[sflag:s25] =	ssyncset.done $0x0  }
0x33: {  	s30 =	simm.s32 $0x5700;
	[sflag:s25] =	ssyncadd.s32 $0xFFFFFD80  }
0x34: {  	[tilespmem:s30], [sflag:$0x2] =	stream.linear.gather [spmem:s8], $0x280, $0x38;
	[tilespmem:$0x9F80] =	vst v63  }
0x35: {  	_ =	swait.ge [sflag:s25], $0x280  }
0x36: {  	[sflag:s25] =	ssyncset.done $0x0  }
0x37: {  	s30 =	simm.s32 $0x5980;
	[sflag:s25] =	ssyncadd.s32 $0xFFFFFD80  }
0x38: {  	[tilespmem:s30], [sflag:$0x2] =	stream.linear.gather [spmem:s9], $0x280, $0x38;
	[tilespmem:$0x9F80] =	vst v63  }
0x39: {  	_ =	swait.ge [sflag:s25], $0x280  }
0x3a: {  	[sflag:s25] =	ssyncset.done $0x0  }
0x3b: {  	s30 =	simm.s32 $0x5C00;
	[sflag:s25] =	ssyncadd.s32 $0xFFFFFD80  }
0x3c: {  	[tilespmem:s30], [sflag:$0x2] =	stream.linear.gather [spmem:s10], $0x280, $0x38;
	[tilespmem:$0x9F80] =	vst v63  }
0x3d: {  	_ =	swait.ge [sflag:s25], $0x280  }
0x3e: {  	[sflag:s25] =	ssyncset.done $0x0  }
0x3f: {  	s30 =	simm.s32 $0x5E80;
	[sflag:s25] =	ssyncadd.s32 $0xFFFFFD80  }
0x40: {  	[tilespmem:s30], [sflag:$0x2] =	stream.linear.gather [spmem:s11], $0x280, $0x38;
	[tilespmem:$0x9F80] =	vst v63  }
0x41: {  	_ =	swait.ge [sflag:s25], $0x280  }
0x42: {  	[sflag:s25] =	ssyncset.done $0x0  }
0x43: {  	s30 =	simm.s32 $0x6100;
	[sflag:s25] =	ssyncadd.s32 $0xFFFFFD80  }
0x44: {  	[tilespmem:s30], [sflag:$0x2] =	stream.linear.gather [spmem:s12], $0x280, $0x38;
	[tilespmem:$0x9F80] =	vst v63  }
0x45: {  	_ =	swait.ge [sflag:s25], $0x280  }
0x46: {  	[sflag:s25] =	ssyncset.done $0x0  }
0x47: {  	s30 =	simm.s32 $0x6380;
	[sflag:s25] =	ssyncadd.s32 $0xFFFFFD80  }
0x48: {  	[tilespmem:s30], [sflag:$0x2] =	stream.linear.gather [spmem:s13], $0x280, $0x38;
	[tilespmem:$0x9F80] =	vst v63  }
0x49: {  	_ =	swait.ge [sflag:s25], $0x280  }
0x4a: {  	[sflag:s25] =	ssyncset.done $0x0  }
0x4b: {  	s30 =	simm.s32 $0x6600;
	[sflag:s25] =	ssyncadd.s32 $0xFFFFFD80  }
0x4c: {  	[tilespmem:s30], [sflag:$0x2] =	stream.linear.gather [spmem:s14], $0x280, $0x38;
	[tilespmem:$0x9F80] =	vst v63  }
0x4d: {  	_ =	swait.ge [sflag:s25], $0x280  }
0x4e: {  	[sflag:s25] =	ssyncset.done $0x0  }
0x4f: {  	s30 =	simm.s32 $0x6880;
	[sflag:s25] =	ssyncadd.s32 $0xFFFFFD80  }
0x50: {  	[tilespmem:s30], [sflag:$0x2] =	stream.linear.gather [spmem:s15], $0x280, $0x38;
	[tilespmem:$0x9F80] =	vst v63  }
0x51: {  	_ =	swait.ge [sflag:s25], $0x280  }
0x52: {  	[sflag:s25] =	ssyncset.done $0x0  }
0x53: {  	s30 =	simm.s32 $0x6B00;
	[sflag:s25] =	ssyncadd.s32 $0xFFFFFD80  }
0x54: {  	[tilespmem:s30], [sflag:$0x2] =	stream.linear.gather [spmem:s16], $0x280, $0x38;
	[tilespmem:$0x9F80] =	vst v63  }
0x55: {  	_ =	swait.ge [sflag:s25], $0x280  }
0x56: {  	[sflag:s25] =	ssyncset.done $0x0  }
0x57: {  	s30 =	simm.s32 $0x6D80;
	[sflag:s25] =	ssyncadd.s32 $0xFFFFFD80  }
0x58: {  	[tilespmem:s30], [sflag:$0x2] =	stream.linear.gather [spmem:s17], $0x280, $0x38;
	[tilespmem:$0x9F80] =	vst v63  }
0x59: {  	_ =	swait.ge [sflag:s25], $0x280  }
0x5a: {  	[sflag:s25] =	ssyncset.done $0x0  }
0x5b: {  	s30 =	simm.s32 $0x7000;
	[sflag:s25] =	ssyncadd.s32 $0xFFFFFD80  }
0x5c: {  	[tilespmem:s30], [sflag:$0x2] =	stream.linear.gather [spmem:s18], $0x280, $0x38;
	[tilespmem:$0x9F80] =	vst v63  }
0x5d: {  	_ =	swait.ge [sflag:s25], $0x280  }
0x5e: {  	[sflag:s25] =	ssyncset.done $0x0  }
0x5f: {  	[sflag:s25] =	ssyncadd.s32 $0xFFFFFD80  }
0x60: {  	[tilespmem:s1], [sflag:$0x2] =	stream.linear.gather [spmem:s19], $0x280, $0x38;
	[tilespmem:$0x9F80] =	vst v63  }
0x61: {  	_ =	swait.ge [sflag:s25], $0x280  }
0x62: {  	[sflag:s25] =	ssyncset.done $0x0  }
0x63: {  	[sflag:s25] =	ssyncadd.s32 $0xFFFFFD80  }
0x64: {  	[tilespmem:s26], [sflag:$0x2] =	stream.linear.gather [spmem:s20], $0x280, $0x38;
	[tilespmem:$0x9F80] =	vst v63  }
0x65: {  	_ =	swait.ge [sflag:s25], $0x280  }
0x66: {  	s30 =	simm.s32 $0x0;
	[sflag:s25] =	ssyncset.done $0x0  }
0x67: {  	s30 =	sand.u32 $0x3F0, s30;
	[sflag:s25] =	ssyncadd.s32 $0xFFFFFD80  }
0x68: {  	v2 =	vld [tilespmem:s30+$0x5200]  }
0x69: {  	v3 =	vld [tilespmem:s0+$0x0];
	_ =	sdelay $0x1  }
0x6a: {  	v4 =	vld [tilespmem:s30+$0x5480];
	_ =	sdelay $0x1  }
0x6b: {  	v5 =	vld [tilespmem:s30+$0x5700]  }
0x6c: {  	v2 =	vadd.f32 v2, v3  }
0x6d: {  	v3 =	vld [tilespmem:s30+$0x5980]  }
0x6e: {  	v2 =	vadd.f32 v4, v2  }
0x6f: {  	v56 =	vld [tilespmem:s30+$0x5C00]  }
0x70: {  	v2 =	vadd.f32 v5, v2  }
0x71: {  	v57 =	vld [tilespmem:s30+$0x5E80]  }
0x72: {  	v2 =	vadd.f32 v3, v2  }
0x73: {  	v3 =	vld [tilespmem:s30+$0x6100]  }
0x74: {  	v2 =	vadd.f32 v56, v2  }
0x75: {  	v58 =	vld [tilespmem:s30+$0x6380]  }
0x76: {  	v2 =	vadd.f32 v57, v2  }
0x77: {  	v59 =	vld [tilespmem:s30+$0x6600]  }
0x78: {  	v2 =	vadd.f32 v3, v2  }
0x79: {  	v3 =	vld [tilespmem:s30+$0x6880]  }
0x7a: {  	v2 =	vadd.f32 v58, v2  }
0x7b: {  	v60 =	vld [tilespmem:s30+$0x6B00]  }
0x7c: {  	v2 =	vadd.f32 v59, v2  }
0x7d: {  	v61 =	vld [tilespmem:s30+$0x6D80]  }
0x7e: {  	v2 =	vadd.f32 v3, v2  }
0x7f: {  	v3 =	vld [tilespmem:s30+$0x7000]  }
0x80: {  	v2 =	vadd.f32 v60, v2  }
0x81: {  	v62 =	vld [tilespmem:s30+$0x7280]  }
0x82: {  	v2 =	vadd.f32 v61, v2  }
0x83: {  	v63 =	vld [tilespmem:s30+$0x7500]  }
0x84: {  	v2 =	vadd.f32 v3, v2;
	_ =	sdelay $0x1  }
0x85: {  	v2 =	vadd.f32 v62, v2;
	_ =	sdelay $0x1  }
0x86: {  	v2 =	vadd.f32 v63, v2  }
0x87: {  	s0 =	simm.s32 $0x10  }
0x88: {  	s30 =	sand.u32 $0x3F0, s0;
	[tilespmem:s29+$0x0] =	vst v2  }
0x89: {  	s31 =	simm.s32 $0x4F90;
	s0 =	simm.s32 $0x20;
	v2 =	vld [tilespmem:s30+$0x5200]  }
.LBB2_6:
0x8a: {  	p0 =	sne.s32 s0, $0x270;
	v3 =	vld [tilespmem:s31+$0x0];
	_ =	sdelay $0x1  }
0x8b: {  	v4 =	vld [tilespmem:s30+$0x5480];
	_ =	sdelay $0x1  }
0x8c: {  	v5 =	vld [tilespmem:s30+$0x5700]  }
0x8d: {  	v2 =	vadd.f32 v2, v3  }
0x8e: {  	v3 =	vld [tilespmem:s30+$0x5980]  }
0x8f: {  	v2 =	vadd.f32 v4, v2  }
0x90: {  	v4 =	vld [tilespmem:s30+$0x5C00]  }
0x91: {  	v2 =	vadd.f32 v5, v2  }
0x92: {  	v5 =	vld [tilespmem:s30+$0x5E80]  }
0x93: {  	v2 =	vadd.f32 v3, v2  }
0x94: {  	v3 =	vld [tilespmem:s30+$0x6100]  }
0x95: {  	v2 =	vadd.f32 v4, v2  }
0x96: {  	v4 =	vld [tilespmem:s30+$0x6380]  }
0x97: {  	v2 =	vadd.f32 v5, v2  }
0x98: {  	v5 =	vld [tilespmem:s30+$0x6600]  }
0x99: {  	v2 =	vadd.f32 v3, v2  }
0x9a: {  	v3 =	vld [tilespmem:s30+$0x6880]  }
0x9b: {  	v2 =	vadd.f32 v4, v2  }
0x9c: {  	v4 =	vld [tilespmem:s30+$0x6B00]  }
0x9d: {  	v2 =	vadd.f32 v5, v2  }
0x9e: {  	v5 =	vld [tilespmem:s30+$0x6D80]  }
0x9f: {  	v2 =	vadd.f32 v3, v2  }
0xa0: {  	v3 =	vld [tilespmem:s30+$0x7000]  }
0xa1: {  	v2 =	vadd.f32 v4, v2  }
0xa2: {  	v4 =	vld [tilespmem:s30+$0x7280]  }
0xa3: {  	v2 =	vadd.f32 v5, v2  }
0xa4: {  	v5 =	vld [tilespmem:s30+$0x7500]  }
0xa5: {  	v2 =	vadd.f32 v3, v2;
	_ =	sdelay $0x1  }
0xa6: {  	v2 =	vadd.f32 v4, v2  }
.Ltmp2:
0xa7: {  	(pc) =	sbr.rel @p0 .LBB2_6-.Ltmp2, $4  }
0xa8: {  	v2 =	vadd.f32 v5, v2  }
0xa9: {  	s29 =	sadd.s32 $0x10, s29  }
0xaa: {  	s30 =	sand.u32 $0x3F0, s0;
	[tilespmem:s29+$0x0] =	vst v2  }
0xab: {  	s31 =	sadd.s32 $0x10, s31;
	s0 =	sadd.s32 $0x10, s0;
	v2 =	vld [tilespmem:s30+$0x5200]  }
0xac: {  	v3 =	vld [tilespmem:s31+$0x0];
	_ =	sdelay $0x1  }
0xad: {  	v4 =	vld [tilespmem:s30+$0x5480];
	_ =	sdelay $0x1  }
0xae: {  	v5 =	vld [tilespmem:s30+$0x5700]  }
0xaf: {  	v2 =	vadd.f32 v2, v3  }
0xb0: {  	v3 =	vld [tilespmem:s30+$0x5980]  }
0xb1: {  	v2 =	vadd.f32 v4, v2  }
0xb2: {  	v56 =	vld [tilespmem:s30+$0x5C00]  }
0xb3: {  	v2 =	vadd.f32 v5, v2  }
0xb4: {  	v57 =	vld [tilespmem:s30+$0x5E80]  }
0xb5: {  	v2 =	vadd.f32 v3, v2  }
0xb6: {  	v3 =	vld [tilespmem:s30+$0x6100]  }
0xb7: {  	v2 =	vadd.f32 v56, v2  }
0xb8: {  	v58 =	vld [tilespmem:s30+$0x6380]  }
0xb9: {  	v2 =	vadd.f32 v57, v2  }
0xba: {  	v59 =	vld [tilespmem:s30+$0x6600]  }
0xbb: {  	v2 =	vadd.f32 v3, v2  }
0xbc: {  	v3 =	vld [tilespmem:s30+$0x6880]  }
0xbd: {  	v2 =	vadd.f32 v58, v2  }
0xbe: {  	v60 =	vld [tilespmem:s30+$0x6B00]  }
0xbf: {  	v2 =	vadd.f32 v59, v2  }
0xc0: {  	v61 =	vld [tilespmem:s30+$0x6D80]  }
0xc1: {  	v2 =	vadd.f32 v3, v2  }
0xc2: {  	v3 =	vld [tilespmem:s30+$0x7000]  }
0xc3: {  	v2 =	vadd.f32 v60, v2  }
0xc4: {  	v62 =	vld [tilespmem:s30+$0x7280]  }
0xc5: {  	v2 =	vadd.f32 v61, v2  }
0xc6: {  	v63 =	vld [tilespmem:s30+$0x7500]  }
0xc7: {  	v2 =	vadd.f32 v3, v2;
	_ =	sdelay $0x1  }
0xc8: {  	v2 =	vadd.f32 v62, v2;
	_ =	sdelay $0x1  }
0xc9: {  	s28 =	sadd.s32 $0x1, s28;
	v2 =	vadd.f32 v63, v2  }
0xca: {  	s0 =	sadd.s32 $0x10, s29;
	p0 =	sne.s32 s28, s22  }
.Ltmp3:
0xcb: {  	[tilespmem:s0+$0x0] =	vst v2;
	(pc) =	sbr.rel @p0 .LBB2_1-.Ltmp3, $4  }
0xcc: {  	[hbm4b:s21+s2] =	stream.linear.scatter [tilespmem:s24], [sflag:$0x2], $0x280, $0x38;
	[tilespmem:$0x9F80] =	vst v63  }
0xcd: {  	_ =	swait.ge [sflag:s25], $0x280  }
0xce: {  	[sflag:s25] =	ssyncset.done $0x0  }
0xcf: {  	[sflag:s25] =	ssyncadd.s32 $0xFFFFFD80  }
0xd0: {  	_ =	sfence.sel $0x180000  }
0xd1: {  	[bflag:$0x0] =	sbarrier.arrive $0xFFFF  }
0xd2: {  	_ =	strace $0x90000047  }
0xd3: {  	s0 =	stileid.u32;
	[bflag:$0x2] =	sbarrier.arrive $0xFFFF  }
0xd4: {  	p0 =	sne.s32 s0, $0x0;
	s0 =	rddreg [dreg:$0x3]  }
0xd5: {  	s0 =	sadd.s32 @!p0 $0x100000, s0  }
0xd6: {  	[sflag:s0] =	ssyncadd.tile.s32 @!p0 $0x1;
	_ =	shalt  }
.Lfunc_end2:
_tile_overlayer_lowered:
.L_overlay_start_2:
0xd7: {  	(tag) =	ssettag $0x2  }
0xd8: {  	s0 =	rddreg [dreg:$0x0];
	s2 =	stileid.u32  }
0xd9: {  	s1 =	rddreg [dreg:$0x1];
	p0 =	sne.s32 s2, $0x0  }
0xda: {  	s3 =	rddreg [dreg:$0x2];
	[bflag:$0x3] =	sbarrier.arrive $0xFFFF;
	s2 =	simm.s32 @!p0 $0x1C02  }
0xdb: {  	[timem:s3], [sflag:s2] =	dma.local @!p0 [hbm:s0], s1  }
0xdc: {  	s0 =	simm.s32 @!p0 $0x2  }
0xdd: {  	_ =	swait.ge @!p0 [sflag:s0], s1  }
0xde: {  	s1 =	ssub.s32 @!p0 $0x0, s1;
	[sflag:s0] =	ssyncset.done @!p0 $0x0  }
0xdf: {  	[sflag:s0] =	ssyncadd.s32 @!p0 s1  }
0xe0: {  	[bflag:$0x3] =	sbarrier.arrive $0xFFFF  }
0xe1: {  	_ =	shalt  }

</sc_bundles>
